<compile_context>
chip_gen: v7x
topology: tpu7x:2x2x1
jax: 0.10.2.dev20260603
libtpu: 0.0.44.dev20260713+nightly
codegen_flags: <defaults>
</compile_context>

<pallas_src>
import functools

import jax
import jax.numpy as jnp
from jax import lax
from jax.experimental import pallas as pl
from jax.experimental.pallas import tpu as pltpu
from jax.experimental.pallas import tpu_sc as plsc

N_SRC = 100000
N_DST = 20000
E = 640000
D = 128
NSC = 2
PER_SC = N_DST // NSC
CHUNK = 128
NCHUNKS = E // CHUNK
NPAIRS = NCHUNKS // 2
NTILES = 16
FCHUNK = 40
NFCHUNKS = PER_SC // FCHUNK


def _agg_body(table, sd_idx, sums_out, cnt_out,
              sidx, idxg0, idxl0, idxg1, idxl1, idxlp, rows0, rows1, ones_v,
              cbuf, obuf, cnt_vm, sums_sh, cnt_sh, gsem0, gsem1, ssem0,
              ssem1):
    c = lax.axis_index("c")
    s = lax.axis_index("s")
    base_dst = c * PER_SC

    zeros16 = jnp.zeros((16,), jnp.float32)
    for j in range(2 * CHUNK // 16):
        ones_v[pl.ds(j * 16, 16)] = jnp.ones((16,), jnp.float32)

    def zrow_init(i, _):
        for j in range(D // 16):
            obuf[i, pl.ds(j * 16, 16)] = zeros16
        return _
    lax.fori_loop(0, FCHUNK, zrow_init, None)

    def cb_init(i, _):
        cbuf[pl.ds(i * 16, 16)] = zeros16
        return _
    lax.fori_loop(0, FCHUNK // 16, cb_init, None)
    if FCHUNK % 16:
        cbuf[pl.ds(FCHUNK - 16, 16)] = zeros16

    nk = (NFCHUNKS - s + NTILES - 1) // NTILES

    def zero_fire(t):
        r = pl.multiple_of((s + t * NTILES) * FCHUNK, 8)
        pltpu.async_copy(obuf, sums_sh.at[pl.ds(r, FCHUNK)], gsem0)
        pltpu.async_copy(cbuf, cnt_sh.at[pl.ds(r, FCHUNK)], gsem1)

    def zero_wait(t):
        r = pl.multiple_of((s + t * NTILES) * FCHUNK, 8)
        pltpu.make_async_copy(obuf, sums_sh.at[pl.ds(r, FCHUNK)],
                              gsem0).wait()
        pltpu.make_async_copy(cbuf, cnt_sh.at[pl.ds(r, FCHUNK)],
                              gsem1).wait()

    zero_fire(0)

    def zero_step(t, _):
        @pl.when(t + 1 < nk)
        def _():
            zero_fire(t + 1)
        zero_wait(t)
        return _
    lax.fori_loop(0, nk, zero_step, None)

    plsc.subcore_barrier()

    plo = (s * NPAIRS) // NTILES
    phi = ((s + 1) * NPAIRS) // NTILES

    def sidx_load(t):
        base = pl.multiple_of(t * (2 * CHUNK), 2 * CHUNK)
        pltpu.sync_copy(sd_idx.at[:, pl.ds(base, 2 * CHUNK)], sidx)

    def compute_idx(half, idxg, idxl):
        for j in range(CHUNK // 16):
            sl16 = pl.ds(half * CHUNK + j * 16, 16)
            sl = pl.ds(j * 16, 16)
            dl = sidx[1, sl16] - base_dst
            ok = (dl >= 0) & (dl < PER_SC)
            loc = jnp.where(ok, dl, -1)
            idxl[sl] = loc
            idxlp[sl16] = loc
            idxg[sl] = jnp.where(ok, sidx[0, sl16], -1)

    def gather_start(idxg, rows, gsem):
        pltpu.async_copy(
            table.at[plsc.Indices(idxg, ignored_value=-1)], rows, gsem)

    def gather_wait(idxg, rows, gsem):
        pltpu.make_async_copy(
            table.at[plsc.Indices(idxg, ignored_value=-1)], rows, gsem).wait()

    def scatter_start(rows, idxl, ssem):
        pltpu.async_copy(
            rows, sums_sh.at[plsc.Indices(idxl, ignored_value=-1)], ssem,
            add=True)

    def scatter_wait(rows, idxl, ssem):
        pltpu.make_async_copy(
            rows, sums_sh.at[plsc.Indices(idxl, ignored_value=-1)],
            ssem).wait()

    def cnt_start():
        pltpu.async_copy(
            ones_v, cnt_sh.at[plsc.Indices(idxlp, ignored_value=-1)], ssem0,
            add=True)

    def cnt_wait():
        pltpu.make_async_copy(
            ones_v, cnt_sh.at[plsc.Indices(idxlp, ignored_value=-1)],
            ssem0).wait()

    sidx_load(plo)
    compute_idx(0, idxg0, idxl0)
    compute_idx(1, idxg1, idxl1)
    gather_start(idxg0, rows0, gsem0)
    cnt_start()

    def pair_step(t, _):
        @pl.when(t > plo)
        def _():
            scatter_wait(rows1, idxl1, ssem1)
            compute_idx(1, idxg1, idxl1)
            cnt_start()

        gather_wait(idxg0, rows0, gsem0)
        gather_start(idxg1, rows1, gsem1)
        scatter_start(rows0, idxl0, ssem0)
        scatter_wait(rows0, idxl0, ssem0)
        cnt_wait()

        @pl.when(t + 1 < phi)
        def _():
            sidx_load(t + 1)
            compute_idx(0, idxg0, idxl0)
            gather_start(idxg0, rows0, gsem0)
        gather_wait(idxg1, rows1, gsem1)
        scatter_start(rows1, idxl1, ssem1)
        return _

    lax.fori_loop(plo, phi, pair_step, None)
    scatter_wait(rows1, idxl1, ssem1)

    plsc.subcore_barrier()

    DUMP = 624
    r0 = pl.multiple_of(s * DUMP, 8)
    g0 = pl.multiple_of(base_dst + r0, 8)
    pltpu.sync_copy(sums_sh.at[pl.ds(r0, DUMP)],
                    sums_out.at[pl.ds(g0, DUMP)])
    pltpu.sync_copy(cnt_sh.at[pl.ds(r0, DUMP)], cnt_vm)
    pltpu.sync_copy(cnt_vm, cnt_out.at[pl.ds(g0, DUMP)])

    @pl.when(s == 0)
    def _tail():
        rt = pl.multiple_of(NTILES * DUMP, 8)
        gt = pl.multiple_of(base_dst + rt, 8)
        pltpu.sync_copy(sums_sh.at[pl.ds(rt, PER_SC - NTILES * DUMP)],
                        sums_out.at[pl.ds(gt, PER_SC - NTILES * DUMP)])
        pltpu.sync_copy(cnt_sh.at[pl.ds(rt, PER_SC - NTILES * DUMP)],
                        cnt_vm.at[pl.ds(0, PER_SC - NTILES * DUMP)])
        pltpu.sync_copy(cnt_vm.at[pl.ds(0, PER_SC - NTILES * DUMP)],
                        cnt_out.at[pl.ds(gt, PER_SC - NTILES * DUMP)])


@functools.partial(
    pl.kernel,
    out_type=(jax.ShapeDtypeStruct((N_DST, D), jnp.float32),
              jax.ShapeDtypeStruct((N_DST,), jnp.float32)),
    mesh=plsc.VectorSubcoreMesh(core_axis_name="c", subcore_axis_name="s"),
    scratch_types=[
        pltpu.VMEM((2, 2 * CHUNK), jnp.int32),
        pltpu.VMEM((CHUNK,), jnp.int32),
        pltpu.VMEM((CHUNK,), jnp.int32),
        pltpu.VMEM((CHUNK,), jnp.int32),
        pltpu.VMEM((CHUNK,), jnp.int32),
        pltpu.VMEM((2 * CHUNK,), jnp.int32),
        pltpu.VMEM((CHUNK, D), jnp.float32),
        pltpu.VMEM((CHUNK, D), jnp.float32),
        pltpu.VMEM((2 * CHUNK,), jnp.float32),
        pltpu.VMEM((FCHUNK,), jnp.float32),
        pltpu.VMEM((FCHUNK, D), jnp.float32),
        pltpu.VMEM((624,), jnp.float32),
        pltpu.VMEM_SHARED((PER_SC, D), jnp.float32),
        pltpu.VMEM_SHARED((PER_SC,), jnp.float32),
        pltpu.SemaphoreType.DMA,
        pltpu.SemaphoreType.DMA,
        pltpu.SemaphoreType.DMA,
        pltpu.SemaphoreType.DMA,
    ],
)
def _agg_call(table, sd_idx, sums_out, cnt_out, *scratch):
    _agg_body(table, sd_idx, sums_out, cnt_out, *scratch)


def _blend_body(z_ref, s_ref, c_ref, o_ref):
    o_ref[...] = (0.7 * z_ref[...]
                  + 0.3 * s_ref[...] / jnp.maximum(c_ref[...], 1.0))


BLK = 2000


def _blend(z, sums, cnt):
    return pl.pallas_call(
        _blend_body,
        out_shape=jax.ShapeDtypeStruct((N_DST, D), jnp.float32),
        grid=(N_DST // BLK,),
        in_specs=[
            pl.BlockSpec((BLK, D), lambda i: (i, 0)),
            pl.BlockSpec((BLK, D), lambda i: (i, 0)),
            pl.BlockSpec((BLK, 1), lambda i: (i, 0)),
        ],
        out_specs=pl.BlockSpec((BLK, D), lambda i: (i, 0)),
    )(z, sums, cnt.reshape(N_DST, 1))


@jax.jit
def _run(z_bill_version, z_bill, z_legislator_term, z_legislator,
         src_is_version, dst_is_version, src_same_person, dst_same_person):
    sd_b = jnp.stack([src_is_version, dst_is_version])
    sd_l = jnp.stack([src_same_person, dst_same_person])
    sums_b, cnt_b = _agg_call(z_bill_version, sd_b)
    sums_l, cnt_l = _agg_call(z_legislator_term, sd_l)
    out_b = _blend(z_bill, sums_b, cnt_b)
    out_l = _blend(z_legislator, sums_l, cnt_l)
    return out_b, out_l


def kernel(z_bill_version, z_bill, z_legislator_term, z_legislator,
           src_is_version, dst_is_version, src_same_person, dst_same_person):
    return _run(z_bill_version, z_bill, z_legislator_term, z_legislator,
                src_is_version, dst_is_version, src_same_person,
                dst_same_person)

# --- scband reference (transcript-rebuilt; emitter-appended) ---
"""Pipeline reference for scband-hierarchy-aggregator-13065290515083 (READ-ONLY COPY).

The authoritative reference and input builder live on the scoring server;
editing this copy changes nothing except your own understanding.
"""

import jax, jax.numpy as jnp
import numpy as np

N_SRC = 100000
N_DST = 20000
E = 640000
D = 128


def _scatter_mean(vals, idx, size):
    s = jax.ops.segment_sum(vals, idx, num_segments=size)
    c = jax.ops.segment_sum(jnp.ones((vals.shape[0],), dtype=vals.dtype), idx, num_segments=size)
    return s / jnp.clip(c, 1.0)[:, None]


def setup_inputs(seed: int = 0) -> dict:
    key = jax.random.key(seed)
    ks = jax.random.split(key, 8)
    return {
        "z_bill_version": jax.random.normal(ks[0], (N_SRC, D), dtype=jnp.float32),
        "z_bill": jax.random.normal(ks[1], (N_DST, D), dtype=jnp.float32),
        "z_legislator_term": jax.random.normal(ks[2], (N_SRC, D), dtype=jnp.float32),
        "z_legislator": jax.random.normal(ks[3], (N_DST, D), dtype=jnp.float32),
        "src_is_version": jax.random.randint(ks[4], (E,), 0, N_SRC, dtype=jnp.int32),
        "dst_is_version": jax.random.randint(ks[5], (E,), 0, N_DST, dtype=jnp.int32),
        "src_same_person": jax.random.randint(ks[6], (E,), 0, N_SRC, dtype=jnp.int32),
        "dst_same_person": jax.random.randint(ks[7], (E,), 0, N_DST, dtype=jnp.int32),
    }


def reference(z_bill_version, z_bill, z_legislator_term, z_legislator,
              src_is_version, dst_is_version, src_same_person, dst_same_person):
    # ('bill_version', 'is_version', 'bill'): s, d = edge_index -> gather src, scatter-mean to bill
    bill_agg = _scatter_mean(jnp.take(z_bill_version, src_is_version, axis=0),
                             dst_is_version, z_bill.shape[0])
    z_bill_new = 0.7 * z_bill + 0.3 * bill_agg
    # ('legislator', 'samePerson', 'legislator_term'): d2, s2 = edge_index
    # s2 indexes legislator_term (source of aggregation), d2 indexes legislator (target)
    leg_agg = _scatter_mean(jnp.take(z_legislator_term, src_same_person, axis=0),
                            dst_same_person, z_legislator.shape[0])
    z_legislator_new = 0.7 * z_legislator + 0.3 * leg_agg
    return (z_bill_new, z_legislator_new)

if __name__ == "__main__":
    import jax
    _d = setup_inputs()
    print(jax.jit(kernel)(*tuple(_d.values())))

</pallas_src>

<mosaic_0001>
#map = affine_map<(d0, d1) -> (0, 0)>
#map1 = affine_map<(d0, d1) -> (0)>
module attributes {stable_mosaic.version = 14 : i64} {
  func.func @_agg_call(%arg0: i32, %arg1: i32, %arg2: memref<100000x128xf32, #tpu.memory_space<hbm>>, %arg3: memref<2x640000xi32, #tpu.memory_space<hbm>>, %arg4: memref<20000x128xf32, #tpu.memory_space<hbm>>, %arg5: memref<20000xf32, #tpu.memory_space<hbm>>, %arg6: memref<2x256xi32, #tpu.memory_space<vmem>>, %arg7: memref<128xi32, #tpu.memory_space<vmem>>, %arg8: memref<128xi32, #tpu.memory_space<vmem>>, %arg9: memref<128xi32, #tpu.memory_space<vmem>>, %arg10: memref<128xi32, #tpu.memory_space<vmem>>, %arg11: memref<256xi32, #tpu.memory_space<vmem>>, %arg12: memref<128x128xf32, #tpu.memory_space<vmem>>, %arg13: memref<128x128xf32, #tpu.memory_space<vmem>>, %arg14: memref<256xf32, #tpu.memory_space<vmem>>, %arg15: memref<40xf32, #tpu.memory_space<vmem>>, %arg16: memref<40x128xf32, #tpu.memory_space<vmem>>, %arg17: memref<624xf32, #tpu.memory_space<vmem>>, %arg18: memref<10000x128xf32, #tpu.memory_space<vmem_shared>>, %arg19: memref<10000xf32, #tpu.memory_space<vmem_shared>>, %arg20: memref<!tpu.dma_semaphore, #tpu.memory_space<semaphore_mem>>, %arg21: memref<!tpu.dma_semaphore, #tpu.memory_space<semaphore_mem>>, %arg22: memref<!tpu.dma_semaphore, #tpu.memory_space<semaphore_mem>>, %arg23: memref<!tpu.dma_semaphore, #tpu.memory_space<semaphore_mem>>) attributes {dimension_semantics = [#tpu.dimension_semantics<core_parallel>, #tpu.dimension_semantics<subcore_parallel>], iteration_bounds = array<i64: 2, 16>, scalar_prefetch = 0 : i64, scratch_operands = 18 : i64, tpu.core_type = #tpu.core_type<sc_vector_subcore>, window_params = [{transform_indices = #map}, {transform_indices = #map}, {transform_indices = #map}, {transform_indices = #map1}]} {
    %mul3A = arith.constant 10000 : i32
    %mul3A_0 = arith.muli %arg0, %mul3A : i32
    %broadcast_in_dim3A = arith.constant 0.000000e+00 : f32
    %broadcast_in_dim3A_1 = vector.broadcast %broadcast_in_dim3A : f32 to vector<16xf32>
    %broadcast_in_dim3A_2 = arith.constant 1.000000e+00 : f32
    %broadcast_in_dim3A_3 = vector.broadcast %broadcast_in_dim3A_2 : f32 to vector<16xf32>
    %swap3A = arith.constant 0 : index
    %swap3A_4 = tpu.vector_load %arg14[%swap3A] {strides = array<i32>} : memref<256xf32, #tpu.memory_space<vmem>>, vector<16xf32>,
    %swap3A_5 = vector.shape_cast %swap3A_4 : vector<16xf32> to vector<16xf32>
    %swap3A_6 = vector.shape_cast %broadcast_in_dim3A_3 : vector<16xf32> to vector<16xf32>
    tpu.vector_store %arg14[%swap3A], %swap3A_6 {strides = array<i32>} : memref<256xf32, #tpu.memory_space<vmem>>, vector<16xf32>,
    %broadcast_in_dim3A_7 = arith.constant 1.000000e+00 : f32
    %broadcast_in_dim3A_8 = vector.broadcast %broadcast_in_dim3A_7 : f32 to vector<16xf32>
    %swap3A_9 = arith.constant 16 : index
    %swap3A_10 = tpu.vector_load %arg14[%swap3A_9] {strides = array<i32>} : memref<256xf32, #tpu.memory_space<vmem>>, vector<16xf32>,
    %swap3A_11 = vector.shape_cast %swap3A_10 : vector<16xf32> to vector<16xf32>
    %swap3A_12 = vector.shape_cast %broadcast_in_dim3A_8 : vector<16xf32> to vector<16xf32>
    tpu.vector_store %arg14[%swap3A_9], %swap3A_12 {strides = array<i32>} : memref<256xf32, #tpu.memory_space<vmem>>, vector<16xf32>,
    %broadcast_in_dim3A_13 = arith.constant 1.000000e+00 : f32
    %broadcast_in_dim3A_14 = vector.broadcast %broadcast_in_dim3A_13 : f32 to vector<16xf32>
    %swap3A_15 = arith.constant 32 : index
    %swap3A_16 = tpu.vector_load %arg14[%swap3A_15] {strides = array<i32>} : memref<256xf32, #tpu.memory_space<vmem>>, vector<16xf32>,
    %swap3A_17 = vector.shape_cast %swap3A_16 : vector<16xf32> to vector<16xf32>
    %swap3A_18 = vector.shape_cast %broadcast_in_dim3A_14 : vector<16xf32> to vector<16xf32>
    tpu.vector_store %arg14[%swap3A_15], %swap3A_18 {strides = array<i32>} : memref<256xf32, #tpu.memory_space<vmem>>, vector<16xf32>,
    %broadcast_in_dim3A_19 = arith.constant 1.000000e+00 : f32
    %broadcast_in_dim3A_20 = vector.broadcast %broadcast_in_dim3A_19 : f32 to vector<16xf32>
    %swap3A_21 = arith.constant 48 : index
    %swap3A_22 = tpu.vector_load %arg14[%swap3A_21] {strides = array<i32>} : memref<256xf32, #tpu.memory_space<vmem>>, vector<16xf32>,
    %swap3A_23 = vector.shape_cast %swap3A_22 : vector<16xf32> to vector<16xf32>
    %swap3A_24 = vector.shape_cast %broadcast_in_dim3A_20 : vector<16xf32> to vector<16xf32>
    tpu.vector_store %arg14[%swap3A_21], %swap3A_24 {strides = array<i32>} : memref<256xf32, #tpu.memory_space<vmem>>, vector<16xf32>,
    %broadcast_in_dim3A_25 = arith.constant 1.000000e+00 : f32
    %broadcast_in_dim3A_26 = vector.broadcast %broadcast_in_dim3A_25 : f32 to vector<16xf32>
    %swap3A_27 = arith.constant 64 : index
    %swap3A_28 = tpu.vector_load %arg14[%swap3A_27] {strides = array<i32>} : memref<256xf32, #tpu.memory_space<vmem>>, vector<16xf32>,
    %swap3A_29 = vector.shape_cast %swap3A_28 : vector<16xf32> to vector<16xf32>
    %swap3A_30 = vector.shape_cast %broadcast_in_dim3A_26 : vector<16xf32> to vector<16xf32>
    tpu.vector_store %arg14[%swap3A_27], %swap3A_30 {strides = array<i32>} : memref<256xf32, #tpu.memory_space<vmem>>, vector<16xf32>,
    %broadcast_in_dim3A_31 = arith.constant 1.000000e+00 : f32
    %broadcast_in_dim3A_32 = vector.broadcast %broadcast_in_dim3A_31 : f32 to vector<16xf32>
    %swap3A_33 = arith.constant 80 : index
    %swap3A_34 = tpu.vector_load %arg14[%swap3A_33] {strides = array<i32>} : memref<256xf32, #tpu.memory_space<vmem>>, vector<16xf32>,
    %swap3A_35 = vector.shape_cast %swap3A_34 : vector<16xf32> to vector<16xf32>
    %swap3A_36 = vector.shape_cast %broadcast_in_dim3A_32 : vector<16xf32> to vector<16xf32>
    tpu.vector_store %arg14[%swap3A_33], %swap3A_36 {strides = array<i32>} : memref<256xf32, #tpu.memory_space<vmem>>, vector<16xf32>,
    %broadcast_in_dim3A_37 = arith.constant 1.000000e+00 : f32
    %broadcast_in_dim3A_38 = vector.broadcast %broadcast_in_dim3A_37 : f32 to vector<16xf32>
    %swap3A_39 = arith.constant 96 : index
    %swap3A_40 = tpu.vector_load %arg14[%swap3A_39] {strides = array<i32>} : memref<256xf32, #tpu.memory_space<vmem>>, vector<16xf32>,
    %swap3A_41 = vector.shape_cast %swap3A_40 : vector<16xf32> to vector<16xf32>
    %swap3A_42 = vector.shape_cast %broadcast_in_dim3A_38 : vector<16xf32> to vector<16xf32>
    tpu.vector_store %arg14[%swap3A_39], %swap3A_42 {strides = array<i32>} : memref<256xf32, #tpu.memory_space<vmem>>, vector<16xf32>,
    %broadcast_in_dim3A_43 = arith.constant 1.000000e+00 : f32
    %broadcast_in_dim3A_44 = vector.broadcast %broadcast_in_dim3A_43 : f32 to vector<16xf32>
    %swap3A_45 = arith.constant 112 : index
    %swap3A_46 = tpu.vector_load %arg14[%swap3A_45] {strides = array<i32>} : memref<256xf32, #tpu.memory_space<vmem>>, vector<16xf32>,
    %swap3A_47 = vector.shape_cast %swap3A_46 : vector<16xf32> to vector<16xf32>
    %swap3A_48 = vector.shape_cast %broadcast_in_dim3A_44 : vector<16xf32> to vector<16xf32>
    tpu.vector_store %arg14[%swap3A_45], %swap3A_48 {strides = array<i32>} : memref<256xf32, #tpu.memory_space<vmem>>, vector<16xf32>,
    %broadcast_in_dim3A_49 = arith.constant 1.000000e+00 : f32
    %broadcast_in_dim3A_50 = vector.broadcast %broadcast_in_dim3A_49 : f32 to vector<16xf32>
    %swap3A_51 = arith.constant 128 : index
    %swap3A_52 = tpu.vector_load %arg14[%swap3A_51] {strides = array<i32>} : memref<256xf32, #tpu.memory_space<vmem>>, vector<16xf32>,
    %swap3A_53 = vector.shape_cast %swap3A_52 : vector<16xf32> to vector<16xf32>
    %swap3A_54 = vector.shape_cast %broadcast_in_dim3A_50 : vector<16xf32> to vector<16xf32>
    tpu.vector_store %arg14[%swap3A_51], %swap3A_54 {strides = array<i32>} : memref<256xf32, #tpu.memory_space<vmem>>, vector<16xf32>,
    %broadcast_in_dim3A_55 = arith.constant 1.000000e+00 : f32
    %broadcast_in_dim3A_56 = vector.broadcast %broadcast_in_dim3A_55 : f32 to vector<16xf32>
    %swap3A_57 = arith.constant 144 : index
    %swap3A_58 = tpu.vector_load %arg14[%swap3A_57] {strides = array<i32>} : memref<256xf32, #tpu.memory_space<vmem>>, vector<16xf32>,
    %swap3A_59 = vector.shape_cast %swap3A_58 : vector<16xf32> to vector<16xf32>
    %swap3A_60 = vector.shape_cast %broadcast_in_dim3A_56 : vector<16xf32> to vector<16xf32>
    tpu.vector_store %arg14[%swap3A_57], %swap3A_60 {strides = array<i32>} : memref<256xf32, #tpu.memory_space<vmem>>, vector<16xf32>,
    %broadcast_in_dim3A_61 = arith.constant 1.000000e+00 : f32
    %broadcast_in_dim3A_62 = vector.broadcast %broadcast_in_dim3A_61 : f32 to vector<16xf32>
    %swap3A_63 = arith.constant 160 : index
    %swap3A_64 = tpu.vector_load %arg14[%swap3A_63] {strides = array<i32>} : memref<256xf32, #tpu.memory_space<vmem>>, vector<16xf32>,
    %swap3A_65 = vector.shape_cast %swap3A_64 : vector<16xf32> to vector<16xf32>
    %swap3A_66 = vector.shape_cast %broadcast_in_dim3A_62 : vector<16xf32> to vector<16xf32>
    tpu.vector_store %arg14[%swap3A_63], %swap3A_66 {strides = array<i32>} : memref<256xf32, #tpu.memory_space<vmem>>, vector<16xf32>,
    %broadcast_in_dim3A_67 = arith.constant 1.000000e+00 : f32
    %broadcast_in_dim3A_68 = vector.broadcast %broadcast_in_dim3A_67 : f32 to vector<16xf32>
    %swap3A_69 = arith.constant 176 : index
    %swap3A_70 = tpu.vector_load %arg14[%swap3A_69] {strides = array<i32>} : memref<256xf32, #tpu.memory_space<vmem>>, vector<16xf32>,
    %swap3A_71 = vector.shape_cast %swap3A_70 : vector<16xf32> to vector<16xf32>
    %swap3A_72 = vector.shape_cast %broadcast_in_dim3A_68 : vector<16xf32> to vector<16xf32>
    tpu.vector_store %arg14[%swap3A_69], %swap3A_72 {strides = array<i32>} : memref<256xf32, #tpu.memory_space<vmem>>, vector<16xf32>,
    %broadcast_in_dim3A_73 = arith.constant 1.000000e+00 : f32
    %broadcast_in_dim3A_74 = vector.broadcast %broadcast_in_dim3A_73 : f32 to vector<16xf32>
    %swap3A_75 = arith.constant 192 : index
    %swap3A_76 = tpu.vector_load %arg14[%swap3A_75] {strides = array<i32>} : memref<256xf32, #tpu.memory_space<vmem>>, vector<16xf32>,
    %swap3A_77 = vector.shape_cast %swap3A_76 : vector<16xf32> to vector<16xf32>
    %swap3A_78 = vector.shape_cast %broadcast_in_dim3A_74 : vector<16xf32> to vector<16xf32>
    tpu.vector_store %arg14[%swap3A_75], %swap3A_78 {strides = array<i32>} : memref<256xf32, #tpu.memory_space<vmem>>, vector<16xf32>,
    %broadcast_in_dim3A_79 = arith.constant 1.000000e+00 : f32
    %broadcast_in_dim3A_80 = vector.broadcast %broadcast_in_dim3A_79 : f32 to vector<16xf32>
    %swap3A_81 = arith.constant 208 : index
    %swap3A_82 = tpu.vector_load %arg14[%swap3A_81] {strides = array<i32>} : memref<256xf32, #tpu.memory_space<vmem>>, vector<16xf32>,
    %swap3A_83 = vector.shape_cast %swap3A_82 : vector<16xf32> to vector<16xf32>
    %swap3A_84 = vector.shape_cast %broadcast_in_dim3A_80 : vector<16xf32> to vector<16xf32>
    tpu.vector_store %arg14[%swap3A_81], %swap3A_84 {strides = array<i32>} : memref<256xf32, #tpu.memory_space<vmem>>, vector<16xf32>,
    %broadcast_in_dim3A_85 = arith.constant 1.000000e+00 : f32
    %broadcast_in_dim3A_86 = vector.broadcast %broadcast_in_dim3A_85 : f32 to vector<16xf32>
    %swap3A_87 = arith.constant 224 : index
    %swap3A_88 = tpu.vector_load %arg14[%swap3A_87] {strides = array<i32>} : memref<256xf32, #tpu.memory_space<vmem>>, vector<16xf32>,
    %swap3A_89 = vector.shape_cast %swap3A_88 : vector<16xf32> to vector<16xf32>
    %swap3A_90 = vector.shape_cast %broadcast_in_dim3A_86 : vector<16xf32> to vector<16xf32>
    tpu.vector_store %arg14[%swap3A_87], %swap3A_90 {strides = array<i32>} : memref<256xf32, #tpu.memory_space<vmem>>, vector<16xf32>,
    %broadcast_in_dim3A_91 = arith.constant 1.000000e+00 : f32
    %broadcast_in_dim3A_92 = vector.broadcast %broadcast_in_dim3A_91 : f32 to vector<16xf32>
    %swap3A_93 = arith.constant 240 : index
    %swap3A_94 = tpu.vector_load %arg14[%swap3A_93] {strides = array<i32>} : memref<256xf32, #tpu.memory_space<vmem>>, vector<16xf32>,
    %swap3A_95 = vector.shape_cast %swap3A_94 : vector<16xf32> to vector<16xf32>
    %swap3A_96 = vector.shape_cast %broadcast_in_dim3A_92 : vector<16xf32> to vector<16xf32>
    tpu.vector_store %arg14[%swap3A_93], %swap3A_96 {strides = array<i32>} : memref<256xf32, #tpu.memory_space<vmem>>, vector<16xf32>,
    %scan3A = arith.constant 0 : i32
    %scan3A_97 = arith.constant 40 : i32
    %scan3A_98 = arith.addi %scan3A, %scan3A_97 : i32
    %scan3A_99 = arith.constant 1 : i32
    scf.for %scan3A_819 = %scan3A to %scan3A_98 step %scan3A_99  : i32 {
      %swap3A_820 = arith.index_cast %scan3A_819 : i32 to index
      %swap3A_821 = arith.constant 0 : index
      %swap3A_822 = tpu.vector_load %arg16[%swap3A_820, %swap3A_821] {strides = array<i32>} : memref<40x128xf32, #tpu.memory_space<vmem>>, vector<1x16xf32>,
      %swap3A_823 = vector.shape_cast %swap3A_822 : vector<1x16xf32> to vector<16xf32>
      %swap3A_824 = vector.shape_cast %broadcast_in_dim3A_1 : vector<16xf32> to vector<1x16xf32>
      tpu.vector_store %arg16[%swap3A_820, %swap3A_821], %swap3A_824 {strides = array<i32>} : memref<40x128xf32, #tpu.memory_space<vmem>>, vector<1x16xf32>,
      %swap3A_825 = arith.index_cast %scan3A_819 : i32 to index
      %swap3A_826 = arith.constant 16 : index
      %swap3A_827 = tpu.vector_load %arg16[%swap3A_825, %swap3A_826] {strides = array<i32>} : memref<40x128xf32, #tpu.memory_space<vmem>>, vector<1x16xf32>,
      %swap3A_828 = vector.shape_cast %swap3A_827 : vector<1x16xf32> to vector<16xf32>
      %swap3A_829 = vector.shape_cast %broadcast_in_dim3A_1 : vector<16xf32> to vector<1x16xf32>
      tpu.vector_store %arg16[%swap3A_825, %swap3A_826], %swap3A_829 {strides = array<i32>} : memref<40x128xf32, #tpu.memory_space<vmem>>, vector<1x16xf32>,
      %swap3A_830 = arith.index_cast %scan3A_819 : i32 to index
      %swap3A_831 = arith.constant 32 : index
      %swap3A_832 = tpu.vector_load %arg16[%swap3A_830, %swap3A_831] {strides = array<i32>} : memref<40x128xf32, #tpu.memory_space<vmem>>, vector<1x16xf32>,
      %swap3A_833 = vector.shape_cast %swap3A_832 : vector<1x16xf32> to vector<16xf32>
      %swap3A_834 = vector.shape_cast %broadcast_in_dim3A_1 : vector<16xf32> to vector<1x16xf32>
      tpu.vector_store %arg16[%swap3A_830, %swap3A_831], %swap3A_834 {strides = array<i32>} : memref<40x128xf32, #tpu.memory_space<vmem>>, vector<1x16xf32>,
      %swap3A_835 = arith.index_cast %scan3A_819 : i32 to index
      %swap3A_836 = arith.constant 48 : index
      %swap3A_837 = tpu.vector_load %arg16[%swap3A_835, %swap3A_836] {strides = array<i32>} : memref<40x128xf32, #tpu.memory_space<vmem>>, vector<1x16xf32>,
      %swap3A_838 = vector.shape_cast %swap3A_837 : vector<1x16xf32> to vector<16xf32>
      %swap3A_839 = vector.shape_cast %broadcast_in_dim3A_1 : vector<16xf32> to vector<1x16xf32>
      tpu.vector_store %arg16[%swap3A_835, %swap3A_836], %swap3A_839 {strides = array<i32>} : memref<40x128xf32, #tpu.memory_space<vmem>>, vector<1x16xf32>,
      %swap3A_840 = arith.index_cast %scan3A_819 : i32 to index
      %swap3A_841 = arith.constant 64 : index
      %swap3A_842 = tpu.vector_load %arg16[%swap3A_840, %swap3A_841] {strides = array<i32>} : memref<40x128xf32, #tpu.memory_space<vmem>>, vector<1x16xf32>,
      %swap3A_843 = vector.shape_cast %swap3A_842 : vector<1x16xf32> to vector<16xf32>
      %swap3A_844 = vector.shape_cast %broadcast_in_dim3A_1 : vector<16xf32> to vector<1x16xf32>
      tpu.vector_store %arg16[%swap3A_840, %swap3A_841], %swap3A_844 {strides = array<i32>} : memref<40x128xf32, #tpu.memory_space<vmem>>, vector<1x16xf32>,
      %swap3A_845 = arith.index_cast %scan3A_819 : i32 to index
      %swap3A_846 = arith.constant 80 : index
      %swap3A_847 = tpu.vector_load %arg16[%swap3A_845, %swap3A_846] {strides = array<i32>} : memref<40x128xf32, #tpu.memory_space<vmem>>, vector<1x16xf32>,
      %swap3A_848 = vector.shape_cast %swap3A_847 : vector<1x16xf32> to vector<16xf32>
      %swap3A_849 = vector.shape_cast %broadcast_in_dim3A_1 : vector<16xf32> to vector<1x16xf32>
      tpu.vector_store %arg16[%swap3A_845, %swap3A_846], %swap3A_849 {strides = array<i32>} : memref<40x128xf32, #tpu.memory_space<vmem>>, vector<1x16xf32>,
      %swap3A_850 = arith.index_cast %scan3A_819 : i32 to index
      %swap3A_851 = arith.constant 96 : index
      %swap3A_852 = tpu.vector_load %arg16[%swap3A_850, %swap3A_851] {strides = array<i32>} : memref<40x128xf32, #tpu.memory_space<vmem>>, vector<1x16xf32>,
      %swap3A_853 = vector.shape_cast %swap3A_852 : vector<1x16xf32> to vector<16xf32>
      %swap3A_854 = vector.shape_cast %broadcast_in_dim3A_1 : vector<16xf32> to vector<1x16xf32>
      tpu.vector_store %arg16[%swap3A_850, %swap3A_851], %swap3A_854 {strides = array<i32>} : memref<40x128xf32, #tpu.memory_space<vmem>>, vector<1x16xf32>,
      %swap3A_855 = arith.index_cast %scan3A_819 : i32 to index
      %swap3A_856 = arith.constant 112 : index
      %swap3A_857 = tpu.vector_load %arg16[%swap3A_855, %swap3A_856] {strides = array<i32>} : memref<40x128xf32, #tpu.memory_space<vmem>>, vector<1x16xf32>,
      %swap3A_858 = vector.shape_cast %swap3A_857 : vector<1x16xf32> to vector<16xf32>
      %swap3A_859 = vector.shape_cast %broadcast_in_dim3A_1 : vector<16xf32> to vector<1x16xf32>
      tpu.vector_store %arg16[%swap3A_855, %swap3A_856], %swap3A_859 {strides = array<i32>} : memref<40x128xf32, #tpu.memory_space<vmem>>, vector<1x16xf32>,
    }
    %scan3A_100 = arith.constant 40 : i32
    %scan3A_101 = arith.constant 0 : i32
    %scan3A_102 = arith.constant 2 : i32
    %scan3A_103 = arith.addi %scan3A_101, %scan3A_102 : i32
    %scan3A_104 = arith.constant 1 : i32
    scf.for %scan3A_819 = %scan3A_101 to %scan3A_103 step %scan3A_104  : i32 {
      %mul3A_820 = arith.constant 16 : i32
      %mul3A_821 = arith.muli %scan3A_819, %mul3A_820 : i32
      %swap3A_822 = arith.index_cast %mul3A_821 : i32 to index
      %swap3A_823 = tpu.vector_load %arg15[%swap3A_822] {strides = array<i32>} : memref<40xf32, #tpu.memory_space<vmem>>, vector<16xf32>,
      %swap3A_824 = vector.shape_cast %swap3A_823 : vector<16xf32> to vector<16xf32>
      %swap3A_825 = vector.shape_cast %broadcast_in_dim3A_1 : vector<16xf32> to vector<16xf32>
      tpu.vector_store %arg15[%swap3A_822], %swap3A_825 {strides = array<i32>} : memref<40xf32, #tpu.memory_space<vmem>>, vector<16xf32>,
    }
    %scan3A_105 = arith.constant 2 : i32
    %swap3A_106 = arith.constant 24 : index
    %swap3A_107 = tpu.vector_load %arg15[%swap3A_106] {strides = array<i32>} : memref<40xf32, #tpu.memory_space<vmem>>, vector<16xf32>,
    %swap3A_108 = vector.shape_cast %swap3A_107 : vector<16xf32> to vector<16xf32>
    %swap3A_109 = vector.shape_cast %broadcast_in_dim3A_1 : vector<16xf32> to vector<16xf32>
    tpu.vector_store %arg15[%swap3A_106], %swap3A_109 {strides = array<i32>} : memref<40xf32, #tpu.memory_space<vmem>>, vector<16xf32>,
    %sub3A = arith.constant 250 : i32
    %sub3A_110 = arith.subi %sub3A, %arg1 : i32
    %add3A = arith.constant 16 : i32
    %add3A_111 = arith.addi %sub3A_110, %add3A : i32
    %sub3A_112 = arith.constant 1 : i32
    %sub3A_113 = arith.subi %add3A_111, %sub3A_112 : i32
    %jit3A = arith.constant 16 : i32
    %div3A = arith.divsi %sub3A_113, %jit3A : i32
    %sign3A = arith.constant 0 : i32
    %sign3A_114 = arith.cmpi sgt, %sub3A_113, %sign3A : i32
    %sign3A_115 = arith.extui %sign3A_114 : i1 to i32
    %sign3A_116 = arith.constant 0 : i32
    %sign3A_117 = arith.cmpi slt, %sub3A_113, %sign3A_116 : i32
    %sign3A_118 = arith.extui %sign3A_117 : i1 to i32
    %sign3A_119 = arith.subi %sign3A_115, %sign3A_118 : i32
    %sign3A_120 = arith.constant 0 : i32
    %sign3A_121 = arith.cmpi sgt, %jit3A, %sign3A_120 : i32
    %sign3A_122 = arith.extui %sign3A_121 : i1 to i32
    %sign3A_123 = arith.constant 0 : i32
    %sign3A_124 = arith.cmpi slt, %jit3A, %sign3A_123 : i32
    %sign3A_125 = arith.extui %sign3A_124 : i1 to i32
    %sign3A_126 = arith.subi %sign3A_122, %sign3A_125 : i32
    %ne3A = arith.cmpi ne, %sign3A_119, %sign3A_126 : i32
    %rem3A = arith.remsi %sub3A_113, %jit3A : i32
    %ne3A_127 = arith.constant 0 : i32
    %ne3A_128 = arith.cmpi ne, %rem3A, %ne3A_127 : i32
    %and3A = arith.andi %ne3A, %ne3A_128 : i1
    %sub3A_129 = arith.constant 1 : i32
    %sub3A_130 = arith.subi %div3A, %sub3A_129 : i32
    %select_n3A = arith.select %and3A, %sub3A_130, %div3A : i32
    %add3A_131 = arith.constant 0 : i32
    %add3A_132 = arith.addi %arg1, %add3A_131 : i32
    %mul3A_133 = arith.constant 40 : i32
    %mul3A_134 = arith.muli %add3A_132, %mul3A_133 : i32
    %multiple_of3A = tpu.assume_multiple %mul3A_134, 8 : i32
    %dma_start3A = arith.constant 0 : i32
    %dma_start3A_135 = tpu.memref_slice %arg18[%multiple_of3A, %dma_start3A] : memref<10000x128xf32, #tpu.memory_space<vmem_shared>> -> memref<40x128xf32, #tpu.memory_space<vmem_shared>>
    %dma_start3A_136 = arith.constant 0 : i32
    %dma_start3A_137 = tpu.memref_slice %arg18[%multiple_of3A, %dma_start3A_136] : memref<10000x128xf32, #tpu.memory_space<vmem_shared>> -> memref<40x128xf32, #tpu.memory_space<vmem_shared>>
    tpu.enqueue_dma source(%arg16 : memref<40x128xf32, #tpu.memory_space<vmem>>) target(%dma_start3A_137 : memref<40x128xf32, #tpu.memory_space<vmem_shared>>) target_semaphore(%arg20 : memref<!tpu.dma_semaphore, #tpu.memory_space<semaphore_mem>>)
    %dma_start3A_138 = tpu.memref_slice %arg19[%multiple_of3A] : memref<10000xf32, #tpu.memory_space<vmem_shared>> -> memref<40xf32, #tpu.memory_space<vmem_shared>>
    %dma_start3A_139 = tpu.memref_slice %arg19[%multiple_of3A] : memref<10000xf32, #tpu.memory_space<vmem_shared>> -> memref<40xf32, #tpu.memory_space<vmem_shared>>
    tpu.enqueue_dma source(%arg15 : memref<40xf32, #tpu.memory_space<vmem>>) target(%dma_start3A_139 : memref<40xf32, #tpu.memory_space<vmem_shared>>) target_semaphore(%arg21 : memref<!tpu.dma_semaphore, #tpu.memory_space<semaphore_mem>>)
    %while3A = arith.constant 0 : i32
    %while3A_140 = arith.subi %select_n3A, %while3A : i32
    %while3A_141 = arith.addi %while3A, %while3A_140 : i32
    %while3A_142 = arith.constant 1 : i32
    %while3A_143 = arith.divsi %while3A_140, %while3A_142 : i32
    %while3A_144 = arith.muli %while3A_143, %while3A_142 : i32
    %while3A_145 = arith.addi %while3A, %while3A_144 : i32
    %while3A_146 = arith.constant 1 : i32
    scf.for %while3A_819 = %while3A to %while3A_145 step %while3A_146  : i32 {
      %add3A_820 = arith.constant 1 : i32
      %add3A_821 = arith.addi %while3A_819, %add3A_820 : i32
      %lt3A_822 = arith.cmpi slt, %add3A_821, %select_n3A : i32
      %convert_element_type3A_823 = arith.extui %lt3A_822 : i1 to i32
      %cond3A_824 = arith.constant 0 : i32
      %cond3A_825 = arith.cmpi ne, %convert_element_type3A_823, %cond3A_824 : i32
      scf.if %cond3A_825 {
        %add3A_838 = arith.constant 1 : i32
        %add3A_839 = arith.addi %while3A_819, %add3A_838 : i32
        %mul3A_840 = arith.constant 16 : i32
        %mul3A_841 = arith.muli %add3A_839, %mul3A_840 : i32
        %add3A_842 = arith.addi %arg1, %mul3A_841 : i32
        %mul3A_843 = arith.constant 40 : i32
        %mul3A_844 = arith.muli %add3A_842, %mul3A_843 : i32
        %multiple_of3A_845 = tpu.assume_multiple %mul3A_844, 8 : i32
        %dma_start3A_846 = arith.constant 0 : i32
        %dma_start3A_847 = tpu.memref_slice %arg18[%multiple_of3A_845, %dma_start3A_846] : memref<10000x128xf32, #tpu.memory_space<vmem_shared>> -> memref<40x128xf32, #tpu.memory_space<vmem_shared>>
        %dma_start3A_848 = arith.constant 0 : i32
        %dma_start3A_849 = tpu.memref_slice %arg18[%multiple_of3A_845, %dma_start3A_848] : memref<10000x128xf32, #tpu.memory_space<vmem_shared>> -> memref<40x128xf32, #tpu.memory_space<vmem_shared>>
        tpu.enqueue_dma source(%arg16 : memref<40x128xf32, #tpu.memory_space<vmem>>) target(%dma_start3A_849 : memref<40x128xf32, #tpu.memory_space<vmem_shared>>) target_semaphore(%arg20 : memref<!tpu.dma_semaphore, #tpu.memory_space<semaphore_mem>>)
        %dma_start3A_850 = tpu.memref_slice %arg19[%multiple_of3A_845] : memref<10000xf32, #tpu.memory_space<vmem_shared>> -> memref<40xf32, #tpu.memory_space<vmem_shared>>
        %dma_start3A_851 = tpu.memref_slice %arg19[%multiple_of3A_845] : memref<10000xf32, #tpu.memory_space<vmem_shared>> -> memref<40xf32, #tpu.memory_space<vmem_shared>>
        tpu.enqueue_dma source(%arg15 : memref<40xf32, #tpu.memory_space<vmem>>) target(%dma_start3A_851 : memref<40xf32, #tpu.memory_space<vmem_shared>>) target_semaphore(%arg21 : memref<!tpu.dma_semaphore, #tpu.memory_space<semaphore_mem>>)
      } else {
      }
      %mul3A_826 = arith.constant 16 : i32
      %mul3A_827 = arith.muli %while3A_819, %mul3A_826 : i32
      %add3A_828 = arith.addi %arg1, %mul3A_827 : i32
      %mul3A_829 = arith.constant 40 : i32
      %mul3A_830 = arith.muli %add3A_828, %mul3A_829 : i32
      %multiple_of3A_831 = tpu.assume_multiple %mul3A_830, 8 : i32
      %dma_wait3A_832 = arith.constant 0 : i32
      %dma_wait3A_833 = tpu.memref_slice %arg18[%multiple_of3A_831, %dma_wait3A_832] : memref<10000x128xf32, #tpu.memory_space<vmem_shared>> -> memref<40x128xf32, #tpu.memory_space<vmem_shared>>
      %dma_wait3A_834 = arith.constant 0 : i32
      %dma_wait3A_835 = tpu.memref_slice %arg18[%multiple_of3A_831, %dma_wait3A_834] : memref<10000x128xf32, #tpu.memory_space<vmem_shared>> -> memref<40x128xf32, #tpu.memory_space<vmem_shared>>
      tpu.wait_dma2 semaphore(%arg20 : memref<!tpu.dma_semaphore, #tpu.memory_space<semaphore_mem>>) src(%arg16 : memref<40x128xf32, #tpu.memory_space<vmem>>) dst(%dma_wait3A_835 : memref<40x128xf32, #tpu.memory_space<vmem_shared>>)
      %dma_wait3A_836 = tpu.memref_slice %arg19[%multiple_of3A_831] : memref<10000xf32, #tpu.memory_space<vmem_shared>> -> memref<40xf32, #tpu.memory_space<vmem_shared>>
      %dma_wait3A_837 = tpu.memref_slice %arg19[%multiple_of3A_831] : memref<10000xf32, #tpu.memory_space<vmem_shared>> -> memref<40xf32, #tpu.memory_space<vmem_shared>>
      tpu.wait_dma2 semaphore(%arg21 : memref<!tpu.dma_semaphore, #tpu.memory_space<semaphore_mem>>) src(%arg15 : memref<40xf32, #tpu.memory_space<vmem>>) dst(%dma_wait3A_837 : memref<40xf32, #tpu.memory_space<vmem_shared>>)
    }
    %while3A_147 = arith.constant 1 : i32
    scf.for %while3A_819 = %while3A_145 to %while3A_141 step %while3A_147  : i32 {
      %add3A_820 = arith.constant 1 : i32
      %add3A_821 = arith.addi %while3A_819, %add3A_820 : i32
      %lt3A_822 = arith.cmpi slt, %add3A_821, %select_n3A : i32
      %convert_element_type3A_823 = arith.extui %lt3A_822 : i1 to i32
      %cond3A_824 = arith.constant 0 : i32
      %cond3A_825 = arith.cmpi ne, %convert_element_type3A_823, %cond3A_824 : i32
      scf.if %cond3A_825 {
        %add3A_838 = arith.constant 1 : i32
        %add3A_839 = arith.addi %while3A_819, %add3A_838 : i32
        %mul3A_840 = arith.constant 16 : i32
        %mul3A_841 = arith.muli %add3A_839, %mul3A_840 : i32
        %add3A_842 = arith.addi %arg1, %mul3A_841 : i32
        %mul3A_843 = arith.constant 40 : i32
        %mul3A_844 = arith.muli %add3A_842, %mul3A_843 : i32
        %multiple_of3A_845 = tpu.assume_multiple %mul3A_844, 8 : i32
        %dma_start3A_846 = arith.constant 0 : i32
        %dma_start3A_847 = tpu.memref_slice %arg18[%multiple_of3A_845, %dma_start3A_846] : memref<10000x128xf32, #tpu.memory_space<vmem_shared>> -> memref<40x128xf32, #tpu.memory_space<vmem_shared>>
        %dma_start3A_848 = arith.constant 0 : i32
        %dma_start3A_849 = tpu.memref_slice %arg18[%multiple_of3A_845, %dma_start3A_848] : memref<10000x128xf32, #tpu.memory_space<vmem_shared>> -> memref<40x128xf32, #tpu.memory_space<vmem_shared>>
        tpu.enqueue_dma source(%arg16 : memref<40x128xf32, #tpu.memory_space<vmem>>) target(%dma_start3A_849 : memref<40x128xf32, #tpu.memory_space<vmem_shared>>) target_semaphore(%arg20 : memref<!tpu.dma_semaphore, #tpu.memory_space<semaphore_mem>>)
        %dma_start3A_850 = tpu.memref_slice %arg19[%multiple_of3A_845] : memref<10000xf32, #tpu.memory_space<vmem_shared>> -> memref<40xf32, #tpu.memory_space<vmem_shared>>
        %dma_start3A_851 = tpu.memref_slice %arg19[%multiple_of3A_845] : memref<10000xf32, #tpu.memory_space<vmem_shared>> -> memref<40xf32, #tpu.memory_space<vmem_shared>>
        tpu.enqueue_dma source(%arg15 : memref<40xf32, #tpu.memory_space<vmem>>) target(%dma_start3A_851 : memref<40xf32, #tpu.memory_space<vmem_shared>>) target_semaphore(%arg21 : memref<!tpu.dma_semaphore, #tpu.memory_space<semaphore_mem>>)
      } else {
      }
      %mul3A_826 = arith.constant 16 : i32
      %mul3A_827 = arith.muli %while3A_819, %mul3A_826 : i32
      %add3A_828 = arith.addi %arg1, %mul3A_827 : i32
      %mul3A_829 = arith.constant 40 : i32
      %mul3A_830 = arith.muli %add3A_828, %mul3A_829 : i32
      %multiple_of3A_831 = tpu.assume_multiple %mul3A_830, 8 : i32
      %dma_wait3A_832 = arith.constant 0 : i32
      %dma_wait3A_833 = tpu.memref_slice %arg18[%multiple_of3A_831, %dma_wait3A_832] : memref<10000x128xf32, #tpu.memory_space<vmem_shared>> -> memref<40x128xf32, #tpu.memory_space<vmem_shared>>
      %dma_wait3A_834 = arith.constant 0 : i32
      %dma_wait3A_835 = tpu.memref_slice %arg18[%multiple_of3A_831, %dma_wait3A_834] : memref<10000x128xf32, #tpu.memory_space<vmem_shared>> -> memref<40x128xf32, #tpu.memory_space<vmem_shared>>
      tpu.wait_dma2 semaphore(%arg20 : memref<!tpu.dma_semaphore, #tpu.memory_space<semaphore_mem>>) src(%arg16 : memref<40x128xf32, #tpu.memory_space<vmem>>) dst(%dma_wait3A_835 : memref<40x128xf32, #tpu.memory_space<vmem_shared>>)
      %dma_wait3A_836 = tpu.memref_slice %arg19[%multiple_of3A_831] : memref<10000xf32, #tpu.memory_space<vmem_shared>> -> memref<40xf32, #tpu.memory_space<vmem_shared>>
      %dma_wait3A_837 = tpu.memref_slice %arg19[%multiple_of3A_831] : memref<10000xf32, #tpu.memory_space<vmem_shared>> -> memref<40xf32, #tpu.memory_space<vmem_shared>>
      tpu.wait_dma2 semaphore(%arg21 : memref<!tpu.dma_semaphore, #tpu.memory_space<semaphore_mem>>) src(%arg15 : memref<40xf32, #tpu.memory_space<vmem>>) dst(%dma_wait3A_837 : memref<40xf32, #tpu.memory_space<vmem_shared>>)
    }
    %barrier3A = arith.constant 0 : index
    tpu.barrier barrier_id(%barrier3A)
    %mul3A_148 = arith.constant 2500 : i32
    %mul3A_149 = arith.muli %arg1, %mul3A_148 : i32
    %jit3A_150 = arith.constant 16 : i32
    %div3A_151 = arith.divsi %mul3A_149, %jit3A_150 : i32
    %sign3A_152 = arith.constant 0 : i32
    %sign3A_153 = arith.cmpi sgt, %mul3A_149, %sign3A_152 : i32
    %sign3A_154 = arith.extui %sign3A_153 : i1 to i32
    %sign3A_155 = arith.constant 0 : i32
    %sign3A_156 = arith.cmpi slt, %mul3A_149, %sign3A_155 : i32
    %sign3A_157 = arith.extui %sign3A_156 : i1 to i32
    %sign3A_158 = arith.subi %sign3A_154, %sign3A_157 : i32
    %sign3A_159 = arith.constant 0 : i32
    %sign3A_160 = arith.cmpi sgt, %jit3A_150, %sign3A_159 : i32
    %sign3A_161 = arith.extui %sign3A_160 : i1 to i32
    %sign3A_162 = arith.constant 0 : i32
    %sign3A_163 = arith.cmpi slt, %jit3A_150, %sign3A_162 : i32
    %sign3A_164 = arith.extui %sign3A_163 : i1 to i32
    %sign3A_165 = arith.subi %sign3A_161, %sign3A_164 : i32
    %ne3A_166 = arith.cmpi ne, %sign3A_158, %sign3A_165 : i32
    %rem3A_167 = arith.remsi %mul3A_149, %jit3A_150 : i32
    %ne3A_168 = arith.constant 0 : i32
    %ne3A_169 = arith.cmpi ne, %rem3A_167, %ne3A_168 : i32
    %and3A_170 = arith.andi %ne3A_166, %ne3A_169 : i1
    %sub3A_171 = arith.constant 1 : i32
    %sub3A_172 = arith.subi %div3A_151, %sub3A_171 : i32
    %select_n3A_173 = arith.select %and3A_170, %sub3A_172, %div3A_151 : i32
    %add3A_174 = arith.constant 1 : i32
    %add3A_175 = arith.addi %arg1, %add3A_174 : i32
    %mul3A_176 = arith.constant 2500 : i32
    %mul3A_177 = arith.muli %add3A_175, %mul3A_176 : i32
    %jit3A_178 = arith.constant 16 : i32
    %div3A_179 = arith.divsi %mul3A_177, %jit3A_178 : i32
    %sign3A_180 = arith.constant 0 : i32
    %sign3A_181 = arith.cmpi sgt, %mul3A_177, %sign3A_180 : i32
    %sign3A_182 = arith.extui %sign3A_181 : i1 to i32
    %sign3A_183 = arith.constant 0 : i32
    %sign3A_184 = arith.cmpi slt, %mul3A_177, %sign3A_183 : i32
    %sign3A_185 = arith.extui %sign3A_184 : i1 to i32
    %sign3A_186 = arith.subi %sign3A_182, %sign3A_185 : i32
    %sign3A_187 = arith.constant 0 : i32
    %sign3A_188 = arith.cmpi sgt, %jit3A_178, %sign3A_187 : i32
    %sign3A_189 = arith.extui %sign3A_188 : i1 to i32
    %sign3A_190 = arith.constant 0 : i32
    %sign3A_191 = arith.cmpi slt, %jit3A_178, %sign3A_190 : i32
    %sign3A_192 = arith.extui %sign3A_191 : i1 to i32
    %sign3A_193 = arith.subi %sign3A_189, %sign3A_192 : i32
    %ne3A_194 = arith.cmpi ne, %sign3A_186, %sign3A_193 : i32
    %rem3A_195 = arith.remsi %mul3A_177, %jit3A_178 : i32
    %ne3A_196 = arith.constant 0 : i32
    %ne3A_197 = arith.cmpi ne, %rem3A_195, %ne3A_196 : i32
    %and3A_198 = arith.andi %ne3A_194, %ne3A_197 : i1
    %sub3A_199 = arith.constant 1 : i32
    %sub3A_200 = arith.subi %div3A_179, %sub3A_199 : i32
    %select_n3A_201 = arith.select %and3A_198, %sub3A_200, %div3A_179 : i32
    %mul3A_202 = arith.constant 256 : i32
    %mul3A_203 = arith.muli %select_n3A_173, %mul3A_202 : i32
    %multiple_of3A_204 = tpu.assume_multiple %mul3A_203, 256 : i32
    "tpu.region"() ({
      %run_scoped3A = tpu.sem_alloc : memref<!tpu.dma_semaphore, #tpu.memory_space<semaphore_mem>>
      %dma_start3A_819 = arith.constant 0 : i32
      %dma_start3A_820 = tpu.memref_slice %arg3[%dma_start3A_819, %multiple_of3A_204] : memref<2x640000xi32, #tpu.memory_space<hbm>> -> memref<2x256xi32, #tpu.memory_space<hbm>>
      %dma_start3A_821 = arith.constant 0 : i32
      %dma_start3A_822 = tpu.memref_slice %arg3[%dma_start3A_821, %multiple_of3A_204] : memref<2x640000xi32, #tpu.memory_space<hbm>> -> memref<2x256xi32, #tpu.memory_space<hbm>>
      tpu.enqueue_dma source(%dma_start3A_822 : memref<2x256xi32, #tpu.memory_space<hbm>>) target(%arg6 : memref<2x256xi32, #tpu.memory_space<vmem>>) target_semaphore(%run_scoped3A : memref<!tpu.dma_semaphore, #tpu.memory_space<semaphore_mem>>)
      %dma_wait3A_823 = arith.constant 0 : i32
      %dma_wait3A_824 = tpu.memref_slice %arg3[%dma_wait3A_823, %multiple_of3A_204] : memref<2x640000xi32, #tpu.memory_space<hbm>> -> memref<2x256xi32, #tpu.memory_space<hbm>>
      %dma_wait3A_825 = arith.constant 0 : i32
      %dma_wait3A_826 = tpu.memref_slice %arg3[%dma_wait3A_825, %multiple_of3A_204] : memref<2x640000xi32, #tpu.memory_space<hbm>> -> memref<2x256xi32, #tpu.memory_space<hbm>>
      tpu.wait_dma2 semaphore(%run_scoped3A : memref<!tpu.dma_semaphore, #tpu.memory_space<semaphore_mem>>) src(%dma_wait3A_826 : memref<2x256xi32, #tpu.memory_space<hbm>>) dst(%arg6 : memref<2x256xi32, #tpu.memory_space<vmem>>)
      tpu.yield
    }) : () -> ()
    %get3A = arith.constant 1 : i32
    %get3A_205 = arith.index_cast %get3A : i32 to index
    %get3A_206 = arith.constant 0 : index
    %get3A_207 = tpu.vector_load %arg6[%get3A_205, %get3A_206] {strides = array<i32>} : memref<2x256xi32, #tpu.memory_space<vmem>>, vector<1x16xi32>,
    %get3A_208 = vector.shape_cast %get3A_207 : vector<1x16xi32> to vector<16xi32>
    %sub3A_209 = vector.broadcast %mul3A_0 : i32 to vector<16xi32>
    %sub3A_210 = arith.subi %get3A_208, %sub3A_209 : vector<16xi32>
    %ge3A = arith.constant 0 : i32
    %ge3A_211 = vector.broadcast %ge3A : i32 to vector<16xi32>
    %ge3A_212 = arith.cmpi sge, %sub3A_210, %ge3A_211 : vector<16xi32>
    %lt3A = arith.constant 10000 : i32
    %lt3A_213 = vector.broadcast %lt3A : i32 to vector<16xi32>
    %lt3A_214 = arith.cmpi slt, %sub3A_210, %lt3A_213 : vector<16xi32>
    %and3A_215 = arith.andi %ge3A_212, %lt3A_214 : vector<16xi1>
    %jit3A_216 = arith.constant -1 : i32
    %broadcast_in_dim3A_217 = vector.broadcast %jit3A_216 : i32 to vector<16xi32>
    %select_n3A_218 = arith.select %and3A_215, %sub3A_210, %broadcast_in_dim3A_217 : vector<16xi1>, vector<16xi32>
    %swap3A_219 = arith.constant 0 : index
    %swap3A_220 = tpu.vector_load %arg8[%swap3A_219] {strides = array<i32>} : memref<128xi32, #tpu.memory_space<vmem>>, vector<16xi32>,
    %swap3A_221 = vector.shape_cast %swap3A_220 : vector<16xi32> to vector<16xi32>
    %swap3A_222 = vector.shape_cast %select_n3A_218 : vector<16xi32> to vector<16xi32>
    tpu.vector_store %arg8[%swap3A_219], %swap3A_222 {strides = array<i32>} : memref<128xi32, #tpu.memory_space<vmem>>, vector<16xi32>,
    %swap3A_223 = arith.constant 0 : index
    %swap3A_224 = tpu.vector_load %arg11[%swap3A_223] {strides = array<i32>} : memref<256xi32, #tpu.memory_space<vmem>>, vector<16xi32>,
    %swap3A_225 = vector.shape_cast %swap3A_224 : vector<16xi32> to vector<16xi32>
    %swap3A_226 = vector.shape_cast %select_n3A_218 : vector<16xi32> to vector<16xi32>
    tpu.vector_store %arg11[%swap3A_223], %swap3A_226 {strides = array<i32>} : memref<256xi32, #tpu.memory_space<vmem>>, vector<16xi32>,
    %get3A_227 = arith.constant 0 : i32
    %get3A_228 = arith.index_cast %get3A_227 : i32 to index
    %get3A_229 = arith.constant 0 : index
    %get3A_230 = tpu.vector_load %arg6[%get3A_228, %get3A_229] {strides = array<i32>} : memref<2x256xi32, #tpu.memory_space<vmem>>, vector<1x16xi32>,
    %get3A_231 = vector.shape_cast %get3A_230 : vector<1x16xi32> to vector<16xi32>
    %jit3A_232 = arith.constant -1 : i32
    %broadcast_in_dim3A_233 = vector.broadcast %jit3A_232 : i32 to vector<16xi32>
    %select_n3A_234 = arith.select %and3A_215, %get3A_231, %broadcast_in_dim3A_233 : vector<16xi1>, vector<16xi32>
    %swap3A_235 = arith.constant 0 : index
    %swap3A_236 = tpu.vector_load %arg7[%swap3A_235] {strides = array<i32>} : memref<128xi32, #tpu.memory_space<vmem>>, vector<16xi32>,
    %swap3A_237 = vector.shape_cast %swap3A_236 : vector<16xi32> to vector<16xi32>
    %swap3A_238 = vector.shape_cast %select_n3A_234 : vector<16xi32> to vector<16xi32>
    tpu.vector_store %arg7[%swap3A_235], %swap3A_238 {strides = array<i32>} : memref<128xi32, #tpu.memory_space<vmem>>, vector<16xi32>,
    %get3A_239 = arith.constant 1 : i32
    %get3A_240 = arith.index_cast %get3A_239 : i32 to index
    %get3A_241 = arith.constant 16 : index
    %get3A_242 = tpu.vector_load %arg6[%get3A_240, %get3A_241] {strides = array<i32>} : memref<2x256xi32, #tpu.memory_space<vmem>>, vector<1x16xi32>,
    %get3A_243 = vector.shape_cast %get3A_242 : vector<1x16xi32> to vector<16xi32>
    %sub3A_244 = vector.broadcast %mul3A_0 : i32 to vector<16xi32>
    %sub3A_245 = arith.subi %get3A_243, %sub3A_244 : vector<16xi32>
    %ge3A_246 = arith.constant 0 : i32
    %ge3A_247 = vector.broadcast %ge3A_246 : i32 to vector<16xi32>
    %ge3A_248 = arith.cmpi sge, %sub3A_245, %ge3A_247 : vector<16xi32>
    %lt3A_249 = arith.constant 10000 : i32
    %lt3A_250 = vector.broadcast %lt3A_249 : i32 to vector<16xi32>
    %lt3A_251 = arith.cmpi slt, %sub3A_245, %lt3A_250 : vector<16xi32>
    %and3A_252 = arith.andi %ge3A_248, %lt3A_251 : vector<16xi1>
    %jit3A_253 = arith.constant -1 : i32
    %broadcast_in_dim3A_254 = vector.broadcast %jit3A_253 : i32 to vector<16xi32>
    %select_n3A_255 = arith.select %and3A_252, %sub3A_245, %broadcast_in_dim3A_254 : vector<16xi1>, vector<16xi32>
    %swap3A_256 = arith.constant 16 : index
    %swap3A_257 = tpu.vector_load %arg8[%swap3A_256] {strides = array<i32>} : memref<128xi32, #tpu.memory_space<vmem>>, vector<16xi32>,
    %swap3A_258 = vector.shape_cast %swap3A_257 : vector<16xi32> to vector<16xi32>
    %swap3A_259 = vector.shape_cast %select_n3A_255 : vector<16xi32> to vector<16xi32>
    tpu.vector_store %arg8[%swap3A_256], %swap3A_259 {strides = array<i32>} : memref<128xi32, #tpu.memory_space<vmem>>, vector<16xi32>,
    %swap3A_260 = arith.constant 16 : index
    %swap3A_261 = tpu.vector_load %arg11[%swap3A_260] {strides = array<i32>} : memref<256xi32, #tpu.memory_space<vmem>>, vector<16xi32>,
    %swap3A_262 = vector.shape_cast %swap3A_261 : vector<16xi32> to vector<16xi32>
    %swap3A_263 = vector.shape_cast %select_n3A_255 : vector<16xi32> to vector<16xi32>
    tpu.vector_store %arg11[%swap3A_260], %swap3A_263 {strides = array<i32>} : memref<256xi32, #tpu.memory_space<vmem>>, vector<16xi32>,
    %get3A_264 = arith.constant 0 : i32
    %get3A_265 = arith.index_cast %get3A_264 : i32 to index
    %get3A_266 = arith.constant 16 : index
    %get3A_267 = tpu.vector_load %arg6[%get3A_265, %get3A_266] {strides = array<i32>} : memref<2x256xi32, #tpu.memory_space<vmem>>, vector<1x16xi32>,
    %get3A_268 = vector.shape_cast %get3A_267 : vector<1x16xi32> to vector<16xi32>
    %jit3A_269 = arith.constant -1 : i32
    %broadcast_in_dim3A_270 = vector.broadcast %jit3A_269 : i32 to vector<16xi32>
    %select_n3A_271 = arith.select %and3A_252, %get3A_268, %broadcast_in_dim3A_270 : vector<16xi1>, vector<16xi32>
    %swap3A_272 = arith.constant 16 : index
    %swap3A_273 = tpu.vector_load %arg7[%swap3A_272] {strides = array<i32>} : memref<128xi32, #tpu.memory_space<vmem>>, vector<16xi32>,
    %swap3A_274 = vector.shape_cast %swap3A_273 : vector<16xi32> to vector<16xi32>
    %swap3A_275 = vector.shape_cast %select_n3A_271 : vector<16xi32> to vector<16xi32>
    tpu.vector_store %arg7[%swap3A_272], %swap3A_275 {strides = array<i32>} : memref<128xi32, #tpu.memory_space<vmem>>, vector<16xi32>,
    %get3A_276 = arith.constant 1 : i32
    %get3A_277 = arith.index_cast %get3A_276 : i32 to index
    %get3A_278 = arith.constant 32 : index
    %get3A_279 = tpu.vector_load %arg6[%get3A_277, %get3A_278] {strides = array<i32>} : memref<2x256xi32, #tpu.memory_space<vmem>>, vector<1x16xi32>,
    %get3A_280 = vector.shape_cast %get3A_279 : vector<1x16xi32> to vector<16xi32>
    %sub3A_281 = vector.broadcast %mul3A_0 : i32 to vector<16xi32>
    %sub3A_282 = arith.subi %get3A_280, %sub3A_281 : vector<16xi32>
    %ge3A_283 = arith.constant 0 : i32
    %ge3A_284 = vector.broadcast %ge3A_283 : i32 to vector<16xi32>
    %ge3A_285 = arith.cmpi sge, %sub3A_282, %ge3A_284 : vector<16xi32>
    %lt3A_286 = arith.constant 10000 : i32
    %lt3A_287 = vector.broadcast %lt3A_286 : i32 to vector<16xi32>
    %lt3A_288 = arith.cmpi slt, %sub3A_282, %lt3A_287 : vector<16xi32>
    %and3A_289 = arith.andi %ge3A_285, %lt3A_288 : vector<16xi1>
    %jit3A_290 = arith.constant -1 : i32
    %broadcast_in_dim3A_291 = vector.broadcast %jit3A_290 : i32 to vector<16xi32>
    %select_n3A_292 = arith.select %and3A_289, %sub3A_282, %broadcast_in_dim3A_291 : vector<16xi1>, vector<16xi32>
    %swap3A_293 = arith.constant 32 : index
    %swap3A_294 = tpu.vector_load %arg8[%swap3A_293] {strides = array<i32>} : memref<128xi32, #tpu.memory_space<vmem>>, vector<16xi32>,
    %swap3A_295 = vector.shape_cast %swap3A_294 : vector<16xi32> to vector<16xi32>
    %swap3A_296 = vector.shape_cast %select_n3A_292 : vector<16xi32> to vector<16xi32>
    tpu.vector_store %arg8[%swap3A_293], %swap3A_296 {strides = array<i32>} : memref<128xi32, #tpu.memory_space<vmem>>, vector<16xi32>,
    %swap3A_297 = arith.constant 32 : index
    %swap3A_298 = tpu.vector_load %arg11[%swap3A_297] {strides = array<i32>} : memref<256xi32, #tpu.memory_space<vmem>>, vector<16xi32>,
    %swap3A_299 = vector.shape_cast %swap3A_298 : vector<16xi32> to vector<16xi32>
    %swap3A_300 = vector.shape_cast %select_n3A_292 : vector<16xi32> to vector<16xi32>
    tpu.vector_store %arg11[%swap3A_297], %swap3A_300 {strides = array<i32>} : memref<256xi32, #tpu.memory_space<vmem>>, vector<16xi32>,
    %get3A_301 = arith.constant 0 : i32
    %get3A_302 = arith.index_cast %get3A_301 : i32 to index
    %get3A_303 = arith.constant 32 : index
    %get3A_304 = tpu.vector_load %arg6[%get3A_302, %get3A_303] {strides = array<i32>} : memref<2x256xi32, #tpu.memory_space<vmem>>, vector<1x16xi32>,
    %get3A_305 = vector.shape_cast %get3A_304 : vector<1x16xi32> to vector<16xi32>
    %jit3A_306 = arith.constant -1 : i32
    %broadcast_in_dim3A_307 = vector.broadcast %jit3A_306 : i32 to vector<16xi32>
    %select_n3A_308 = arith.select %and3A_289, %get3A_305, %broadcast_in_dim3A_307 : vector<16xi1>, vector<16xi32>
    %swap3A_309 = arith.constant 32 : index
    %swap3A_310 = tpu.vector_load %arg7[%swap3A_309] {strides = array<i32>} : memref<128xi32, #tpu.memory_space<vmem>>, vector<16xi32>,
    %swap3A_311 = vector.shape_cast %swap3A_310 : vector<16xi32> to vector<16xi32>
    %swap3A_312 = vector.shape_cast %select_n3A_308 : vector<16xi32> to vector<16xi32>
    tpu.vector_store %arg7[%swap3A_309], %swap3A_312 {strides = array<i32>} : memref<128xi32, #tpu.memory_space<vmem>>, vector<16xi32>,
    %get3A_313 = arith.constant 1 : i32
    %get3A_314 = arith.index_cast %get3A_313 : i32 to index
    %get3A_315 = arith.constant 48 : index
    %get3A_316 = tpu.vector_load %arg6[%get3A_314, %get3A_315] {strides = array<i32>} : memref<2x256xi32, #tpu.memory_space<vmem>>, vector<1x16xi32>,
    %get3A_317 = vector.shape_cast %get3A_316 : vector<1x16xi32> to vector<16xi32>
    %sub3A_318 = vector.broadcast %mul3A_0 : i32 to vector<16xi32>
    %sub3A_319 = arith.subi %get3A_317, %sub3A_318 : vector<16xi32>
    %ge3A_320 = arith.constant 0 : i32
    %ge3A_321 = vector.broadcast %ge3A_320 : i32 to vector<16xi32>
    %ge3A_322 = arith.cmpi sge, %sub3A_319, %ge3A_321 : vector<16xi32>
    %lt3A_323 = arith.constant 10000 : i32
    %lt3A_324 = vector.broadcast %lt3A_323 : i32 to vector<16xi32>
    %lt3A_325 = arith.cmpi slt, %sub3A_319, %lt3A_324 : vector<16xi32>
    %and3A_326 = arith.andi %ge3A_322, %lt3A_325 : vector<16xi1>
    %jit3A_327 = arith.constant -1 : i32
    %broadcast_in_dim3A_328 = vector.broadcast %jit3A_327 : i32 to vector<16xi32>
    %select_n3A_329 = arith.select %and3A_326, %sub3A_319, %broadcast_in_dim3A_328 : vector<16xi1>, vector<16xi32>
    %swap3A_330 = arith.constant 48 : index
    %swap3A_331 = tpu.vector_load %arg8[%swap3A_330] {strides = array<i32>} : memref<128xi32, #tpu.memory_space<vmem>>, vector<16xi32>,
    %swap3A_332 = vector.shape_cast %swap3A_331 : vector<16xi32> to vector<16xi32>
    %swap3A_333 = vector.shape_cast %select_n3A_329 : vector<16xi32> to vector<16xi32>
    tpu.vector_store %arg8[%swap3A_330], %swap3A_333 {strides = array<i32>} : memref<128xi32, #tpu.memory_space<vmem>>, vector<16xi32>,
    %swap3A_334 = arith.constant 48 : index
    %swap3A_335 = tpu.vector_load %arg11[%swap3A_334] {strides = array<i32>} : memref<256xi32, #tpu.memory_space<vmem>>, vector<16xi32>,
    %swap3A_336 = vector.shape_cast %swap3A_335 : vector<16xi32> to vector<16xi32>
    %swap3A_337 = vector.shape_cast %select_n3A_329 : vector<16xi32> to vector<16xi32>
    tpu.vector_store %arg11[%swap3A_334], %swap3A_337 {strides = array<i32>} : memref<256xi32, #tpu.memory_space<vmem>>, vector<16xi32>,
    %get3A_338 = arith.constant 0 : i32
    %get3A_339 = arith.index_cast %get3A_338 : i32 to index
    %get3A_340 = arith.constant 48 : index
    %get3A_341 = tpu.vector_load %arg6[%get3A_339, %get3A_340] {strides = array<i32>} : memref<2x256xi32, #tpu.memory_space<vmem>>, vector<1x16xi32>,
    %get3A_342 = vector.shape_cast %get3A_341 : vector<1x16xi32> to vector<16xi32>
    %jit3A_343 = arith.constant -1 : i32
    %broadcast_in_dim3A_344 = vector.broadcast %jit3A_343 : i32 to vector<16xi32>
    %select_n3A_345 = arith.select %and3A_326, %get3A_342, %broadcast_in_dim3A_344 : vector<16xi1>, vector<16xi32>
    %swap3A_346 = arith.constant 48 : index
    %swap3A_347 = tpu.vector_load %arg7[%swap3A_346] {strides = array<i32>} : memref<128xi32, #tpu.memory_space<vmem>>, vector<16xi32>,
    %swap3A_348 = vector.shape_cast %swap3A_347 : vector<16xi32> to vector<16xi32>
    %swap3A_349 = vector.shape_cast %select_n3A_345 : vector<16xi32> to vector<16xi32>
    tpu.vector_store %arg7[%swap3A_346], %swap3A_349 {strides = array<i32>} : memref<128xi32, #tpu.memory_space<vmem>>, vector<16xi32>,
    %get3A_350 = arith.constant 1 : i32
    %get3A_351 = arith.index_cast %get3A_350 : i32 to index
    %get3A_352 = arith.constant 64 : index
    %get3A_353 = tpu.vector_load %arg6[%get3A_351, %get3A_352] {strides = array<i32>} : memref<2x256xi32, #tpu.memory_space<vmem>>, vector<1x16xi32>,
    %get3A_354 = vector.shape_cast %get3A_353 : vector<1x16xi32> to vector<16xi32>
    %sub3A_355 = vector.broadcast %mul3A_0 : i32 to vector<16xi32>
    %sub3A_356 = arith.subi %get3A_354, %sub3A_355 : vector<16xi32>
    %ge3A_357 = arith.constant 0 : i32
    %ge3A_358 = vector.broadcast %ge3A_357 : i32 to vector<16xi32>
    %ge3A_359 = arith.cmpi sge, %sub3A_356, %ge3A_358 : vector<16xi32>
    %lt3A_360 = arith.constant 10000 : i32
    %lt3A_361 = vector.broadcast %lt3A_360 : i32 to vector<16xi32>
    %lt3A_362 = arith.cmpi slt, %sub3A_356, %lt3A_361 : vector<16xi32>
    %and3A_363 = arith.andi %ge3A_359, %lt3A_362 : vector<16xi1>
    %jit3A_364 = arith.constant -1 : i32
    %broadcast_in_dim3A_365 = vector.broadcast %jit3A_364 : i32 to vector<16xi32>
    %select_n3A_366 = arith.select %and3A_363, %sub3A_356, %broadcast_in_dim3A_365 : vector<16xi1>, vector<16xi32>
    %swap3A_367 = arith.constant 64 : index
    %swap3A_368 = tpu.vector_load %arg8[%swap3A_367] {strides = array<i32>} : memref<128xi32, #tpu.memory_space<vmem>>, vector<16xi32>,
    %swap3A_369 = vector.shape_cast %swap3A_368 : vector<16xi32> to vector<16xi32>
    %swap3A_370 = vector.shape_cast %select_n3A_366 : vector<16xi32> to vector<16xi32>
    tpu.vector_store %arg8[%swap3A_367], %swap3A_370 {strides = array<i32>} : memref<128xi32, #tpu.memory_space<vmem>>, vector<16xi32>,
    %swap3A_371 = arith.constant 64 : index
    %swap3A_372 = tpu.vector_load %arg11[%swap3A_371] {strides = array<i32>} : memref<256xi32, #tpu.memory_space<vmem>>, vector<16xi32>,
    %swap3A_373 = vector.shape_cast %swap3A_372 : vector<16xi32> to vector<16xi32>
    %swap3A_374 = vector.shape_cast %select_n3A_366 : vector<16xi32> to vector<16xi32>
    tpu.vector_store %arg11[%swap3A_371], %swap3A_374 {strides = array<i32>} : memref<256xi32, #tpu.memory_space<vmem>>, vector<16xi32>,
    %get3A_375 = arith.constant 0 : i32
    %get3A_376 = arith.index_cast %get3A_375 : i32 to index
    %get3A_377 = arith.constant 64 : index
    %get3A_378 = tpu.vector_load %arg6[%get3A_376, %get3A_377] {strides = array<i32>} : memref<2x256xi32, #tpu.memory_space<vmem>>, vector<1x16xi32>,
    %get3A_379 = vector.shape_cast %get3A_378 : vector<1x16xi32> to vector<16xi32>
    %jit3A_380 = arith.constant -1 : i32
    %broadcast_in_dim3A_381 = vector.broadcast %jit3A_380 : i32 to vector<16xi32>
    %select_n3A_382 = arith.select %and3A_363, %get3A_379, %broadcast_in_dim3A_381 : vector<16xi1>, vector<16xi32>
    %swap3A_383 = arith.constant 64 : index
    %swap3A_384 = tpu.vector_load %arg7[%swap3A_383] {strides = array<i32>} : memref<128xi32, #tpu.memory_space<vmem>>, vector<16xi32>,
    %swap3A_385 = vector.shape_cast %swap3A_384 : vector<16xi32> to vector<16xi32>
    %swap3A_386 = vector.shape_cast %select_n3A_382 : vector<16xi32> to vector<16xi32>
    tpu.vector_store %arg7[%swap3A_383], %swap3A_386 {strides = array<i32>} : memref<128xi32, #tpu.memory_space<vmem>>, vector<16xi32>,
    %get3A_387 = arith.constant 1 : i32
    %get3A_388 = arith.index_cast %get3A_387 : i32 to index
    %get3A_389 = arith.constant 80 : index
    %get3A_390 = tpu.vector_load %arg6[%get3A_388, %get3A_389] {strides = array<i32>} : memref<2x256xi32, #tpu.memory_space<vmem>>, vector<1x16xi32>,
    %get3A_391 = vector.shape_cast %get3A_390 : vector<1x16xi32> to vector<16xi32>
    %sub3A_392 = vector.broadcast %mul3A_0 : i32 to vector<16xi32>
    %sub3A_393 = arith.subi %get3A_391, %sub3A_392 : vector<16xi32>
    %ge3A_394 = arith.constant 0 : i32
    %ge3A_395 = vector.broadcast %ge3A_394 : i32 to vector<16xi32>
    %ge3A_396 = arith.cmpi sge, %sub3A_393, %ge3A_395 : vector<16xi32>
    %lt3A_397 = arith.constant 10000 : i32
    %lt3A_398 = vector.broadcast %lt3A_397 : i32 to vector<16xi32>
    %lt3A_399 = arith.cmpi slt, %sub3A_393, %lt3A_398 : vector<16xi32>
    %and3A_400 = arith.andi %ge3A_396, %lt3A_399 : vector<16xi1>
    %jit3A_401 = arith.constant -1 : i32
    %broadcast_in_dim3A_402 = vector.broadcast %jit3A_401 : i32 to vector<16xi32>
    %select_n3A_403 = arith.select %and3A_400, %sub3A_393, %broadcast_in_dim3A_402 : vector<16xi1>, vector<16xi32>
    %swap3A_404 = arith.constant 80 : index
    %swap3A_405 = tpu.vector_load %arg8[%swap3A_404] {strides = array<i32>} : memref<128xi32, #tpu.memory_space<vmem>>, vector<16xi32>,
    %swap3A_406 = vector.shape_cast %swap3A_405 : vector<16xi32> to vector<16xi32>
    %swap3A_407 = vector.shape_cast %select_n3A_403 : vector<16xi32> to vector<16xi32>
    tpu.vector_store %arg8[%swap3A_404], %swap3A_407 {strides = array<i32>} : memref<128xi32, #tpu.memory_space<vmem>>, vector<16xi32>,
    %swap3A_408 = arith.constant 80 : index
    %swap3A_409 = tpu.vector_load %arg11[%swap3A_408] {strides = array<i32>} : memref<256xi32, #tpu.memory_space<vmem>>, vector<16xi32>,
    %swap3A_410 = vector.shape_cast %swap3A_409 : vector<16xi32> to vector<16xi32>
    %swap3A_411 = vector.shape_cast %select_n3A_403 : vector<16xi32> to vector<16xi32>
    tpu.vector_store %arg11[%swap3A_408], %swap3A_411 {strides = array<i32>} : memref<256xi32, #tpu.memory_space<vmem>>, vector<16xi32>,
    %get3A_412 = arith.constant 0 : i32
    %get3A_413 = arith.index_cast %get3A_412 : i32 to index
    %get3A_414 = arith.constant 80 : index
    %get3A_415 = tpu.vector_load %arg6[%get3A_413, %get3A_414] {strides = array<i32>} : memref<2x256xi32, #tpu.memory_space<vmem>>, vector<1x16xi32>,
    %get3A_416 = vector.shape_cast %get3A_415 : vector<1x16xi32> to vector<16xi32>
    %jit3A_417 = arith.constant -1 : i32
    %broadcast_in_dim3A_418 = vector.broadcast %jit3A_417 : i32 to vector<16xi32>
    %select_n3A_419 = arith.select %and3A_400, %get3A_416, %broadcast_in_dim3A_418 : vector<16xi1>, vector<16xi32>
    %swap3A_420 = arith.constant 80 : index
    %swap3A_421 = tpu.vector_load %arg7[%swap3A_420] {strides = array<i32>} : memref<128xi32, #tpu.memory_space<vmem>>, vector<16xi32>,
    %swap3A_422 = vector.shape_cast %swap3A_421 : vector<16xi32> to vector<16xi32>
    %swap3A_423 = vector.shape_cast %select_n3A_419 : vector<16xi32> to vector<16xi32>
    tpu.vector_store %arg7[%swap3A_420], %swap3A_423 {strides = array<i32>} : memref<128xi32, #tpu.memory_space<vmem>>, vector<16xi32>,
    %get3A_424 = arith.constant 1 : i32
    %get3A_425 = arith.index_cast %get3A_424 : i32 to index
    %get3A_426 = arith.constant 96 : index
    %get3A_427 = tpu.vector_load %arg6[%get3A_425, %get3A_426] {strides = array<i32>} : memref<2x256xi32, #tpu.memory_space<vmem>>, vector<1x16xi32>,
    %get3A_428 = vector.shape_cast %get3A_427 : vector<1x16xi32> to vector<16xi32>
    %sub3A_429 = vector.broadcast %mul3A_0 : i32 to vector<16xi32>
    %sub3A_430 = arith.subi %get3A_428, %sub3A_429 : vector<16xi32>
    %ge3A_431 = arith.constant 0 : i32
    %ge3A_432 = vector.broadcast %ge3A_431 : i32 to vector<16xi32>
    %ge3A_433 = arith.cmpi sge, %sub3A_430, %ge3A_432 : vector<16xi32>
    %lt3A_434 = arith.constant 10000 : i32
    %lt3A_435 = vector.broadcast %lt3A_434 : i32 to vector<16xi32>
    %lt3A_436 = arith.cmpi slt, %sub3A_430, %lt3A_435 : vector<16xi32>
    %and3A_437 = arith.andi %ge3A_433, %lt3A_436 : vector<16xi1>
    %jit3A_438 = arith.constant -1 : i32
    %broadcast_in_dim3A_439 = vector.broadcast %jit3A_438 : i32 to vector<16xi32>
    %select_n3A_440 = arith.select %and3A_437, %sub3A_430, %broadcast_in_dim3A_439 : vector<16xi1>, vector<16xi32>
    %swap3A_441 = arith.constant 96 : index
    %swap3A_442 = tpu.vector_load %arg8[%swap3A_441] {strides = array<i32>} : memref<128xi32, #tpu.memory_space<vmem>>, vector<16xi32>,
    %swap3A_443 = vector.shape_cast %swap3A_442 : vector<16xi32> to vector<16xi32>
    %swap3A_444 = vector.shape_cast %select_n3A_440 : vector<16xi32> to vector<16xi32>
    tpu.vector_store %arg8[%swap3A_441], %swap3A_444 {strides = array<i32>} : memref<128xi32, #tpu.memory_space<vmem>>, vector<16xi32>,
    %swap3A_445 = arith.constant 96 : index
    %swap3A_446 = tpu.vector_load %arg11[%swap3A_445] {strides = array<i32>} : memref<256xi32, #tpu.memory_space<vmem>>, vector<16xi32>,
    %swap3A_447 = vector.shape_cast %swap3A_446 : vector<16xi32> to vector<16xi32>
    %swap3A_448 = vector.shape_cast %select_n3A_440 : vector<16xi32> to vector<16xi32>
    tpu.vector_store %arg11[%swap3A_445], %swap3A_448 {strides = array<i32>} : memref<256xi32, #tpu.memory_space<vmem>>, vector<16xi32>,
    %get3A_449 = arith.constant 0 : i32
    %get3A_450 = arith.index_cast %get3A_449 : i32 to index
    %get3A_451 = arith.constant 96 : index
    %get3A_452 = tpu.vector_load %arg6[%get3A_450, %get3A_451] {strides = array<i32>} : memref<2x256xi32, #tpu.memory_space<vmem>>, vector<1x16xi32>,
    %get3A_453 = vector.shape_cast %get3A_452 : vector<1x16xi32> to vector<16xi32>
    %jit3A_454 = arith.constant -1 : i32
    %broadcast_in_dim3A_455 = vector.broadcast %jit3A_454 : i32 to vector<16xi32>
    %select_n3A_456 = arith.select %and3A_437, %get3A_453, %broadcast_in_dim3A_455 : vector<16xi1>, vector<16xi32>
    %swap3A_457 = arith.constant 96 : index
    %swap3A_458 = tpu.vector_load %arg7[%swap3A_457] {strides = array<i32>} : memref<128xi32, #tpu.memory_space<vmem>>, vector<16xi32>,
    %swap3A_459 = vector.shape_cast %swap3A_458 : vector<16xi32> to vector<16xi32>
    %swap3A_460 = vector.shape_cast %select_n3A_456 : vector<16xi32> to vector<16xi32>
    tpu.vector_store %arg7[%swap3A_457], %swap3A_460 {strides = array<i32>} : memref<128xi32, #tpu.memory_space<vmem>>, vector<16xi32>,
    %get3A_461 = arith.constant 1 : i32
    %get3A_462 = arith.index_cast %get3A_461 : i32 to index
    %get3A_463 = arith.constant 112 : index
    %get3A_464 = tpu.vector_load %arg6[%get3A_462, %get3A_463] {strides = array<i32>} : memref<2x256xi32, #tpu.memory_space<vmem>>, vector<1x16xi32>,
    %get3A_465 = vector.shape_cast %get3A_464 : vector<1x16xi32> to vector<16xi32>
    %sub3A_466 = vector.broadcast %mul3A_0 : i32 to vector<16xi32>
    %sub3A_467 = arith.subi %get3A_465, %sub3A_466 : vector<16xi32>
    %ge3A_468 = arith.constant 0 : i32
    %ge3A_469 = vector.broadcast %ge3A_468 : i32 to vector<16xi32>
    %ge3A_470 = arith.cmpi sge, %sub3A_467, %ge3A_469 : vector<16xi32>
    %lt3A_471 = arith.constant 10000 : i32
    %lt3A_472 = vector.broadcast %lt3A_471 : i32 to vector<16xi32>
    %lt3A_473 = arith.cmpi slt, %sub3A_467, %lt3A_472 : vector<16xi32>
    %and3A_474 = arith.andi %ge3A_470, %lt3A_473 : vector<16xi1>
    %jit3A_475 = arith.constant -1 : i32
    %broadcast_in_dim3A_476 = vector.broadcast %jit3A_475 : i32 to vector<16xi32>
    %select_n3A_477 = arith.select %and3A_474, %sub3A_467, %broadcast_in_dim3A_476 : vector<16xi1>, vector<16xi32>
    %swap3A_478 = arith.constant 112 : index
    %swap3A_479 = tpu.vector_load %arg8[%swap3A_478] {strides = array<i32>} : memref<128xi32, #tpu.memory_space<vmem>>, vector<16xi32>,
    %swap3A_480 = vector.shape_cast %swap3A_479 : vector<16xi32> to vector<16xi32>
    %swap3A_481 = vector.shape_cast %select_n3A_477 : vector<16xi32> to vector<16xi32>
    tpu.vector_store %arg8[%swap3A_478], %swap3A_481 {strides = array<i32>} : memref<128xi32, #tpu.memory_space<vmem>>, vector<16xi32>,
    %swap3A_482 = arith.constant 112 : index
    %swap3A_483 = tpu.vector_load %arg11[%swap3A_482] {strides = array<i32>} : memref<256xi32, #tpu.memory_space<vmem>>, vector<16xi32>,
    %swap3A_484 = vector.shape_cast %swap3A_483 : vector<16xi32> to vector<16xi32>
    %swap3A_485 = vector.shape_cast %select_n3A_477 : vector<16xi32> to vector<16xi32>
    tpu.vector_store %arg11[%swap3A_482], %swap3A_485 {strides = array<i32>} : memref<256xi32, #tpu.memory_space<vmem>>, vector<16xi32>,
    %get3A_486 = arith.constant 0 : i32
    %get3A_487 = arith.index_cast %get3A_486 : i32 to index
    %get3A_488 = arith.constant 112 : index
    %get3A_489 = tpu.vector_load %arg6[%get3A_487, %get3A_488] {strides = array<i32>} : memref<2x256xi32, #tpu.memory_space<vmem>>, vector<1x16xi32>,
    %get3A_490 = vector.shape_cast %get3A_489 : vector<1x16xi32> to vector<16xi32>
    %jit3A_491 = arith.constant -1 : i32
    %broadcast_in_dim3A_492 = vector.broadcast %jit3A_491 : i32 to vector<16xi32>
    %select_n3A_493 = arith.select %and3A_474, %get3A_490, %broadcast_in_dim3A_492 : vector<16xi1>, vector<16xi32>
    %swap3A_494 = arith.constant 112 : index
    %swap3A_495 = tpu.vector_load %arg7[%swap3A_494] {strides = array<i32>} : memref<128xi32, #tpu.memory_space<vmem>>, vector<16xi32>,
    %swap3A_496 = vector.shape_cast %swap3A_495 : vector<16xi32> to vector<16xi32>
    %swap3A_497 = vector.shape_cast %select_n3A_493 : vector<16xi32> to vector<16xi32>
    tpu.vector_store %arg7[%swap3A_494], %swap3A_497 {strides = array<i32>} : memref<128xi32, #tpu.memory_space<vmem>>, vector<16xi32>,
    %get3A_498 = arith.constant 1 : i32
    %get3A_499 = arith.index_cast %get3A_498 : i32 to index
    %get3A_500 = arith.constant 128 : index
    %get3A_501 = tpu.vector_load %arg6[%get3A_499, %get3A_500] {strides = array<i32>} : memref<2x256xi32, #tpu.memory_space<vmem>>, vector<1x16xi32>,
    %get3A_502 = vector.shape_cast %get3A_501 : vector<1x16xi32> to vector<16xi32>
    %sub3A_503 = vector.broadcast %mul3A_0 : i32 to vector<16xi32>
    %sub3A_504 = arith.subi %get3A_502, %sub3A_503 : vector<16xi32>
    %ge3A_505 = arith.constant 0 : i32
    %ge3A_506 = vector.broadcast %ge3A_505 : i32 to vector<16xi32>
    %ge3A_507 = arith.cmpi sge, %sub3A_504, %ge3A_506 : vector<16xi32>
    %lt3A_508 = arith.constant 10000 : i32
    %lt3A_509 = vector.broadcast %lt3A_508 : i32 to vector<16xi32>
    %lt3A_510 = arith.cmpi slt, %sub3A_504, %lt3A_509 : vector<16xi32>
    %and3A_511 = arith.andi %ge3A_507, %lt3A_510 : vector<16xi1>
    %jit3A_512 = arith.constant -1 : i32
    %broadcast_in_dim3A_513 = vector.broadcast %jit3A_512 : i32 to vector<16xi32>
    %select_n3A_514 = arith.select %and3A_511, %sub3A_504, %broadcast_in_dim3A_513 : vector<16xi1>, vector<16xi32>
    %swap3A_515 = arith.constant 0 : index
    %swap3A_516 = tpu.vector_load %arg10[%swap3A_515] {strides = array<i32>} : memref<128xi32, #tpu.memory_space<vmem>>, vector<16xi32>,
    %swap3A_517 = vector.shape_cast %swap3A_516 : vector<16xi32> to vector<16xi32>
    %swap3A_518 = vector.shape_cast %select_n3A_514 : vector<16xi32> to vector<16xi32>
    tpu.vector_store %arg10[%swap3A_515], %swap3A_518 {strides = array<i32>} : memref<128xi32, #tpu.memory_space<vmem>>, vector<16xi32>,
    %swap3A_519 = arith.constant 128 : index
    %swap3A_520 = tpu.vector_load %arg11[%swap3A_519] {strides = array<i32>} : memref<256xi32, #tpu.memory_space<vmem>>, vector<16xi32>,
    %swap3A_521 = vector.shape_cast %swap3A_520 : vector<16xi32> to vector<16xi32>
    %swap3A_522 = vector.shape_cast %select_n3A_514 : vector<16xi32> to vector<16xi32>
    tpu.vector_store %arg11[%swap3A_519], %swap3A_522 {strides = array<i32>} : memref<256xi32, #tpu.memory_space<vmem>>, vector<16xi32>,
    %get3A_523 = arith.constant 0 : i32
    %get3A_524 = arith.index_cast %get3A_523 : i32 to index
    %get3A_525 = arith.constant 128 : index
    %get3A_526 = tpu.vector_load %arg6[%get3A_524, %get3A_525] {strides = array<i32>} : memref<2x256xi32, #tpu.memory_space<vmem>>, vector<1x16xi32>,
    %get3A_527 = vector.shape_cast %get3A_526 : vector<1x16xi32> to vector<16xi32>
    %jit3A_528 = arith.constant -1 : i32
    %broadcast_in_dim3A_529 = vector.broadcast %jit3A_528 : i32 to vector<16xi32>
    %select_n3A_530 = arith.select %and3A_511, %get3A_527, %broadcast_in_dim3A_529 : vector<16xi1>, vector<16xi32>
    %swap3A_531 = arith.constant 0 : index
    %swap3A_532 = tpu.vector_load %arg9[%swap3A_531] {strides = array<i32>} : memref<128xi32, #tpu.memory_space<vmem>>, vector<16xi32>,
    %swap3A_533 = vector.shape_cast %swap3A_532 : vector<16xi32> to vector<16xi32>
    %swap3A_534 = vector.shape_cast %select_n3A_530 : vector<16xi32> to vector<16xi32>
    tpu.vector_store %arg9[%swap3A_531], %swap3A_534 {strides = array<i32>} : memref<128xi32, #tpu.memory_space<vmem>>, vector<16xi32>,
    %get3A_535 = arith.constant 1 : i32
    %get3A_536 = arith.index_cast %get3A_535 : i32 to index
    %get3A_537 = arith.constant 144 : index
    %get3A_538 = tpu.vector_load %arg6[%get3A_536, %get3A_537] {strides = array<i32>} : memref<2x256xi32, #tpu.memory_space<vmem>>, vector<1x16xi32>,
    %get3A_539 = vector.shape_cast %get3A_538 : vector<1x16xi32> to vector<16xi32>
    %sub3A_540 = vector.broadcast %mul3A_0 : i32 to vector<16xi32>
    %sub3A_541 = arith.subi %get3A_539, %sub3A_540 : vector<16xi32>
    %ge3A_542 = arith.constant 0 : i32
    %ge3A_543 = vector.broadcast %ge3A_542 : i32 to vector<16xi32>
    %ge3A_544 = arith.cmpi sge, %sub3A_541, %ge3A_543 : vector<16xi32>
    %lt3A_545 = arith.constant 10000 : i32
    %lt3A_546 = vector.broadcast %lt3A_545 : i32 to vector<16xi32>
    %lt3A_547 = arith.cmpi slt, %sub3A_541, %lt3A_546 : vector<16xi32>
    %and3A_548 = arith.andi %ge3A_544, %lt3A_547 : vector<16xi1>
    %jit3A_549 = arith.constant -1 : i32
    %broadcast_in_dim3A_550 = vector.broadcast %jit3A_549 : i32 to vector<16xi32>
    %select_n3A_551 = arith.select %and3A_548, %sub3A_541, %broadcast_in_dim3A_550 : vector<16xi1>, vector<16xi32>
    %swap3A_552 = arith.constant 16 : index
    %swap3A_553 = tpu.vector_load %arg10[%swap3A_552] {strides = array<i32>} : memref<128xi32, #tpu.memory_space<vmem>>, vector<16xi32>,
    %swap3A_554 = vector.shape_cast %swap3A_553 : vector<16xi32> to vector<16xi32>
    %swap3A_555 = vector.shape_cast %select_n3A_551 : vector<16xi32> to vector<16xi32>
    tpu.vector_store %arg10[%swap3A_552], %swap3A_555 {strides = array<i32>} : memref<128xi32, #tpu.memory_space<vmem>>, vector<16xi32>,
    %swap3A_556 = arith.constant 144 : index
    %swap3A_557 = tpu.vector_load %arg11[%swap3A_556] {strides = array<i32>} : memref<256xi32, #tpu.memory_space<vmem>>, vector<16xi32>,
    %swap3A_558 = vector.shape_cast %swap3A_557 : vector<16xi32> to vector<16xi32>
    %swap3A_559 = vector.shape_cast %select_n3A_551 : vector<16xi32> to vector<16xi32>
    tpu.vector_store %arg11[%swap3A_556], %swap3A_559 {strides = array<i32>} : memref<256xi32, #tpu.memory_space<vmem>>, vector<16xi32>,
    %get3A_560 = arith.constant 0 : i32
    %get3A_561 = arith.index_cast %get3A_560 : i32 to index
    %get3A_562 = arith.constant 144 : index
    %get3A_563 = tpu.vector_load %arg6[%get3A_561, %get3A_562] {strides = array<i32>} : memref<2x256xi32, #tpu.memory_space<vmem>>, vector<1x16xi32>,
    %get3A_564 = vector.shape_cast %get3A_563 : vector<1x16xi32> to vector<16xi32>
    %jit3A_565 = arith.constant -1 : i32
    %broadcast_in_dim3A_566 = vector.broadcast %jit3A_565 : i32 to vector<16xi32>
    %select_n3A_567 = arith.select %and3A_548, %get3A_564, %broadcast_in_dim3A_566 : vector<16xi1>, vector<16xi32>
    %swap3A_568 = arith.constant 16 : index
    %swap3A_569 = tpu.vector_load %arg9[%swap3A_568] {strides = array<i32>} : memref<128xi32, #tpu.memory_space<vmem>>, vector<16xi32>,
    %swap3A_570 = vector.shape_cast %swap3A_569 : vector<16xi32> to vector<16xi32>
    %swap3A_571 = vector.shape_cast %select_n3A_567 : vector<16xi32> to vector<16xi32>
    tpu.vector_store %arg9[%swap3A_568], %swap3A_571 {strides = array<i32>} : memref<128xi32, #tpu.memory_space<vmem>>, vector<16xi32>,
    %get3A_572 = arith.constant 1 : i32
    %get3A_573 = arith.index_cast %get3A_572 : i32 to index
    %get3A_574 = arith.constant 160 : index
    %get3A_575 = tpu.vector_load %arg6[%get3A_573, %get3A_574] {strides = array<i32>} : memref<2x256xi32, #tpu.memory_space<vmem>>, vector<1x16xi32>,
    %get3A_576 = vector.shape_cast %get3A_575 : vector<1x16xi32> to vector<16xi32>
    %sub3A_577 = vector.broadcast %mul3A_0 : i32 to vector<16xi32>
    %sub3A_578 = arith.subi %get3A_576, %sub3A_577 : vector<16xi32>
    %ge3A_579 = arith.constant 0 : i32
    %ge3A_580 = vector.broadcast %ge3A_579 : i32 to vector<16xi32>
    %ge3A_581 = arith.cmpi sge, %sub3A_578, %ge3A_580 : vector<16xi32>
    %lt3A_582 = arith.constant 10000 : i32
    %lt3A_583 = vector.broadcast %lt3A_582 : i32 to vector<16xi32>
    %lt3A_584 = arith.cmpi slt, %sub3A_578, %lt3A_583 : vector<16xi32>
    %and3A_585 = arith.andi %ge3A_581, %lt3A_584 : vector<16xi1>
    %jit3A_586 = arith.constant -1 : i32
    %broadcast_in_dim3A_587 = vector.broadcast %jit3A_586 : i32 to vector<16xi32>
    %select_n3A_588 = arith.select %and3A_585, %sub3A_578, %broadcast_in_dim3A_587 : vector<16xi1>, vector<16xi32>
    %swap3A_589 = arith.constant 32 : index
    %swap3A_590 = tpu.vector_load %arg10[%swap3A_589] {strides = array<i32>} : memref<128xi32, #tpu.memory_space<vmem>>, vector<16xi32>,
    %swap3A_591 = vector.shape_cast %swap3A_590 : vector<16xi32> to vector<16xi32>
    %swap3A_592 = vector.shape_cast %select_n3A_588 : vector<16xi32> to vector<16xi32>
    tpu.vector_store %arg10[%swap3A_589], %swap3A_592 {strides = array<i32>} : memref<128xi32, #tpu.memory_space<vmem>>, vector<16xi32>,
    %swap3A_593 = arith.constant 160 : index
    %swap3A_594 = tpu.vector_load %arg11[%swap3A_593] {strides = array<i32>} : memref<256xi32, #tpu.memory_space<vmem>>, vector<16xi32>,
    %swap3A_595 = vector.shape_cast %swap3A_594 : vector<16xi32> to vector<16xi32>
    %swap3A_596 = vector.shape_cast %select_n3A_588 : vector<16xi32> to vector<16xi32>
    tpu.vector_store %arg11[%swap3A_593], %swap3A_596 {strides = array<i32>} : memref<256xi32, #tpu.memory_space<vmem>>, vector<16xi32>,
    %get3A_597 = arith.constant 0 : i32
    %get3A_598 = arith.index_cast %get3A_597 : i32 to index
    %get3A_599 = arith.constant 160 : index
    %get3A_600 = tpu.vector_load %arg6[%get3A_598, %get3A_599] {strides = array<i32>} : memref<2x256xi32, #tpu.memory_space<vmem>>, vector<1x16xi32>,
    %get3A_601 = vector.shape_cast %get3A_600 : vector<1x16xi32> to vector<16xi32>
    %jit3A_602 = arith.constant -1 : i32
    %broadcast_in_dim3A_603 = vector.broadcast %jit3A_602 : i32 to vector<16xi32>
    %select_n3A_604 = arith.select %and3A_585, %get3A_601, %broadcast_in_dim3A_603 : vector<16xi1>, vector<16xi32>
    %swap3A_605 = arith.constant 32 : index
    %swap3A_606 = tpu.vector_load %arg9[%swap3A_605] {strides = array<i32>} : memref<128xi32, #tpu.memory_space<vmem>>, vector<16xi32>,
    %swap3A_607 = vector.shape_cast %swap3A_606 : vector<16xi32> to vector<16xi32>
    %swap3A_608 = vector.shape_cast %select_n3A_604 : vector<16xi32> to vector<16xi32>
    tpu.vector_store %arg9[%swap3A_605], %swap3A_608 {strides = array<i32>} : memref<128xi32, #tpu.memory_space<vmem>>, vector<16xi32>,
    %get3A_609 = arith.constant 1 : i32
    %get3A_610 = arith.index_cast %get3A_609 : i32 to index
    %get3A_611 = arith.constant 176 : index
    %get3A_612 = tpu.vector_load %arg6[%get3A_610, %get3A_611] {strides = array<i32>} : memref<2x256xi32, #tpu.memory_space<vmem>>, vector<1x16xi32>,
    %get3A_613 = vector.shape_cast %get3A_612 : vector<1x16xi32> to vector<16xi32>
    %sub3A_614 = vector.broadcast %mul3A_0 : i32 to vector<16xi32>
    %sub3A_615 = arith.subi %get3A_613, %sub3A_614 : vector<16xi32>
    %ge3A_616 = arith.constant 0 : i32
    %ge3A_617 = vector.broadcast %ge3A_616 : i32 to vector<16xi32>
    %ge3A_618 = arith.cmpi sge, %sub3A_615, %ge3A_617 : vector<16xi32>
    %lt3A_619 = arith.constant 10000 : i32
    %lt3A_620 = vector.broadcast %lt3A_619 : i32 to vector<16xi32>
    %lt3A_621 = arith.cmpi slt, %sub3A_615, %lt3A_620 : vector<16xi32>
    %and3A_622 = arith.andi %ge3A_618, %lt3A_621 : vector<16xi1>
    %jit3A_623 = arith.constant -1 : i32
    %broadcast_in_dim3A_624 = vector.broadcast %jit3A_623 : i32 to vector<16xi32>
    %select_n3A_625 = arith.select %and3A_622, %sub3A_615, %broadcast_in_dim3A_624 : vector<16xi1>, vector<16xi32>
    %swap3A_626 = arith.constant 48 : index
    %swap3A_627 = tpu.vector_load %arg10[%swap3A_626] {strides = array<i32>} : memref<128xi32, #tpu.memory_space<vmem>>, vector<16xi32>,
    %swap3A_628 = vector.shape_cast %swap3A_627 : vector<16xi32> to vector<16xi32>
    %swap3A_629 = vector.shape_cast %select_n3A_625 : vector<16xi32> to vector<16xi32>
    tpu.vector_store %arg10[%swap3A_626], %swap3A_629 {strides = array<i32>} : memref<128xi32, #tpu.memory_space<vmem>>, vector<16xi32>,
    %swap3A_630 = arith.constant 176 : index
    %swap3A_631 = tpu.vector_load %arg11[%swap3A_630] {strides = array<i32>} : memref<256xi32, #tpu.memory_space<vmem>>, vector<16xi32>,
    %swap3A_632 = vector.shape_cast %swap3A_631 : vector<16xi32> to vector<16xi32>
    %swap3A_633 = vector.shape_cast %select_n3A_625 : vector<16xi32> to vector<16xi32>
    tpu.vector_store %arg11[%swap3A_630], %swap3A_633 {strides = array<i32>} : memref<256xi32, #tpu.memory_space<vmem>>, vector<16xi32>,
    %get3A_634 = arith.constant 0 : i32
    %get3A_635 = arith.index_cast %get3A_634 : i32 to index
    %get3A_636 = arith.constant 176 : index
    %get3A_637 = tpu.vector_load %arg6[%get3A_635, %get3A_636] {strides = array<i32>} : memref<2x256xi32, #tpu.memory_space<vmem>>, vector<1x16xi32>,
    %get3A_638 = vector.shape_cast %get3A_637 : vector<1x16xi32> to vector<16xi32>
    %jit3A_639 = arith.constant -1 : i32
    %broadcast_in_dim3A_640 = vector.broadcast %jit3A_639 : i32 to vector<16xi32>
    %select_n3A_641 = arith.select %and3A_622, %get3A_638, %broadcast_in_dim3A_640 : vector<16xi1>, vector<16xi32>
    %swap3A_642 = arith.constant 48 : index
    %swap3A_643 = tpu.vector_load %arg9[%swap3A_642] {strides = array<i32>} : memref<128xi32, #tpu.memory_space<vmem>>, vector<16xi32>,
    %swap3A_644 = vector.shape_cast %swap3A_643 : vector<16xi32> to vector<16xi32>
    %swap3A_645 = vector.shape_cast %select_n3A_641 : vector<16xi32> to vector<16xi32>
    tpu.vector_store %arg9[%swap3A_642], %swap3A_645 {strides = array<i32>} : memref<128xi32, #tpu.memory_space<vmem>>, vector<16xi32>,
    %get3A_646 = arith.constant 1 : i32
    %get3A_647 = arith.index_cast %get3A_646 : i32 to index
    %get3A_648 = arith.constant 192 : index
    %get3A_649 = tpu.vector_load %arg6[%get3A_647, %get3A_648] {strides = array<i32>} : memref<2x256xi32, #tpu.memory_space<vmem>>, vector<1x16xi32>,
    %get3A_650 = vector.shape_cast %get3A_649 : vector<1x16xi32> to vector<16xi32>
    %sub3A_651 = vector.broadcast %mul3A_0 : i32 to vector<16xi32>
    %sub3A_652 = arith.subi %get3A_650, %sub3A_651 : vector<16xi32>
    %ge3A_653 = arith.constant 0 : i32
    %ge3A_654 = vector.broadcast %ge3A_653 : i32 to vector<16xi32>
    %ge3A_655 = arith.cmpi sge, %sub3A_652, %ge3A_654 : vector<16xi32>
    %lt3A_656 = arith.constant 10000 : i32
    %lt3A_657 = vector.broadcast %lt3A_656 : i32 to vector<16xi32>
    %lt3A_658 = arith.cmpi slt, %sub3A_652, %lt3A_657 : vector<16xi32>
    %and3A_659 = arith.andi %ge3A_655, %lt3A_658 : vector<16xi1>
    %jit3A_660 = arith.constant -1 : i32
    %broadcast_in_dim3A_661 = vector.broadcast %jit3A_660 : i32 to vector<16xi32>
    %select_n3A_662 = arith.select %and3A_659, %sub3A_652, %broadcast_in_dim3A_661 : vector<16xi1>, vector<16xi32>
    %swap3A_663 = arith.constant 64 : index
    %swap3A_664 = tpu.vector_load %arg10[%swap3A_663] {strides = array<i32>} : memref<128xi32, #tpu.memory_space<vmem>>, vector<16xi32>,
    %swap3A_665 = vector.shape_cast %swap3A_664 : vector<16xi32> to vector<16xi32>
    %swap3A_666 = vector.shape_cast %select_n3A_662 : vector<16xi32> to vector<16xi32>
    tpu.vector_store %arg10[%swap3A_663], %swap3A_666 {strides = array<i32>} : memref<128xi32, #tpu.memory_space<vmem>>, vector<16xi32>,
    %swap3A_667 = arith.constant 192 : index
    %swap3A_668 = tpu.vector_load %arg11[%swap3A_667] {strides = array<i32>} : memref<256xi32, #tpu.memory_space<vmem>>, vector<16xi32>,
    %swap3A_669 = vector.shape_cast %swap3A_668 : vector<16xi32> to vector<16xi32>
    %swap3A_670 = vector.shape_cast %select_n3A_662 : vector<16xi32> to vector<16xi32>
    tpu.vector_store %arg11[%swap3A_667], %swap3A_670 {strides = array<i32>} : memref<256xi32, #tpu.memory_space<vmem>>, vector<16xi32>,
    %get3A_671 = arith.constant 0 : i32
    %get3A_672 = arith.index_cast %get3A_671 : i32 to index
    %get3A_673 = arith.constant 192 : index
    %get3A_674 = tpu.vector_load %arg6[%get3A_672, %get3A_673] {strides = array<i32>} : memref<2x256xi32, #tpu.memory_space<vmem>>, vector<1x16xi32>,
    %get3A_675 = vector.shape_cast %get3A_674 : vector<1x16xi32> to vector<16xi32>
    %jit3A_676 = arith.constant -1 : i32
    %broadcast_in_dim3A_677 = vector.broadcast %jit3A_676 : i32 to vector<16xi32>
    %select_n3A_678 = arith.select %and3A_659, %get3A_675, %broadcast_in_dim3A_677 : vector<16xi1>, vector<16xi32>
    %swap3A_679 = arith.constant 64 : index
    %swap3A_680 = tpu.vector_load %arg9[%swap3A_679] {strides = array<i32>} : memref<128xi32, #tpu.memory_space<vmem>>, vector<16xi32>,
    %swap3A_681 = vector.shape_cast %swap3A_680 : vector<16xi32> to vector<16xi32>
    %swap3A_682 = vector.shape_cast %select_n3A_678 : vector<16xi32> to vector<16xi32>
    tpu.vector_store %arg9[%swap3A_679], %swap3A_682 {strides = array<i32>} : memref<128xi32, #tpu.memory_space<vmem>>, vector<16xi32>,
    %get3A_683 = arith.constant 1 : i32
    %get3A_684 = arith.index_cast %get3A_683 : i32 to index
    %get3A_685 = arith.constant 208 : index
    %get3A_686 = tpu.vector_load %arg6[%get3A_684, %get3A_685] {strides = array<i32>} : memref<2x256xi32, #tpu.memory_space<vmem>>, vector<1x16xi32>,
    %get3A_687 = vector.shape_cast %get3A_686 : vector<1x16xi32> to vector<16xi32>
    %sub3A_688 = vector.broadcast %mul3A_0 : i32 to vector<16xi32>
    %sub3A_689 = arith.subi %get3A_687, %sub3A_688 : vector<16xi32>
    %ge3A_690 = arith.constant 0 : i32
    %ge3A_691 = vector.broadcast %ge3A_690 : i32 to vector<16xi32>
    %ge3A_692 = arith.cmpi sge, %sub3A_689, %ge3A_691 : vector<16xi32>
    %lt3A_693 = arith.constant 10000 : i32
    %lt3A_694 = vector.broadcast %lt3A_693 : i32 to vector<16xi32>
    %lt3A_695 = arith.cmpi slt, %sub3A_689, %lt3A_694 : vector<16xi32>
    %and3A_696 = arith.andi %ge3A_692, %lt3A_695 : vector<16xi1>
    %jit3A_697 = arith.constant -1 : i32
    %broadcast_in_dim3A_698 = vector.broadcast %jit3A_697 : i32 to vector<16xi32>
    %select_n3A_699 = arith.select %and3A_696, %sub3A_689, %broadcast_in_dim3A_698 : vector<16xi1>, vector<16xi32>
    %swap3A_700 = arith.constant 80 : index
    %swap3A_701 = tpu.vector_load %arg10[%swap3A_700] {strides = array<i32>} : memref<128xi32, #tpu.memory_space<vmem>>, vector<16xi32>,
    %swap3A_702 = vector.shape_cast %swap3A_701 : vector<16xi32> to vector<16xi32>
    %swap3A_703 = vector.shape_cast %select_n3A_699 : vector<16xi32> to vector<16xi32>
    tpu.vector_store %arg10[%swap3A_700], %swap3A_703 {strides = array<i32>} : memref<128xi32, #tpu.memory_space<vmem>>, vector<16xi32>,
    %swap3A_704 = arith.constant 208 : index
    %swap3A_705 = tpu.vector_load %arg11[%swap3A_704] {strides = array<i32>} : memref<256xi32, #tpu.memory_space<vmem>>, vector<16xi32>,
    %swap3A_706 = vector.shape_cast %swap3A_705 : vector<16xi32> to vector<16xi32>
    %swap3A_707 = vector.shape_cast %select_n3A_699 : vector<16xi32> to vector<16xi32>
    tpu.vector_store %arg11[%swap3A_704], %swap3A_707 {strides = array<i32>} : memref<256xi32, #tpu.memory_space<vmem>>, vector<16xi32>,
    %get3A_708 = arith.constant 0 : i32
    %get3A_709 = arith.index_cast %get3A_708 : i32 to index
    %get3A_710 = arith.constant 208 : index
    %get3A_711 = tpu.vector_load %arg6[%get3A_709, %get3A_710] {strides = array<i32>} : memref<2x256xi32, #tpu.memory_space<vmem>>, vector<1x16xi32>,
    %get3A_712 = vector.shape_cast %get3A_711 : vector<1x16xi32> to vector<16xi32>
    %jit3A_713 = arith.constant -1 : i32
    %broadcast_in_dim3A_714 = vector.broadcast %jit3A_713 : i32 to vector<16xi32>
    %select_n3A_715 = arith.select %and3A_696, %get3A_712, %broadcast_in_dim3A_714 : vector<16xi1>, vector<16xi32>
    %swap3A_716 = arith.constant 80 : index
    %swap3A_717 = tpu.vector_load %arg9[%swap3A_716] {strides = array<i32>} : memref<128xi32, #tpu.memory_space<vmem>>, vector<16xi32>,
    %swap3A_718 = vector.shape_cast %swap3A_717 : vector<16xi32> to vector<16xi32>
    %swap3A_719 = vector.shape_cast %select_n3A_715 : vector<16xi32> to vector<16xi32>
    tpu.vector_store %arg9[%swap3A_716], %swap3A_719 {strides = array<i32>} : memref<128xi32, #tpu.memory_space<vmem>>, vector<16xi32>,
    %get3A_720 = arith.constant 1 : i32
    %get3A_721 = arith.index_cast %get3A_720 : i32 to index
    %get3A_722 = arith.constant 224 : index
    %get3A_723 = tpu.vector_load %arg6[%get3A_721, %get3A_722] {strides = array<i32>} : memref<2x256xi32, #tpu.memory_space<vmem>>, vector<1x16xi32>,
    %get3A_724 = vector.shape_cast %get3A_723 : vector<1x16xi32> to vector<16xi32>
    %sub3A_725 = vector.broadcast %mul3A_0 : i32 to vector<16xi32>
    %sub3A_726 = arith.subi %get3A_724, %sub3A_725 : vector<16xi32>
    %ge3A_727 = arith.constant 0 : i32
    %ge3A_728 = vector.broadcast %ge3A_727 : i32 to vector<16xi32>
    %ge3A_729 = arith.cmpi sge, %sub3A_726, %ge3A_728 : vector<16xi32>
    %lt3A_730 = arith.constant 10000 : i32
    %lt3A_731 = vector.broadcast %lt3A_730 : i32 to vector<16xi32>
    %lt3A_732 = arith.cmpi slt, %sub3A_726, %lt3A_731 : vector<16xi32>
    %and3A_733 = arith.andi %ge3A_729, %lt3A_732 : vector<16xi1>
    %jit3A_734 = arith.constant -1 : i32
    %broadcast_in_dim3A_735 = vector.broadcast %jit3A_734 : i32 to vector<16xi32>
    %select_n3A_736 = arith.select %and3A_733, %sub3A_726, %broadcast_in_dim3A_735 : vector<16xi1>, vector<16xi32>
    %swap3A_737 = arith.constant 96 : index
    %swap3A_738 = tpu.vector_load %arg10[%swap3A_737] {strides = array<i32>} : memref<128xi32, #tpu.memory_space<vmem>>, vector<16xi32>,
    %swap3A_739 = vector.shape_cast %swap3A_738 : vector<16xi32> to vector<16xi32>
    %swap3A_740 = vector.shape_cast %select_n3A_736 : vector<16xi32> to vector<16xi32>
    tpu.vector_store %arg10[%swap3A_737], %swap3A_740 {strides = array<i32>} : memref<128xi32, #tpu.memory_space<vmem>>, vector<16xi32>,
    %swap3A_741 = arith.constant 224 : index
    %swap3A_742 = tpu.vector_load %arg11[%swap3A_741] {strides = array<i32>} : memref<256xi32, #tpu.memory_space<vmem>>, vector<16xi32>,
    %swap3A_743 = vector.shape_cast %swap3A_742 : vector<16xi32> to vector<16xi32>
    %swap3A_744 = vector.shape_cast %select_n3A_736 : vector<16xi32> to vector<16xi32>
    tpu.vector_store %arg11[%swap3A_741], %swap3A_744 {strides = array<i32>} : memref<256xi32, #tpu.memory_space<vmem>>, vector<16xi32>,
    %get3A_745 = arith.constant 0 : i32
    %get3A_746 = arith.index_cast %get3A_745 : i32 to index
    %get3A_747 = arith.constant 224 : index
    %get3A_748 = tpu.vector_load %arg6[%get3A_746, %get3A_747] {strides = array<i32>} : memref<2x256xi32, #tpu.memory_space<vmem>>, vector<1x16xi32>,
    %get3A_749 = vector.shape_cast %get3A_748 : vector<1x16xi32> to vector<16xi32>
    %jit3A_750 = arith.constant -1 : i32
    %broadcast_in_dim3A_751 = vector.broadcast %jit3A_750 : i32 to vector<16xi32>
    %select_n3A_752 = arith.select %and3A_733, %get3A_749, %broadcast_in_dim3A_751 : vector<16xi1>, vector<16xi32>
    %swap3A_753 = arith.constant 96 : index
    %swap3A_754 = tpu.vector_load %arg9[%swap3A_753] {strides = array<i32>} : memref<128xi32, #tpu.memory_space<vmem>>, vector<16xi32>,
    %swap3A_755 = vector.shape_cast %swap3A_754 : vector<16xi32> to vector<16xi32>
    %swap3A_756 = vector.shape_cast %select_n3A_752 : vector<16xi32> to vector<16xi32>
    tpu.vector_store %arg9[%swap3A_753], %swap3A_756 {strides = array<i32>} : memref<128xi32, #tpu.memory_space<vmem>>, vector<16xi32>,
    %get3A_757 = arith.constant 1 : i32
    %get3A_758 = arith.index_cast %get3A_757 : i32 to index
    %get3A_759 = arith.constant 240 : index
    %get3A_760 = tpu.vector_load %arg6[%get3A_758, %get3A_759] {strides = array<i32>} : memref<2x256xi32, #tpu.memory_space<vmem>>, vector<1x16xi32>,
    %get3A_761 = vector.shape_cast %get3A_760 : vector<1x16xi32> to vector<16xi32>
    %sub3A_762 = vector.broadcast %mul3A_0 : i32 to vector<16xi32>
    %sub3A_763 = arith.subi %get3A_761, %sub3A_762 : vector<16xi32>
    %ge3A_764 = arith.constant 0 : i32
    %ge3A_765 = vector.broadcast %ge3A_764 : i32 to vector<16xi32>
    %ge3A_766 = arith.cmpi sge, %sub3A_763, %ge3A_765 : vector<16xi32>
    %lt3A_767 = arith.constant 10000 : i32
    %lt3A_768 = vector.broadcast %lt3A_767 : i32 to vector<16xi32>
    %lt3A_769 = arith.cmpi slt, %sub3A_763, %lt3A_768 : vector<16xi32>
    %and3A_770 = arith.andi %ge3A_766, %lt3A_769 : vector<16xi1>
    %jit3A_771 = arith.constant -1 : i32
    %broadcast_in_dim3A_772 = vector.broadcast %jit3A_771 : i32 to vector<16xi32>
    %select_n3A_773 = arith.select %and3A_770, %sub3A_763, %broadcast_in_dim3A_772 : vector<16xi1>, vector<16xi32>
    %swap3A_774 = arith.constant 112 : index
    %swap3A_775 = tpu.vector_load %arg10[%swap3A_774] {strides = array<i32>} : memref<128xi32, #tpu.memory_space<vmem>>, vector<16xi32>,
    %swap3A_776 = vector.shape_cast %swap3A_775 : vector<16xi32> to vector<16xi32>
    %swap3A_777 = vector.shape_cast %select_n3A_773 : vector<16xi32> to vector<16xi32>
    tpu.vector_store %arg10[%swap3A_774], %swap3A_777 {strides = array<i32>} : memref<128xi32, #tpu.memory_space<vmem>>, vector<16xi32>,
    %swap3A_778 = arith.constant 240 : index
    %swap3A_779 = tpu.vector_load %arg11[%swap3A_778] {strides = array<i32>} : memref<256xi32, #tpu.memory_space<vmem>>, vector<16xi32>,
    %swap3A_780 = vector.shape_cast %swap3A_779 : vector<16xi32> to vector<16xi32>
    %swap3A_781 = vector.shape_cast %select_n3A_773 : vector<16xi32> to vector<16xi32>
    tpu.vector_store %arg11[%swap3A_778], %swap3A_781 {strides = array<i32>} : memref<256xi32, #tpu.memory_space<vmem>>, vector<16xi32>,
    %get3A_782 = arith.constant 0 : i32
    %get3A_783 = arith.index_cast %get3A_782 : i32 to index
    %get3A_784 = arith.constant 240 : index
    %get3A_785 = tpu.vector_load %arg6[%get3A_783, %get3A_784] {strides = array<i32>} : memref<2x256xi32, #tpu.memory_space<vmem>>, vector<1x16xi32>,
    %get3A_786 = vector.shape_cast %get3A_785 : vector<1x16xi32> to vector<16xi32>
    %jit3A_787 = arith.constant -1 : i32
    %broadcast_in_dim3A_788 = vector.broadcast %jit3A_787 : i32 to vector<16xi32>
    %select_n3A_789 = arith.select %and3A_770, %get3A_786, %broadcast_in_dim3A_788 : vector<16xi1>, vector<16xi32>
    %swap3A_790 = arith.constant 112 : index
    %swap3A_791 = tpu.vector_load %arg9[%swap3A_790] {strides = array<i32>} : memref<128xi32, #tpu.memory_space<vmem>>, vector<16xi32>,
    %swap3A_792 = vector.shape_cast %swap3A_791 : vector<16xi32> to vector<16xi32>
    %swap3A_793 = vector.shape_cast %select_n3A_789 : vector<16xi32> to vector<16xi32>
    tpu.vector_store %arg9[%swap3A_790], %swap3A_793 {strides = array<i32>} : memref<128xi32, #tpu.memory_space<vmem>>, vector<16xi32>,
    %dma_start3A_794 = arith.constant 0 : i32
    %dma_start3A_795 = arith.constant 0 : i32
    %dma_start3A_796 = tpu.memref_slice %arg2[%dma_start3A_794, %dma_start3A_795] : memref<100000x128xf32, #tpu.memory_space<hbm>> -> memref<100000x128xf32, #tpu.memory_space<hbm>>
    %dma_start3A_797 = arith.constant -1 : i32
    tpu.enqueue_indirect_dma source(%dma_start3A_796 : memref<100000x128xf32, #tpu.memory_space<hbm>>) target(%arg12 : memref<128x128xf32, #tpu.memory_space<vmem>>) offsets(%arg7 : memref<128xi32, #tpu.memory_space<vmem>>) offset_filter(%dma_start3A_797) semaphore(%arg20 : memref<!tpu.dma_semaphore, #tpu.memory_space<semaphore_mem>>)
    %dma_start3A_798 = arith.constant 0 : i32
    %dma_start3A_799 = tpu.memref_slice %arg19[%dma_start3A_798] : memref<10000xf32, #tpu.memory_space<vmem_shared>> -> memref<10000xf32, #tpu.memory_space<vmem_shared>>
    %dma_start3A_800 = arith.constant -1 : i32
    tpu.enqueue_indirect_dma source(%arg14 : memref<256xf32, #tpu.memory_space<vmem>>) target(%dma_start3A_799 : memref<10000xf32, #tpu.memory_space<vmem_shared>>) offsets(%arg11 : memref<256xi32, #tpu.memory_space<vmem>>) offset_filter(%dma_start3A_800) semaphore(%arg22 : memref<!tpu.dma_semaphore, #tpu.memory_space<semaphore_mem>>) {add = true}
    %while3A_801 = arith.subi %select_n3A_201, %select_n3A_173 : i32
    %while3A_802 = arith.addi %select_n3A_173, %while3A_801 : i32
    %while3A_803 = arith.constant 1 : i32
    %while3A_804 = arith.divsi %while3A_801, %while3A_803 : i32
    %while3A_805 = arith.muli %while3A_804, %while3A_803 : i32
    %while3A_806 = arith.addi %select_n3A_173, %while3A_805 : i32
    %while3A_807 = arith.constant 1 : i32
    scf.for %while3A_819 = %select_n3A_173 to %while3A_806 step %while3A_807  : i32 {
      %gt3A = arith.cmpi sgt, %while3A_819, %select_n3A_173 : i32
      %convert_element_type3A_820 = arith.extui %gt3A : i1 to i32
      %cond3A_821 = arith.constant 0 : i32
      %cond3A_822 = arith.cmpi ne, %convert_element_type3A_820, %cond3A_821 : i32
      scf.if %cond3A_822 {
        %dma_wait3A_852 = arith.constant 0 : i32
        %dma_wait3A_853 = arith.constant 0 : i32
        %dma_wait3A_854 = tpu.memref_slice %arg18[%dma_wait3A_852, %dma_wait3A_853] : memref<10000x128xf32, #tpu.memory_space<vmem_shared>> -> memref<10000x128xf32, #tpu.memory_space<vmem_shared>>
        tpu.wait_indirect_dma semaphore(%arg23 : memref<!tpu.dma_semaphore, #tpu.memory_space<semaphore_mem>>) src(%arg13 : memref<128x128xf32, #tpu.memory_space<vmem>>) dst(%dma_wait3A_854 : memref<10000x128xf32, #tpu.memory_space<vmem_shared>>)
        %get3A_855 = arith.constant 1 : i32
        %get3A_856 = arith.index_cast %get3A_855 : i32 to index
        %get3A_857 = arith.constant 128 : index
        %get3A_858 = tpu.vector_load %arg6[%get3A_856, %get3A_857] {strides = array<i32>} : memref<2x256xi32, #tpu.memory_space<vmem>>, vector<1x16xi32>,
        %get3A_859 = vector.shape_cast %get3A_858 : vector<1x16xi32> to vector<16xi32>
        %sub3A_860 = vector.broadcast %mul3A_0 : i32 to vector<16xi32>
        %sub3A_861 = arith.subi %get3A_859, %sub3A_860 : vector<16xi32>
        %ge3A_862 = arith.constant 0 : i32
        %ge3A_863 = vector.broadcast %ge3A_862 : i32 to vector<16xi32>
        %ge3A_864 = arith.cmpi sge, %sub3A_861, %ge3A_863 : vector<16xi32>
        %lt3A_865 = arith.constant 10000 : i32
        %lt3A_866 = vector.broadcast %lt3A_865 : i32 to vector<16xi32>
        %lt3A_867 = arith.cmpi slt, %sub3A_861, %lt3A_866 : vector<16xi32>
        %and3A_868 = arith.andi %ge3A_864, %lt3A_867 : vector<16xi1>
        %jit3A_869 = arith.constant -1 : i32
        %broadcast_in_dim3A_870 = vector.broadcast %jit3A_869 : i32 to vector<16xi32>
        %select_n3A_871 = arith.select %and3A_868, %sub3A_861, %broadcast_in_dim3A_870 : vector<16xi1>, vector<16xi32>
        %swap3A_872 = arith.constant 0 : index
        %swap3A_873 = tpu.vector_load %arg10[%swap3A_872] {strides = array<i32>} : memref<128xi32, #tpu.memory_space<vmem>>, vector<16xi32>,
        %swap3A_874 = vector.shape_cast %swap3A_873 : vector<16xi32> to vector<16xi32>
        %swap3A_875 = vector.shape_cast %select_n3A_871 : vector<16xi32> to vector<16xi32>
        tpu.vector_store %arg10[%swap3A_872], %swap3A_875 {strides = array<i32>} : memref<128xi32, #tpu.memory_space<vmem>>, vector<16xi32>,
        %swap3A_876 = arith.constant 128 : index
        %swap3A_877 = tpu.vector_load %arg11[%swap3A_876] {strides = array<i32>} : memref<256xi32, #tpu.memory_space<vmem>>, vector<16xi32>,
        %swap3A_878 = vector.shape_cast %swap3A_877 : vector<16xi32> to vector<16xi32>
        %swap3A_879 = vector.shape_cast %select_n3A_871 : vector<16xi32> to vector<16xi32>
        tpu.vector_store %arg11[%swap3A_876], %swap3A_879 {strides = array<i32>} : memref<256xi32, #tpu.memory_space<vmem>>, vector<16xi32>,
        %get3A_880 = arith.constant 0 : i32
        %get3A_881 = arith.index_cast %get3A_880 : i32 to index
        %get3A_882 = arith.constant 128 : index
        %get3A_883 = tpu.vector_load %arg6[%get3A_881, %get3A_882] {strides = array<i32>} : memref<2x256xi32, #tpu.memory_space<vmem>>, vector<1x16xi32>,
        %get3A_884 = vector.shape_cast %get3A_883 : vector<1x16xi32> to vector<16xi32>
        %jit3A_885 = arith.constant -1 : i32
        %broadcast_in_dim3A_886 = vector.broadcast %jit3A_885 : i32 to vector<16xi32>
        %select_n3A_887 = arith.select %and3A_868, %get3A_884, %broadcast_in_dim3A_886 : vector<16xi1>, vector<16xi32>
        %swap3A_888 = arith.constant 0 : index
        %swap3A_889 = tpu.vector_load %arg9[%swap3A_888] {strides = array<i32>} : memref<128xi32, #tpu.memory_space<vmem>>, vector<16xi32>,
        %swap3A_890 = vector.shape_cast %swap3A_889 : vector<16xi32> to vector<16xi32>
        %swap3A_891 = vector.shape_cast %select_n3A_887 : vector<16xi32> to vector<16xi32>
        tpu.vector_store %arg9[%swap3A_888], %swap3A_891 {strides = array<i32>} : memref<128xi32, #tpu.memory_space<vmem>>, vector<16xi32>,
        %get3A_892 = arith.constant 1 : i32
        %get3A_893 = arith.index_cast %get3A_892 : i32 to index
        %get3A_894 = arith.constant 144 : index
        %get3A_895 = tpu.vector_load %arg6[%get3A_893, %get3A_894] {strides = array<i32>} : memref<2x256xi32, #tpu.memory_space<vmem>>, vector<1x16xi32>,
        %get3A_896 = vector.shape_cast %get3A_895 : vector<1x16xi32> to vector<16xi32>
        %sub3A_897 = vector.broadcast %mul3A_0 : i32 to vector<16xi32>
        %sub3A_898 = arith.subi %get3A_896, %sub3A_897 : vector<16xi32>
        %ge3A_899 = arith.constant 0 : i32
        %ge3A_900 = vector.broadcast %ge3A_899 : i32 to vector<16xi32>
        %ge3A_901 = arith.cmpi sge, %sub3A_898, %ge3A_900 : vector<16xi32>
        %lt3A_902 = arith.constant 10000 : i32
        %lt3A_903 = vector.broadcast %lt3A_902 : i32 to vector<16xi32>
        %lt3A_904 = arith.cmpi slt, %sub3A_898, %lt3A_903 : vector<16xi32>
        %and3A_905 = arith.andi %ge3A_901, %lt3A_904 : vector<16xi1>
        %jit3A_906 = arith.constant -1 : i32
        %broadcast_in_dim3A_907 = vector.broadcast %jit3A_906 : i32 to vector<16xi32>
        %select_n3A_908 = arith.select %and3A_905, %sub3A_898, %broadcast_in_dim3A_907 : vector<16xi1>, vector<16xi32>
        %swap3A_909 = arith.constant 16 : index
        %swap3A_910 = tpu.vector_load %arg10[%swap3A_909] {strides = array<i32>} : memref<128xi32, #tpu.memory_space<vmem>>, vector<16xi32>,
        %swap3A_911 = vector.shape_cast %swap3A_910 : vector<16xi32> to vector<16xi32>
        %swap3A_912 = vector.shape_cast %select_n3A_908 : vector<16xi32> to vector<16xi32>
        tpu.vector_store %arg10[%swap3A_909], %swap3A_912 {strides = array<i32>} : memref<128xi32, #tpu.memory_space<vmem>>, vector<16xi32>,
        %swap3A_913 = arith.constant 144 : index
        %swap3A_914 = tpu.vector_load %arg11[%swap3A_913] {strides = array<i32>} : memref<256xi32, #tpu.memory_space<vmem>>, vector<16xi32>,
        %swap3A_915 = vector.shape_cast %swap3A_914 : vector<16xi32> to vector<16xi32>
        %swap3A_916 = vector.shape_cast %select_n3A_908 : vector<16xi32> to vector<16xi32>
        tpu.vector_store %arg11[%swap3A_913], %swap3A_916 {strides = array<i32>} : memref<256xi32, #tpu.memory_space<vmem>>, vector<16xi32>,
        %get3A_917 = arith.constant 0 : i32
        %get3A_918 = arith.index_cast %get3A_917 : i32 to index
        %get3A_919 = arith.constant 144 : index
        %get3A_920 = tpu.vector_load %arg6[%get3A_918, %get3A_919] {strides = array<i32>} : memref<2x256xi32, #tpu.memory_space<vmem>>, vector<1x16xi32>,
        %get3A_921 = vector.shape_cast %get3A_920 : vector<1x16xi32> to vector<16xi32>
        %jit3A_922 = arith.constant -1 : i32
        %broadcast_in_dim3A_923 = vector.broadcast %jit3A_922 : i32 to vector<16xi32>
        %select_n3A_924 = arith.select %and3A_905, %get3A_921, %broadcast_in_dim3A_923 : vector<16xi1>, vector<16xi32>
        %swap3A_925 = arith.constant 16 : index
        %swap3A_926 = tpu.vector_load %arg9[%swap3A_925] {strides = array<i32>} : memref<128xi32, #tpu.memory_space<vmem>>, vector<16xi32>,
        %swap3A_927 = vector.shape_cast %swap3A_926 : vector<16xi32> to vector<16xi32>
        %swap3A_928 = vector.shape_cast %select_n3A_924 : vector<16xi32> to vector<16xi32>
        tpu.vector_store %arg9[%swap3A_925], %swap3A_928 {strides = array<i32>} : memref<128xi32, #tpu.memory_space<vmem>>, vector<16xi32>,
        %get3A_929 = arith.constant 1 : i32
        %get3A_930 = arith.index_cast %get3A_929 : i32 to index
        %get3A_931 = arith.constant 160 : index
        %get3A_932 = tpu.vector_load %arg6[%get3A_930, %get3A_931] {strides = array<i32>} : memref<2x256xi32, #tpu.memory_space<vmem>>, vector<1x16xi32>,
        %get3A_933 = vector.shape_cast %get3A_932 : vector<1x16xi32> to vector<16xi32>
        %sub3A_934 = vector.broadcast %mul3A_0 : i32 to vector<16xi32>
        %sub3A_935 = arith.subi %get3A_933, %sub3A_934 : vector<16xi32>
        %ge3A_936 = arith.constant 0 : i32
        %ge3A_937 = vector.broadcast %ge3A_936 : i32 to vector<16xi32>
        %ge3A_938 = arith.cmpi sge, %sub3A_935, %ge3A_937 : vector<16xi32>
        %lt3A_939 = arith.constant 10000 : i32
        %lt3A_940 = vector.broadcast %lt3A_939 : i32 to vector<16xi32>
        %lt3A_941 = arith.cmpi slt, %sub3A_935, %lt3A_940 : vector<16xi32>
        %and3A_942 = arith.andi %ge3A_938, %lt3A_941 : vector<16xi1>
        %jit3A_943 = arith.constant -1 : i32
        %broadcast_in_dim3A_944 = vector.broadcast %jit3A_943 : i32 to vector<16xi32>
        %select_n3A_945 = arith.select %and3A_942, %sub3A_935, %broadcast_in_dim3A_944 : vector<16xi1>, vector<16xi32>
        %swap3A_946 = arith.constant 32 : index
        %swap3A_947 = tpu.vector_load %arg10[%swap3A_946] {strides = array<i32>} : memref<128xi32, #tpu.memory_space<vmem>>, vector<16xi32>,
        %swap3A_948 = vector.shape_cast %swap3A_947 : vector<16xi32> to vector<16xi32>
        %swap3A_949 = vector.shape_cast %select_n3A_945 : vector<16xi32> to vector<16xi32>
        tpu.vector_store %arg10[%swap3A_946], %swap3A_949 {strides = array<i32>} : memref<128xi32, #tpu.memory_space<vmem>>, vector<16xi32>,
        %swap3A_950 = arith.constant 160 : index
        %swap3A_951 = tpu.vector_load %arg11[%swap3A_950] {strides = array<i32>} : memref<256xi32, #tpu.memory_space<vmem>>, vector<16xi32>,
        %swap3A_952 = vector.shape_cast %swap3A_951 : vector<16xi32> to vector<16xi32>
        %swap3A_953 = vector.shape_cast %select_n3A_945 : vector<16xi32> to vector<16xi32>
        tpu.vector_store %arg11[%swap3A_950], %swap3A_953 {strides = array<i32>} : memref<256xi32, #tpu.memory_space<vmem>>, vector<16xi32>,
        %get3A_954 = arith.constant 0 : i32
        %get3A_955 = arith.index_cast %get3A_954 : i32 to index
        %get3A_956 = arith.constant 160 : index
        %get3A_957 = tpu.vector_load %arg6[%get3A_955, %get3A_956] {strides = array<i32>} : memref<2x256xi32, #tpu.memory_space<vmem>>, vector<1x16xi32>,
        %get3A_958 = vector.shape_cast %get3A_957 : vector<1x16xi32> to vector<16xi32>
        %jit3A_959 = arith.constant -1 : i32
        %broadcast_in_dim3A_960 = vector.broadcast %jit3A_959 : i32 to vector<16xi32>
        %select_n3A_961 = arith.select %and3A_942, %get3A_958, %broadcast_in_dim3A_960 : vector<16xi1>, vector<16xi32>
        %swap3A_962 = arith.constant 32 : index
        %swap3A_963 = tpu.vector_load %arg9[%swap3A_962] {strides = array<i32>} : memref<128xi32, #tpu.memory_space<vmem>>, vector<16xi32>,
        %swap3A_964 = vector.shape_cast %swap3A_963 : vector<16xi32> to vector<16xi32>
        %swap3A_965 = vector.shape_cast %select_n3A_961 : vector<16xi32> to vector<16xi32>
        tpu.vector_store %arg9[%swap3A_962], %swap3A_965 {strides = array<i32>} : memref<128xi32, #tpu.memory_space<vmem>>, vector<16xi32>,
        %get3A_966 = arith.constant 1 : i32
        %get3A_967 = arith.index_cast %get3A_966 : i32 to index
        %get3A_968 = arith.constant 176 : index
        %get3A_969 = tpu.vector_load %arg6[%get3A_967, %get3A_968] {strides = array<i32>} : memref<2x256xi32, #tpu.memory_space<vmem>>, vector<1x16xi32>,
        %get3A_970 = vector.shape_cast %get3A_969 : vector<1x16xi32> to vector<16xi32>
        %sub3A_971 = vector.broadcast %mul3A_0 : i32 to vector<16xi32>
        %sub3A_972 = arith.subi %get3A_970, %sub3A_971 : vector<16xi32>
        %ge3A_973 = arith.constant 0 : i32
        %ge3A_974 = vector.broadcast %ge3A_973 : i32 to vector<16xi32>
        %ge3A_975 = arith.cmpi sge, %sub3A_972, %ge3A_974 : vector<16xi32>
        %lt3A_976 = arith.constant 10000 : i32
        %lt3A_977 = vector.broadcast %lt3A_976 : i32 to vector<16xi32>
        %lt3A_978 = arith.cmpi slt, %sub3A_972, %lt3A_977 : vector<16xi32>
        %and3A_979 = arith.andi %ge3A_975, %lt3A_978 : vector<16xi1>
        %jit3A_980 = arith.constant -1 : i32
        %broadcast_in_dim3A_981 = vector.broadcast %jit3A_980 : i32 to vector<16xi32>
        %select_n3A_982 = arith.select %and3A_979, %sub3A_972, %broadcast_in_dim3A_981 : vector<16xi1>, vector<16xi32>
        %swap3A_983 = arith.constant 48 : index
        %swap3A_984 = tpu.vector_load %arg10[%swap3A_983] {strides = array<i32>} : memref<128xi32, #tpu.memory_space<vmem>>, vector<16xi32>,
        %swap3A_985 = vector.shape_cast %swap3A_984 : vector<16xi32> to vector<16xi32>
        %swap3A_986 = vector.shape_cast %select_n3A_982 : vector<16xi32> to vector<16xi32>
        tpu.vector_store %arg10[%swap3A_983], %swap3A_986 {strides = array<i32>} : memref<128xi32, #tpu.memory_space<vmem>>, vector<16xi32>,
        %swap3A_987 = arith.constant 176 : index
        %swap3A_988 = tpu.vector_load %arg11[%swap3A_987] {strides = array<i32>} : memref<256xi32, #tpu.memory_space<vmem>>, vector<16xi32>,
        %swap3A_989 = vector.shape_cast %swap3A_988 : vector<16xi32> to vector<16xi32>
        %swap3A_990 = vector.shape_cast %select_n3A_982 : vector<16xi32> to vector<16xi32>
        tpu.vector_store %arg11[%swap3A_987], %swap3A_990 {strides = array<i32>} : memref<256xi32, #tpu.memory_space<vmem>>, vector<16xi32>,
        %get3A_991 = arith.constant 0 : i32
        %get3A_992 = arith.index_cast %get3A_991 : i32 to index
        %get3A_993 = arith.constant 176 : index
        %get3A_994 = tpu.vector_load %arg6[%get3A_992, %get3A_993] {strides = array<i32>} : memref<2x256xi32, #tpu.memory_space<vmem>>, vector<1x16xi32>,
        %get3A_995 = vector.shape_cast %get3A_994 : vector<1x16xi32> to vector<16xi32>
        %jit3A_996 = arith.constant -1 : i32
        %broadcast_in_dim3A_997 = vector.broadcast %jit3A_996 : i32 to vector<16xi32>
        %select_n3A_998 = arith.select %and3A_979, %get3A_995, %broadcast_in_dim3A_997 : vector<16xi1>, vector<16xi32>
        %swap3A_999 = arith.constant 48 : index
        %swap3A_1000 = tpu.vector_load %arg9[%swap3A_999] {strides = array<i32>} : memref<128xi32, #tpu.memory_space<vmem>>, vector<16xi32>,
        %swap3A_1001 = vector.shape_cast %swap3A_1000 : vector<16xi32> to vector<16xi32>
        %swap3A_1002 = vector.shape_cast %select_n3A_998 : vector<16xi32> to vector<16xi32>
        tpu.vector_store %arg9[%swap3A_999], %swap3A_1002 {strides = array<i32>} : memref<128xi32, #tpu.memory_space<vmem>>, vector<16xi32>,
        %get3A_1003 = arith.constant 1 : i32
        %get3A_1004 = arith.index_cast %get3A_1003 : i32 to index
        %get3A_1005 = arith.constant 192 : index
        %get3A_1006 = tpu.vector_load %arg6[%get3A_1004, %get3A_1005] {strides = array<i32>} : memref<2x256xi32, #tpu.memory_space<vmem>>, vector<1x16xi32>,
        %get3A_1007 = vector.shape_cast %get3A_1006 : vector<1x16xi32> to vector<16xi32>
        %sub3A_1008 = vector.broadcast %mul3A_0 : i32 to vector<16xi32>
        %sub3A_1009 = arith.subi %get3A_1007, %sub3A_1008 : vector<16xi32>
        %ge3A_1010 = arith.constant 0 : i32
        %ge3A_1011 = vector.broadcast %ge3A_1010 : i32 to vector<16xi32>
        %ge3A_1012 = arith.cmpi sge, %sub3A_1009, %ge3A_1011 : vector<16xi32>
        %lt3A_1013 = arith.constant 10000 : i32
        %lt3A_1014 = vector.broadcast %lt3A_1013 : i32 to vector<16xi32>
        %lt3A_1015 = arith.cmpi slt, %sub3A_1009, %lt3A_1014 : vector<16xi32>
        %and3A_1016 = arith.andi %ge3A_1012, %lt3A_1015 : vector<16xi1>
        %jit3A_1017 = arith.constant -1 : i32
        %broadcast_in_dim3A_1018 = vector.broadcast %jit3A_1017 : i32 to vector<16xi32>
        %select_n3A_1019 = arith.select %and3A_1016, %sub3A_1009, %broadcast_in_dim3A_1018 : vector<16xi1>, vector<16xi32>
        %swap3A_1020 = arith.constant 64 : index
        %swap3A_1021 = tpu.vector_load %arg10[%swap3A_1020] {strides = array<i32>} : memref<128xi32, #tpu.memory_space<vmem>>, vector<16xi32>,
        %swap3A_1022 = vector.shape_cast %swap3A_1021 : vector<16xi32> to vector<16xi32>
        %swap3A_1023 = vector.shape_cast %select_n3A_1019 : vector<16xi32> to vector<16xi32>
        tpu.vector_store %arg10[%swap3A_1020], %swap3A_1023 {strides = array<i32>} : memref<128xi32, #tpu.memory_space<vmem>>, vector<16xi32>,
        %swap3A_1024 = arith.constant 192 : index
        %swap3A_1025 = tpu.vector_load %arg11[%swap3A_1024] {strides = array<i32>} : memref<256xi32, #tpu.memory_space<vmem>>, vector<16xi32>,
        %swap3A_1026 = vector.shape_cast %swap3A_1025 : vector<16xi32> to vector<16xi32>
        %swap3A_1027 = vector.shape_cast %select_n3A_1019 : vector<16xi32> to vector<16xi32>
        tpu.vector_store %arg11[%swap3A_1024], %swap3A_1027 {strides = array<i32>} : memref<256xi32, #tpu.memory_space<vmem>>, vector<16xi32>,
        %get3A_1028 = arith.constant 0 : i32
        %get3A_1029 = arith.index_cast %get3A_1028 : i32 to index
        %get3A_1030 = arith.constant 192 : index
        %get3A_1031 = tpu.vector_load %arg6[%get3A_1029, %get3A_1030] {strides = array<i32>} : memref<2x256xi32, #tpu.memory_space<vmem>>, vector<1x16xi32>,
        %get3A_1032 = vector.shape_cast %get3A_1031 : vector<1x16xi32> to vector<16xi32>
        %jit3A_1033 = arith.constant -1 : i32
        %broadcast_in_dim3A_1034 = vector.broadcast %jit3A_1033 : i32 to vector<16xi32>
        %select_n3A_1035 = arith.select %and3A_1016, %get3A_1032, %broadcast_in_dim3A_1034 : vector<16xi1>, vector<16xi32>
        %swap3A_1036 = arith.constant 64 : index
        %swap3A_1037 = tpu.vector_load %arg9[%swap3A_1036] {strides = array<i32>} : memref<128xi32, #tpu.memory_space<vmem>>, vector<16xi32>,
        %swap3A_1038 = vector.shape_cast %swap3A_1037 : vector<16xi32> to vector<16xi32>
        %swap3A_1039 = vector.shape_cast %select_n3A_1035 : vector<16xi32> to vector<16xi32>
        tpu.vector_store %arg9[%swap3A_1036], %swap3A_1039 {strides = array<i32>} : memref<128xi32, #tpu.memory_space<vmem>>, vector<16xi32>,
        %get3A_1040 = arith.constant 1 : i32
        %get3A_1041 = arith.index_cast %get3A_1040 : i32 to index
        %get3A_1042 = arith.constant 208 : index
        %get3A_1043 = tpu.vector_load %arg6[%get3A_1041, %get3A_1042] {strides = array<i32>} : memref<2x256xi32, #tpu.memory_space<vmem>>, vector<1x16xi32>,
        %get3A_1044 = vector.shape_cast %get3A_1043 : vector<1x16xi32> to vector<16xi32>
        %sub3A_1045 = vector.broadcast %mul3A_0 : i32 to vector<16xi32>
        %sub3A_1046 = arith.subi %get3A_1044, %sub3A_1045 : vector<16xi32>
        %ge3A_1047 = arith.constant 0 : i32
        %ge3A_1048 = vector.broadcast %ge3A_1047 : i32 to vector<16xi32>
        %ge3A_1049 = arith.cmpi sge, %sub3A_1046, %ge3A_1048 : vector<16xi32>
        %lt3A_1050 = arith.constant 10000 : i32
        %lt3A_1051 = vector.broadcast %lt3A_1050 : i32 to vector<16xi32>
        %lt3A_1052 = arith.cmpi slt, %sub3A_1046, %lt3A_1051 : vector<16xi32>
        %and3A_1053 = arith.andi %ge3A_1049, %lt3A_1052 : vector<16xi1>
        %jit3A_1054 = arith.constant -1 : i32
        %broadcast_in_dim3A_1055 = vector.broadcast %jit3A_1054 : i32 to vector<16xi32>
        %select_n3A_1056 = arith.select %and3A_1053, %sub3A_1046, %broadcast_in_dim3A_1055 : vector<16xi1>, vector<16xi32>
        %swap3A_1057 = arith.constant 80 : index
        %swap3A_1058 = tpu.vector_load %arg10[%swap3A_1057] {strides = array<i32>} : memref<128xi32, #tpu.memory_space<vmem>>, vector<16xi32>,
        %swap3A_1059 = vector.shape_cast %swap3A_1058 : vector<16xi32> to vector<16xi32>
        %swap3A_1060 = vector.shape_cast %select_n3A_1056 : vector<16xi32> to vector<16xi32>
        tpu.vector_store %arg10[%swap3A_1057], %swap3A_1060 {strides = array<i32>} : memref<128xi32, #tpu.memory_space<vmem>>, vector<16xi32>,
        %swap3A_1061 = arith.constant 208 : index
        %swap3A_1062 = tpu.vector_load %arg11[%swap3A_1061] {strides = array<i32>} : memref<256xi32, #tpu.memory_space<vmem>>, vector<16xi32>,
        %swap3A_1063 = vector.shape_cast %swap3A_1062 : vector<16xi32> to vector<16xi32>
        %swap3A_1064 = vector.shape_cast %select_n3A_1056 : vector<16xi32> to vector<16xi32>
        tpu.vector_store %arg11[%swap3A_1061], %swap3A_1064 {strides = array<i32>} : memref<256xi32, #tpu.memory_space<vmem>>, vector<16xi32>,
        %get3A_1065 = arith.constant 0 : i32
        %get3A_1066 = arith.index_cast %get3A_1065 : i32 to index
        %get3A_1067 = arith.constant 208 : index
        %get3A_1068 = tpu.vector_load %arg6[%get3A_1066, %get3A_1067] {strides = array<i32>} : memref<2x256xi32, #tpu.memory_space<vmem>>, vector<1x16xi32>,
        %get3A_1069 = vector.shape_cast %get3A_1068 : vector<1x16xi32> to vector<16xi32>
        %jit3A_1070 = arith.constant -1 : i32
        %broadcast_in_dim3A_1071 = vector.broadcast %jit3A_1070 : i32 to vector<16xi32>
        %select_n3A_1072 = arith.select %and3A_1053, %get3A_1069, %broadcast_in_dim3A_1071 : vector<16xi1>, vector<16xi32>
        %swap3A_1073 = arith.constant 80 : index
        %swap3A_1074 = tpu.vector_load %arg9[%swap3A_1073] {strides = array<i32>} : memref<128xi32, #tpu.memory_space<vmem>>, vector<16xi32>,
        %swap3A_1075 = vector.shape_cast %swap3A_1074 : vector<16xi32> to vector<16xi32>
        %swap3A_1076 = vector.shape_cast %select_n3A_1072 : vector<16xi32> to vector<16xi32>
        tpu.vector_store %arg9[%swap3A_1073], %swap3A_1076 {strides = array<i32>} : memref<128xi32, #tpu.memory_space<vmem>>, vector<16xi32>,
        %get3A_1077 = arith.constant 1 : i32
        %get3A_1078 = arith.index_cast %get3A_1077 : i32 to index
        %get3A_1079 = arith.constant 224 : index
        %get3A_1080 = tpu.vector_load %arg6[%get3A_1078, %get3A_1079] {strides = array<i32>} : memref<2x256xi32, #tpu.memory_space<vmem>>, vector<1x16xi32>,
        %get3A_1081 = vector.shape_cast %get3A_1080 : vector<1x16xi32> to vector<16xi32>
        %sub3A_1082 = vector.broadcast %mul3A_0 : i32 to vector<16xi32>
        %sub3A_1083 = arith.subi %get3A_1081, %sub3A_1082 : vector<16xi32>
        %ge3A_1084 = arith.constant 0 : i32
        %ge3A_1085 = vector.broadcast %ge3A_1084 : i32 to vector<16xi32>
        %ge3A_1086 = arith.cmpi sge, %sub3A_1083, %ge3A_1085 : vector<16xi32>
        %lt3A_1087 = arith.constant 10000 : i32
        %lt3A_1088 = vector.broadcast %lt3A_1087 : i32 to vector<16xi32>
        %lt3A_1089 = arith.cmpi slt, %sub3A_1083, %lt3A_1088 : vector<16xi32>
        %and3A_1090 = arith.andi %ge3A_1086, %lt3A_1089 : vector<16xi1>
        %jit3A_1091 = arith.constant -1 : i32
        %broadcast_in_dim3A_1092 = vector.broadcast %jit3A_1091 : i32 to vector<16xi32>
        %select_n3A_1093 = arith.select %and3A_1090, %sub3A_1083, %broadcast_in_dim3A_1092 : vector<16xi1>, vector<16xi32>
        %swap3A_1094 = arith.constant 96 : index
        %swap3A_1095 = tpu.vector_load %arg10[%swap3A_1094] {strides = array<i32>} : memref<128xi32, #tpu.memory_space<vmem>>, vector<16xi32>,
        %swap3A_1096 = vector.shape_cast %swap3A_1095 : vector<16xi32> to vector<16xi32>
        %swap3A_1097 = vector.shape_cast %select_n3A_1093 : vector<16xi32> to vector<16xi32>
        tpu.vector_store %arg10[%swap3A_1094], %swap3A_1097 {strides = array<i32>} : memref<128xi32, #tpu.memory_space<vmem>>, vector<16xi32>,
        %swap3A_1098 = arith.constant 224 : index
        %swap3A_1099 = tpu.vector_load %arg11[%swap3A_1098] {strides = array<i32>} : memref<256xi32, #tpu.memory_space<vmem>>, vector<16xi32>,
        %swap3A_1100 = vector.shape_cast %swap3A_1099 : vector<16xi32> to vector<16xi32>
        %swap3A_1101 = vector.shape_cast %select_n3A_1093 : vector<16xi32> to vector<16xi32>
        tpu.vector_store %arg11[%swap3A_1098], %swap3A_1101 {strides = array<i32>} : memref<256xi32, #tpu.memory_space<vmem>>, vector<16xi32>,
        %get3A_1102 = arith.constant 0 : i32
        %get3A_1103 = arith.index_cast %get3A_1102 : i32 to index
        %get3A_1104 = arith.constant 224 : index
        %get3A_1105 = tpu.vector_load %arg6[%get3A_1103, %get3A_1104] {strides = array<i32>} : memref<2x256xi32, #tpu.memory_space<vmem>>, vector<1x16xi32>,
        %get3A_1106 = vector.shape_cast %get3A_1105 : vector<1x16xi32> to vector<16xi32>
        %jit3A_1107 = arith.constant -1 : i32
        %broadcast_in_dim3A_1108 = vector.broadcast %jit3A_1107 : i32 to vector<16xi32>
        %select_n3A_1109 = arith.select %and3A_1090, %get3A_1106, %broadcast_in_dim3A_1108 : vector<16xi1>, vector<16xi32>
        %swap3A_1110 = arith.constant 96 : index
        %swap3A_1111 = tpu.vector_load %arg9[%swap3A_1110] {strides = array<i32>} : memref<128xi32, #tpu.memory_space<vmem>>, vector<16xi32>,
        %swap3A_1112 = vector.shape_cast %swap3A_1111 : vector<16xi32> to vector<16xi32>
        %swap3A_1113 = vector.shape_cast %select_n3A_1109 : vector<16xi32> to vector<16xi32>
        tpu.vector_store %arg9[%swap3A_1110], %swap3A_1113 {strides = array<i32>} : memref<128xi32, #tpu.memory_space<vmem>>, vector<16xi32>,
        %get3A_1114 = arith.constant 1 : i32
        %get3A_1115 = arith.index_cast %get3A_1114 : i32 to index
        %get3A_1116 = arith.constant 240 : index
        %get3A_1117 = tpu.vector_load %arg6[%get3A_1115, %get3A_1116] {strides = array<i32>} : memref<2x256xi32, #tpu.memory_space<vmem>>, vector<1x16xi32>,
        %get3A_1118 = vector.shape_cast %get3A_1117 : vector<1x16xi32> to vector<16xi32>
        %sub3A_1119 = vector.broadcast %mul3A_0 : i32 to vector<16xi32>
        %sub3A_1120 = arith.subi %get3A_1118, %sub3A_1119 : vector<16xi32>
        %ge3A_1121 = arith.constant 0 : i32
        %ge3A_1122 = vector.broadcast %ge3A_1121 : i32 to vector<16xi32>
        %ge3A_1123 = arith.cmpi sge, %sub3A_1120, %ge3A_1122 : vector<16xi32>
        %lt3A_1124 = arith.constant 10000 : i32
        %lt3A_1125 = vector.broadcast %lt3A_1124 : i32 to vector<16xi32>
        %lt3A_1126 = arith.cmpi slt, %sub3A_1120, %lt3A_1125 : vector<16xi32>
        %and3A_1127 = arith.andi %ge3A_1123, %lt3A_1126 : vector<16xi1>
        %jit3A_1128 = arith.constant -1 : i32
        %broadcast_in_dim3A_1129 = vector.broadcast %jit3A_1128 : i32 to vector<16xi32>
        %select_n3A_1130 = arith.select %and3A_1127, %sub3A_1120, %broadcast_in_dim3A_1129 : vector<16xi1>, vector<16xi32>
        %swap3A_1131 = arith.constant 112 : index
        %swap3A_1132 = tpu.vector_load %arg10[%swap3A_1131] {strides = array<i32>} : memref<128xi32, #tpu.memory_space<vmem>>, vector<16xi32>,
        %swap3A_1133 = vector.shape_cast %swap3A_1132 : vector<16xi32> to vector<16xi32>
        %swap3A_1134 = vector.shape_cast %select_n3A_1130 : vector<16xi32> to vector<16xi32>
        tpu.vector_store %arg10[%swap3A_1131], %swap3A_1134 {strides = array<i32>} : memref<128xi32, #tpu.memory_space<vmem>>, vector<16xi32>,
        %swap3A_1135 = arith.constant 240 : index
        %swap3A_1136 = tpu.vector_load %arg11[%swap3A_1135] {strides = array<i32>} : memref<256xi32, #tpu.memory_space<vmem>>, vector<16xi32>,
        %swap3A_1137 = vector.shape_cast %swap3A_1136 : vector<16xi32> to vector<16xi32>
        %swap3A_1138 = vector.shape_cast %select_n3A_1130 : vector<16xi32> to vector<16xi32>
        tpu.vector_store %arg11[%swap3A_1135], %swap3A_1138 {strides = array<i32>} : memref<256xi32, #tpu.memory_space<vmem>>, vector<16xi32>,
        %get3A_1139 = arith.constant 0 : i32
        %get3A_1140 = arith.index_cast %get3A_1139 : i32 to index
        %get3A_1141 = arith.constant 240 : index
        %get3A_1142 = tpu.vector_load %arg6[%get3A_1140, %get3A_1141] {strides = array<i32>} : memref<2x256xi32, #tpu.memory_space<vmem>>, vector<1x16xi32>,
        %get3A_1143 = vector.shape_cast %get3A_1142 : vector<1x16xi32> to vector<16xi32>
        %jit3A_1144 = arith.constant -1 : i32
        %broadcast_in_dim3A_1145 = vector.broadcast %jit3A_1144 : i32 to vector<16xi32>
        %select_n3A_1146 = arith.select %and3A_1127, %get3A_1143, %broadcast_in_dim3A_1145 : vector<16xi1>, vector<16xi32>
        %swap3A_1147 = arith.constant 112 : index
        %swap3A_1148 = tpu.vector_load %arg9[%swap3A_1147] {strides = array<i32>} : memref<128xi32, #tpu.memory_space<vmem>>, vector<16xi32>,
        %swap3A_1149 = vector.shape_cast %swap3A_1148 : vector<16xi32> to vector<16xi32>
        %swap3A_1150 = vector.shape_cast %select_n3A_1146 : vector<16xi32> to vector<16xi32>
        tpu.vector_store %arg9[%swap3A_1147], %swap3A_1150 {strides = array<i32>} : memref<128xi32, #tpu.memory_space<vmem>>, vector<16xi32>,
        %dma_start3A_1151 = arith.constant 0 : i32
        %dma_start3A_1152 = tpu.memref_slice %arg19[%dma_start3A_1151] : memref<10000xf32, #tpu.memory_space<vmem_shared>> -> memref<10000xf32, #tpu.memory_space<vmem_shared>>
        %dma_start3A_1153 = arith.constant -1 : i32
        tpu.enqueue_indirect_dma source(%arg14 : memref<256xf32, #tpu.memory_space<vmem>>) target(%dma_start3A_1152 : memref<10000xf32, #tpu.memory_space<vmem_shared>>) offsets(%arg11 : memref<256xi32, #tpu.memory_space<vmem>>) offset_filter(%dma_start3A_1153) semaphore(%arg22 : memref<!tpu.dma_semaphore, #tpu.memory_space<semaphore_mem>>) {add = true}
      } else {
      }
      %dma_wait3A_823 = arith.constant 0 : i32
      %dma_wait3A_824 = arith.constant 0 : i32
      %dma_wait3A_825 = tpu.memref_slice %arg2[%dma_wait3A_823, %dma_wait3A_824] : memref<100000x128xf32, #tpu.memory_space<hbm>> -> memref<100000x128xf32, #tpu.memory_space<hbm>>
      tpu.wait_indirect_dma semaphore(%arg20 : memref<!tpu.dma_semaphore, #tpu.memory_space<semaphore_mem>>) src(%dma_wait3A_825 : memref<100000x128xf32, #tpu.memory_space<hbm>>) dst(%arg12 : memref<128x128xf32, #tpu.memory_space<vmem>>)
      %dma_start3A_826 = arith.constant 0 : i32
      %dma_start3A_827 = arith.constant 0 : i32
      %dma_start3A_828 = tpu.memref_slice %arg2[%dma_start3A_826, %dma_start3A_827] : memref<100000x128xf32, #tpu.memory_space<hbm>> -> memref<100000x128xf32, #tpu.memory_space<hbm>>
      %dma_start3A_829 = arith.constant -1 : i32
      tpu.enqueue_indirect_dma source(%dma_start3A_828 : memref<100000x128xf32, #tpu.memory_space<hbm>>) target(%arg13 : memref<128x128xf32, #tpu.memory_space<vmem>>) offsets(%arg9 : memref<128xi32, #tpu.memory_space<vmem>>) offset_filter(%dma_start3A_829) semaphore(%arg21 : memref<!tpu.dma_semaphore, #tpu.memory_space<semaphore_mem>>)
      %dma_start3A_830 = arith.constant 0 : i32
      %dma_start3A_831 = arith.constant 0 : i32
      %dma_start3A_832 = tpu.memref_slice %arg18[%dma_start3A_830, %dma_start3A_831] : memref<10000x128xf32, #tpu.memory_space<vmem_shared>> -> memref<10000x128xf32, #tpu.memory_space<vmem_shared>>
      %dma_start3A_833 = arith.constant -1 : i32
      tpu.enqueue_indirect_dma source(%arg12 : memref<128x128xf32, #tpu.memory_space<vmem>>) target(%dma_start3A_832 : memref<10000x128xf32, #tpu.memory_space<vmem_shared>>) offsets(%arg8 : memref<128xi32, #tpu.memory_space<vmem>>) offset_filter(%dma_start3A_833) semaphore(%arg22 : memref<!tpu.dma_semaphore, #tpu.memory_space<semaphore_mem>>) {add = true}
      %dma_wait3A_834 = arith.constant 0 : i32
      %dma_wait3A_835 = arith.constant 0 : i32
      %dma_wait3A_836 = tpu.memref_slice %arg18[%dma_wait3A_834, %dma_wait3A_835] : memref<10000x128xf32, #tpu.memory_space<vmem_shared>> -> memref<10000x128xf32, #tpu.memory_space<vmem_shared>>
      tpu.wait_indirect_dma semaphore(%arg22 : memref<!tpu.dma_semaphore, #tpu.memory_space<semaphore_mem>>) src(%arg12 : memref<128x128xf32, #tpu.memory_space<vmem>>) dst(%dma_wait3A_836 : memref<10000x128xf32, #tpu.memory_space<vmem_shared>>)
      %dma_wait3A_837 = arith.constant 0 : i32
      %dma_wait3A_838 = tpu.memref_slice %arg19[%dma_wait3A_837] : memref<10000xf32, #tpu.memory_space<vmem_shared>> -> memref<10000xf32, #tpu.memory_space<vmem_shared>>
      tpu.wait_indirect_dma semaphore(%arg22 : memref<!tpu.dma_semaphore, #tpu.memory_space<semaphore_mem>>) src(%arg14 : memref<256xf32, #tpu.memory_space<vmem>>) dst(%dma_wait3A_838 : memref<10000xf32, #tpu.memory_space<vmem_shared>>)
      %add3A_839 = arith.constant 1 : i32
      %add3A_840 = arith.addi %while3A_819, %add3A_839 : i32
      %lt3A_841 = arith.cmpi slt, %add3A_840, %select_n3A_201 : i32
      %convert_element_type3A_842 = arith.extui %lt3A_841 : i1 to i32
      %cond3A_843 = arith.constant 0 : i32
      %cond3A_844 = arith.cmpi ne, %convert_element_type3A_842, %cond3A_843 : i32
      scf.if %cond3A_844 {
        %add3A_852 = arith.constant 1 : i32
        %add3A_853 = arith.addi %while3A_819, %add3A_852 : i32
        %mul3A_854 = arith.constant 256 : i32
        %mul3A_855 = arith.muli %add3A_853, %mul3A_854 : i32
        %multiple_of3A_856 = tpu.assume_multiple %mul3A_855, 256 : i32
        "tpu.region"() ({
          %run_scoped3A = tpu.sem_alloc : memref<!tpu.dma_semaphore, #tpu.memory_space<semaphore_mem>>
          %dma_start3A_1157 = arith.constant 0 : i32
          %dma_start3A_1158 = tpu.memref_slice %arg3[%dma_start3A_1157, %multiple_of3A_856] : memref<2x640000xi32, #tpu.memory_space<hbm>> -> memref<2x256xi32, #tpu.memory_space<hbm>>
          %dma_start3A_1159 = arith.constant 0 : i32
          %dma_start3A_1160 = tpu.memref_slice %arg3[%dma_start3A_1159, %multiple_of3A_856] : memref<2x640000xi32, #tpu.memory_space<hbm>> -> memref<2x256xi32, #tpu.memory_space<hbm>>
          tpu.enqueue_dma source(%dma_start3A_1160 : memref<2x256xi32, #tpu.memory_space<hbm>>) target(%arg6 : memref<2x256xi32, #tpu.memory_space<vmem>>) target_semaphore(%run_scoped3A : memref<!tpu.dma_semaphore, #tpu.memory_space<semaphore_mem>>)
          %dma_wait3A_1161 = arith.constant 0 : i32
          %dma_wait3A_1162 = tpu.memref_slice %arg3[%dma_wait3A_1161, %multiple_of3A_856] : memref<2x640000xi32, #tpu.memory_space<hbm>> -> memref<2x256xi32, #tpu.memory_space<hbm>>
          %dma_wait3A_1163 = arith.constant 0 : i32
          %dma_wait3A_1164 = tpu.memref_slice %arg3[%dma_wait3A_1163, %multiple_of3A_856] : memref<2x640000xi32, #tpu.memory_space<hbm>> -> memref<2x256xi32, #tpu.memory_space<hbm>>
          tpu.wait_dma2 semaphore(%run_scoped3A : memref<!tpu.dma_semaphore, #tpu.memory_space<semaphore_mem>>) src(%dma_wait3A_1164 : memref<2x256xi32, #tpu.memory_space<hbm>>) dst(%arg6 : memref<2x256xi32, #tpu.memory_space<vmem>>)
          tpu.yield
        }) : () -> ()
        %get3A_857 = arith.constant 1 : i32
        %get3A_858 = arith.index_cast %get3A_857 : i32 to index
        %get3A_859 = arith.constant 0 : index
        %get3A_860 = tpu.vector_load %arg6[%get3A_858, %get3A_859] {strides = array<i32>} : memref<2x256xi32, #tpu.memory_space<vmem>>, vector<1x16xi32>,
        %get3A_861 = vector.shape_cast %get3A_860 : vector<1x16xi32> to vector<16xi32>
        %sub3A_862 = vector.broadcast %mul3A_0 : i32 to vector<16xi32>
        %sub3A_863 = arith.subi %get3A_861, %sub3A_862 : vector<16xi32>
        %ge3A_864 = arith.constant 0 : i32
        %ge3A_865 = vector.broadcast %ge3A_864 : i32 to vector<16xi32>
        %ge3A_866 = arith.cmpi sge, %sub3A_863, %ge3A_865 : vector<16xi32>
        %lt3A_867 = arith.constant 10000 : i32
        %lt3A_868 = vector.broadcast %lt3A_867 : i32 to vector<16xi32>
        %lt3A_869 = arith.cmpi slt, %sub3A_863, %lt3A_868 : vector<16xi32>
        %and3A_870 = arith.andi %ge3A_866, %lt3A_869 : vector<16xi1>
        %jit3A_871 = arith.constant -1 : i32
        %broadcast_in_dim3A_872 = vector.broadcast %jit3A_871 : i32 to vector<16xi32>
        %select_n3A_873 = arith.select %and3A_870, %sub3A_863, %broadcast_in_dim3A_872 : vector<16xi1>, vector<16xi32>
        %swap3A_874 = arith.constant 0 : index
        %swap3A_875 = tpu.vector_load %arg8[%swap3A_874] {strides = array<i32>} : memref<128xi32, #tpu.memory_space<vmem>>, vector<16xi32>,
        %swap3A_876 = vector.shape_cast %swap3A_875 : vector<16xi32> to vector<16xi32>
        %swap3A_877 = vector.shape_cast %select_n3A_873 : vector<16xi32> to vector<16xi32>
        tpu.vector_store %arg8[%swap3A_874], %swap3A_877 {strides = array<i32>} : memref<128xi32, #tpu.memory_space<vmem>>, vector<16xi32>,
        %swap3A_878 = arith.constant 0 : index
        %swap3A_879 = tpu.vector_load %arg11[%swap3A_878] {strides = array<i32>} : memref<256xi32, #tpu.memory_space<vmem>>, vector<16xi32>,
        %swap3A_880 = vector.shape_cast %swap3A_879 : vector<16xi32> to vector<16xi32>
        %swap3A_881 = vector.shape_cast %select_n3A_873 : vector<16xi32> to vector<16xi32>
        tpu.vector_store %arg11[%swap3A_878], %swap3A_881 {strides = array<i32>} : memref<256xi32, #tpu.memory_space<vmem>>, vector<16xi32>,
        %get3A_882 = arith.constant 0 : i32
        %get3A_883 = arith.index_cast %get3A_882 : i32 to index
        %get3A_884 = arith.constant 0 : index
        %get3A_885 = tpu.vector_load %arg6[%get3A_883, %get3A_884] {strides = array<i32>} : memref<2x256xi32, #tpu.memory_space<vmem>>, vector<1x16xi32>,
        %get3A_886 = vector.shape_cast %get3A_885 : vector<1x16xi32> to vector<16xi32>
        %jit3A_887 = arith.constant -1 : i32
        %broadcast_in_dim3A_888 = vector.broadcast %jit3A_887 : i32 to vector<16xi32>
        %select_n3A_889 = arith.select %and3A_870, %get3A_886, %broadcast_in_dim3A_888 : vector<16xi1>, vector<16xi32>
        %swap3A_890 = arith.constant 0 : index
        %swap3A_891 = tpu.vector_load %arg7[%swap3A_890] {strides = array<i32>} : memref<128xi32, #tpu.memory_space<vmem>>, vector<16xi32>,
        %swap3A_892 = vector.shape_cast %swap3A_891 : vector<16xi32> to vector<16xi32>
        %swap3A_893 = vector.shape_cast %select_n3A_889 : vector<16xi32> to vector<16xi32>
        tpu.vector_store %arg7[%swap3A_890], %swap3A_893 {strides = array<i32>} : memref<128xi32, #tpu.memory_space<vmem>>, vector<16xi32>,
        %get3A_894 = arith.constant 1 : i32
        %get3A_895 = arith.index_cast %get3A_894 : i32 to index
        %get3A_896 = arith.constant 16 : index
        %get3A_897 = tpu.vector_load %arg6[%get3A_895, %get3A_896] {strides = array<i32>} : memref<2x256xi32, #tpu.memory_space<vmem>>, vector<1x16xi32>,
        %get3A_898 = vector.shape_cast %get3A_897 : vector<1x16xi32> to vector<16xi32>
        %sub3A_899 = vector.broadcast %mul3A_0 : i32 to vector<16xi32>
        %sub3A_900 = arith.subi %get3A_898, %sub3A_899 : vector<16xi32>
        %ge3A_901 = arith.constant 0 : i32
        %ge3A_902 = vector.broadcast %ge3A_901 : i32 to vector<16xi32>
        %ge3A_903 = arith.cmpi sge, %sub3A_900, %ge3A_902 : vector<16xi32>
        %lt3A_904 = arith.constant 10000 : i32
        %lt3A_905 = vector.broadcast %lt3A_904 : i32 to vector<16xi32>
        %lt3A_906 = arith.cmpi slt, %sub3A_900, %lt3A_905 : vector<16xi32>
        %and3A_907 = arith.andi %ge3A_903, %lt3A_906 : vector<16xi1>
        %jit3A_908 = arith.constant -1 : i32
        %broadcast_in_dim3A_909 = vector.broadcast %jit3A_908 : i32 to vector<16xi32>
        %select_n3A_910 = arith.select %and3A_907, %sub3A_900, %broadcast_in_dim3A_909 : vector<16xi1>, vector<16xi32>
        %swap3A_911 = arith.constant 16 : index
        %swap3A_912 = tpu.vector_load %arg8[%swap3A_911] {strides = array<i32>} : memref<128xi32, #tpu.memory_space<vmem>>, vector<16xi32>,
        %swap3A_913 = vector.shape_cast %swap3A_912 : vector<16xi32> to vector<16xi32>
        %swap3A_914 = vector.shape_cast %select_n3A_910 : vector<16xi32> to vector<16xi32>
        tpu.vector_store %arg8[%swap3A_911], %swap3A_914 {strides = array<i32>} : memref<128xi32, #tpu.memory_space<vmem>>, vector<16xi32>,
        %swap3A_915 = arith.constant 16 : index
        %swap3A_916 = tpu.vector_load %arg11[%swap3A_915] {strides = array<i32>} : memref<256xi32, #tpu.memory_space<vmem>>, vector<16xi32>,
        %swap3A_917 = vector.shape_cast %swap3A_916 : vector<16xi32> to vector<16xi32>
        %swap3A_918 = vector.shape_cast %select_n3A_910 : vector<16xi32> to vector<16xi32>
        tpu.vector_store %arg11[%swap3A_915], %swap3A_918 {strides = array<i32>} : memref<256xi32, #tpu.memory_space<vmem>>, vector<16xi32>,
        %get3A_919 = arith.constant 0 : i32
        %get3A_920 = arith.index_cast %get3A_919 : i32 to index
        %get3A_921 = arith.constant 16 : index
        %get3A_922 = tpu.vector_load %arg6[%get3A_920, %get3A_921] {strides = array<i32>} : memref<2x256xi32, #tpu.memory_space<vmem>>, vector<1x16xi32>,
        %get3A_923 = vector.shape_cast %get3A_922 : vector<1x16xi32> to vector<16xi32>
        %jit3A_924 = arith.constant -1 : i32
        %broadcast_in_dim3A_925 = vector.broadcast %jit3A_924 : i32 to vector<16xi32>
        %select_n3A_926 = arith.select %and3A_907, %get3A_923, %broadcast_in_dim3A_925 : vector<16xi1>, vector<16xi32>
        %swap3A_927 = arith.constant 16 : index
        %swap3A_928 = tpu.vector_load %arg7[%swap3A_927] {strides = array<i32>} : memref<128xi32, #tpu.memory_space<vmem>>, vector<16xi32>,
        %swap3A_929 = vector.shape_cast %swap3A_928 : vector<16xi32> to vector<16xi32>
        %swap3A_930 = vector.shape_cast %select_n3A_926 : vector<16xi32> to vector<16xi32>
        tpu.vector_store %arg7[%swap3A_927], %swap3A_930 {strides = array<i32>} : memref<128xi32, #tpu.memory_space<vmem>>, vector<16xi32>,
        %get3A_931 = arith.constant 1 : i32
        %get3A_932 = arith.index_cast %get3A_931 : i32 to index
        %get3A_933 = arith.constant 32 : index
        %get3A_934 = tpu.vector_load %arg6[%get3A_932, %get3A_933] {strides = array<i32>} : memref<2x256xi32, #tpu.memory_space<vmem>>, vector<1x16xi32>,
        %get3A_935 = vector.shape_cast %get3A_934 : vector<1x16xi32> to vector<16xi32>
        %sub3A_936 = vector.broadcast %mul3A_0 : i32 to vector<16xi32>
        %sub3A_937 = arith.subi %get3A_935, %sub3A_936 : vector<16xi32>
        %ge3A_938 = arith.constant 0 : i32
        %ge3A_939 = vector.broadcast %ge3A_938 : i32 to vector<16xi32>
        %ge3A_940 = arith.cmpi sge, %sub3A_937, %ge3A_939 : vector<16xi32>
        %lt3A_941 = arith.constant 10000 : i32
        %lt3A_942 = vector.broadcast %lt3A_941 : i32 to vector<16xi32>
        %lt3A_943 = arith.cmpi slt, %sub3A_937, %lt3A_942 : vector<16xi32>
        %and3A_944 = arith.andi %ge3A_940, %lt3A_943 : vector<16xi1>
        %jit3A_945 = arith.constant -1 : i32
        %broadcast_in_dim3A_946 = vector.broadcast %jit3A_945 : i32 to vector<16xi32>
        %select_n3A_947 = arith.select %and3A_944, %sub3A_937, %broadcast_in_dim3A_946 : vector<16xi1>, vector<16xi32>
        %swap3A_948 = arith.constant 32 : index
        %swap3A_949 = tpu.vector_load %arg8[%swap3A_948] {strides = array<i32>} : memref<128xi32, #tpu.memory_space<vmem>>, vector<16xi32>,
        %swap3A_950 = vector.shape_cast %swap3A_949 : vector<16xi32> to vector<16xi32>
        %swap3A_951 = vector.shape_cast %select_n3A_947 : vector<16xi32> to vector<16xi32>
        tpu.vector_store %arg8[%swap3A_948], %swap3A_951 {strides = array<i32>} : memref<128xi32, #tpu.memory_space<vmem>>, vector<16xi32>,
        %swap3A_952 = arith.constant 32 : index
        %swap3A_953 = tpu.vector_load %arg11[%swap3A_952] {strides = array<i32>} : memref<256xi32, #tpu.memory_space<vmem>>, vector<16xi32>,
        %swap3A_954 = vector.shape_cast %swap3A_953 : vector<16xi32> to vector<16xi32>
        %swap3A_955 = vector.shape_cast %select_n3A_947 : vector<16xi32> to vector<16xi32>
        tpu.vector_store %arg11[%swap3A_952], %swap3A_955 {strides = array<i32>} : memref<256xi32, #tpu.memory_space<vmem>>, vector<16xi32>,
        %get3A_956 = arith.constant 0 : i32
        %get3A_957 = arith.index_cast %get3A_956 : i32 to index
        %get3A_958 = arith.constant 32 : index
        %get3A_959 = tpu.vector_load %arg6[%get3A_957, %get3A_958] {strides = array<i32>} : memref<2x256xi32, #tpu.memory_space<vmem>>, vector<1x16xi32>,
        %get3A_960 = vector.shape_cast %get3A_959 : vector<1x16xi32> to vector<16xi32>
        %jit3A_961 = arith.constant -1 : i32
        %broadcast_in_dim3A_962 = vector.broadcast %jit3A_961 : i32 to vector<16xi32>
        %select_n3A_963 = arith.select %and3A_944, %get3A_960, %broadcast_in_dim3A_962 : vector<16xi1>, vector<16xi32>
        %swap3A_964 = arith.constant 32 : index
        %swap3A_965 = tpu.vector_load %arg7[%swap3A_964] {strides = array<i32>} : memref<128xi32, #tpu.memory_space<vmem>>, vector<16xi32>,
        %swap3A_966 = vector.shape_cast %swap3A_965 : vector<16xi32> to vector<16xi32>
        %swap3A_967 = vector.shape_cast %select_n3A_963 : vector<16xi32> to vector<16xi32>
        tpu.vector_store %arg7[%swap3A_964], %swap3A_967 {strides = array<i32>} : memref<128xi32, #tpu.memory_space<vmem>>, vector<16xi32>,
        %get3A_968 = arith.constant 1 : i32
        %get3A_969 = arith.index_cast %get3A_968 : i32 to index
        %get3A_970 = arith.constant 48 : index
        %get3A_971 = tpu.vector_load %arg6[%get3A_969, %get3A_970] {strides = array<i32>} : memref<2x256xi32, #tpu.memory_space<vmem>>, vector<1x16xi32>,
        %get3A_972 = vector.shape_cast %get3A_971 : vector<1x16xi32> to vector<16xi32>
        %sub3A_973 = vector.broadcast %mul3A_0 : i32 to vector<16xi32>
        %sub3A_974 = arith.subi %get3A_972, %sub3A_973 : vector<16xi32>
        %ge3A_975 = arith.constant 0 : i32
        %ge3A_976 = vector.broadcast %ge3A_975 : i32 to vector<16xi32>
        %ge3A_977 = arith.cmpi sge, %sub3A_974, %ge3A_976 : vector<16xi32>
        %lt3A_978 = arith.constant 10000 : i32
        %lt3A_979 = vector.broadcast %lt3A_978 : i32 to vector<16xi32>
        %lt3A_980 = arith.cmpi slt, %sub3A_974, %lt3A_979 : vector<16xi32>
        %and3A_981 = arith.andi %ge3A_977, %lt3A_980 : vector<16xi1>
        %jit3A_982 = arith.constant -1 : i32
        %broadcast_in_dim3A_983 = vector.broadcast %jit3A_982 : i32 to vector<16xi32>
        %select_n3A_984 = arith.select %and3A_981, %sub3A_974, %broadcast_in_dim3A_983 : vector<16xi1>, vector<16xi32>
        %swap3A_985 = arith.constant 48 : index
        %swap3A_986 = tpu.vector_load %arg8[%swap3A_985] {strides = array<i32>} : memref<128xi32, #tpu.memory_space<vmem>>, vector<16xi32>,
        %swap3A_987 = vector.shape_cast %swap3A_986 : vector<16xi32> to vector<16xi32>
        %swap3A_988 = vector.shape_cast %select_n3A_984 : vector<16xi32> to vector<16xi32>
        tpu.vector_store %arg8[%swap3A_985], %swap3A_988 {strides = array<i32>} : memref<128xi32, #tpu.memory_space<vmem>>, vector<16xi32>,
        %swap3A_989 = arith.constant 48 : index
        %swap3A_990 = tpu.vector_load %arg11[%swap3A_989] {strides = array<i32>} : memref<256xi32, #tpu.memory_space<vmem>>, vector<16xi32>,
        %swap3A_991 = vector.shape_cast %swap3A_990 : vector<16xi32> to vector<16xi32>
        %swap3A_992 = vector.shape_cast %select_n3A_984 : vector<16xi32> to vector<16xi32>
        tpu.vector_store %arg11[%swap3A_989], %swap3A_992 {strides = array<i32>} : memref<256xi32, #tpu.memory_space<vmem>>, vector<16xi32>,
        %get3A_993 = arith.constant 0 : i32
        %get3A_994 = arith.index_cast %get3A_993 : i32 to index
        %get3A_995 = arith.constant 48 : index
        %get3A_996 = tpu.vector_load %arg6[%get3A_994, %get3A_995] {strides = array<i32>} : memref<2x256xi32, #tpu.memory_space<vmem>>, vector<1x16xi32>,
        %get3A_997 = vector.shape_cast %get3A_996 : vector<1x16xi32> to vector<16xi32>
        %jit3A_998 = arith.constant -1 : i32
        %broadcast_in_dim3A_999 = vector.broadcast %jit3A_998 : i32 to vector<16xi32>
        %select_n3A_1000 = arith.select %and3A_981, %get3A_997, %broadcast_in_dim3A_999 : vector<16xi1>, vector<16xi32>
        %swap3A_1001 = arith.constant 48 : index
        %swap3A_1002 = tpu.vector_load %arg7[%swap3A_1001] {strides = array<i32>} : memref<128xi32, #tpu.memory_space<vmem>>, vector<16xi32>,
        %swap3A_1003 = vector.shape_cast %swap3A_1002 : vector<16xi32> to vector<16xi32>
        %swap3A_1004 = vector.shape_cast %select_n3A_1000 : vector<16xi32> to vector<16xi32>
        tpu.vector_store %arg7[%swap3A_1001], %swap3A_1004 {strides = array<i32>} : memref<128xi32, #tpu.memory_space<vmem>>, vector<16xi32>,
        %get3A_1005 = arith.constant 1 : i32
        %get3A_1006 = arith.index_cast %get3A_1005 : i32 to index
        %get3A_1007 = arith.constant 64 : index
        %get3A_1008 = tpu.vector_load %arg6[%get3A_1006, %get3A_1007] {strides = array<i32>} : memref<2x256xi32, #tpu.memory_space<vmem>>, vector<1x16xi32>,
        %get3A_1009 = vector.shape_cast %get3A_1008 : vector<1x16xi32> to vector<16xi32>
        %sub3A_1010 = vector.broadcast %mul3A_0 : i32 to vector<16xi32>
        %sub3A_1011 = arith.subi %get3A_1009, %sub3A_1010 : vector<16xi32>
        %ge3A_1012 = arith.constant 0 : i32
        %ge3A_1013 = vector.broadcast %ge3A_1012 : i32 to vector<16xi32>
        %ge3A_1014 = arith.cmpi sge, %sub3A_1011, %ge3A_1013 : vector<16xi32>
        %lt3A_1015 = arith.constant 10000 : i32
        %lt3A_1016 = vector.broadcast %lt3A_1015 : i32 to vector<16xi32>
        %lt3A_1017 = arith.cmpi slt, %sub3A_1011, %lt3A_1016 : vector<16xi32>
        %and3A_1018 = arith.andi %ge3A_1014, %lt3A_1017 : vector<16xi1>
        %jit3A_1019 = arith.constant -1 : i32
        %broadcast_in_dim3A_1020 = vector.broadcast %jit3A_1019 : i32 to vector<16xi32>
        %select_n3A_1021 = arith.select %and3A_1018, %sub3A_1011, %broadcast_in_dim3A_1020 : vector<16xi1>, vector<16xi32>
        %swap3A_1022 = arith.constant 64 : index
        %swap3A_1023 = tpu.vector_load %arg8[%swap3A_1022] {strides = array<i32>} : memref<128xi32, #tpu.memory_space<vmem>>, vector<16xi32>,
        %swap3A_1024 = vector.shape_cast %swap3A_1023 : vector<16xi32> to vector<16xi32>
        %swap3A_1025 = vector.shape_cast %select_n3A_1021 : vector<16xi32> to vector<16xi32>
        tpu.vector_store %arg8[%swap3A_1022], %swap3A_1025 {strides = array<i32>} : memref<128xi32, #tpu.memory_space<vmem>>, vector<16xi32>,
        %swap3A_1026 = arith.constant 64 : index
        %swap3A_1027 = tpu.vector_load %arg11[%swap3A_1026] {strides = array<i32>} : memref<256xi32, #tpu.memory_space<vmem>>, vector<16xi32>,
        %swap3A_1028 = vector.shape_cast %swap3A_1027 : vector<16xi32> to vector<16xi32>
        %swap3A_1029 = vector.shape_cast %select_n3A_1021 : vector<16xi32> to vector<16xi32>
        tpu.vector_store %arg11[%swap3A_1026], %swap3A_1029 {strides = array<i32>} : memref<256xi32, #tpu.memory_space<vmem>>, vector<16xi32>,
        %get3A_1030 = arith.constant 0 : i32
        %get3A_1031 = arith.index_cast %get3A_1030 : i32 to index
        %get3A_1032 = arith.constant 64 : index
        %get3A_1033 = tpu.vector_load %arg6[%get3A_1031, %get3A_1032] {strides = array<i32>} : memref<2x256xi32, #tpu.memory_space<vmem>>, vector<1x16xi32>,
        %get3A_1034 = vector.shape_cast %get3A_1033 : vector<1x16xi32> to vector<16xi32>
        %jit3A_1035 = arith.constant -1 : i32
        %broadcast_in_dim3A_1036 = vector.broadcast %jit3A_1035 : i32 to vector<16xi32>
        %select_n3A_1037 = arith.select %and3A_1018, %get3A_1034, %broadcast_in_dim3A_1036 : vector<16xi1>, vector<16xi32>
        %swap3A_1038 = arith.constant 64 : index
        %swap3A_1039 = tpu.vector_load %arg7[%swap3A_1038] {strides = array<i32>} : memref<128xi32, #tpu.memory_space<vmem>>, vector<16xi32>,
        %swap3A_1040 = vector.shape_cast %swap3A_1039 : vector<16xi32> to vector<16xi32>
        %swap3A_1041 = vector.shape_cast %select_n3A_1037 : vector<16xi32> to vector<16xi32>
        tpu.vector_store %arg7[%swap3A_1038], %swap3A_1041 {strides = array<i32>} : memref<128xi32, #tpu.memory_space<vmem>>, vector<16xi32>,
        %get3A_1042 = arith.constant 1 : i32
        %get3A_1043 = arith.index_cast %get3A_1042 : i32 to index
        %get3A_1044 = arith.constant 80 : index
        %get3A_1045 = tpu.vector_load %arg6[%get3A_1043, %get3A_1044] {strides = array<i32>} : memref<2x256xi32, #tpu.memory_space<vmem>>, vector<1x16xi32>,
        %get3A_1046 = vector.shape_cast %get3A_1045 : vector<1x16xi32> to vector<16xi32>
        %sub3A_1047 = vector.broadcast %mul3A_0 : i32 to vector<16xi32>
        %sub3A_1048 = arith.subi %get3A_1046, %sub3A_1047 : vector<16xi32>
        %ge3A_1049 = arith.constant 0 : i32
        %ge3A_1050 = vector.broadcast %ge3A_1049 : i32 to vector<16xi32>
        %ge3A_1051 = arith.cmpi sge, %sub3A_1048, %ge3A_1050 : vector<16xi32>
        %lt3A_1052 = arith.constant 10000 : i32
        %lt3A_1053 = vector.broadcast %lt3A_1052 : i32 to vector<16xi32>
        %lt3A_1054 = arith.cmpi slt, %sub3A_1048, %lt3A_1053 : vector<16xi32>
        %and3A_1055 = arith.andi %ge3A_1051, %lt3A_1054 : vector<16xi1>
        %jit3A_1056 = arith.constant -1 : i32
        %broadcast_in_dim3A_1057 = vector.broadcast %jit3A_1056 : i32 to vector<16xi32>
        %select_n3A_1058 = arith.select %and3A_1055, %sub3A_1048, %broadcast_in_dim3A_1057 : vector<16xi1>, vector<16xi32>
        %swap3A_1059 = arith.constant 80 : index
        %swap3A_1060 = tpu.vector_load %arg8[%swap3A_1059] {strides = array<i32>} : memref<128xi32, #tpu.memory_space<vmem>>, vector<16xi32>,
        %swap3A_1061 = vector.shape_cast %swap3A_1060 : vector<16xi32> to vector<16xi32>
        %swap3A_1062 = vector.shape_cast %select_n3A_1058 : vector<16xi32> to vector<16xi32>
        tpu.vector_store %arg8[%swap3A_1059], %swap3A_1062 {strides = array<i32>} : memref<128xi32, #tpu.memory_space<vmem>>, vector<16xi32>,
        %swap3A_1063 = arith.constant 80 : index
        %swap3A_1064 = tpu.vector_load %arg11[%swap3A_1063] {strides = array<i32>} : memref<256xi32, #tpu.memory_space<vmem>>, vector<16xi32>,
        %swap3A_1065 = vector.shape_cast %swap3A_1064 : vector<16xi32> to vector<16xi32>
        %swap3A_1066 = vector.shape_cast %select_n3A_1058 : vector<16xi32> to vector<16xi32>
        tpu.vector_store %arg11[%swap3A_1063], %swap3A_1066 {strides = array<i32>} : memref<256xi32, #tpu.memory_space<vmem>>, vector<16xi32>,
        %get3A_1067 = arith.constant 0 : i32
        %get3A_1068 = arith.index_cast %get3A_1067 : i32 to index
        %get3A_1069 = arith.constant 80 : index
        %get3A_1070 = tpu.vector_load %arg6[%get3A_1068, %get3A_1069] {strides = array<i32>} : memref<2x256xi32, #tpu.memory_space<vmem>>, vector<1x16xi32>,
        %get3A_1071 = vector.shape_cast %get3A_1070 : vector<1x16xi32> to vector<16xi32>
        %jit3A_1072 = arith.constant -1 : i32
        %broadcast_in_dim3A_1073 = vector.broadcast %jit3A_1072 : i32 to vector<16xi32>
        %select_n3A_1074 = arith.select %and3A_1055, %get3A_1071, %broadcast_in_dim3A_1073 : vector<16xi1>, vector<16xi32>
        %swap3A_1075 = arith.constant 80 : index
        %swap3A_1076 = tpu.vector_load %arg7[%swap3A_1075] {strides = array<i32>} : memref<128xi32, #tpu.memory_space<vmem>>, vector<16xi32>,
        %swap3A_1077 = vector.shape_cast %swap3A_1076 : vector<16xi32> to vector<16xi32>
        %swap3A_1078 = vector.shape_cast %select_n3A_1074 : vector<16xi32> to vector<16xi32>
        tpu.vector_store %arg7[%swap3A_1075], %swap3A_1078 {strides = array<i32>} : memref<128xi32, #tpu.memory_space<vmem>>, vector<16xi32>,
        %get3A_1079 = arith.constant 1 : i32
        %get3A_1080 = arith.index_cast %get3A_1079 : i32 to index
        %get3A_1081 = arith.constant 96 : index
        %get3A_1082 = tpu.vector_load %arg6[%get3A_1080, %get3A_1081] {strides = array<i32>} : memref<2x256xi32, #tpu.memory_space<vmem>>, vector<1x16xi32>,
        %get3A_1083 = vector.shape_cast %get3A_1082 : vector<1x16xi32> to vector<16xi32>
        %sub3A_1084 = vector.broadcast %mul3A_0 : i32 to vector<16xi32>
        %sub3A_1085 = arith.subi %get3A_1083, %sub3A_1084 : vector<16xi32>
        %ge3A_1086 = arith.constant 0 : i32
        %ge3A_1087 = vector.broadcast %ge3A_1086 : i32 to vector<16xi32>
        %ge3A_1088 = arith.cmpi sge, %sub3A_1085, %ge3A_1087 : vector<16xi32>
        %lt3A_1089 = arith.constant 10000 : i32
        %lt3A_1090 = vector.broadcast %lt3A_1089 : i32 to vector<16xi32>
        %lt3A_1091 = arith.cmpi slt, %sub3A_1085, %lt3A_1090 : vector<16xi32>
        %and3A_1092 = arith.andi %ge3A_1088, %lt3A_1091 : vector<16xi1>
        %jit3A_1093 = arith.constant -1 : i32
        %broadcast_in_dim3A_1094 = vector.broadcast %jit3A_1093 : i32 to vector<16xi32>
        %select_n3A_1095 = arith.select %and3A_1092, %sub3A_1085, %broadcast_in_dim3A_1094 : vector<16xi1>, vector<16xi32>
        %swap3A_1096 = arith.constant 96 : index
        %swap3A_1097 = tpu.vector_load %arg8[%swap3A_1096] {strides = array<i32>} : memref<128xi32, #tpu.memory_space<vmem>>, vector<16xi32>,
        %swap3A_1098 = vector.shape_cast %swap3A_1097 : vector<16xi32> to vector<16xi32>
        %swap3A_1099 = vector.shape_cast %select_n3A_1095 : vector<16xi32> to vector<16xi32>
        tpu.vector_store %arg8[%swap3A_1096], %swap3A_1099 {strides = array<i32>} : memref<128xi32, #tpu.memory_space<vmem>>, vector<16xi32>,
        %swap3A_1100 = arith.constant 96 : index
        %swap3A_1101 = tpu.vector_load %arg11[%swap3A_1100] {strides = array<i32>} : memref<256xi32, #tpu.memory_space<vmem>>, vector<16xi32>,
        %swap3A_1102 = vector.shape_cast %swap3A_1101 : vector<16xi32> to vector<16xi32>
        %swap3A_1103 = vector.shape_cast %select_n3A_1095 : vector<16xi32> to vector<16xi32>
        tpu.vector_store %arg11[%swap3A_1100], %swap3A_1103 {strides = array<i32>} : memref<256xi32, #tpu.memory_space<vmem>>, vector<16xi32>,
        %get3A_1104 = arith.constant 0 : i32
        %get3A_1105 = arith.index_cast %get3A_1104 : i32 to index
        %get3A_1106 = arith.constant 96 : index
        %get3A_1107 = tpu.vector_load %arg6[%get3A_1105, %get3A_1106] {strides = array<i32>} : memref<2x256xi32, #tpu.memory_space<vmem>>, vector<1x16xi32>,
        %get3A_1108 = vector.shape_cast %get3A_1107 : vector<1x16xi32> to vector<16xi32>
        %jit3A_1109 = arith.constant -1 : i32
        %broadcast_in_dim3A_1110 = vector.broadcast %jit3A_1109 : i32 to vector<16xi32>
        %select_n3A_1111 = arith.select %and3A_1092, %get3A_1108, %broadcast_in_dim3A_1110 : vector<16xi1>, vector<16xi32>
        %swap3A_1112 = arith.constant 96 : index
        %swap3A_1113 = tpu.vector_load %arg7[%swap3A_1112] {strides = array<i32>} : memref<128xi32, #tpu.memory_space<vmem>>, vector<16xi32>,
        %swap3A_1114 = vector.shape_cast %swap3A_1113 : vector<16xi32> to vector<16xi32>
        %swap3A_1115 = vector.shape_cast %select_n3A_1111 : vector<16xi32> to vector<16xi32>
        tpu.vector_store %arg7[%swap3A_1112], %swap3A_1115 {strides = array<i32>} : memref<128xi32, #tpu.memory_space<vmem>>, vector<16xi32>,
        %get3A_1116 = arith.constant 1 : i32
        %get3A_1117 = arith.index_cast %get3A_1116 : i32 to index
        %get3A_1118 = arith.constant 112 : index
        %get3A_1119 = tpu.vector_load %arg6[%get3A_1117, %get3A_1118] {strides = array<i32>} : memref<2x256xi32, #tpu.memory_space<vmem>>, vector<1x16xi32>,
        %get3A_1120 = vector.shape_cast %get3A_1119 : vector<1x16xi32> to vector<16xi32>
        %sub3A_1121 = vector.broadcast %mul3A_0 : i32 to vector<16xi32>
        %sub3A_1122 = arith.subi %get3A_1120, %sub3A_1121 : vector<16xi32>
        %ge3A_1123 = arith.constant 0 : i32
        %ge3A_1124 = vector.broadcast %ge3A_1123 : i32 to vector<16xi32>
        %ge3A_1125 = arith.cmpi sge, %sub3A_1122, %ge3A_1124 : vector<16xi32>
        %lt3A_1126 = arith.constant 10000 : i32
        %lt3A_1127 = vector.broadcast %lt3A_1126 : i32 to vector<16xi32>
        %lt3A_1128 = arith.cmpi slt, %sub3A_1122, %lt3A_1127 : vector<16xi32>
        %and3A_1129 = arith.andi %ge3A_1125, %lt3A_1128 : vector<16xi1>
        %jit3A_1130 = arith.constant -1 : i32
        %broadcast_in_dim3A_1131 = vector.broadcast %jit3A_1130 : i32 to vector<16xi32>
        %select_n3A_1132 = arith.select %and3A_1129, %sub3A_1122, %broadcast_in_dim3A_1131 : vector<16xi1>, vector<16xi32>
        %swap3A_1133 = arith.constant 112 : index
        %swap3A_1134 = tpu.vector_load %arg8[%swap3A_1133] {strides = array<i32>} : memref<128xi32, #tpu.memory_space<vmem>>, vector<16xi32>,
        %swap3A_1135 = vector.shape_cast %swap3A_1134 : vector<16xi32> to vector<16xi32>
        %swap3A_1136 = vector.shape_cast %select_n3A_1132 : vector<16xi32> to vector<16xi32>
        tpu.vector_store %arg8[%swap3A_1133], %swap3A_1136 {strides = array<i32>} : memref<128xi32, #tpu.memory_space<vmem>>, vector<16xi32>,
        %swap3A_1137 = arith.constant 112 : index
        %swap3A_1138 = tpu.vector_load %arg11[%swap3A_1137] {strides = array<i32>} : memref<256xi32, #tpu.memory_space<vmem>>, vector<16xi32>,
        %swap3A_1139 = vector.shape_cast %swap3A_1138 : vector<16xi32> to vector<16xi32>
        %swap3A_1140 = vector.shape_cast %select_n3A_1132 : vector<16xi32> to vector<16xi32>
        tpu.vector_store %arg11[%swap3A_1137], %swap3A_1140 {strides = array<i32>} : memref<256xi32, #tpu.memory_space<vmem>>, vector<16xi32>,
        %get3A_1141 = arith.constant 0 : i32
        %get3A_1142 = arith.index_cast %get3A_1141 : i32 to index
        %get3A_1143 = arith.constant 112 : index
        %get3A_1144 = tpu.vector_load %arg6[%get3A_1142, %get3A_1143] {strides = array<i32>} : memref<2x256xi32, #tpu.memory_space<vmem>>, vector<1x16xi32>,
        %get3A_1145 = vector.shape_cast %get3A_1144 : vector<1x16xi32> to vector<16xi32>
        %jit3A_1146 = arith.constant -1 : i32
        %broadcast_in_dim3A_1147 = vector.broadcast %jit3A_1146 : i32 to vector<16xi32>
        %select_n3A_1148 = arith.select %and3A_1129, %get3A_1145, %broadcast_in_dim3A_1147 : vector<16xi1>, vector<16xi32>
        %swap3A_1149 = arith.constant 112 : index
        %swap3A_1150 = tpu.vector_load %arg7[%swap3A_1149] {strides = array<i32>} : memref<128xi32, #tpu.memory_space<vmem>>, vector<16xi32>,
        %swap3A_1151 = vector.shape_cast %swap3A_1150 : vector<16xi32> to vector<16xi32>
        %swap3A_1152 = vector.shape_cast %select_n3A_1148 : vector<16xi32> to vector<16xi32>
        tpu.vector_store %arg7[%swap3A_1149], %swap3A_1152 {strides = array<i32>} : memref<128xi32, #tpu.memory_space<vmem>>, vector<16xi32>,
        %dma_start3A_1153 = arith.constant 0 : i32
        %dma_start3A_1154 = arith.constant 0 : i32
        %dma_start3A_1155 = tpu.memref_slice %arg2[%dma_start3A_1153, %dma_start3A_1154] : memref<100000x128xf32, #tpu.memory_space<hbm>> -> memref<100000x128xf32, #tpu.memory_space<hbm>>
        %dma_start3A_1156 = arith.constant -1 : i32
        tpu.enqueue_indirect_dma source(%dma_start3A_1155 : memref<100000x128xf32, #tpu.memory_space<hbm>>) target(%arg12 : memref<128x128xf32, #tpu.memory_space<vmem>>) offsets(%arg7 : memref<128xi32, #tpu.memory_space<vmem>>) offset_filter(%dma_start3A_1156) semaphore(%arg20 : memref<!tpu.dma_semaphore, #tpu.memory_space<semaphore_mem>>)
      } else {
      }
      %dma_wait3A_845 = arith.constant 0 : i32
      %dma_wait3A_846 = arith.constant 0 : i32
      %dma_wait3A_847 = tpu.memref_slice %arg2[%dma_wait3A_845, %dma_wait3A_846] : memref<100000x128xf32, #tpu.memory_space<hbm>> -> memref<100000x128xf32, #tpu.memory_space<hbm>>
      tpu.wait_indirect_dma semaphore(%arg21 : memref<!tpu.dma_semaphore, #tpu.memory_space<semaphore_mem>>) src(%dma_wait3A_847 : memref<100000x128xf32, #tpu.memory_space<hbm>>) dst(%arg13 : memref<128x128xf32, #tpu.memory_space<vmem>>)
      %dma_start3A_848 = arith.constant 0 : i32
      %dma_start3A_849 = arith.constant 0 : i32
      %dma_start3A_850 = tpu.memref_slice %arg18[%dma_start3A_848, %dma_start3A_849] : memref<10000x128xf32, #tpu.memory_space<vmem_shared>> -> memref<10000x128xf32, #tpu.memory_space<vmem_shared>>
      %dma_start3A_851 = arith.constant -1 : i32
      tpu.enqueue_indirect_dma source(%arg13 : memref<128x128xf32, #tpu.memory_space<vmem>>) target(%dma_start3A_850 : memref<10000x128xf32, #tpu.memory_space<vmem_shared>>) offsets(%arg10 : memref<128xi32, #tpu.memory_space<vmem>>) offset_filter(%dma_start3A_851) semaphore(%arg23 : memref<!tpu.dma_semaphore, #tpu.memory_space<semaphore_mem>>) {add = true}
    }
    %while3A_808 = arith.constant 1 : i32
    scf.for %while3A_819 = %while3A_806 to %while3A_802 step %while3A_808  : i32 {
      %gt3A = arith.cmpi sgt, %while3A_819, %select_n3A_173 : i32
      %convert_element_type3A_820 = arith.extui %gt3A : i1 to i32
      %cond3A_821 = arith.constant 0 : i32
      %cond3A_822 = arith.cmpi ne, %convert_element_type3A_820, %cond3A_821 : i32
      scf.if %cond3A_822 {
        %dma_wait3A_852 = arith.constant 0 : i32
        %dma_wait3A_853 = arith.constant 0 : i32
        %dma_wait3A_854 = tpu.memref_slice %arg18[%dma_wait3A_852, %dma_wait3A_853] : memref<10000x128xf32, #tpu.memory_space<vmem_shared>> -> memref<10000x128xf32, #tpu.memory_space<vmem_shared>>
        tpu.wait_indirect_dma semaphore(%arg23 : memref<!tpu.dma_semaphore, #tpu.memory_space<semaphore_mem>>) src(%arg13 : memref<128x128xf32, #tpu.memory_space<vmem>>) dst(%dma_wait3A_854 : memref<10000x128xf32, #tpu.memory_space<vmem_shared>>)
        %get3A_855 = arith.constant 1 : i32
        %get3A_856 = arith.index_cast %get3A_855 : i32 to index
        %get3A_857 = arith.constant 128 : index
        %get3A_858 = tpu.vector_load %arg6[%get3A_856, %get3A_857] {strides = array<i32>} : memref<2x256xi32, #tpu.memory_space<vmem>>, vector<1x16xi32>,
        %get3A_859 = vector.shape_cast %get3A_858 : vector<1x16xi32> to vector<16xi32>
        %sub3A_860 = vector.broadcast %mul3A_0 : i32 to vector<16xi32>
        %sub3A_861 = arith.subi %get3A_859, %sub3A_860 : vector<16xi32>
        %ge3A_862 = arith.constant 0 : i32
        %ge3A_863 = vector.broadcast %ge3A_862 : i32 to vector<16xi32>
        %ge3A_864 = arith.cmpi sge, %sub3A_861, %ge3A_863 : vector<16xi32>
        %lt3A_865 = arith.constant 10000 : i32
        %lt3A_866 = vector.broadcast %lt3A_865 : i32 to vector<16xi32>
        %lt3A_867 = arith.cmpi slt, %sub3A_861, %lt3A_866 : vector<16xi32>
        %and3A_868 = arith.andi %ge3A_864, %lt3A_867 : vector<16xi1>
        %jit3A_869 = arith.constant -1 : i32
        %broadcast_in_dim3A_870 = vector.broadcast %jit3A_869 : i32 to vector<16xi32>
        %select_n3A_871 = arith.select %and3A_868, %sub3A_861, %broadcast_in_dim3A_870 : vector<16xi1>, vector<16xi32>
        %swap3A_872 = arith.constant 0 : index
        %swap3A_873 = tpu.vector_load %arg10[%swap3A_872] {strides = array<i32>} : memref<128xi32, #tpu.memory_space<vmem>>, vector<16xi32>,
        %swap3A_874 = vector.shape_cast %swap3A_873 : vector<16xi32> to vector<16xi32>
        %swap3A_875 = vector.shape_cast %select_n3A_871 : vector<16xi32> to vector<16xi32>
        tpu.vector_store %arg10[%swap3A_872], %swap3A_875 {strides = array<i32>} : memref<128xi32, #tpu.memory_space<vmem>>, vector<16xi32>,
        %swap3A_876 = arith.constant 128 : index
        %swap3A_877 = tpu.vector_load %arg11[%swap3A_876] {strides = array<i32>} : memref<256xi32, #tpu.memory_space<vmem>>, vector<16xi32>,
        %swap3A_878 = vector.shape_cast %swap3A_877 : vector<16xi32> to vector<16xi32>
        %swap3A_879 = vector.shape_cast %select_n3A_871 : vector<16xi32> to vector<16xi32>
        tpu.vector_store %arg11[%swap3A_876], %swap3A_879 {strides = array<i32>} : memref<256xi32, #tpu.memory_space<vmem>>, vector<16xi32>,
        %get3A_880 = arith.constant 0 : i32
        %get3A_881 = arith.index_cast %get3A_880 : i32 to index
        %get3A_882 = arith.constant 128 : index
        %get3A_883 = tpu.vector_load %arg6[%get3A_881, %get3A_882] {strides = array<i32>} : memref<2x256xi32, #tpu.memory_space<vmem>>, vector<1x16xi32>,
        %get3A_884 = vector.shape_cast %get3A_883 : vector<1x16xi32> to vector<16xi32>
        %jit3A_885 = arith.constant -1 : i32
        %broadcast_in_dim3A_886 = vector.broadcast %jit3A_885 : i32 to vector<16xi32>
        %select_n3A_887 = arith.select %and3A_868, %get3A_884, %broadcast_in_dim3A_886 : vector<16xi1>, vector<16xi32>
        %swap3A_888 = arith.constant 0 : index
        %swap3A_889 = tpu.vector_load %arg9[%swap3A_888] {strides = array<i32>} : memref<128xi32, #tpu.memory_space<vmem>>, vector<16xi32>,
        %swap3A_890 = vector.shape_cast %swap3A_889 : vector<16xi32> to vector<16xi32>
        %swap3A_891 = vector.shape_cast %select_n3A_887 : vector<16xi32> to vector<16xi32>
        tpu.vector_store %arg9[%swap3A_888], %swap3A_891 {strides = array<i32>} : memref<128xi32, #tpu.memory_space<vmem>>, vector<16xi32>,
        %get3A_892 = arith.constant 1 : i32
        %get3A_893 = arith.index_cast %get3A_892 : i32 to index
        %get3A_894 = arith.constant 144 : index
        %get3A_895 = tpu.vector_load %arg6[%get3A_893, %get3A_894] {strides = array<i32>} : memref<2x256xi32, #tpu.memory_space<vmem>>, vector<1x16xi32>,
        %get3A_896 = vector.shape_cast %get3A_895 : vector<1x16xi32> to vector<16xi32>
        %sub3A_897 = vector.broadcast %mul3A_0 : i32 to vector<16xi32>
        %sub3A_898 = arith.subi %get3A_896, %sub3A_897 : vector<16xi32>
        %ge3A_899 = arith.constant 0 : i32
        %ge3A_900 = vector.broadcast %ge3A_899 : i32 to vector<16xi32>
        %ge3A_901 = arith.cmpi sge, %sub3A_898, %ge3A_900 : vector<16xi32>
        %lt3A_902 = arith.constant 10000 : i32
        %lt3A_903 = vector.broadcast %lt3A_902 : i32 to vector<16xi32>
        %lt3A_904 = arith.cmpi slt, %sub3A_898, %lt3A_903 : vector<16xi32>
        %and3A_905 = arith.andi %ge3A_901, %lt3A_904 : vector<16xi1>
        %jit3A_906 = arith.constant -1 : i32
        %broadcast_in_dim3A_907 = vector.broadcast %jit3A_906 : i32 to vector<16xi32>
        %select_n3A_908 = arith.select %and3A_905, %sub3A_898, %broadcast_in_dim3A_907 : vector<16xi1>, vector<16xi32>
        %swap3A_909 = arith.constant 16 : index
        %swap3A_910 = tpu.vector_load %arg10[%swap3A_909] {strides = array<i32>} : memref<128xi32, #tpu.memory_space<vmem>>, vector<16xi32>,
        %swap3A_911 = vector.shape_cast %swap3A_910 : vector<16xi32> to vector<16xi32>
        %swap3A_912 = vector.shape_cast %select_n3A_908 : vector<16xi32> to vector<16xi32>
        tpu.vector_store %arg10[%swap3A_909], %swap3A_912 {strides = array<i32>} : memref<128xi32, #tpu.memory_space<vmem>>, vector<16xi32>,
        %swap3A_913 = arith.constant 144 : index
        %swap3A_914 = tpu.vector_load %arg11[%swap3A_913] {strides = array<i32>} : memref<256xi32, #tpu.memory_space<vmem>>, vector<16xi32>,
        %swap3A_915 = vector.shape_cast %swap3A_914 : vector<16xi32> to vector<16xi32>
        %swap3A_916 = vector.shape_cast %select_n3A_908 : vector<16xi32> to vector<16xi32>
        tpu.vector_store %arg11[%swap3A_913], %swap3A_916 {strides = array<i32>} : memref<256xi32, #tpu.memory_space<vmem>>, vector<16xi32>,
        %get3A_917 = arith.constant 0 : i32
        %get3A_918 = arith.index_cast %get3A_917 : i32 to index
        %get3A_919 = arith.constant 144 : index
        %get3A_920 = tpu.vector_load %arg6[%get3A_918, %get3A_919] {strides = array<i32>} : memref<2x256xi32, #tpu.memory_space<vmem>>, vector<1x16xi32>,
        %get3A_921 = vector.shape_cast %get3A_920 : vector<1x16xi32> to vector<16xi32>
        %jit3A_922 = arith.constant -1 : i32
        %broadcast_in_dim3A_923 = vector.broadcast %jit3A_922 : i32 to vector<16xi32>
        %select_n3A_924 = arith.select %and3A_905, %get3A_921, %broadcast_in_dim3A_923 : vector<16xi1>, vector<16xi32>
        %swap3A_925 = arith.constant 16 : index
        %swap3A_926 = tpu.vector_load %arg9[%swap3A_925] {strides = array<i32>} : memref<128xi32, #tpu.memory_space<vmem>>, vector<16xi32>,
        %swap3A_927 = vector.shape_cast %swap3A_926 : vector<16xi32> to vector<16xi32>
        %swap3A_928 = vector.shape_cast %select_n3A_924 : vector<16xi32> to vector<16xi32>
        tpu.vector_store %arg9[%swap3A_925], %swap3A_928 {strides = array<i32>} : memref<128xi32, #tpu.memory_space<vmem>>, vector<16xi32>,
        %get3A_929 = arith.constant 1 : i32
        %get3A_930 = arith.index_cast %get3A_929 : i32 to index
        %get3A_931 = arith.constant 160 : index
        %get3A_932 = tpu.vector_load %arg6[%get3A_930, %get3A_931] {strides = array<i32>} : memref<2x256xi32, #tpu.memory_space<vmem>>, vector<1x16xi32>,
        %get3A_933 = vector.shape_cast %get3A_932 : vector<1x16xi32> to vector<16xi32>
        %sub3A_934 = vector.broadcast %mul3A_0 : i32 to vector<16xi32>
        %sub3A_935 = arith.subi %get3A_933, %sub3A_934 : vector<16xi32>
        %ge3A_936 = arith.constant 0 : i32
        %ge3A_937 = vector.broadcast %ge3A_936 : i32 to vector<16xi32>
        %ge3A_938 = arith.cmpi sge, %sub3A_935, %ge3A_937 : vector<16xi32>
        %lt3A_939 = arith.constant 10000 : i32
        %lt3A_940 = vector.broadcast %lt3A_939 : i32 to vector<16xi32>
        %lt3A_941 = arith.cmpi slt, %sub3A_935, %lt3A_940 : vector<16xi32>
        %and3A_942 = arith.andi %ge3A_938, %lt3A_941 : vector<16xi1>
        %jit3A_943 = arith.constant -1 : i32
        %broadcast_in_dim3A_944 = vector.broadcast %jit3A_943 : i32 to vector<16xi32>
        %select_n3A_945 = arith.select %and3A_942, %sub3A_935, %broadcast_in_dim3A_944 : vector<16xi1>, vector<16xi32>
        %swap3A_946 = arith.constant 32 : index
        %swap3A_947 = tpu.vector_load %arg10[%swap3A_946] {strides = array<i32>} : memref<128xi32, #tpu.memory_space<vmem>>, vector<16xi32>,
        %swap3A_948 = vector.shape_cast %swap3A_947 : vector<16xi32> to vector<16xi32>
        %swap3A_949 = vector.shape_cast %select_n3A_945 : vector<16xi32> to vector<16xi32>
        tpu.vector_store %arg10[%swap3A_946], %swap3A_949 {strides = array<i32>} : memref<128xi32, #tpu.memory_space<vmem>>, vector<16xi32>,
        %swap3A_950 = arith.constant 160 : index
        %swap3A_951 = tpu.vector_load %arg11[%swap3A_950] {strides = array<i32>} : memref<256xi32, #tpu.memory_space<vmem>>, vector<16xi32>,
        %swap3A_952 = vector.shape_cast %swap3A_951 : vector<16xi32> to vector<16xi32>
        %swap3A_953 = vector.shape_cast %select_n3A_945 : vector<16xi32> to vector<16xi32>
        tpu.vector_store %arg11[%swap3A_950], %swap3A_953 {strides = array<i32>} : memref<256xi32, #tpu.memory_space<vmem>>, vector<16xi32>,
        %get3A_954 = arith.constant 0 : i32
        %get3A_955 = arith.index_cast %get3A_954 : i32 to index
        %get3A_956 = arith.constant 160 : index
        %get3A_957 = tpu.vector_load %arg6[%get3A_955, %get3A_956] {strides = array<i32>} : memref<2x256xi32, #tpu.memory_space<vmem>>, vector<1x16xi32>,
        %get3A_958 = vector.shape_cast %get3A_957 : vector<1x16xi32> to vector<16xi32>
        %jit3A_959 = arith.constant -1 : i32
        %broadcast_in_dim3A_960 = vector.broadcast %jit3A_959 : i32 to vector<16xi32>
        %select_n3A_961 = arith.select %and3A_942, %get3A_958, %broadcast_in_dim3A_960 : vector<16xi1>, vector<16xi32>
        %swap3A_962 = arith.constant 32 : index
        %swap3A_963 = tpu.vector_load %arg9[%swap3A_962] {strides = array<i32>} : memref<128xi32, #tpu.memory_space<vmem>>, vector<16xi32>,
        %swap3A_964 = vector.shape_cast %swap3A_963 : vector<16xi32> to vector<16xi32>
        %swap3A_965 = vector.shape_cast %select_n3A_961 : vector<16xi32> to vector<16xi32>
        tpu.vector_store %arg9[%swap3A_962], %swap3A_965 {strides = array<i32>} : memref<128xi32, #tpu.memory_space<vmem>>, vector<16xi32>,
        %get3A_966 = arith.constant 1 : i32
        %get3A_967 = arith.index_cast %get3A_966 : i32 to index
        %get3A_968 = arith.constant 176 : index
        %get3A_969 = tpu.vector_load %arg6[%get3A_967, %get3A_968] {strides = array<i32>} : memref<2x256xi32, #tpu.memory_space<vmem>>, vector<1x16xi32>,
        %get3A_970 = vector.shape_cast %get3A_969 : vector<1x16xi32> to vector<16xi32>
        %sub3A_971 = vector.broadcast %mul3A_0 : i32 to vector<16xi32>
        %sub3A_972 = arith.subi %get3A_970, %sub3A_971 : vector<16xi32>
        %ge3A_973 = arith.constant 0 : i32
        %ge3A_974 = vector.broadcast %ge3A_973 : i32 to vector<16xi32>
        %ge3A_975 = arith.cmpi sge, %sub3A_972, %ge3A_974 : vector<16xi32>
        %lt3A_976 = arith.constant 10000 : i32
        %lt3A_977 = vector.broadcast %lt3A_976 : i32 to vector<16xi32>
        %lt3A_978 = arith.cmpi slt, %sub3A_972, %lt3A_977 : vector<16xi32>
        %and3A_979 = arith.andi %ge3A_975, %lt3A_978 : vector<16xi1>
        %jit3A_980 = arith.constant -1 : i32
        %broadcast_in_dim3A_981 = vector.broadcast %jit3A_980 : i32 to vector<16xi32>
        %select_n3A_982 = arith.select %and3A_979, %sub3A_972, %broadcast_in_dim3A_981 : vector<16xi1>, vector<16xi32>
        %swap3A_983 = arith.constant 48 : index
        %swap3A_984 = tpu.vector_load %arg10[%swap3A_983] {strides = array<i32>} : memref<128xi32, #tpu.memory_space<vmem>>, vector<16xi32>,
        %swap3A_985 = vector.shape_cast %swap3A_984 : vector<16xi32> to vector<16xi32>
        %swap3A_986 = vector.shape_cast %select_n3A_982 : vector<16xi32> to vector<16xi32>
        tpu.vector_store %arg10[%swap3A_983], %swap3A_986 {strides = array<i32>} : memref<128xi32, #tpu.memory_space<vmem>>, vector<16xi32>,
        %swap3A_987 = arith.constant 176 : index
        %swap3A_988 = tpu.vector_load %arg11[%swap3A_987] {strides = array<i32>} : memref<256xi32, #tpu.memory_space<vmem>>, vector<16xi32>,
        %swap3A_989 = vector.shape_cast %swap3A_988 : vector<16xi32> to vector<16xi32>
        %swap3A_990 = vector.shape_cast %select_n3A_982 : vector<16xi32> to vector<16xi32>
        tpu.vector_store %arg11[%swap3A_987], %swap3A_990 {strides = array<i32>} : memref<256xi32, #tpu.memory_space<vmem>>, vector<16xi32>,
        %get3A_991 = arith.constant 0 : i32
        %get3A_992 = arith.index_cast %get3A_991 : i32 to index
        %get3A_993 = arith.constant 176 : index
        %get3A_994 = tpu.vector_load %arg6[%get3A_992, %get3A_993] {strides = array<i32>} : memref<2x256xi32, #tpu.memory_space<vmem>>, vector<1x16xi32>,
        %get3A_995 = vector.shape_cast %get3A_994 : vector<1x16xi32> to vector<16xi32>
        %jit3A_996 = arith.constant -1 : i32
        %broadcast_in_dim3A_997 = vector.broadcast %jit3A_996 : i32 to vector<16xi32>
        %select_n3A_998 = arith.select %and3A_979, %get3A_995, %broadcast_in_dim3A_997 : vector<16xi1>, vector<16xi32>
        %swap3A_999 = arith.constant 48 : index
        %swap3A_1000 = tpu.vector_load %arg9[%swap3A_999] {strides = array<i32>} : memref<128xi32, #tpu.memory_space<vmem>>, vector<16xi32>,
        %swap3A_1001 = vector.shape_cast %swap3A_1000 : vector<16xi32> to vector<16xi32>
        %swap3A_1002 = vector.shape_cast %select_n3A_998 : vector<16xi32> to vector<16xi32>
        tpu.vector_store %arg9[%swap3A_999], %swap3A_1002 {strides = array<i32>} : memref<128xi32, #tpu.memory_space<vmem>>, vector<16xi32>,
        %get3A_1003 = arith.constant 1 : i32
        %get3A_1004 = arith.index_cast %get3A_1003 : i32 to index
        %get3A_1005 = arith.constant 192 : index
        %get3A_1006 = tpu.vector_load %arg6[%get3A_1004, %get3A_1005] {strides = array<i32>} : memref<2x256xi32, #tpu.memory_space<vmem>>, vector<1x16xi32>,
        %get3A_1007 = vector.shape_cast %get3A_1006 : vector<1x16xi32> to vector<16xi32>
        %sub3A_1008 = vector.broadcast %mul3A_0 : i32 to vector<16xi32>
        %sub3A_1009 = arith.subi %get3A_1007, %sub3A_1008 : vector<16xi32>
        %ge3A_1010 = arith.constant 0 : i32
        %ge3A_1011 = vector.broadcast %ge3A_1010 : i32 to vector<16xi32>
        %ge3A_1012 = arith.cmpi sge, %sub3A_1009, %ge3A_1011 : vector<16xi32>
        %lt3A_1013 = arith.constant 10000 : i32
        %lt3A_1014 = vector.broadcast %lt3A_1013 : i32 to vector<16xi32>
        %lt3A_1015 = arith.cmpi slt, %sub3A_1009, %lt3A_1014 : vector<16xi32>
        %and3A_1016 = arith.andi %ge3A_1012, %lt3A_1015 : vector<16xi1>
        %jit3A_1017 = arith.constant -1 : i32
        %broadcast_in_dim3A_1018 = vector.broadcast %jit3A_1017 : i32 to vector<16xi32>
        %select_n3A_1019 = arith.select %and3A_1016, %sub3A_1009, %broadcast_in_dim3A_1018 : vector<16xi1>, vector<16xi32>
        %swap3A_1020 = arith.constant 64 : index
        %swap3A_1021 = tpu.vector_load %arg10[%swap3A_1020] {strides = array<i32>} : memref<128xi32, #tpu.memory_space<vmem>>, vector<16xi32>,
        %swap3A_1022 = vector.shape_cast %swap3A_1021 : vector<16xi32> to vector<16xi32>
        %swap3A_1023 = vector.shape_cast %select_n3A_1019 : vector<16xi32> to vector<16xi32>
        tpu.vector_store %arg10[%swap3A_1020], %swap3A_1023 {strides = array<i32>} : memref<128xi32, #tpu.memory_space<vmem>>, vector<16xi32>,
        %swap3A_1024 = arith.constant 192 : index
        %swap3A_1025 = tpu.vector_load %arg11[%swap3A_1024] {strides = array<i32>} : memref<256xi32, #tpu.memory_space<vmem>>, vector<16xi32>,
        %swap3A_1026 = vector.shape_cast %swap3A_1025 : vector<16xi32> to vector<16xi32>
        %swap3A_1027 = vector.shape_cast %select_n3A_1019 : vector<16xi32> to vector<16xi32>
        tpu.vector_store %arg11[%swap3A_1024], %swap3A_1027 {strides = array<i32>} : memref<256xi32, #tpu.memory_space<vmem>>, vector<16xi32>,
        %get3A_1028 = arith.constant 0 : i32
        %get3A_1029 = arith.index_cast %get3A_1028 : i32 to index
        %get3A_1030 = arith.constant 192 : index
        %get3A_1031 = tpu.vector_load %arg6[%get3A_1029, %get3A_1030] {strides = array<i32>} : memref<2x256xi32, #tpu.memory_space<vmem>>, vector<1x16xi32>,
        %get3A_1032 = vector.shape_cast %get3A_1031 : vector<1x16xi32> to vector<16xi32>
        %jit3A_1033 = arith.constant -1 : i32
        %broadcast_in_dim3A_1034 = vector.broadcast %jit3A_1033 : i32 to vector<16xi32>
        %select_n3A_1035 = arith.select %and3A_1016, %get3A_1032, %broadcast_in_dim3A_1034 : vector<16xi1>, vector<16xi32>
        %swap3A_1036 = arith.constant 64 : index
        %swap3A_1037 = tpu.vector_load %arg9[%swap3A_1036] {strides = array<i32>} : memref<128xi32, #tpu.memory_space<vmem>>, vector<16xi32>,
        %swap3A_1038 = vector.shape_cast %swap3A_1037 : vector<16xi32> to vector<16xi32>
        %swap3A_1039 = vector.shape_cast %select_n3A_1035 : vector<16xi32> to vector<16xi32>
        tpu.vector_store %arg9[%swap3A_1036], %swap3A_1039 {strides = array<i32>} : memref<128xi32, #tpu.memory_space<vmem>>, vector<16xi32>,
        %get3A_1040 = arith.constant 1 : i32
        %get3A_1041 = arith.index_cast %get3A_1040 : i32 to index
        %get3A_1042 = arith.constant 208 : index
        %get3A_1043 = tpu.vector_load %arg6[%get3A_1041, %get3A_1042] {strides = array<i32>} : memref<2x256xi32, #tpu.memory_space<vmem>>, vector<1x16xi32>,
        %get3A_1044 = vector.shape_cast %get3A_1043 : vector<1x16xi32> to vector<16xi32>
        %sub3A_1045 = vector.broadcast %mul3A_0 : i32 to vector<16xi32>
        %sub3A_1046 = arith.subi %get3A_1044, %sub3A_1045 : vector<16xi32>
        %ge3A_1047 = arith.constant 0 : i32
        %ge3A_1048 = vector.broadcast %ge3A_1047 : i32 to vector<16xi32>
        %ge3A_1049 = arith.cmpi sge, %sub3A_1046, %ge3A_1048 : vector<16xi32>
        %lt3A_1050 = arith.constant 10000 : i32
        %lt3A_1051 = vector.broadcast %lt3A_1050 : i32 to vector<16xi32>
        %lt3A_1052 = arith.cmpi slt, %sub3A_1046, %lt3A_1051 : vector<16xi32>
        %and3A_1053 = arith.andi %ge3A_1049, %lt3A_1052 : vector<16xi1>
        %jit3A_1054 = arith.constant -1 : i32
        %broadcast_in_dim3A_1055 = vector.broadcast %jit3A_1054 : i32 to vector<16xi32>
        %select_n3A_1056 = arith.select %and3A_1053, %sub3A_1046, %broadcast_in_dim3A_1055 : vector<16xi1>, vector<16xi32>
        %swap3A_1057 = arith.constant 80 : index
        %swap3A_1058 = tpu.vector_load %arg10[%swap3A_1057] {strides = array<i32>} : memref<128xi32, #tpu.memory_space<vmem>>, vector<16xi32>,
        %swap3A_1059 = vector.shape_cast %swap3A_1058 : vector<16xi32> to vector<16xi32>
        %swap3A_1060 = vector.shape_cast %select_n3A_1056 : vector<16xi32> to vector<16xi32>
        tpu.vector_store %arg10[%swap3A_1057], %swap3A_1060 {strides = array<i32>} : memref<128xi32, #tpu.memory_space<vmem>>, vector<16xi32>,
        %swap3A_1061 = arith.constant 208 : index
        %swap3A_1062 = tpu.vector_load %arg11[%swap3A_1061] {strides = array<i32>} : memref<256xi32, #tpu.memory_space<vmem>>, vector<16xi32>,
        %swap3A_1063 = vector.shape_cast %swap3A_1062 : vector<16xi32> to vector<16xi32>
        %swap3A_1064 = vector.shape_cast %select_n3A_1056 : vector<16xi32> to vector<16xi32>
        tpu.vector_store %arg11[%swap3A_1061], %swap3A_1064 {strides = array<i32>} : memref<256xi32, #tpu.memory_space<vmem>>, vector<16xi32>,
        %get3A_1065 = arith.constant 0 : i32
        %get3A_1066 = arith.index_cast %get3A_1065 : i32 to index
        %get3A_1067 = arith.constant 208 : index
        %get3A_1068 = tpu.vector_load %arg6[%get3A_1066, %get3A_1067] {strides = array<i32>} : memref<2x256xi32, #tpu.memory_space<vmem>>, vector<1x16xi32>,
        %get3A_1069 = vector.shape_cast %get3A_1068 : vector<1x16xi32> to vector<16xi32>
        %jit3A_1070 = arith.constant -1 : i32
        %broadcast_in_dim3A_1071 = vector.broadcast %jit3A_1070 : i32 to vector<16xi32>
        %select_n3A_1072 = arith.select %and3A_1053, %get3A_1069, %broadcast_in_dim3A_1071 : vector<16xi1>, vector<16xi32>
        %swap3A_1073 = arith.constant 80 : index
        %swap3A_1074 = tpu.vector_load %arg9[%swap3A_1073] {strides = array<i32>} : memref<128xi32, #tpu.memory_space<vmem>>, vector<16xi32>,
        %swap3A_1075 = vector.shape_cast %swap3A_1074 : vector<16xi32> to vector<16xi32>
        %swap3A_1076 = vector.shape_cast %select_n3A_1072 : vector<16xi32> to vector<16xi32>
        tpu.vector_store %arg9[%swap3A_1073], %swap3A_1076 {strides = array<i32>} : memref<128xi32, #tpu.memory_space<vmem>>, vector<16xi32>,
        %get3A_1077 = arith.constant 1 : i32
        %get3A_1078 = arith.index_cast %get3A_1077 : i32 to index
        %get3A_1079 = arith.constant 224 : index
        %get3A_1080 = tpu.vector_load %arg6[%get3A_1078, %get3A_1079] {strides = array<i32>} : memref<2x256xi32, #tpu.memory_space<vmem>>, vector<1x16xi32>,
        %get3A_1081 = vector.shape_cast %get3A_1080 : vector<1x16xi32> to vector<16xi32>
        %sub3A_1082 = vector.broadcast %mul3A_0 : i32 to vector<16xi32>
        %sub3A_1083 = arith.subi %get3A_1081, %sub3A_1082 : vector<16xi32>
        %ge3A_1084 = arith.constant 0 : i32
        %ge3A_1085 = vector.broadcast %ge3A_1084 : i32 to vector<16xi32>
        %ge3A_1086 = arith.cmpi sge, %sub3A_1083, %ge3A_1085 : vector<16xi32>
        %lt3A_1087 = arith.constant 10000 : i32
        %lt3A_1088 = vector.broadcast %lt3A_1087 : i32 to vector<16xi32>
        %lt3A_1089 = arith.cmpi slt, %sub3A_1083, %lt3A_1088 : vector<16xi32>
        %and3A_1090 = arith.andi %ge3A_1086, %lt3A_1089 : vector<16xi1>
        %jit3A_1091 = arith.constant -1 : i32
        %broadcast_in_dim3A_1092 = vector.broadcast %jit3A_1091 : i32 to vector<16xi32>
        %select_n3A_1093 = arith.select %and3A_1090, %sub3A_1083, %broadcast_in_dim3A_1092 : vector<16xi1>, vector<16xi32>
        %swap3A_1094 = arith.constant 96 : index
        %swap3A_1095 = tpu.vector_load %arg10[%swap3A_1094] {strides = array<i32>} : memref<128xi32, #tpu.memory_space<vmem>>, vector<16xi32>,
        %swap3A_1096 = vector.shape_cast %swap3A_1095 : vector<16xi32> to vector<16xi32>
        %swap3A_1097 = vector.shape_cast %select_n3A_1093 : vector<16xi32> to vector<16xi32>
        tpu.vector_store %arg10[%swap3A_1094], %swap3A_1097 {strides = array<i32>} : memref<128xi32, #tpu.memory_space<vmem>>, vector<16xi32>,
        %swap3A_1098 = arith.constant 224 : index
        %swap3A_1099 = tpu.vector_load %arg11[%swap3A_1098] {strides = array<i32>} : memref<256xi32, #tpu.memory_space<vmem>>, vector<16xi32>,
        %swap3A_1100 = vector.shape_cast %swap3A_1099 : vector<16xi32> to vector<16xi32>
        %swap3A_1101 = vector.shape_cast %select_n3A_1093 : vector<16xi32> to vector<16xi32>
        tpu.vector_store %arg11[%swap3A_1098], %swap3A_1101 {strides = array<i32>} : memref<256xi32, #tpu.memory_space<vmem>>, vector<16xi32>,
        %get3A_1102 = arith.constant 0 : i32
        %get3A_1103 = arith.index_cast %get3A_1102 : i32 to index
        %get3A_1104 = arith.constant 224 : index
        %get3A_1105 = tpu.vector_load %arg6[%get3A_1103, %get3A_1104] {strides = array<i32>} : memref<2x256xi32, #tpu.memory_space<vmem>>, vector<1x16xi32>,
        %get3A_1106 = vector.shape_cast %get3A_1105 : vector<1x16xi32> to vector<16xi32>
        %jit3A_1107 = arith.constant -1 : i32
        %broadcast_in_dim3A_1108 = vector.broadcast %jit3A_1107 : i32 to vector<16xi32>
        %select_n3A_1109 = arith.select %and3A_1090, %get3A_1106, %broadcast_in_dim3A_1108 : vector<16xi1>, vector<16xi32>
        %swap3A_1110 = arith.constant 96 : index
        %swap3A_1111 = tpu.vector_load %arg9[%swap3A_1110] {strides = array<i32>} : memref<128xi32, #tpu.memory_space<vmem>>, vector<16xi32>,
        %swap3A_1112 = vector.shape_cast %swap3A_1111 : vector<16xi32> to vector<16xi32>
        %swap3A_1113 = vector.shape_cast %select_n3A_1109 : vector<16xi32> to vector<16xi32>
        tpu.vector_store %arg9[%swap3A_1110], %swap3A_1113 {strides = array<i32>} : memref<128xi32, #tpu.memory_space<vmem>>, vector<16xi32>,
        %get3A_1114 = arith.constant 1 : i32
        %get3A_1115 = arith.index_cast %get3A_1114 : i32 to index
        %get3A_1116 = arith.constant 240 : index
        %get3A_1117 = tpu.vector_load %arg6[%get3A_1115, %get3A_1116] {strides = array<i32>} : memref<2x256xi32, #tpu.memory_space<vmem>>, vector<1x16xi32>,
        %get3A_1118 = vector.shape_cast %get3A_1117 : vector<1x16xi32> to vector<16xi32>
        %sub3A_1119 = vector.broadcast %mul3A_0 : i32 to vector<16xi32>
        %sub3A_1120 = arith.subi %get3A_1118, %sub3A_1119 : vector<16xi32>
        %ge3A_1121 = arith.constant 0 : i32
        %ge3A_1122 = vector.broadcast %ge3A_1121 : i32 to vector<16xi32>
        %ge3A_1123 = arith.cmpi sge, %sub3A_1120, %ge3A_1122 : vector<16xi32>
        %lt3A_1124 = arith.constant 10000 : i32
        %lt3A_1125 = vector.broadcast %lt3A_1124 : i32 to vector<16xi32>
        %lt3A_1126 = arith.cmpi slt, %sub3A_1120, %lt3A_1125 : vector<16xi32>
        %and3A_1127 = arith.andi %ge3A_1123, %lt3A_1126 : vector<16xi1>
        %jit3A_1128 = arith.constant -1 : i32
        %broadcast_in_dim3A_1129 = vector.broadcast %jit3A_1128 : i32 to vector<16xi32>
        %select_n3A_1130 = arith.select %and3A_1127, %sub3A_1120, %broadcast_in_dim3A_1129 : vector<16xi1>, vector<16xi32>
        %swap3A_1131 = arith.constant 112 : index
        %swap3A_1132 = tpu.vector_load %arg10[%swap3A_1131] {strides = array<i32>} : memref<128xi32, #tpu.memory_space<vmem>>, vector<16xi32>,
        %swap3A_1133 = vector.shape_cast %swap3A_1132 : vector<16xi32> to vector<16xi32>
        %swap3A_1134 = vector.shape_cast %select_n3A_1130 : vector<16xi32> to vector<16xi32>
        tpu.vector_store %arg10[%swap3A_1131], %swap3A_1134 {strides = array<i32>} : memref<128xi32, #tpu.memory_space<vmem>>, vector<16xi32>,
        %swap3A_1135 = arith.constant 240 : index
        %swap3A_1136 = tpu.vector_load %arg11[%swap3A_1135] {strides = array<i32>} : memref<256xi32, #tpu.memory_space<vmem>>, vector<16xi32>,
        %swap3A_1137 = vector.shape_cast %swap3A_1136 : vector<16xi32> to vector<16xi32>
        %swap3A_1138 = vector.shape_cast %select_n3A_1130 : vector<16xi32> to vector<16xi32>
        tpu.vector_store %arg11[%swap3A_1135], %swap3A_1138 {strides = array<i32>} : memref<256xi32, #tpu.memory_space<vmem>>, vector<16xi32>,
        %get3A_1139 = arith.constant 0 : i32
        %get3A_1140 = arith.index_cast %get3A_1139 : i32 to index
        %get3A_1141 = arith.constant 240 : index
        %get3A_1142 = tpu.vector_load %arg6[%get3A_1140, %get3A_1141] {strides = array<i32>} : memref<2x256xi32, #tpu.memory_space<vmem>>, vector<1x16xi32>,
        %get3A_1143 = vector.shape_cast %get3A_1142 : vector<1x16xi32> to vector<16xi32>
        %jit3A_1144 = arith.constant -1 : i32
        %broadcast_in_dim3A_1145 = vector.broadcast %jit3A_1144 : i32 to vector<16xi32>
        %select_n3A_1146 = arith.select %and3A_1127, %get3A_1143, %broadcast_in_dim3A_1145 : vector<16xi1>, vector<16xi32>
        %swap3A_1147 = arith.constant 112 : index
        %swap3A_1148 = tpu.vector_load %arg9[%swap3A_1147] {strides = array<i32>} : memref<128xi32, #tpu.memory_space<vmem>>, vector<16xi32>,
        %swap3A_1149 = vector.shape_cast %swap3A_1148 : vector<16xi32> to vector<16xi32>
        %swap3A_1150 = vector.shape_cast %select_n3A_1146 : vector<16xi32> to vector<16xi32>
        tpu.vector_store %arg9[%swap3A_1147], %swap3A_1150 {strides = array<i32>} : memref<128xi32, #tpu.memory_space<vmem>>, vector<16xi32>,
        %dma_start3A_1151 = arith.constant 0 : i32
        %dma_start3A_1152 = tpu.memref_slice %arg19[%dma_start3A_1151] : memref<10000xf32, #tpu.memory_space<vmem_shared>> -> memref<10000xf32, #tpu.memory_space<vmem_shared>>
        %dma_start3A_1153 = arith.constant -1 : i32
        tpu.enqueue_indirect_dma source(%arg14 : memref<256xf32, #tpu.memory_space<vmem>>) target(%dma_start3A_1152 : memref<10000xf32, #tpu.memory_space<vmem_shared>>) offsets(%arg11 : memref<256xi32, #tpu.memory_space<vmem>>) offset_filter(%dma_start3A_1153) semaphore(%arg22 : memref<!tpu.dma_semaphore, #tpu.memory_space<semaphore_mem>>) {add = true}
      } else {
      }
      %dma_wait3A_823 = arith.constant 0 : i32
      %dma_wait3A_824 = arith.constant 0 : i32
      %dma_wait3A_825 = tpu.memref_slice %arg2[%dma_wait3A_823, %dma_wait3A_824] : memref<100000x128xf32, #tpu.memory_space<hbm>> -> memref<100000x128xf32, #tpu.memory_space<hbm>>
      tpu.wait_indirect_dma semaphore(%arg20 : memref<!tpu.dma_semaphore, #tpu.memory_space<semaphore_mem>>) src(%dma_wait3A_825 : memref<100000x128xf32, #tpu.memory_space<hbm>>) dst(%arg12 : memref<128x128xf32, #tpu.memory_space<vmem>>)
      %dma_start3A_826 = arith.constant 0 : i32
      %dma_start3A_827 = arith.constant 0 : i32
      %dma_start3A_828 = tpu.memref_slice %arg2[%dma_start3A_826, %dma_start3A_827] : memref<100000x128xf32, #tpu.memory_space<hbm>> -> memref<100000x128xf32, #tpu.memory_space<hbm>>
      %dma_start3A_829 = arith.constant -1 : i32
      tpu.enqueue_indirect_dma source(%dma_start3A_828 : memref<100000x128xf32, #tpu.memory_space<hbm>>) target(%arg13 : memref<128x128xf32, #tpu.memory_space<vmem>>) offsets(%arg9 : memref<128xi32, #tpu.memory_space<vmem>>) offset_filter(%dma_start3A_829) semaphore(%arg21 : memref<!tpu.dma_semaphore, #tpu.memory_space<semaphore_mem>>)
      %dma_start3A_830 = arith.constant 0 : i32
      %dma_start3A_831 = arith.constant 0 : i32
      %dma_start3A_832 = tpu.memref_slice %arg18[%dma_start3A_830, %dma_start3A_831] : memref<10000x128xf32, #tpu.memory_space<vmem_shared>> -> memref<10000x128xf32, #tpu.memory_space<vmem_shared>>
      %dma_start3A_833 = arith.constant -1 : i32
      tpu.enqueue_indirect_dma source(%arg12 : memref<128x128xf32, #tpu.memory_space<vmem>>) target(%dma_start3A_832 : memref<10000x128xf32, #tpu.memory_space<vmem_shared>>) offsets(%arg8 : memref<128xi32, #tpu.memory_space<vmem>>) offset_filter(%dma_start3A_833) semaphore(%arg22 : memref<!tpu.dma_semaphore, #tpu.memory_space<semaphore_mem>>) {add = true}
      %dma_wait3A_834 = arith.constant 0 : i32
      %dma_wait3A_835 = arith.constant 0 : i32
      %dma_wait3A_836 = tpu.memref_slice %arg18[%dma_wait3A_834, %dma_wait3A_835] : memref<10000x128xf32, #tpu.memory_space<vmem_shared>> -> memref<10000x128xf32, #tpu.memory_space<vmem_shared>>
      tpu.wait_indirect_dma semaphore(%arg22 : memref<!tpu.dma_semaphore, #tpu.memory_space<semaphore_mem>>) src(%arg12 : memref<128x128xf32, #tpu.memory_space<vmem>>) dst(%dma_wait3A_836 : memref<10000x128xf32, #tpu.memory_space<vmem_shared>>)
      %dma_wait3A_837 = arith.constant 0 : i32
      %dma_wait3A_838 = tpu.memref_slice %arg19[%dma_wait3A_837] : memref<10000xf32, #tpu.memory_space<vmem_shared>> -> memref<10000xf32, #tpu.memory_space<vmem_shared>>
      tpu.wait_indirect_dma semaphore(%arg22 : memref<!tpu.dma_semaphore, #tpu.memory_space<semaphore_mem>>) src(%arg14 : memref<256xf32, #tpu.memory_space<vmem>>) dst(%dma_wait3A_838 : memref<10000xf32, #tpu.memory_space<vmem_shared>>)
      %add3A_839 = arith.constant 1 : i32
      %add3A_840 = arith.addi %while3A_819, %add3A_839 : i32
      %lt3A_841 = arith.cmpi slt, %add3A_840, %select_n3A_201 : i32
      %convert_element_type3A_842 = arith.extui %lt3A_841 : i1 to i32
      %cond3A_843 = arith.constant 0 : i32
      %cond3A_844 = arith.cmpi ne, %convert_element_type3A_842, %cond3A_843 : i32
      scf.if %cond3A_844 {
        %add3A_852 = arith.constant 1 : i32
        %add3A_853 = arith.addi %while3A_819, %add3A_852 : i32
        %mul3A_854 = arith.constant 256 : i32
        %mul3A_855 = arith.muli %add3A_853, %mul3A_854 : i32
        %multiple_of3A_856 = tpu.assume_multiple %mul3A_855, 256 : i32
        "tpu.region"() ({
          %run_scoped3A = tpu.sem_alloc : memref<!tpu.dma_semaphore, #tpu.memory_space<semaphore_mem>>
          %dma_start3A_1157 = arith.constant 0 : i32
          %dma_start3A_1158 = tpu.memref_slice %arg3[%dma_start3A_1157, %multiple_of3A_856] : memref<2x640000xi32, #tpu.memory_space<hbm>> -> memref<2x256xi32, #tpu.memory_space<hbm>>
          %dma_start3A_1159 = arith.constant 0 : i32
          %dma_start3A_1160 = tpu.memref_slice %arg3[%dma_start3A_1159, %multiple_of3A_856] : memref<2x640000xi32, #tpu.memory_space<hbm>> -> memref<2x256xi32, #tpu.memory_space<hbm>>
          tpu.enqueue_dma source(%dma_start3A_1160 : memref<2x256xi32, #tpu.memory_space<hbm>>) target(%arg6 : memref<2x256xi32, #tpu.memory_space<vmem>>) target_semaphore(%run_scoped3A : memref<!tpu.dma_semaphore, #tpu.memory_space<semaphore_mem>>)
          %dma_wait3A_1161 = arith.constant 0 : i32
          %dma_wait3A_1162 = tpu.memref_slice %arg3[%dma_wait3A_1161, %multiple_of3A_856] : memref<2x640000xi32, #tpu.memory_space<hbm>> -> memref<2x256xi32, #tpu.memory_space<hbm>>
          %dma_wait3A_1163 = arith.constant 0 : i32
          %dma_wait3A_1164 = tpu.memref_slice %arg3[%dma_wait3A_1163, %multiple_of3A_856] : memref<2x640000xi32, #tpu.memory_space<hbm>> -> memref<2x256xi32, #tpu.memory_space<hbm>>
          tpu.wait_dma2 semaphore(%run_scoped3A : memref<!tpu.dma_semaphore, #tpu.memory_space<semaphore_mem>>) src(%dma_wait3A_1164 : memref<2x256xi32, #tpu.memory_space<hbm>>) dst(%arg6 : memref<2x256xi32, #tpu.memory_space<vmem>>)
          tpu.yield
        }) : () -> ()
        %get3A_857 = arith.constant 1 : i32
        %get3A_858 = arith.index_cast %get3A_857 : i32 to index
        %get3A_859 = arith.constant 0 : index
        %get3A_860 = tpu.vector_load %arg6[%get3A_858, %get3A_859] {strides = array<i32>} : memref<2x256xi32, #tpu.memory_space<vmem>>, vector<1x16xi32>,
        %get3A_861 = vector.shape_cast %get3A_860 : vector<1x16xi32> to vector<16xi32>
        %sub3A_862 = vector.broadcast %mul3A_0 : i32 to vector<16xi32>
        %sub3A_863 = arith.subi %get3A_861, %sub3A_862 : vector<16xi32>
        %ge3A_864 = arith.constant 0 : i32
        %ge3A_865 = vector.broadcast %ge3A_864 : i32 to vector<16xi32>
        %ge3A_866 = arith.cmpi sge, %sub3A_863, %ge3A_865 : vector<16xi32>
        %lt3A_867 = arith.constant 10000 : i32
        %lt3A_868 = vector.broadcast %lt3A_867 : i32 to vector<16xi32>
        %lt3A_869 = arith.cmpi slt, %sub3A_863, %lt3A_868 : vector<16xi32>
        %and3A_870 = arith.andi %ge3A_866, %lt3A_869 : vector<16xi1>
        %jit3A_871 = arith.constant -1 : i32
        %broadcast_in_dim3A_872 = vector.broadcast %jit3A_871 : i32 to vector<16xi32>
        %select_n3A_873 = arith.select %and3A_870, %sub3A_863, %broadcast_in_dim3A_872 : vector<16xi1>, vector<16xi32>
        %swap3A_874 = arith.constant 0 : index
        %swap3A_875 = tpu.vector_load %arg8[%swap3A_874] {strides = array<i32>} : memref<128xi32, #tpu.memory_space<vmem>>, vector<16xi32>,
        %swap3A_876 = vector.shape_cast %swap3A_875 : vector<16xi32> to vector<16xi32>
        %swap3A_877 = vector.shape_cast %select_n3A_873 : vector<16xi32> to vector<16xi32>
        tpu.vector_store %arg8[%swap3A_874], %swap3A_877 {strides = array<i32>} : memref<128xi32, #tpu.memory_space<vmem>>, vector<16xi32>,
        %swap3A_878 = arith.constant 0 : index
        %swap3A_879 = tpu.vector_load %arg11[%swap3A_878] {strides = array<i32>} : memref<256xi32, #tpu.memory_space<vmem>>, vector<16xi32>,
        %swap3A_880 = vector.shape_cast %swap3A_879 : vector<16xi32> to vector<16xi32>
        %swap3A_881 = vector.shape_cast %select_n3A_873 : vector<16xi32> to vector<16xi32>
        tpu.vector_store %arg11[%swap3A_878], %swap3A_881 {strides = array<i32>} : memref<256xi32, #tpu.memory_space<vmem>>, vector<16xi32>,
        %get3A_882 = arith.constant 0 : i32
        %get3A_883 = arith.index_cast %get3A_882 : i32 to index
        %get3A_884 = arith.constant 0 : index
        %get3A_885 = tpu.vector_load %arg6[%get3A_883, %get3A_884] {strides = array<i32>} : memref<2x256xi32, #tpu.memory_space<vmem>>, vector<1x16xi32>,
        %get3A_886 = vector.shape_cast %get3A_885 : vector<1x16xi32> to vector<16xi32>
        %jit3A_887 = arith.constant -1 : i32
        %broadcast_in_dim3A_888 = vector.broadcast %jit3A_887 : i32 to vector<16xi32>
        %select_n3A_889 = arith.select %and3A_870, %get3A_886, %broadcast_in_dim3A_888 : vector<16xi1>, vector<16xi32>
        %swap3A_890 = arith.constant 0 : index
        %swap3A_891 = tpu.vector_load %arg7[%swap3A_890] {strides = array<i32>} : memref<128xi32, #tpu.memory_space<vmem>>, vector<16xi32>,
        %swap3A_892 = vector.shape_cast %swap3A_891 : vector<16xi32> to vector<16xi32>
        %swap3A_893 = vector.shape_cast %select_n3A_889 : vector<16xi32> to vector<16xi32>
        tpu.vector_store %arg7[%swap3A_890], %swap3A_893 {strides = array<i32>} : memref<128xi32, #tpu.memory_space<vmem>>, vector<16xi32>,
        %get3A_894 = arith.constant 1 : i32
        %get3A_895 = arith.index_cast %get3A_894 : i32 to index
        %get3A_896 = arith.constant 16 : index
        %get3A_897 = tpu.vector_load %arg6[%get3A_895, %get3A_896] {strides = array<i32>} : memref<2x256xi32, #tpu.memory_space<vmem>>, vector<1x16xi32>,
        %get3A_898 = vector.shape_cast %get3A_897 : vector<1x16xi32> to vector<16xi32>
        %sub3A_899 = vector.broadcast %mul3A_0 : i32 to vector<16xi32>
        %sub3A_900 = arith.subi %get3A_898, %sub3A_899 : vector<16xi32>
        %ge3A_901 = arith.constant 0 : i32
        %ge3A_902 = vector.broadcast %ge3A_901 : i32 to vector<16xi32>
        %ge3A_903 = arith.cmpi sge, %sub3A_900, %ge3A_902 : vector<16xi32>
        %lt3A_904 = arith.constant 10000 : i32
        %lt3A_905 = vector.broadcast %lt3A_904 : i32 to vector<16xi32>
        %lt3A_906 = arith.cmpi slt, %sub3A_900, %lt3A_905 : vector<16xi32>
        %and3A_907 = arith.andi %ge3A_903, %lt3A_906 : vector<16xi1>
        %jit3A_908 = arith.constant -1 : i32
        %broadcast_in_dim3A_909 = vector.broadcast %jit3A_908 : i32 to vector<16xi32>
        %select_n3A_910 = arith.select %and3A_907, %sub3A_900, %broadcast_in_dim3A_909 : vector<16xi1>, vector<16xi32>
        %swap3A_911 = arith.constant 16 : index
        %swap3A_912 = tpu.vector_load %arg8[%swap3A_911] {strides = array<i32>} : memref<128xi32, #tpu.memory_space<vmem>>, vector<16xi32>,
        %swap3A_913 = vector.shape_cast %swap3A_912 : vector<16xi32> to vector<16xi32>
        %swap3A_914 = vector.shape_cast %select_n3A_910 : vector<16xi32> to vector<16xi32>
        tpu.vector_store %arg8[%swap3A_911], %swap3A_914 {strides = array<i32>} : memref<128xi32, #tpu.memory_space<vmem>>, vector<16xi32>,
        %swap3A_915 = arith.constant 16 : index
        %swap3A_916 = tpu.vector_load %arg11[%swap3A_915] {strides = array<i32>} : memref<256xi32, #tpu.memory_space<vmem>>, vector<16xi32>,
        %swap3A_917 = vector.shape_cast %swap3A_916 : vector<16xi32> to vector<16xi32>
        %swap3A_918 = vector.shape_cast %select_n3A_910 : vector<16xi32> to vector<16xi32>
        tpu.vector_store %arg11[%swap3A_915], %swap3A_918 {strides = array<i32>} : memref<256xi32, #tpu.memory_space<vmem>>, vector<16xi32>,
        %get3A_919 = arith.constant 0 : i32
        %get3A_920 = arith.index_cast %get3A_919 : i32 to index
        %get3A_921 = arith.constant 16 : index
        %get3A_922 = tpu.vector_load %arg6[%get3A_920, %get3A_921] {strides = array<i32>} : memref<2x256xi32, #tpu.memory_space<vmem>>, vector<1x16xi32>,
        %get3A_923 = vector.shape_cast %get3A_922 : vector<1x16xi32> to vector<16xi32>
        %jit3A_924 = arith.constant -1 : i32
        %broadcast_in_dim3A_925 = vector.broadcast %jit3A_924 : i32 to vector<16xi32>
        %select_n3A_926 = arith.select %and3A_907, %get3A_923, %broadcast_in_dim3A_925 : vector<16xi1>, vector<16xi32>
        %swap3A_927 = arith.constant 16 : index
        %swap3A_928 = tpu.vector_load %arg7[%swap3A_927] {strides = array<i32>} : memref<128xi32, #tpu.memory_space<vmem>>, vector<16xi32>,
        %swap3A_929 = vector.shape_cast %swap3A_928 : vector<16xi32> to vector<16xi32>
        %swap3A_930 = vector.shape_cast %select_n3A_926 : vector<16xi32> to vector<16xi32>
        tpu.vector_store %arg7[%swap3A_927], %swap3A_930 {strides = array<i32>} : memref<128xi32, #tpu.memory_space<vmem>>, vector<16xi32>,
        %get3A_931 = arith.constant 1 : i32
        %get3A_932 = arith.index_cast %get3A_931 : i32 to index
        %get3A_933 = arith.constant 32 : index
        %get3A_934 = tpu.vector_load %arg6[%get3A_932, %get3A_933] {strides = array<i32>} : memref<2x256xi32, #tpu.memory_space<vmem>>, vector<1x16xi32>,
        %get3A_935 = vector.shape_cast %get3A_934 : vector<1x16xi32> to vector<16xi32>
        %sub3A_936 = vector.broadcast %mul3A_0 : i32 to vector<16xi32>
        %sub3A_937 = arith.subi %get3A_935, %sub3A_936 : vector<16xi32>
        %ge3A_938 = arith.constant 0 : i32
        %ge3A_939 = vector.broadcast %ge3A_938 : i32 to vector<16xi32>
        %ge3A_940 = arith.cmpi sge, %sub3A_937, %ge3A_939 : vector<16xi32>
        %lt3A_941 = arith.constant 10000 : i32
        %lt3A_942 = vector.broadcast %lt3A_941 : i32 to vector<16xi32>
        %lt3A_943 = arith.cmpi slt, %sub3A_937, %lt3A_942 : vector<16xi32>
        %and3A_944 = arith.andi %ge3A_940, %lt3A_943 : vector<16xi1>
        %jit3A_945 = arith.constant -1 : i32
        %broadcast_in_dim3A_946 = vector.broadcast %jit3A_945 : i32 to vector<16xi32>
        %select_n3A_947 = arith.select %and3A_944, %sub3A_937, %broadcast_in_dim3A_946 : vector<16xi1>, vector<16xi32>
        %swap3A_948 = arith.constant 32 : index
        %swap3A_949 = tpu.vector_load %arg8[%swap3A_948] {strides = array<i32>} : memref<128xi32, #tpu.memory_space<vmem>>, vector<16xi32>,
        %swap3A_950 = vector.shape_cast %swap3A_949 : vector<16xi32> to vector<16xi32>
        %swap3A_951 = vector.shape_cast %select_n3A_947 : vector<16xi32> to vector<16xi32>
        tpu.vector_store %arg8[%swap3A_948], %swap3A_951 {strides = array<i32>} : memref<128xi32, #tpu.memory_space<vmem>>, vector<16xi32>,
        %swap3A_952 = arith.constant 32 : index
        %swap3A_953 = tpu.vector_load %arg11[%swap3A_952] {strides = array<i32>} : memref<256xi32, #tpu.memory_space<vmem>>, vector<16xi32>,
        %swap3A_954 = vector.shape_cast %swap3A_953 : vector<16xi32> to vector<16xi32>
        %swap3A_955 = vector.shape_cast %select_n3A_947 : vector<16xi32> to vector<16xi32>
        tpu.vector_store %arg11[%swap3A_952], %swap3A_955 {strides = array<i32>} : memref<256xi32, #tpu.memory_space<vmem>>, vector<16xi32>,
        %get3A_956 = arith.constant 0 : i32
        %get3A_957 = arith.index_cast %get3A_956 : i32 to index
        %get3A_958 = arith.constant 32 : index
        %get3A_959 = tpu.vector_load %arg6[%get3A_957, %get3A_958] {strides = array<i32>} : memref<2x256xi32, #tpu.memory_space<vmem>>, vector<1x16xi32>,
        %get3A_960 = vector.shape_cast %get3A_959 : vector<1x16xi32> to vector<16xi32>
        %jit3A_961 = arith.constant -1 : i32
        %broadcast_in_dim3A_962 = vector.broadcast %jit3A_961 : i32 to vector<16xi32>
        %select_n3A_963 = arith.select %and3A_944, %get3A_960, %broadcast_in_dim3A_962 : vector<16xi1>, vector<16xi32>
        %swap3A_964 = arith.constant 32 : index
        %swap3A_965 = tpu.vector_load %arg7[%swap3A_964] {strides = array<i32>} : memref<128xi32, #tpu.memory_space<vmem>>, vector<16xi32>,
        %swap3A_966 = vector.shape_cast %swap3A_965 : vector<16xi32> to vector<16xi32>
        %swap3A_967 = vector.shape_cast %select_n3A_963 : vector<16xi32> to vector<16xi32>
        tpu.vector_store %arg7[%swap3A_964], %swap3A_967 {strides = array<i32>} : memref<128xi32, #tpu.memory_space<vmem>>, vector<16xi32>,
        %get3A_968 = arith.constant 1 : i32
        %get3A_969 = arith.index_cast %get3A_968 : i32 to index
        %get3A_970 = arith.constant 48 : index
        %get3A_971 = tpu.vector_load %arg6[%get3A_969, %get3A_970] {strides = array<i32>} : memref<2x256xi32, #tpu.memory_space<vmem>>, vector<1x16xi32>,
        %get3A_972 = vector.shape_cast %get3A_971 : vector<1x16xi32> to vector<16xi32>
        %sub3A_973 = vector.broadcast %mul3A_0 : i32 to vector<16xi32>
        %sub3A_974 = arith.subi %get3A_972, %sub3A_973 : vector<16xi32>
        %ge3A_975 = arith.constant 0 : i32
        %ge3A_976 = vector.broadcast %ge3A_975 : i32 to vector<16xi32>
        %ge3A_977 = arith.cmpi sge, %sub3A_974, %ge3A_976 : vector<16xi32>
        %lt3A_978 = arith.constant 10000 : i32
        %lt3A_979 = vector.broadcast %lt3A_978 : i32 to vector<16xi32>
        %lt3A_980 = arith.cmpi slt, %sub3A_974, %lt3A_979 : vector<16xi32>
        %and3A_981 = arith.andi %ge3A_977, %lt3A_980 : vector<16xi1>
        %jit3A_982 = arith.constant -1 : i32
        %broadcast_in_dim3A_983 = vector.broadcast %jit3A_982 : i32 to vector<16xi32>
        %select_n3A_984 = arith.select %and3A_981, %sub3A_974, %broadcast_in_dim3A_983 : vector<16xi1>, vector<16xi32>
        %swap3A_985 = arith.constant 48 : index
        %swap3A_986 = tpu.vector_load %arg8[%swap3A_985] {strides = array<i32>} : memref<128xi32, #tpu.memory_space<vmem>>, vector<16xi32>,
        %swap3A_987 = vector.shape_cast %swap3A_986 : vector<16xi32> to vector<16xi32>
        %swap3A_988 = vector.shape_cast %select_n3A_984 : vector<16xi32> to vector<16xi32>
        tpu.vector_store %arg8[%swap3A_985], %swap3A_988 {strides = array<i32>} : memref<128xi32, #tpu.memory_space<vmem>>, vector<16xi32>,
        %swap3A_989 = arith.constant 48 : index
        %swap3A_990 = tpu.vector_load %arg11[%swap3A_989] {strides = array<i32>} : memref<256xi32, #tpu.memory_space<vmem>>, vector<16xi32>,
        %swap3A_991 = vector.shape_cast %swap3A_990 : vector<16xi32> to vector<16xi32>
        %swap3A_992 = vector.shape_cast %select_n3A_984 : vector<16xi32> to vector<16xi32>
        tpu.vector_store %arg11[%swap3A_989], %swap3A_992 {strides = array<i32>} : memref<256xi32, #tpu.memory_space<vmem>>, vector<16xi32>,
        %get3A_993 = arith.constant 0 : i32
        %get3A_994 = arith.index_cast %get3A_993 : i32 to index
        %get3A_995 = arith.constant 48 : index
        %get3A_996 = tpu.vector_load %arg6[%get3A_994, %get3A_995] {strides = array<i32>} : memref<2x256xi32, #tpu.memory_space<vmem>>, vector<1x16xi32>,
        %get3A_997 = vector.shape_cast %get3A_996 : vector<1x16xi32> to vector<16xi32>
        %jit3A_998 = arith.constant -1 : i32
        %broadcast_in_dim3A_999 = vector.broadcast %jit3A_998 : i32 to vector<16xi32>
        %select_n3A_1000 = arith.select %and3A_981, %get3A_997, %broadcast_in_dim3A_999 : vector<16xi1>, vector<16xi32>
        %swap3A_1001 = arith.constant 48 : index
        %swap3A_1002 = tpu.vector_load %arg7[%swap3A_1001] {strides = array<i32>} : memref<128xi32, #tpu.memory_space<vmem>>, vector<16xi32>,
        %swap3A_1003 = vector.shape_cast %swap3A_1002 : vector<16xi32> to vector<16xi32>
        %swap3A_1004 = vector.shape_cast %select_n3A_1000 : vector<16xi32> to vector<16xi32>
        tpu.vector_store %arg7[%swap3A_1001], %swap3A_1004 {strides = array<i32>} : memref<128xi32, #tpu.memory_space<vmem>>, vector<16xi32>,
        %get3A_1005 = arith.constant 1 : i32
        %get3A_1006 = arith.index_cast %get3A_1005 : i32 to index
        %get3A_1007 = arith.constant 64 : index
        %get3A_1008 = tpu.vector_load %arg6[%get3A_1006, %get3A_1007] {strides = array<i32>} : memref<2x256xi32, #tpu.memory_space<vmem>>, vector<1x16xi32>,
        %get3A_1009 = vector.shape_cast %get3A_1008 : vector<1x16xi32> to vector<16xi32>
        %sub3A_1010 = vector.broadcast %mul3A_0 : i32 to vector<16xi32>
        %sub3A_1011 = arith.subi %get3A_1009, %sub3A_1010 : vector<16xi32>
        %ge3A_1012 = arith.constant 0 : i32
        %ge3A_1013 = vector.broadcast %ge3A_1012 : i32 to vector<16xi32>
        %ge3A_1014 = arith.cmpi sge, %sub3A_1011, %ge3A_1013 : vector<16xi32>
        %lt3A_1015 = arith.constant 10000 : i32
        %lt3A_1016 = vector.broadcast %lt3A_1015 : i32 to vector<16xi32>
        %lt3A_1017 = arith.cmpi slt, %sub3A_1011, %lt3A_1016 : vector<16xi32>
        %and3A_1018 = arith.andi %ge3A_1014, %lt3A_1017 : vector<16xi1>
        %jit3A_1019 = arith.constant -1 : i32
        %broadcast_in_dim3A_1020 = vector.broadcast %jit3A_1019 : i32 to vector<16xi32>
        %select_n3A_1021 = arith.select %and3A_1018, %sub3A_1011, %broadcast_in_dim3A_1020 : vector<16xi1>, vector<16xi32>
        %swap3A_1022 = arith.constant 64 : index
        %swap3A_1023 = tpu.vector_load %arg8[%swap3A_1022] {strides = array<i32>} : memref<128xi32, #tpu.memory_space<vmem>>, vector<16xi32>,
        %swap3A_1024 = vector.shape_cast %swap3A_1023 : vector<16xi32> to vector<16xi32>
        %swap3A_1025 = vector.shape_cast %select_n3A_1021 : vector<16xi32> to vector<16xi32>
        tpu.vector_store %arg8[%swap3A_1022], %swap3A_1025 {strides = array<i32>} : memref<128xi32, #tpu.memory_space<vmem>>, vector<16xi32>,
        %swap3A_1026 = arith.constant 64 : index
        %swap3A_1027 = tpu.vector_load %arg11[%swap3A_1026] {strides = array<i32>} : memref<256xi32, #tpu.memory_space<vmem>>, vector<16xi32>,
        %swap3A_1028 = vector.shape_cast %swap3A_1027 : vector<16xi32> to vector<16xi32>
        %swap3A_1029 = vector.shape_cast %select_n3A_1021 : vector<16xi32> to vector<16xi32>
        tpu.vector_store %arg11[%swap3A_1026], %swap3A_1029 {strides = array<i32>} : memref<256xi32, #tpu.memory_space<vmem>>, vector<16xi32>,
        %get3A_1030 = arith.constant 0 : i32
        %get3A_1031 = arith.index_cast %get3A_1030 : i32 to index
        %get3A_1032 = arith.constant 64 : index
        %get3A_1033 = tpu.vector_load %arg6[%get3A_1031, %get3A_1032] {strides = array<i32>} : memref<2x256xi32, #tpu.memory_space<vmem>>, vector<1x16xi32>,
        %get3A_1034 = vector.shape_cast %get3A_1033 : vector<1x16xi32> to vector<16xi32>
        %jit3A_1035 = arith.constant -1 : i32
        %broadcast_in_dim3A_1036 = vector.broadcast %jit3A_1035 : i32 to vector<16xi32>
        %select_n3A_1037 = arith.select %and3A_1018, %get3A_1034, %broadcast_in_dim3A_1036 : vector<16xi1>, vector<16xi32>
        %swap3A_1038 = arith.constant 64 : index
        %swap3A_1039 = tpu.vector_load %arg7[%swap3A_1038] {strides = array<i32>} : memref<128xi32, #tpu.memory_space<vmem>>, vector<16xi32>,
        %swap3A_1040 = vector.shape_cast %swap3A_1039 : vector<16xi32> to vector<16xi32>
        %swap3A_1041 = vector.shape_cast %select_n3A_1037 : vector<16xi32> to vector<16xi32>
        tpu.vector_store %arg7[%swap3A_1038], %swap3A_1041 {strides = array<i32>} : memref<128xi32, #tpu.memory_space<vmem>>, vector<16xi32>,
        %get3A_1042 = arith.constant 1 : i32
        %get3A_1043 = arith.index_cast %get3A_1042 : i32 to index
        %get3A_1044 = arith.constant 80 : index
        %get3A_1045 = tpu.vector_load %arg6[%get3A_1043, %get3A_1044] {strides = array<i32>} : memref<2x256xi32, #tpu.memory_space<vmem>>, vector<1x16xi32>,
        %get3A_1046 = vector.shape_cast %get3A_1045 : vector<1x16xi32> to vector<16xi32>
        %sub3A_1047 = vector.broadcast %mul3A_0 : i32 to vector<16xi32>
        %sub3A_1048 = arith.subi %get3A_1046, %sub3A_1047 : vector<16xi32>
        %ge3A_1049 = arith.constant 0 : i32
        %ge3A_1050 = vector.broadcast %ge3A_1049 : i32 to vector<16xi32>
        %ge3A_1051 = arith.cmpi sge, %sub3A_1048, %ge3A_1050 : vector<16xi32>
        %lt3A_1052 = arith.constant 10000 : i32
        %lt3A_1053 = vector.broadcast %lt3A_1052 : i32 to vector<16xi32>
        %lt3A_1054 = arith.cmpi slt, %sub3A_1048, %lt3A_1053 : vector<16xi32>
        %and3A_1055 = arith.andi %ge3A_1051, %lt3A_1054 : vector<16xi1>
        %jit3A_1056 = arith.constant -1 : i32
        %broadcast_in_dim3A_1057 = vector.broadcast %jit3A_1056 : i32 to vector<16xi32>
        %select_n3A_1058 = arith.select %and3A_1055, %sub3A_1048, %broadcast_in_dim3A_1057 : vector<16xi1>, vector<16xi32>
        %swap3A_1059 = arith.constant 80 : index
        %swap3A_1060 = tpu.vector_load %arg8[%swap3A_1059] {strides = array<i32>} : memref<128xi32, #tpu.memory_space<vmem>>, vector<16xi32>,
        %swap3A_1061 = vector.shape_cast %swap3A_1060 : vector<16xi32> to vector<16xi32>
        %swap3A_1062 = vector.shape_cast %select_n3A_1058 : vector<16xi32> to vector<16xi32>
        tpu.vector_store %arg8[%swap3A_1059], %swap3A_1062 {strides = array<i32>} : memref<128xi32, #tpu.memory_space<vmem>>, vector<16xi32>,
        %swap3A_1063 = arith.constant 80 : index
        %swap3A_1064 = tpu.vector_load %arg11[%swap3A_1063] {strides = array<i32>} : memref<256xi32, #tpu.memory_space<vmem>>, vector<16xi32>,
        %swap3A_1065 = vector.shape_cast %swap3A_1064 : vector<16xi32> to vector<16xi32>
        %swap3A_1066 = vector.shape_cast %select_n3A_1058 : vector<16xi32> to vector<16xi32>
        tpu.vector_store %arg11[%swap3A_1063], %swap3A_1066 {strides = array<i32>} : memref<256xi32, #tpu.memory_space<vmem>>, vector<16xi32>,
        %get3A_1067 = arith.constant 0 : i32
        %get3A_1068 = arith.index_cast %get3A_1067 : i32 to index
        %get3A_1069 = arith.constant 80 : index
        %get3A_1070 = tpu.vector_load %arg6[%get3A_1068, %get3A_1069] {strides = array<i32>} : memref<2x256xi32, #tpu.memory_space<vmem>>, vector<1x16xi32>,
        %get3A_1071 = vector.shape_cast %get3A_1070 : vector<1x16xi32> to vector<16xi32>
        %jit3A_1072 = arith.constant -1 : i32
        %broadcast_in_dim3A_1073 = vector.broadcast %jit3A_1072 : i32 to vector<16xi32>
        %select_n3A_1074 = arith.select %and3A_1055, %get3A_1071, %broadcast_in_dim3A_1073 : vector<16xi1>, vector<16xi32>
        %swap3A_1075 = arith.constant 80 : index
        %swap3A_1076 = tpu.vector_load %arg7[%swap3A_1075] {strides = array<i32>} : memref<128xi32, #tpu.memory_space<vmem>>, vector<16xi32>,
        %swap3A_1077 = vector.shape_cast %swap3A_1076 : vector<16xi32> to vector<16xi32>
        %swap3A_1078 = vector.shape_cast %select_n3A_1074 : vector<16xi32> to vector<16xi32>
        tpu.vector_store %arg7[%swap3A_1075], %swap3A_1078 {strides = array<i32>} : memref<128xi32, #tpu.memory_space<vmem>>, vector<16xi32>,
        %get3A_1079 = arith.constant 1 : i32
        %get3A_1080 = arith.index_cast %get3A_1079 : i32 to index
        %get3A_1081 = arith.constant 96 : index
        %get3A_1082 = tpu.vector_load %arg6[%get3A_1080, %get3A_1081] {strides = array<i32>} : memref<2x256xi32, #tpu.memory_space<vmem>>, vector<1x16xi32>,
        %get3A_1083 = vector.shape_cast %get3A_1082 : vector<1x16xi32> to vector<16xi32>
        %sub3A_1084 = vector.broadcast %mul3A_0 : i32 to vector<16xi32>
        %sub3A_1085 = arith.subi %get3A_1083, %sub3A_1084 : vector<16xi32>
        %ge3A_1086 = arith.constant 0 : i32
        %ge3A_1087 = vector.broadcast %ge3A_1086 : i32 to vector<16xi32>
        %ge3A_1088 = arith.cmpi sge, %sub3A_1085, %ge3A_1087 : vector<16xi32>
        %lt3A_1089 = arith.constant 10000 : i32
        %lt3A_1090 = vector.broadcast %lt3A_1089 : i32 to vector<16xi32>
        %lt3A_1091 = arith.cmpi slt, %sub3A_1085, %lt3A_1090 : vector<16xi32>
        %and3A_1092 = arith.andi %ge3A_1088, %lt3A_1091 : vector<16xi1>
        %jit3A_1093 = arith.constant -1 : i32
        %broadcast_in_dim3A_1094 = vector.broadcast %jit3A_1093 : i32 to vector<16xi32>
        %select_n3A_1095 = arith.select %and3A_1092, %sub3A_1085, %broadcast_in_dim3A_1094 : vector<16xi1>, vector<16xi32>
        %swap3A_1096 = arith.constant 96 : index
        %swap3A_1097 = tpu.vector_load %arg8[%swap3A_1096] {strides = array<i32>} : memref<128xi32, #tpu.memory_space<vmem>>, vector<16xi32>,
        %swap3A_1098 = vector.shape_cast %swap3A_1097 : vector<16xi32> to vector<16xi32>
        %swap3A_1099 = vector.shape_cast %select_n3A_1095 : vector<16xi32> to vector<16xi32>
        tpu.vector_store %arg8[%swap3A_1096], %swap3A_1099 {strides = array<i32>} : memref<128xi32, #tpu.memory_space<vmem>>, vector<16xi32>,
        %swap3A_1100 = arith.constant 96 : index
        %swap3A_1101 = tpu.vector_load %arg11[%swap3A_1100] {strides = array<i32>} : memref<256xi32, #tpu.memory_space<vmem>>, vector<16xi32>,
        %swap3A_1102 = vector.shape_cast %swap3A_1101 : vector<16xi32> to vector<16xi32>
        %swap3A_1103 = vector.shape_cast %select_n3A_1095 : vector<16xi32> to vector<16xi32>
        tpu.vector_store %arg11[%swap3A_1100], %swap3A_1103 {strides = array<i32>} : memref<256xi32, #tpu.memory_space<vmem>>, vector<16xi32>,
        %get3A_1104 = arith.constant 0 : i32
        %get3A_1105 = arith.index_cast %get3A_1104 : i32 to index
        %get3A_1106 = arith.constant 96 : index
        %get3A_1107 = tpu.vector_load %arg6[%get3A_1105, %get3A_1106] {strides = array<i32>} : memref<2x256xi32, #tpu.memory_space<vmem>>, vector<1x16xi32>,
        %get3A_1108 = vector.shape_cast %get3A_1107 : vector<1x16xi32> to vector<16xi32>
        %jit3A_1109 = arith.constant -1 : i32
        %broadcast_in_dim3A_1110 = vector.broadcast %jit3A_1109 : i32 to vector<16xi32>
        %select_n3A_1111 = arith.select %and3A_1092, %get3A_1108, %broadcast_in_dim3A_1110 : vector<16xi1>, vector<16xi32>
        %swap3A_1112 = arith.constant 96 : index
        %swap3A_1113 = tpu.vector_load %arg7[%swap3A_1112] {strides = array<i32>} : memref<128xi32, #tpu.memory_space<vmem>>, vector<16xi32>,
        %swap3A_1114 = vector.shape_cast %swap3A_1113 : vector<16xi32> to vector<16xi32>
        %swap3A_1115 = vector.shape_cast %select_n3A_1111 : vector<16xi32> to vector<16xi32>
        tpu.vector_store %arg7[%swap3A_1112], %swap3A_1115 {strides = array<i32>} : memref<128xi32, #tpu.memory_space<vmem>>, vector<16xi32>,
        %get3A_1116 = arith.constant 1 : i32
        %get3A_1117 = arith.index_cast %get3A_1116 : i32 to index
        %get3A_1118 = arith.constant 112 : index
        %get3A_1119 = tpu.vector_load %arg6[%get3A_1117, %get3A_1118] {strides = array<i32>} : memref<2x256xi32, #tpu.memory_space<vmem>>, vector<1x16xi32>,
        %get3A_1120 = vector.shape_cast %get3A_1119 : vector<1x16xi32> to vector<16xi32>
        %sub3A_1121 = vector.broadcast %mul3A_0 : i32 to vector<16xi32>
        %sub3A_1122 = arith.subi %get3A_1120, %sub3A_1121 : vector<16xi32>
        %ge3A_1123 = arith.constant 0 : i32
        %ge3A_1124 = vector.broadcast %ge3A_1123 : i32 to vector<16xi32>
        %ge3A_1125 = arith.cmpi sge, %sub3A_1122, %ge3A_1124 : vector<16xi32>
        %lt3A_1126 = arith.constant 10000 : i32
        %lt3A_1127 = vector.broadcast %lt3A_1126 : i32 to vector<16xi32>
        %lt3A_1128 = arith.cmpi slt, %sub3A_1122, %lt3A_1127 : vector<16xi32>
        %and3A_1129 = arith.andi %ge3A_1125, %lt3A_1128 : vector<16xi1>
        %jit3A_1130 = arith.constant -1 : i32
        %broadcast_in_dim3A_1131 = vector.broadcast %jit3A_1130 : i32 to vector<16xi32>
        %select_n3A_1132 = arith.select %and3A_1129, %sub3A_1122, %broadcast_in_dim3A_1131 : vector<16xi1>, vector<16xi32>
        %swap3A_1133 = arith.constant 112 : index
        %swap3A_1134 = tpu.vector_load %arg8[%swap3A_1133] {strides = array<i32>} : memref<128xi32, #tpu.memory_space<vmem>>, vector<16xi32>,
        %swap3A_1135 = vector.shape_cast %swap3A_1134 : vector<16xi32> to vector<16xi32>
        %swap3A_1136 = vector.shape_cast %select_n3A_1132 : vector<16xi32> to vector<16xi32>
        tpu.vector_store %arg8[%swap3A_1133], %swap3A_1136 {strides = array<i32>} : memref<128xi32, #tpu.memory_space<vmem>>, vector<16xi32>,
        %swap3A_1137 = arith.constant 112 : index
        %swap3A_1138 = tpu.vector_load %arg11[%swap3A_1137] {strides = array<i32>} : memref<256xi32, #tpu.memory_space<vmem>>, vector<16xi32>,
        %swap3A_1139 = vector.shape_cast %swap3A_1138 : vector<16xi32> to vector<16xi32>
        %swap3A_1140 = vector.shape_cast %select_n3A_1132 : vector<16xi32> to vector<16xi32>
        tpu.vector_store %arg11[%swap3A_1137], %swap3A_1140 {strides = array<i32>} : memref<256xi32, #tpu.memory_space<vmem>>, vector<16xi32>,
        %get3A_1141 = arith.constant 0 : i32
        %get3A_1142 = arith.index_cast %get3A_1141 : i32 to index
        %get3A_1143 = arith.constant 112 : index
        %get3A_1144 = tpu.vector_load %arg6[%get3A_1142, %get3A_1143] {strides = array<i32>} : memref<2x256xi32, #tpu.memory_space<vmem>>, vector<1x16xi32>,
        %get3A_1145 = vector.shape_cast %get3A_1144 : vector<1x16xi32> to vector<16xi32>
        %jit3A_1146 = arith.constant -1 : i32
        %broadcast_in_dim3A_1147 = vector.broadcast %jit3A_1146 : i32 to vector<16xi32>
        %select_n3A_1148 = arith.select %and3A_1129, %get3A_1145, %broadcast_in_dim3A_1147 : vector<16xi1>, vector<16xi32>
        %swap3A_1149 = arith.constant 112 : index
        %swap3A_1150 = tpu.vector_load %arg7[%swap3A_1149] {strides = array<i32>} : memref<128xi32, #tpu.memory_space<vmem>>, vector<16xi32>,
        %swap3A_1151 = vector.shape_cast %swap3A_1150 : vector<16xi32> to vector<16xi32>
        %swap3A_1152 = vector.shape_cast %select_n3A_1148 : vector<16xi32> to vector<16xi32>
        tpu.vector_store %arg7[%swap3A_1149], %swap3A_1152 {strides = array<i32>} : memref<128xi32, #tpu.memory_space<vmem>>, vector<16xi32>,
        %dma_start3A_1153 = arith.constant 0 : i32
        %dma_start3A_1154 = arith.constant 0 : i32
        %dma_start3A_1155 = tpu.memref_slice %arg2[%dma_start3A_1153, %dma_start3A_1154] : memref<100000x128xf32, #tpu.memory_space<hbm>> -> memref<100000x128xf32, #tpu.memory_space<hbm>>
        %dma_start3A_1156 = arith.constant -1 : i32
        tpu.enqueue_indirect_dma source(%dma_start3A_1155 : memref<100000x128xf32, #tpu.memory_space<hbm>>) target(%arg12 : memref<128x128xf32, #tpu.memory_space<vmem>>) offsets(%arg7 : memref<128xi32, #tpu.memory_space<vmem>>) offset_filter(%dma_start3A_1156) semaphore(%arg20 : memref<!tpu.dma_semaphore, #tpu.memory_space<semaphore_mem>>)
      } else {
      }
      %dma_wait3A_845 = arith.constant 0 : i32
      %dma_wait3A_846 = arith.constant 0 : i32
      %dma_wait3A_847 = tpu.memref_slice %arg2[%dma_wait3A_845, %dma_wait3A_846] : memref<100000x128xf32, #tpu.memory_space<hbm>> -> memref<100000x128xf32, #tpu.memory_space<hbm>>
      tpu.wait_indirect_dma semaphore(%arg21 : memref<!tpu.dma_semaphore, #tpu.memory_space<semaphore_mem>>) src(%dma_wait3A_847 : memref<100000x128xf32, #tpu.memory_space<hbm>>) dst(%arg13 : memref<128x128xf32, #tpu.memory_space<vmem>>)
      %dma_start3A_848 = arith.constant 0 : i32
      %dma_start3A_849 = arith.constant 0 : i32
      %dma_start3A_850 = tpu.memref_slice %arg18[%dma_start3A_848, %dma_start3A_849] : memref<10000x128xf32, #tpu.memory_space<vmem_shared>> -> memref<10000x128xf32, #tpu.memory_space<vmem_shared>>
      %dma_start3A_851 = arith.constant -1 : i32
      tpu.enqueue_indirect_dma source(%arg13 : memref<128x128xf32, #tpu.memory_space<vmem>>) target(%dma_start3A_850 : memref<10000x128xf32, #tpu.memory_space<vmem_shared>>) offsets(%arg10 : memref<128xi32, #tpu.memory_space<vmem>>) offset_filter(%dma_start3A_851) semaphore(%arg23 : memref<!tpu.dma_semaphore, #tpu.memory_space<semaphore_mem>>) {add = true}
    }
    %dma_wait3A = arith.constant 0 : i32
    %dma_wait3A_809 = arith.constant 0 : i32
    %dma_wait3A_810 = tpu.memref_slice %arg18[%dma_wait3A, %dma_wait3A_809] : memref<10000x128xf32, #tpu.memory_space<vmem_shared>> -> memref<10000x128xf32, #tpu.memory_space<vmem_shared>>
    tpu.wait_indirect_dma semaphore(%arg23 : memref<!tpu.dma_semaphore, #tpu.memory_space<semaphore_mem>>) src(%arg13 : memref<128x128xf32, #tpu.memory_space<vmem>>) dst(%dma_wait3A_810 : memref<10000x128xf32, #tpu.memory_space<vmem_shared>>)
    %barrier3A_811 = arith.constant 0 : index
    tpu.barrier barrier_id(%barrier3A_811)
    %mul3A_812 = arith.constant 624 : i32
    %mul3A_813 = arith.muli %arg1, %mul3A_812 : i32
    %multiple_of3A_814 = tpu.assume_multiple %mul3A_813, 8 : i32
    %add3A_815 = arith.addi %mul3A_0, %multiple_of3A_814 : i32
    %multiple_of3A_816 = tpu.assume_multiple %add3A_815, 8 : i32
    "tpu.region"() ({
      %run_scoped3A = tpu.sem_alloc : memref<!tpu.dma_semaphore, #tpu.memory_space<semaphore_mem>>
      %dma_start3A_819 = arith.constant 0 : i32
      %dma_start3A_820 = tpu.memref_slice %arg4[%multiple_of3A_816, %dma_start3A_819] : memref<20000x128xf32, #tpu.memory_space<hbm>> -> memref<624x128xf32, #tpu.memory_space<hbm>>
      %dma_start3A_821 = arith.constant 0 : i32
      %dma_start3A_822 = tpu.memref_slice %arg18[%multiple_of3A_814, %dma_start3A_821] : memref<10000x128xf32, #tpu.memory_space<vmem_shared>> -> memref<624x128xf32, #tpu.memory_space<vmem_shared>>
      tpu.enqueue_dma source(%dma_start3A_822 : memref<624x128xf32, #tpu.memory_space<vmem_shared>>) target(%dma_start3A_820 : memref<624x128xf32, #tpu.memory_space<hbm>>) target_semaphore(%run_scoped3A : memref<!tpu.dma_semaphore, #tpu.memory_space<semaphore_mem>>)
      %dma_wait3A_823 = arith.constant 0 : i32
      %dma_wait3A_824 = tpu.memref_slice %arg4[%multiple_of3A_816, %dma_wait3A_823] : memref<20000x128xf32, #tpu.memory_space<hbm>> -> memref<624x128xf32, #tpu.memory_space<hbm>>
      %dma_wait3A_825 = arith.constant 0 : i32
      %dma_wait3A_826 = tpu.memref_slice %arg18[%multiple_of3A_814, %dma_wait3A_825] : memref<10000x128xf32, #tpu.memory_space<vmem_shared>> -> memref<624x128xf32, #tpu.memory_space<vmem_shared>>
      tpu.wait_dma2 semaphore(%run_scoped3A : memref<!tpu.dma_semaphore, #tpu.memory_space<semaphore_mem>>) src(%dma_wait3A_826 : memref<624x128xf32, #tpu.memory_space<vmem_shared>>) dst(%dma_wait3A_824 : memref<624x128xf32, #tpu.memory_space<hbm>>)
      tpu.yield
    }) : () -> ()
    "tpu.region"() ({
      %run_scoped3A = tpu.sem_alloc : memref<!tpu.dma_semaphore, #tpu.memory_space<semaphore_mem>>
      %dma_start3A_819 = tpu.memref_slice %arg19[%multiple_of3A_814] : memref<10000xf32, #tpu.memory_space<vmem_shared>> -> memref<624xf32, #tpu.memory_space<vmem_shared>>
      %dma_start3A_820 = tpu.memref_slice %arg19[%multiple_of3A_814] : memref<10000xf32, #tpu.memory_space<vmem_shared>> -> memref<624xf32, #tpu.memory_space<vmem_shared>>
      tpu.enqueue_dma source(%dma_start3A_820 : memref<624xf32, #tpu.memory_space<vmem_shared>>) target(%arg17 : memref<624xf32, #tpu.memory_space<vmem>>) target_semaphore(%run_scoped3A : memref<!tpu.dma_semaphore, #tpu.memory_space<semaphore_mem>>)
      %dma_wait3A_821 = tpu.memref_slice %arg19[%multiple_of3A_814] : memref<10000xf32, #tpu.memory_space<vmem_shared>> -> memref<624xf32, #tpu.memory_space<vmem_shared>>
      %dma_wait3A_822 = tpu.memref_slice %arg19[%multiple_of3A_814] : memref<10000xf32, #tpu.memory_space<vmem_shared>> -> memref<624xf32, #tpu.memory_space<vmem_shared>>
      tpu.wait_dma2 semaphore(%run_scoped3A : memref<!tpu.dma_semaphore, #tpu.memory_space<semaphore_mem>>) src(%dma_wait3A_822 : memref<624xf32, #tpu.memory_space<vmem_shared>>) dst(%arg17 : memref<624xf32, #tpu.memory_space<vmem>>)
      tpu.yield
    }) : () -> ()
    "tpu.region"() ({
      %run_scoped3A = tpu.sem_alloc : memref<!tpu.dma_semaphore, #tpu.memory_space<semaphore_mem>>
      %dma_start3A_819 = tpu.memref_slice %arg5[%multiple_of3A_816] : memref<20000xf32, #tpu.memory_space<hbm>> -> memref<624xf32, #tpu.memory_space<hbm>>
      %dma_start3A_820 = tpu.memref_slice %arg5[%multiple_of3A_816] : memref<20000xf32, #tpu.memory_space<hbm>> -> memref<624xf32, #tpu.memory_space<hbm>>
      tpu.enqueue_dma source(%arg17 : memref<624xf32, #tpu.memory_space<vmem>>) target(%dma_start3A_820 : memref<624xf32, #tpu.memory_space<hbm>>) target_semaphore(%run_scoped3A : memref<!tpu.dma_semaphore, #tpu.memory_space<semaphore_mem>>)
      %dma_wait3A_821 = tpu.memref_slice %arg5[%multiple_of3A_816] : memref<20000xf32, #tpu.memory_space<hbm>> -> memref<624xf32, #tpu.memory_space<hbm>>
      %dma_wait3A_822 = tpu.memref_slice %arg5[%multiple_of3A_816] : memref<20000xf32, #tpu.memory_space<hbm>> -> memref<624xf32, #tpu.memory_space<hbm>>
      tpu.wait_dma2 semaphore(%run_scoped3A : memref<!tpu.dma_semaphore, #tpu.memory_space<semaphore_mem>>) src(%arg17 : memref<624xf32, #tpu.memory_space<vmem>>) dst(%dma_wait3A_822 : memref<624xf32, #tpu.memory_space<hbm>>)
      tpu.yield
    }) : () -> ()
    %eq3A = arith.constant 0 : i32
    %eq3A_817 = arith.cmpi eq, %arg1, %eq3A : i32
    %convert_element_type3A = arith.extui %eq3A_817 : i1 to i32
    %cond3A = arith.constant 0 : i32
    %cond3A_818 = arith.cmpi ne, %convert_element_type3A, %cond3A : i32
    scf.if %cond3A_818 {
      %multiple_of3A_819 = arith.constant 9984 : i32
      %multiple_of3A_820 = tpu.assume_multiple %multiple_of3A_819, 8 : i32
      %add3A_821 = arith.addi %mul3A_0, %multiple_of3A_820 : i32
      %multiple_of3A_822 = tpu.assume_multiple %add3A_821, 8 : i32
      "tpu.region"() ({
        %run_scoped3A = tpu.sem_alloc : memref<!tpu.dma_semaphore, #tpu.memory_space<semaphore_mem>>
        %dma_start3A_823 = arith.constant 0 : i32
        %dma_start3A_824 = tpu.memref_slice %arg4[%multiple_of3A_822, %dma_start3A_823] : memref<20000x128xf32, #tpu.memory_space<hbm>> -> memref<16x128xf32, #tpu.memory_space<hbm>>
        %dma_start3A_825 = arith.constant 0 : i32
        %dma_start3A_826 = tpu.memref_slice %arg18[%multiple_of3A_820, %dma_start3A_825] : memref<10000x128xf32, #tpu.memory_space<vmem_shared>> -> memref<16x128xf32, #tpu.memory_space<vmem_shared>>
        tpu.enqueue_dma source(%dma_start3A_826 : memref<16x128xf32, #tpu.memory_space<vmem_shared>>) target(%dma_start3A_824 : memref<16x128xf32, #tpu.memory_space<hbm>>) target_semaphore(%run_scoped3A : memref<!tpu.dma_semaphore, #tpu.memory_space<semaphore_mem>>)
        %dma_wait3A_827 = arith.constant 0 : i32
        %dma_wait3A_828 = tpu.memref_slice %arg4[%multiple_of3A_822, %dma_wait3A_827] : memref<20000x128xf32, #tpu.memory_space<hbm>> -> memref<16x128xf32, #tpu.memory_space<hbm>>
        %dma_wait3A_829 = arith.constant 0 : i32
        %dma_wait3A_830 = tpu.memref_slice %arg18[%multiple_of3A_820, %dma_wait3A_829] : memref<10000x128xf32, #tpu.memory_space<vmem_shared>> -> memref<16x128xf32, #tpu.memory_space<vmem_shared>>
        tpu.wait_dma2 semaphore(%run_scoped3A : memref<!tpu.dma_semaphore, #tpu.memory_space<semaphore_mem>>) src(%dma_wait3A_830 : memref<16x128xf32, #tpu.memory_space<vmem_shared>>) dst(%dma_wait3A_828 : memref<16x128xf32, #tpu.memory_space<hbm>>)
        tpu.yield
      }) : () -> ()
      "tpu.region"() ({
        %run_scoped3A = tpu.sem_alloc : memref<!tpu.dma_semaphore, #tpu.memory_space<semaphore_mem>>
        %dma_start3A_823 = arith.constant 0 : i32
        %dma_start3A_824 = tpu.memref_slice %arg17[%dma_start3A_823] : memref<624xf32, #tpu.memory_space<vmem>> -> memref<16xf32, #tpu.memory_space<vmem>>
        %dma_start3A_825 = tpu.memref_slice %arg19[%multiple_of3A_820] : memref<10000xf32, #tpu.memory_space<vmem_shared>> -> memref<16xf32, #tpu.memory_space<vmem_shared>>
        %dma_start3A_826 = arith.constant 0 : i32
        %dma_start3A_827 = tpu.memref_slice %arg17[%dma_start3A_826] : memref<624xf32, #tpu.memory_space<vmem>> -> memref<16xf32, #tpu.memory_space<vmem>>
        %dma_start3A_828 = tpu.memref_slice %arg19[%multiple_of3A_820] : memref<10000xf32, #tpu.memory_space<vmem_shared>> -> memref<16xf32, #tpu.memory_space<vmem_shared>>
        tpu.enqueue_dma source(%dma_start3A_828 : memref<16xf32, #tpu.memory_space<vmem_shared>>) target(%dma_start3A_827 : memref<16xf32, #tpu.memory_space<vmem>>) target_semaphore(%run_scoped3A : memref<!tpu.dma_semaphore, #tpu.memory_space<semaphore_mem>>)
        %dma_wait3A_829 = arith.constant 0 : i32
        %dma_wait3A_830 = tpu.memref_slice %arg17[%dma_wait3A_829] : memref<624xf32, #tpu.memory_space<vmem>> -> memref<16xf32, #tpu.memory_space<vmem>>
        %dma_wait3A_831 = tpu.memref_slice %arg19[%multiple_of3A_820] : memref<10000xf32, #tpu.memory_space<vmem_shared>> -> memref<16xf32, #tpu.memory_space<vmem_shared>>
        %dma_wait3A_832 = arith.constant 0 : i32
        %dma_wait3A_833 = tpu.memref_slice %arg17[%dma_wait3A_832] : memref<624xf32, #tpu.memory_space<vmem>> -> memref<16xf32, #tpu.memory_space<vmem>>
        %dma_wait3A_834 = tpu.memref_slice %arg19[%multiple_of3A_820] : memref<10000xf32, #tpu.memory_space<vmem_shared>> -> memref<16xf32, #tpu.memory_space<vmem_shared>>
        tpu.wait_dma2 semaphore(%run_scoped3A : memref<!tpu.dma_semaphore, #tpu.memory_space<semaphore_mem>>) src(%dma_wait3A_834 : memref<16xf32, #tpu.memory_space<vmem_shared>>) dst(%dma_wait3A_833 : memref<16xf32, #tpu.memory_space<vmem>>)
        tpu.yield
      }) : () -> ()
      "tpu.region"() ({
        %run_scoped3A = tpu.sem_alloc : memref<!tpu.dma_semaphore, #tpu.memory_space<semaphore_mem>>
        %dma_start3A_823 = arith.constant 0 : i32
        %dma_start3A_824 = tpu.memref_slice %arg17[%dma_start3A_823] : memref<624xf32, #tpu.memory_space<vmem>> -> memref<16xf32, #tpu.memory_space<vmem>>
        %dma_start3A_825 = tpu.memref_slice %arg5[%multiple_of3A_822] : memref<20000xf32, #tpu.memory_space<hbm>> -> memref<16xf32, #tpu.memory_space<hbm>>
        %dma_start3A_826 = tpu.memref_slice %arg5[%multiple_of3A_822] : memref<20000xf32, #tpu.memory_space<hbm>> -> memref<16xf32, #tpu.memory_space<hbm>>
        %dma_start3A_827 = arith.constant 0 : i32
        %dma_start3A_828 = tpu.memref_slice %arg17[%dma_start3A_827] : memref<624xf32, #tpu.memory_space<vmem>> -> memref<16xf32, #tpu.memory_space<vmem>>
        tpu.enqueue_dma source(%dma_start3A_828 : memref<16xf32, #tpu.memory_space<vmem>>) target(%dma_start3A_826 : memref<16xf32, #tpu.memory_space<hbm>>) target_semaphore(%run_scoped3A : memref<!tpu.dma_semaphore, #tpu.memory_space<semaphore_mem>>)
        %dma_wait3A_829 = arith.constant 0 : i32
        %dma_wait3A_830 = tpu.memref_slice %arg17[%dma_wait3A_829] : memref<624xf32, #tpu.memory_space<vmem>> -> memref<16xf32, #tpu.memory_space<vmem>>
        %dma_wait3A_831 = tpu.memref_slice %arg5[%multiple_of3A_822] : memref<20000xf32, #tpu.memory_space<hbm>> -> memref<16xf32, #tpu.memory_space<hbm>>
        %dma_wait3A_832 = tpu.memref_slice %arg5[%multiple_of3A_822] : memref<20000xf32, #tpu.memory_space<hbm>> -> memref<16xf32, #tpu.memory_space<hbm>>
        %dma_wait3A_833 = arith.constant 0 : i32
        %dma_wait3A_834 = tpu.memref_slice %arg17[%dma_wait3A_833] : memref<624xf32, #tpu.memory_space<vmem>> -> memref<16xf32, #tpu.memory_space<vmem>>
        tpu.wait_dma2 semaphore(%run_scoped3A : memref<!tpu.dma_semaphore, #tpu.memory_space<semaphore_mem>>) src(%dma_wait3A_834 : memref<16xf32, #tpu.memory_space<vmem>>) dst(%dma_wait3A_832 : memref<16xf32, #tpu.memory_space<hbm>>)
        tpu.yield
      }) : () -> ()
    } else {
    }
    return
  }
}

#map = affine_map<(d0, d1) -> (0, 0)>
#map1 = affine_map<(d0, d1) -> (0)>
module attributes {stable_mosaic.version = 14 : i64} {
  func.func @_agg_call(%arg0: i32, %arg1: i32, %arg2: memref<100000x128xf32, #tpu.memory_space<hbm>>, %arg3: memref<2x640000xi32, #tpu.memory_space<hbm>>, %arg4: memref<20000x128xf32, #tpu.memory_space<hbm>>, %arg5: memref<20000xf32, #tpu.memory_space<hbm>>, %arg6: memref<2x256xi32, #tpu.memory_space<vmem>>, %arg7: memref<128xi32, #tpu.memory_space<vmem>>, %arg8: memref<128xi32, #tpu.memory_space<vmem>>, %arg9: memref<128xi32, #tpu.memory_space<vmem>>, %arg10: memref<128xi32, #tpu.memory_space<vmem>>, %arg11: memref<256xi32, #tpu.memory_space<vmem>>, %arg12: memref<128x128xf32, #tpu.memory_space<vmem>>, %arg13: memref<128x128xf32, #tpu.memory_space<vmem>>, %arg14: memref<256xf32, #tpu.memory_space<vmem>>, %arg15: memref<40xf32, #tpu.memory_space<vmem>>, %arg16: memref<40x128xf32, #tpu.memory_space<vmem>>, %arg17: memref<624xf32, #tpu.memory_space<vmem>>, %arg18: memref<10000x128xf32, #tpu.memory_space<vmem_shared>>, %arg19: memref<10000xf32, #tpu.memory_space<vmem_shared>>, %arg20: memref<!tpu.dma_semaphore, #tpu.memory_space<semaphore_mem>>, %arg21: memref<!tpu.dma_semaphore, #tpu.memory_space<semaphore_mem>>, %arg22: memref<!tpu.dma_semaphore, #tpu.memory_space<semaphore_mem>>, %arg23: memref<!tpu.dma_semaphore, #tpu.memory_space<semaphore_mem>>) attributes {dimension_semantics = [#tpu.dimension_semantics<core_parallel>, #tpu.dimension_semantics<subcore_parallel>], iteration_bounds = array<i64: 2, 16>, scalar_prefetch = 0 : i64, scratch_operands = 18 : i64, tpu.core_type = #tpu.core_type<sc_vector_subcore>, window_params = [{transform_indices = #map}, {transform_indices = #map}, {transform_indices = #map}, {transform_indices = #map1}]} {
    %mul3A = arith.constant 10000 : i32
    %mul3A_0 = arith.muli %arg0, %mul3A : i32
    %broadcast_in_dim3A = arith.constant 0.000000e+00 : f32
    %broadcast_in_dim3A_1 = vector.broadcast %broadcast_in_dim3A : f32 to vector<16xf32>
    %broadcast_in_dim3A_2 = arith.constant 1.000000e+00 : f32
    %broadcast_in_dim3A_3 = vector.broadcast %broadcast_in_dim3A_2 : f32 to vector<16xf32>
    %swap3A = arith.constant 0 : index
    %swap3A_4 = tpu.vector_load %arg14[%swap3A] {strides = array<i32>} : memref<256xf32, #tpu.memory_space<vmem>>, vector<16xf32>,
    %swap3A_5 = vector.shape_cast %swap3A_4 : vector<16xf32> to vector<16xf32>
    %swap3A_6 = vector.shape_cast %broadcast_in_dim3A_3 : vector<16xf32> to vector<16xf32>
    tpu.vector_store %arg14[%swap3A], %swap3A_6 {strides = array<i32>} : memref<256xf32, #tpu.memory_space<vmem>>, vector<16xf32>,
    %broadcast_in_dim3A_7 = arith.constant 1.000000e+00 : f32
    %broadcast_in_dim3A_8 = vector.broadcast %broadcast_in_dim3A_7 : f32 to vector<16xf32>
    %swap3A_9 = arith.constant 16 : index
    %swap3A_10 = tpu.vector_load %arg14[%swap3A_9] {strides = array<i32>} : memref<256xf32, #tpu.memory_space<vmem>>, vector<16xf32>,
    %swap3A_11 = vector.shape_cast %swap3A_10 : vector<16xf32> to vector<16xf32>
    %swap3A_12 = vector.shape_cast %broadcast_in_dim3A_8 : vector<16xf32> to vector<16xf32>
    tpu.vector_store %arg14[%swap3A_9], %swap3A_12 {strides = array<i32>} : memref<256xf32, #tpu.memory_space<vmem>>, vector<16xf32>,
    %broadcast_in_dim3A_13 = arith.constant 1.000000e+00 : f32
    %broadcast_in_dim3A_14 = vector.broadcast %broadcast_in_dim3A_13 : f32 to vector<16xf32>
    %swap3A_15 = arith.constant 32 : index
    %swap3A_16 = tpu.vector_load %arg14[%swap3A_15] {strides = array<i32>} : memref<256xf32, #tpu.memory_space<vmem>>, vector<16xf32>,
    %swap3A_17 = vector.shape_cast %swap3A_16 : vector<16xf32> to vector<16xf32>
    %swap3A_18 = vector.shape_cast %broadcast_in_dim3A_14 : vector<16xf32> to vector<16xf32>
    tpu.vector_store %arg14[%swap3A_15], %swap3A_18 {strides = array<i32>} : memref<256xf32, #tpu.memory_space<vmem>>, vector<16xf32>,
    %broadcast_in_dim3A_19 = arith.constant 1.000000e+00 : f32
    %broadcast_in_dim3A_20 = vector.broadcast %broadcast_in_dim3A_19 : f32 to vector<16xf32>
    %swap3A_21 = arith.constant 48 : index
    %swap3A_22 = tpu.vector_load %arg14[%swap3A_21] {strides = array<i32>} : memref<256xf32, #tpu.memory_space<vmem>>, vector<16xf32>,
    %swap3A_23 = vector.shape_cast %swap3A_22 : vector<16xf32> to vector<16xf32>
    %swap3A_24 = vector.shape_cast %broadcast_in_dim3A_20 : vector<16xf32> to vector<16xf32>
    tpu.vector_store %arg14[%swap3A_21], %swap3A_24 {strides = array<i32>} : memref<256xf32, #tpu.memory_space<vmem>>, vector<16xf32>,
    %broadcast_in_dim3A_25 = arith.constant 1.000000e+00 : f32
    %broadcast_in_dim3A_26 = vector.broadcast %broadcast_in_dim3A_25 : f32 to vector<16xf32>
    %swap3A_27 = arith.constant 64 : index
    %swap3A_28 = tpu.vector_load %arg14[%swap3A_27] {strides = array<i32>} : memref<256xf32, #tpu.memory_space<vmem>>, vector<16xf32>,
    %swap3A_29 = vector.shape_cast %swap3A_28 : vector<16xf32> to vector<16xf32>
    %swap3A_30 = vector.shape_cast %broadcast_in_dim3A_26 : vector<16xf32> to vector<16xf32>
    tpu.vector_store %arg14[%swap3A_27], %swap3A_30 {strides = array<i32>} : memref<256xf32, #tpu.memory_space<vmem>>, vector<16xf32>,
    %broadcast_in_dim3A_31 = arith.constant 1.000000e+00 : f32
    %broadcast_in_dim3A_32 = vector.broadcast %broadcast_in_dim3A_31 : f32 to vector<16xf32>
    %swap3A_33 = arith.constant 80 : index
    %swap3A_34 = tpu.vector_load %arg14[%swap3A_33] {strides = array<i32>} : memref<256xf32, #tpu.memory_space<vmem>>, vector<16xf32>,
    %swap3A_35 = vector.shape_cast %swap3A_34 : vector<16xf32> to vector<16xf32>
    %swap3A_36 = vector.shape_cast %broadcast_in_dim3A_32 : vector<16xf32> to vector<16xf32>
    tpu.vector_store %arg14[%swap3A_33], %swap3A_36 {strides = array<i32>} : memref<256xf32, #tpu.memory_space<vmem>>, vector<16xf32>,
    %broadcast_in_dim3A_37 = arith.constant 1.000000e+00 : f32
    %broadcast_in_dim3A_38 = vector.broadcast %broadcast_in_dim3A_37 : f32 to vector<16xf32>
    %swap3A_39 = arith.constant 96 : index
    %swap3A_40 = tpu.vector_load %arg14[%swap3A_39] {strides = array<i32>} : memref<256xf32, #tpu.memory_space<vmem>>, vector<16xf32>,
    %swap3A_41 = vector.shape_cast %swap3A_40 : vector<16xf32> to vector<16xf32>
    %swap3A_42 = vector.shape_cast %broadcast_in_dim3A_38 : vector<16xf32> to vector<16xf32>
    tpu.vector_store %arg14[%swap3A_39], %swap3A_42 {strides = array<i32>} : memref<256xf32, #tpu.memory_space<vmem>>, vector<16xf32>,
    %broadcast_in_dim3A_43 = arith.constant 1.000000e+00 : f32
    %broadcast_in_dim3A_44 = vector.broadcast %broadcast_in_dim3A_43 : f32 to vector<16xf32>
    %swap3A_45 = arith.constant 112 : index
    %swap3A_46 = tpu.vector_load %arg14[%swap3A_45] {strides = array<i32>} : memref<256xf32, #tpu.memory_space<vmem>>, vector<16xf32>,
    %swap3A_47 = vector.shape_cast %swap3A_46 : vector<16xf32> to vector<16xf32>
    %swap3A_48 = vector.shape_cast %broadcast_in_dim3A_44 : vector<16xf32> to vector<16xf32>
    tpu.vector_store %arg14[%swap3A_45], %swap3A_48 {strides = array<i32>} : memref<256xf32, #tpu.memory_space<vmem>>, vector<16xf32>,
    %broadcast_in_dim3A_49 = arith.constant 1.000000e+00 : f32
    %broadcast_in_dim3A_50 = vector.broadcast %broadcast_in_dim3A_49 : f32 to vector<16xf32>
    %swap3A_51 = arith.constant 128 : index
    %swap3A_52 = tpu.vector_load %arg14[%swap3A_51] {strides = array<i32>} : memref<256xf32, #tpu.memory_space<vmem>>, vector<16xf32>,
    %swap3A_53 = vector.shape_cast %swap3A_52 : vector<16xf32> to vector<16xf32>
    %swap3A_54 = vector.shape_cast %broadcast_in_dim3A_50 : vector<16xf32> to vector<16xf32>
    tpu.vector_store %arg14[%swap3A_51], %swap3A_54 {strides = array<i32>} : memref<256xf32, #tpu.memory_space<vmem>>, vector<16xf32>,
    %broadcast_in_dim3A_55 = arith.constant 1.000000e+00 : f32
    %broadcast_in_dim3A_56 = vector.broadcast %broadcast_in_dim3A_55 : f32 to vector<16xf32>
    %swap3A_57 = arith.constant 144 : index
    %swap3A_58 = tpu.vector_load %arg14[%swap3A_57] {strides = array<i32>} : memref<256xf32, #tpu.memory_space<vmem>>, vector<16xf32>,
    %swap3A_59 = vector.shape_cast %swap3A_58 : vector<16xf32> to vector<16xf32>
    %swap3A_60 = vector.shape_cast %broadcast_in_dim3A_56 : vector<16xf32> to vector<16xf32>
    tpu.vector_store %arg14[%swap3A_57], %swap3A_60 {strides = array<i32>} : memref<256xf32, #tpu.memory_space<vmem>>, vector<16xf32>,
    %broadcast_in_dim3A_61 = arith.constant 1.000000e+00 : f32
    %broadcast_in_dim3A_62 = vector.broadcast %broadcast_in_dim3A_61 : f32 to vector<16xf32>
    %swap3A_63 = arith.constant 160 : index
    %swap3A_64 = tpu.vector_load %arg14[%swap3A_63] {strides = array<i32>} : memref<256xf32, #tpu.memory_space<vmem>>, vector<16xf32>,
    %swap3A_65 = vector.shape_cast %swap3A_64 : vector<16xf32> to vector<16xf32>
    %swap3A_66 = vector.shape_cast %broadcast_in_dim3A_62 : vector<16xf32> to vector<16xf32>
    tpu.vector_store %arg14[%swap3A_63], %swap3A_66 {strides = array<i32>} : memref<256xf32, #tpu.memory_space<vmem>>, vector<16xf32>,
    %broadcast_in_dim3A_67 = arith.constant 1.000000e+00 : f32
    %broadcast_in_dim3A_68 = vector.broadcast %broadcast_in_dim3A_67 : f32 to vector<16xf32>
    %swap3A_69 = arith.constant 176 : index
    %swap3A_70 = tpu.vector_load %arg14[%swap3A_69] {strides = array<i32>} : memref<256xf32, #tpu.memory_space<vmem>>, vector<16xf32>,
    %swap3A_71 = vector.shape_cast %swap3A_70 : vector<16xf32> to vector<16xf32>
    %swap3A_72 = vector.shape_cast %broadcast_in_dim3A_68 : vector<16xf32> to vector<16xf32>
    tpu.vector_store %arg14[%swap3A_69], %swap3A_72 {strides = array<i32>} : memref<256xf32, #tpu.memory_space<vmem>>, vector<16xf32>,
    %broadcast_in_dim3A_73 = arith.constant 1.000000e+00 : f32
    %broadcast_in_dim3A_74 = vector.broadcast %broadcast_in_dim3A_73 : f32 to vector<16xf32>
    %swap3A_75 = arith.constant 192 : index
    %swap3A_76 = tpu.vector_load %arg14[%swap3A_75] {strides = array<i32>} : memref<256xf32, #tpu.memory_space<vmem>>, vector<16xf32>,
    %swap3A_77 = vector.shape_cast %swap3A_76 : vector<16xf32> to vector<16xf32>
    %swap3A_78 = vector.shape_cast %broadcast_in_dim3A_74 : vector<16xf32> to vector<16xf32>
    tpu.vector_store %arg14[%swap3A_75], %swap3A_78 {strides = array<i32>} : memref<256xf32, #tpu.memory_space<vmem>>, vector<16xf32>,
    %broadcast_in_dim3A_79 = arith.constant 1.000000e+00 : f32
    %broadcast_in_dim3A_80 = vector.broadcast %broadcast_in_dim3A_79 : f32 to vector<16xf32>
    %swap3A_81 = arith.constant 208 : index
    %swap3A_82 = tpu.vector_load %arg14[%swap3A_81] {strides = array<i32>} : memref<256xf32, #tpu.memory_space<vmem>>, vector<16xf32>,
    %swap3A_83 = vector.shape_cast %swap3A_82 : vector<16xf32> to vector<16xf32>
    %swap3A_84 = vector.shape_cast %broadcast_in_dim3A_80 : vector<16xf32> to vector<16xf32>
    tpu.vector_store %arg14[%swap3A_81], %swap3A_84 {strides = array<i32>} : memref<256xf32, #tpu.memory_space<vmem>>, vector<16xf32>,
    %broadcast_in_dim3A_85 = arith.constant 1.000000e+00 : f32
    %broadcast_in_dim3A_86 = vector.broadcast %broadcast_in_dim3A_85 : f32 to vector<16xf32>
    %swap3A_87 = arith.constant 224 : index
    %swap3A_88 = tpu.vector_load %arg14[%swap3A_87] {strides = array<i32>} : memref<256xf32, #tpu.memory_space<vmem>>, vector<16xf32>,
    %swap3A_89 = vector.shape_cast %swap3A_88 : vector<16xf32> to vector<16xf32>
    %swap3A_90 = vector.shape_cast %broadcast_in_dim3A_86 : vector<16xf32> to vector<16xf32>
    tpu.vector_store %arg14[%swap3A_87], %swap3A_90 {strides = array<i32>} : memref<256xf32, #tpu.memory_space<vmem>>, vector<16xf32>,
    %broadcast_in_dim3A_91 = arith.constant 1.000000e+00 : f32
    %broadcast_in_dim3A_92 = vector.broadcast %broadcast_in_dim3A_91 : f32 to vector<16xf32>
    %swap3A_93 = arith.constant 240 : index
    %swap3A_94 = tpu.vector_load %arg14[%swap3A_93] {strides = array<i32>} : memref<256xf32, #tpu.memory_space<vmem>>, vector<16xf32>,
    %swap3A_95 = vector.shape_cast %swap3A_94 : vector<16xf32> to vector<16xf32>
    %swap3A_96 = vector.shape_cast %broadcast_in_dim3A_92 : vector<16xf32> to vector<16xf32>
    tpu.vector_store %arg14[%swap3A_93], %swap3A_96 {strides = array<i32>} : memref<256xf32, #tpu.memory_space<vmem>>, vector<16xf32>,
    %scan3A = arith.constant 0 : i32
    %scan3A_97 = arith.constant 40 : i32
    %scan3A_98 = arith.addi %scan3A, %scan3A_97 : i32
    %scan3A_99 = arith.constant 1 : i32
    scf.for %scan3A_819 = %scan3A to %scan3A_98 step %scan3A_99  : i32 {
      %swap3A_820 = arith.index_cast %scan3A_819 : i32 to index
      %swap3A_821 = arith.constant 0 : index
      %swap3A_822 = tpu.vector_load %arg16[%swap3A_820, %swap3A_821] {strides = array<i32>} : memref<40x128xf32, #tpu.memory_space<vmem>>, vector<1x16xf32>,
      %swap3A_823 = vector.shape_cast %swap3A_822 : vector<1x16xf32> to vector<16xf32>
      %swap3A_824 = vector.shape_cast %broadcast_in_dim3A_1 : vector<16xf32> to vector<1x16xf32>
      tpu.vector_store %arg16[%swap3A_820, %swap3A_821], %swap3A_824 {strides = array<i32>} : memref<40x128xf32, #tpu.memory_space<vmem>>, vector<1x16xf32>,
      %swap3A_825 = arith.index_cast %scan3A_819 : i32 to index
      %swap3A_826 = arith.constant 16 : index
      %swap3A_827 = tpu.vector_load %arg16[%swap3A_825, %swap3A_826] {strides = array<i32>} : memref<40x128xf32, #tpu.memory_space<vmem>>, vector<1x16xf32>,
      %swap3A_828 = vector.shape_cast %swap3A_827 : vector<1x16xf32> to vector<16xf32>
      %swap3A_829 = vector.shape_cast %broadcast_in_dim3A_1 : vector<16xf32> to vector<1x16xf32>
      tpu.vector_store %arg16[%swap3A_825, %swap3A_826], %swap3A_829 {strides = array<i32>} : memref<40x128xf32, #tpu.memory_space<vmem>>, vector<1x16xf32>,
      %swap3A_830 = arith.index_cast %scan3A_819 : i32 to index
      %swap3A_831 = arith.constant 32 : index
      %swap3A_832 = tpu.vector_load %arg16[%swap3A_830, %swap3A_831] {strides = array<i32>} : memref<40x128xf32, #tpu.memory_space<vmem>>, vector<1x16xf32>,
      %swap3A_833 = vector.shape_cast %swap3A_832 : vector<1x16xf32> to vector<16xf32>
      %swap3A_834 = vector.shape_cast %broadcast_in_dim3A_1 : vector<16xf32> to vector<1x16xf32>
      tpu.vector_store %arg16[%swap3A_830, %swap3A_831], %swap3A_834 {strides = array<i32>} : memref<40x128xf32, #tpu.memory_space<vmem>>, vector<1x16xf32>,
      %swap3A_835 = arith.index_cast %scan3A_819 : i32 to index
      %swap3A_836 = arith.constant 48 : index
      %swap3A_837 = tpu.vector_load %arg16[%swap3A_835, %swap3A_836] {strides = array<i32>} : memref<40x128xf32, #tpu.memory_space<vmem>>, vector<1x16xf32>,
      %swap3A_838 = vector.shape_cast %swap3A_837 : vector<1x16xf32> to vector<16xf32>
      %swap3A_839 = vector.shape_cast %broadcast_in_dim3A_1 : vector<16xf32> to vector<1x16xf32>
      tpu.vector_store %arg16[%swap3A_835, %swap3A_836], %swap3A_839 {strides = array<i32>} : memref<40x128xf32, #tpu.memory_space<vmem>>, vector<1x16xf32>,
      %swap3A_840 = arith.index_cast %scan3A_819 : i32 to index
      %swap3A_841 = arith.constant 64 : index
      %swap3A_842 = tpu.vector_load %arg16[%swap3A_840, %swap3A_841] {strides = array<i32>} : memref<40x128xf32, #tpu.memory_space<vmem>>, vector<1x16xf32>,
      %swap3A_843 = vector.shape_cast %swap3A_842 : vector<1x16xf32> to vector<16xf32>
      %swap3A_844 = vector.shape_cast %broadcast_in_dim3A_1 : vector<16xf32> to vector<1x16xf32>
      tpu.vector_store %arg16[%swap3A_840, %swap3A_841], %swap3A_844 {strides = array<i32>} : memref<40x128xf32, #tpu.memory_space<vmem>>, vector<1x16xf32>,
      %swap3A_845 = arith.index_cast %scan3A_819 : i32 to index
      %swap3A_846 = arith.constant 80 : index
      %swap3A_847 = tpu.vector_load %arg16[%swap3A_845, %swap3A_846] {strides = array<i32>} : memref<40x128xf32, #tpu.memory_space<vmem>>, vector<1x16xf32>,
      %swap3A_848 = vector.shape_cast %swap3A_847 : vector<1x16xf32> to vector<16xf32>
      %swap3A_849 = vector.shape_cast %broadcast_in_dim3A_1 : vector<16xf32> to vector<1x16xf32>
      tpu.vector_store %arg16[%swap3A_845, %swap3A_846], %swap3A_849 {strides = array<i32>} : memref<40x128xf32, #tpu.memory_space<vmem>>, vector<1x16xf32>,
      %swap3A_850 = arith.index_cast %scan3A_819 : i32 to index
      %swap3A_851 = arith.constant 96 : index
      %swap3A_852 = tpu.vector_load %arg16[%swap3A_850, %swap3A_851] {strides = array<i32>} : memref<40x128xf32, #tpu.memory_space<vmem>>, vector<1x16xf32>,
      %swap3A_853 = vector.shape_cast %swap3A_852 : vector<1x16xf32> to vector<16xf32>
      %swap3A_854 = vector.shape_cast %broadcast_in_dim3A_1 : vector<16xf32> to vector<1x16xf32>
      tpu.vector_store %arg16[%swap3A_850, %swap3A_851], %swap3A_854 {strides = array<i32>} : memref<40x128xf32, #tpu.memory_space<vmem>>, vector<1x16xf32>,
      %swap3A_855 = arith.index_cast %scan3A_819 : i32 to index
      %swap3A_856 = arith.constant 112 : index
      %swap3A_857 = tpu.vector_load %arg16[%swap3A_855, %swap3A_856] {strides = array<i32>} : memref<40x128xf32, #tpu.memory_space<vmem>>, vector<1x16xf32>,
      %swap3A_858 = vector.shape_cast %swap3A_857 : vector<1x16xf32> to vector<16xf32>
      %swap3A_859 = vector.shape_cast %broadcast_in_dim3A_1 : vector<16xf32> to vector<1x16xf32>
      tpu.vector_store %arg16[%swap3A_855, %swap3A_856], %swap3A_859 {strides = array<i32>} : memref<40x128xf32, #tpu.memory_space<vmem>>, vector<1x16xf32>,
    }
    %scan3A_100 = arith.constant 40 : i32
    %scan3A_101 = arith.constant 0 : i32
    %scan3A_102 = arith.constant 2 : i32
    %scan3A_103 = arith.addi %scan3A_101, %scan3A_102 : i32
    %scan3A_104 = arith.constant 1 : i32
    scf.for %scan3A_819 = %scan3A_101 to %scan3A_103 step %scan3A_104  : i32 {
      %mul3A_820 = arith.constant 16 : i32
      %mul3A_821 = arith.muli %scan3A_819, %mul3A_820 : i32
      %swap3A_822 = arith.index_cast %mul3A_821 : i32 to index
      %swap3A_823 = tpu.vector_load %arg15[%swap3A_822] {strides = array<i32>} : memref<40xf32, #tpu.memory_space<vmem>>, vector<16xf32>,
      %swap3A_824 = vector.shape_cast %swap3A_823 : vector<16xf32> to vector<16xf32>
      %swap3A_825 = vector.shape_cast %broadcast_in_dim3A_1 : vector<16xf32> to vector<16xf32>
      tpu.vector_store %arg15[%swap3A_822], %swap3A_825 {strides = array<i32>} : memref<40xf32, #tpu.memory_space<vmem>>, vector<16xf32>,
    }
    %scan3A_105 = arith.constant 2 : i32
    %swap3A_106 = arith.constant 24 : index
    %swap3A_107 = tpu.vector_load %arg15[%swap3A_106] {strides = array<i32>} : memref<40xf32, #tpu.memory_space<vmem>>, vector<16xf32>,
    %swap3A_108 = vector.shape_cast %swap3A_107 : vector<16xf32> to vector<16xf32>
    %swap3A_109 = vector.shape_cast %broadcast_in_dim3A_1 : vector<16xf32> to vector<16xf32>
    tpu.vector_store %arg15[%swap3A_106], %swap3A_109 {strides = array<i32>} : memref<40xf32, #tpu.memory_space<vmem>>, vector<16xf32>,
    %sub3A = arith.constant 250 : i32
    %sub3A_110 = arith.subi %sub3A, %arg1 : i32
    %add3A = arith.constant 16 : i32
    %add3A_111 = arith.addi %sub3A_110, %add3A : i32
    %sub3A_112 = arith.constant 1 : i32
    %sub3A_113 = arith.subi %add3A_111, %sub3A_112 : i32
    %jit3A = arith.constant 16 : i32
    %div3A = arith.divsi %sub3A_113, %jit3A : i32
    %sign3A = arith.constant 0 : i32
    %sign3A_114 = arith.cmpi sgt, %sub3A_113, %sign3A : i32
    %sign3A_115 = arith.extui %sign3A_114 : i1 to i32
    %sign3A_116 = arith.constant 0 : i32
    %sign3A_117 = arith.cmpi slt, %sub3A_113, %sign3A_116 : i32
    %sign3A_118 = arith.extui %sign3A_117 : i1 to i32
    %sign3A_119 = arith.subi %sign3A_115, %sign3A_118 : i32
    %sign3A_120 = arith.constant 0 : i32
    %sign3A_121 = arith.cmpi sgt, %jit3A, %sign3A_120 : i32
    %sign3A_122 = arith.extui %sign3A_121 : i1 to i32
    %sign3A_123 = arith.constant 0 : i32
    %sign3A_124 = arith.cmpi slt, %jit3A, %sign3A_123 : i32
    %sign3A_125 = arith.extui %sign3A_124 : i1 to i32
    %sign3A_126 = arith.subi %sign3A_122, %sign3A_125 : i32
    %ne3A = arith.cmpi ne, %sign3A_119, %sign3A_126 : i32
    %rem3A = arith.remsi %sub3A_113, %jit3A : i32
    %ne3A_127 = arith.constant 0 : i32
    %ne3A_128 = arith.cmpi ne, %rem3A, %ne3A_127 : i32
    %and3A = arith.andi %ne3A, %ne3A_128 : i1
    %sub3A_129 = arith.constant 1 : i32
    %sub3A_130 = arith.subi %div3A, %sub3A_129 : i32
    %select_n3A = arith.select %and3A, %sub3A_130, %div3A : i32
    %add3A_131 = arith.constant 0 : i32
    %add3A_132 = arith.addi %arg1, %add3A_131 : i32
    %mul3A_133 = arith.constant 40 : i32
    %mul3A_134 = arith.muli %add3A_132, %mul3A_133 : i32
    %multiple_of3A = tpu.assume_multiple %mul3A_134, 8 : i32
    %dma_start3A = arith.constant 0 : i32
    %dma_start3A_135 = tpu.memref_slice %arg18[%multiple_of3A, %dma_start3A] : memref<10000x128xf32, #tpu.memory_space<vmem_shared>> -> memref<40x128xf32, #tpu.memory_space<vmem_shared>>
    %dma_start3A_136 = arith.constant 0 : i32
    %dma_start3A_137 = tpu.memref_slice %arg18[%multiple_of3A, %dma_start3A_136] : memref<10000x128xf32, #tpu.memory_space<vmem_shared>> -> memref<40x128xf32, #tpu.memory_space<vmem_shared>>
    tpu.enqueue_dma source(%arg16 : memref<40x128xf32, #tpu.memory_space<vmem>>) target(%dma_start3A_137 : memref<40x128xf32, #tpu.memory_space<vmem_shared>>) target_semaphore(%arg20 : memref<!tpu.dma_semaphore, #tpu.memory_space<semaphore_mem>>)
    %dma_start3A_138 = tpu.memref_slice %arg19[%multiple_of3A] : memref<10000xf32, #tpu.memory_space<vmem_shared>> -> memref<40xf32, #tpu.memory_space<vmem_shared>>
    %dma_start3A_139 = tpu.memref_slice %arg19[%multiple_of3A] : memref<10000xf32, #tpu.memory_space<vmem_shared>> -> memref<40xf32, #tpu.memory_space<vmem_shared>>
    tpu.enqueue_dma source(%arg15 : memref<40xf32, #tpu.memory_space<vmem>>) target(%dma_start3A_139 : memref<40xf32, #tpu.memory_space<vmem_shared>>) target_semaphore(%arg21 : memref<!tpu.dma_semaphore, #tpu.memory_space<semaphore_mem>>)
    %while3A = arith.constant 0 : i32
    %while3A_140 = arith.subi %select_n3A, %while3A : i32
    %while3A_141 = arith.addi %while3A, %while3A_140 : i32
    %while3A_142 = arith.constant 1 : i32
    %while3A_143 = arith.divsi %while3A_140, %while3A_142 : i32
    %while3A_144 = arith.muli %while3A_143, %while3A_142 : i32
    %while3A_145 = arith.addi %while3A, %while3A_144 : i32
    %while3A_146 = arith.constant 1 : i32
    scf.for %while3A_819 = %while3A to %while3A_145 step %while3A_146  : i32 {
      %add3A_820 = arith.constant 1 : i32
      %add3A_821 = arith.addi %while3A_819, %add3A_820 : i32
      %lt3A_822 = arith.cmpi slt, %add3A_821, %select_n3A : i32
      %convert_element_type3A_823 = arith.extui %lt3A_822 : i1 to i32
      %cond3A_824 = arith.constant 0 : i32
      %cond3A_825 = arith.cmpi ne, %convert_element_type3A_823, %cond3A_824 : i32
      scf.if %cond3A_825 {
        %add3A_838 = arith.constant 1 : i32
        %add3A_839 = arith.addi %while3A_819, %add3A_838 : i32
        %mul3A_840 = arith.constant 16 : i32
        %mul3A_841 = arith.muli %add3A_839, %mul3A_840 : i32
        %add3A_842 = arith.addi %arg1, %mul3A_841 : i32
        %mul3A_843 = arith.constant 40 : i32
        %mul3A_844 = arith.muli %add3A_842, %mul3A_843 : i32
        %multiple_of3A_845 = tpu.assume_multiple %mul3A_844, 8 : i32
        %dma_start3A_846 = arith.constant 0 : i32
        %dma_start3A_847 = tpu.memref_slice %arg18[%multiple_of3A_845, %dma_start3A_846] : memref<10000x128xf32, #tpu.memory_space<vmem_shared>> -> memref<40x128xf32, #tpu.memory_space<vmem_shared>>
        %dma_start3A_848 = arith.constant 0 : i32
        %dma_start3A_849 = tpu.memref_slice %arg18[%multiple_of3A_845, %dma_start3A_848] : memref<10000x128xf32, #tpu.memory_space<vmem_shared>> -> memref<40x128xf32, #tpu.memory_space<vmem_shared>>
        tpu.enqueue_dma source(%arg16 : memref<40x128xf32, #tpu.memory_space<vmem>>) target(%dma_start3A_849 : memref<40x128xf32, #tpu.memory_space<vmem_shared>>) target_semaphore(%arg20 : memref<!tpu.dma_semaphore, #tpu.memory_space<semaphore_mem>>)
        %dma_start3A_850 = tpu.memref_slice %arg19[%multiple_of3A_845] : memref<10000xf32, #tpu.memory_space<vmem_shared>> -> memref<40xf32, #tpu.memory_space<vmem_shared>>
        %dma_start3A_851 = tpu.memref_slice %arg19[%multiple_of3A_845] : memref<10000xf32, #tpu.memory_space<vmem_shared>> -> memref<40xf32, #tpu.memory_space<vmem_shared>>
        tpu.enqueue_dma source(%arg15 : memref<40xf32, #tpu.memory_space<vmem>>) target(%dma_start3A_851 : memref<40xf32, #tpu.memory_space<vmem_shared>>) target_semaphore(%arg21 : memref<!tpu.dma_semaphore, #tpu.memory_space<semaphore_mem>>)
      } else {
      }
      %mul3A_826 = arith.constant 16 : i32
      %mul3A_827 = arith.muli %while3A_819, %mul3A_826 : i32
      %add3A_828 = arith.addi %arg1, %mul3A_827 : i32
      %mul3A_829 = arith.constant 40 : i32
      %mul3A_830 = arith.muli %add3A_828, %mul3A_829 : i32
      %multiple_of3A_831 = tpu.assume_multiple %mul3A_830, 8 : i32
      %dma_wait3A_832 = arith.constant 0 : i32
      %dma_wait3A_833 = tpu.memref_slice %arg18[%multiple_of3A_831, %dma_wait3A_832] : memref<10000x128xf32, #tpu.memory_space<vmem_shared>> -> memref<40x128xf32, #tpu.memory_space<vmem_shared>>
      %dma_wait3A_834 = arith.constant 0 : i32
      %dma_wait3A_835 = tpu.memref_slice %arg18[%multiple_of3A_831, %dma_wait3A_834] : memref<10000x128xf32, #tpu.memory_space<vmem_shared>> -> memref<40x128xf32, #tpu.memory_space<vmem_shared>>
      tpu.wait_dma2 semaphore(%arg20 : memref<!tpu.dma_semaphore, #tpu.memory_space<semaphore_mem>>) src(%arg16 : memref<40x128xf32, #tpu.memory_space<vmem>>) dst(%dma_wait3A_835 : memref<40x128xf32, #tpu.memory_space<vmem_shared>>)
      %dma_wait3A_836 = tpu.memref_slice %arg19[%multiple_of3A_831] : memref<10000xf32, #tpu.memory_space<vmem_shared>> -> memref<40xf32, #tpu.memory_space<vmem_shared>>
      %dma_wait3A_837 = tpu.memref_slice %arg19[%multiple_of3A_831] : memref<10000xf32, #tpu.memory_space<vmem_shared>> -> memref<40xf32, #tpu.memory_space<vmem_shared>>
      tpu.wait_dma2 semaphore(%arg21 : memref<!tpu.dma_semaphore, #tpu.memory_space<semaphore_mem>>) src(%arg15 : memref<40xf32, #tpu.memory_space<vmem>>) dst(%dma_wait3A_837 : memref<40xf32, #tpu.memory_space<vmem_shared>>)
    }
    %while3A_147 = arith.constant 1 : i32
    scf.for %while3A_819 = %while3A_145 to %while3A_141 step %while3A_147  : i32 {
      %add3A_820 = arith.constant 1 : i32
      %add3A_821 = arith.addi %while3A_819, %add3A_820 : i32
      %lt3A_822 = arith.cmpi slt, %add3A_821, %select_n3A : i32
      %convert_element_type3A_823 = arith.extui %lt3A_822 : i1 to i32
      %cond3A_824 = arith.constant 0 : i32
      %cond3A_825 = arith.cmpi ne, %convert_element_type3A_823, %cond3A_824 : i32
      scf.if %cond3A_825 {
        %add3A_838 = arith.constant 1 : i32
        %add3A_839 = arith.addi %while3A_819, %add3A_838 : i32
        %mul3A_840 = arith.constant 16 : i32
        %mul3A_841 = arith.muli %add3A_839, %mul3A_840 : i32
        %add3A_842 = arith.addi %arg1, %mul3A_841 : i32
        %mul3A_843 = arith.constant 40 : i32
        %mul3A_844 = arith.muli %add3A_842, %mul3A_843 : i32
        %multiple_of3A_845 = tpu.assume_multiple %mul3A_844, 8 : i32
        %dma_start3A_846 = arith.constant 0 : i32
        %dma_start3A_847 = tpu.memref_slice %arg18[%multiple_of3A_845, %dma_start3A_846] : memref<10000x128xf32, #tpu.memory_space<vmem_shared>> -> memref<40x128xf32, #tpu.memory_space<vmem_shared>>
        %dma_start3A_848 = arith.constant 0 : i32
        %dma_start3A_849 = tpu.memref_slice %arg18[%multiple_of3A_845, %dma_start3A_848] : memref<10000x128xf32, #tpu.memory_space<vmem_shared>> -> memref<40x128xf32, #tpu.memory_space<vmem_shared>>
        tpu.enqueue_dma source(%arg16 : memref<40x128xf32, #tpu.memory_space<vmem>>) target(%dma_start3A_849 : memref<40x128xf32, #tpu.memory_space<vmem_shared>>) target_semaphore(%arg20 : memref<!tpu.dma_semaphore, #tpu.memory_space<semaphore_mem>>)
        %dma_start3A_850 = tpu.memref_slice %arg19[%multiple_of3A_845] : memref<10000xf32, #tpu.memory_space<vmem_shared>> -> memref<40xf32, #tpu.memory_space<vmem_shared>>
        %dma_start3A_851 = tpu.memref_slice %arg19[%multiple_of3A_845] : memref<10000xf32, #tpu.memory_space<vmem_shared>> -> memref<40xf32, #tpu.memory_space<vmem_shared>>
        tpu.enqueue_dma source(%arg15 : memref<40xf32, #tpu.memory_space<vmem>>) target(%dma_start3A_851 : memref<40xf32, #tpu.memory_space<vmem_shared>>) target_semaphore(%arg21 : memref<!tpu.dma_semaphore, #tpu.memory_space<semaphore_mem>>)
      } else {
      }
      %mul3A_826 = arith.constant 16 : i32
      %mul3A_827 = arith.muli %while3A_819, %mul3A_826 : i32
      %add3A_828 = arith.addi %arg1, %mul3A_827 : i32
      %mul3A_829 = arith.constant 40 : i32
      %mul3A_830 = arith.muli %add3A_828, %mul3A_829 : i32
      %multiple_of3A_831 = tpu.assume_multiple %mul3A_830, 8 : i32
      %dma_wait3A_832 = arith.constant 0 : i32
      %dma_wait3A_833 = tpu.memref_slice %arg18[%multiple_of3A_831, %dma_wait3A_832] : memref<10000x128xf32, #tpu.memory_space<vmem_shared>> -> memref<40x128xf32, #tpu.memory_space<vmem_shared>>
      %dma_wait3A_834 = arith.constant 0 : i32
      %dma_wait3A_835 = tpu.memref_slice %arg18[%multiple_of3A_831, %dma_wait3A_834] : memref<10000x128xf32, #tpu.memory_space<vmem_shared>> -> memref<40x128xf32, #tpu.memory_space<vmem_shared>>
      tpu.wait_dma2 semaphore(%arg20 : memref<!tpu.dma_semaphore, #tpu.memory_space<semaphore_mem>>) src(%arg16 : memref<40x128xf32, #tpu.memory_space<vmem>>) dst(%dma_wait3A_835 : memref<40x128xf32, #tpu.memory_space<vmem_shared>>)
      %dma_wait3A_836 = tpu.memref_slice %arg19[%multiple_of3A_831] : memref<10000xf32, #tpu.memory_space<vmem_shared>> -> memref<40xf32, #tpu.memory_space<vmem_shared>>
      %dma_wait3A_837 = tpu.memref_slice %arg19[%multiple_of3A_831] : memref<10000xf32, #tpu.memory_space<vmem_shared>> -> memref<40xf32, #tpu.memory_space<vmem_shared>>
      tpu.wait_dma2 semaphore(%arg21 : memref<!tpu.dma_semaphore, #tpu.memory_space<semaphore_mem>>) src(%arg15 : memref<40xf32, #tpu.memory_space<vmem>>) dst(%dma_wait3A_837 : memref<40xf32, #tpu.memory_space<vmem_shared>>)
    }
    %barrier3A = arith.constant 0 : index
    tpu.barrier barrier_id(%barrier3A)
    %mul3A_148 = arith.constant 2500 : i32
    %mul3A_149 = arith.muli %arg1, %mul3A_148 : i32
    %jit3A_150 = arith.constant 16 : i32
    %div3A_151 = arith.divsi %mul3A_149, %jit3A_150 : i32
    %sign3A_152 = arith.constant 0 : i32
    %sign3A_153 = arith.cmpi sgt, %mul3A_149, %sign3A_152 : i32
    %sign3A_154 = arith.extui %sign3A_153 : i1 to i32
    %sign3A_155 = arith.constant 0 : i32
    %sign3A_156 = arith.cmpi slt, %mul3A_149, %sign3A_155 : i32
    %sign3A_157 = arith.extui %sign3A_156 : i1 to i32
    %sign3A_158 = arith.subi %sign3A_154, %sign3A_157 : i32
    %sign3A_159 = arith.constant 0 : i32
    %sign3A_160 = arith.cmpi sgt, %jit3A_150, %sign3A_159 : i32
    %sign3A_161 = arith.extui %sign3A_160 : i1 to i32
    %sign3A_162 = arith.constant 0 : i32
    %sign3A_163 = arith.cmpi slt, %jit3A_150, %sign3A_162 : i32
    %sign3A_164 = arith.extui %sign3A_163 : i1 to i32
    %sign3A_165 = arith.subi %sign3A_161, %sign3A_164 : i32
    %ne3A_166 = arith.cmpi ne, %sign3A_158, %sign3A_165 : i32
    %rem3A_167 = arith.remsi %mul3A_149, %jit3A_150 : i32
    %ne3A_168 = arith.constant 0 : i32
    %ne3A_169 = arith.cmpi ne, %rem3A_167, %ne3A_168 : i32
    %and3A_170 = arith.andi %ne3A_166, %ne3A_169 : i1
    %sub3A_171 = arith.constant 1 : i32
    %sub3A_172 = arith.subi %div3A_151, %sub3A_171 : i32
    %select_n3A_173 = arith.select %and3A_170, %sub3A_172, %div3A_151 : i32
    %add3A_174 = arith.constant 1 : i32
    %add3A_175 = arith.addi %arg1, %add3A_174 : i32
    %mul3A_176 = arith.constant 2500 : i32
    %mul3A_177 = arith.muli %add3A_175, %mul3A_176 : i32
    %jit3A_178 = arith.constant 16 : i32
    %div3A_179 = arith.divsi %mul3A_177, %jit3A_178 : i32
    %sign3A_180 = arith.constant 0 : i32
    %sign3A_181 = arith.cmpi sgt, %mul3A_177, %sign3A_180 : i32
    %sign3A_182 = arith.extui %sign3A_181 : i1 to i32
    %sign3A_183 = arith.constant 0 : i32
    %sign3A_184 = arith.cmpi slt, %mul3A_177, %sign3A_183 : i32
    %sign3A_185 = arith.extui %sign3A_184 : i1 to i32
    %sign3A_186 = arith.subi %sign3A_182, %sign3A_185 : i32
    %sign3A_187 = arith.constant 0 : i32
    %sign3A_188 = arith.cmpi sgt, %jit3A_178, %sign3A_187 : i32
    %sign3A_189 = arith.extui %sign3A_188 : i1 to i32
    %sign3A_190 = arith.constant 0 : i32
    %sign3A_191 = arith.cmpi slt, %jit3A_178, %sign3A_190 : i32
    %sign3A_192 = arith.extui %sign3A_191 : i1 to i32
    %sign3A_193 = arith.subi %sign3A_189, %sign3A_192 : i32
    %ne3A_194 = arith.cmpi ne, %sign3A_186, %sign3A_193 : i32
    %rem3A_195 = arith.remsi %mul3A_177, %jit3A_178 : i32
    %ne3A_196 = arith.constant 0 : i32
    %ne3A_197 = arith.cmpi ne, %rem3A_195, %ne3A_196 : i32
    %and3A_198 = arith.andi %ne3A_194, %ne3A_197 : i1
    %sub3A_199 = arith.constant 1 : i32
    %sub3A_200 = arith.subi %div3A_179, %sub3A_199 : i32
    %select_n3A_201 = arith.select %and3A_198, %sub3A_200, %div3A_179 : i32
    %mul3A_202 = arith.constant 256 : i32
    %mul3A_203 = arith.muli %select_n3A_173, %mul3A_202 : i32
    %multiple_of3A_204 = tpu.assume_multiple %mul3A_203, 256 : i32
    "tpu.region"() ({
      %run_scoped3A = tpu.sem_alloc : memref<!tpu.dma_semaphore, #tpu.memory_space<semaphore_mem>>
      %dma_start3A_819 = arith.constant 0 : i32
      %dma_start3A_820 = tpu.memref_slice %arg3[%dma_start3A_819, %multiple_of3A_204] : memref<2x640000xi32, #tpu.memory_space<hbm>> -> memref<2x256xi32, #tpu.memory_space<hbm>>
      %dma_start3A_821 = arith.constant 0 : i32
      %dma_start3A_822 = tpu.memref_slice %arg3[%dma_start3A_821, %multiple_of3A_204] : memref<2x640000xi32, #tpu.memory_space<hbm>> -> memref<2x256xi32, #tpu.memory_space<hbm>>
      tpu.enqueue_dma source(%dma_start3A_822 : memref<2x256xi32, #tpu.memory_space<hbm>>) target(%arg6 : memref<2x256xi32, #tpu.memory_space<vmem>>) target_semaphore(%run_scoped3A : memref<!tpu.dma_semaphore, #tpu.memory_space<semaphore_mem>>)
      %dma_wait3A_823 = arith.constant 0 : i32
      %dma_wait3A_824 = tpu.memref_slice %arg3[%dma_wait3A_823, %multiple_of3A_204] : memref<2x640000xi32, #tpu.memory_space<hbm>> -> memref<2x256xi32, #tpu.memory_space<hbm>>
      %dma_wait3A_825 = arith.constant 0 : i32
      %dma_wait3A_826 = tpu.memref_slice %arg3[%dma_wait3A_825, %multiple_of3A_204] : memref<2x640000xi32, #tpu.memory_space<hbm>> -> memref<2x256xi32, #tpu.memory_space<hbm>>
      tpu.wait_dma2 semaphore(%run_scoped3A : memref<!tpu.dma_semaphore, #tpu.memory_space<semaphore_mem>>) src(%dma_wait3A_826 : memref<2x256xi32, #tpu.memory_space<hbm>>) dst(%arg6 : memref<2x256xi32, #tpu.memory_space<vmem>>)
      tpu.yield
    }) : () -> ()
    %get3A = arith.constant 1 : i32
    %get3A_205 = arith.index_cast %get3A : i32 to index
    %get3A_206 = arith.constant 0 : index
    %get3A_207 = tpu.vector_load %arg6[%get3A_205, %get3A_206] {strides = array<i32>} : memref<2x256xi32, #tpu.memory_space<vmem>>, vector<1x16xi32>,
    %get3A_208 = vector.shape_cast %get3A_207 : vector<1x16xi32> to vector<16xi32>
    %sub3A_209 = vector.broadcast %mul3A_0 : i32 to vector<16xi32>
    %sub3A_210 = arith.subi %get3A_208, %sub3A_209 : vector<16xi32>
    %ge3A = arith.constant 0 : i32
    %ge3A_211 = vector.broadcast %ge3A : i32 to vector<16xi32>
    %ge3A_212 = arith.cmpi sge, %sub3A_210, %ge3A_211 : vector<16xi32>
    %lt3A = arith.constant 10000 : i32
    %lt3A_213 = vector.broadcast %lt3A : i32 to vector<16xi32>
    %lt3A_214 = arith.cmpi slt, %sub3A_210, %lt3A_213 : vector<16xi32>
    %and3A_215 = arith.andi %ge3A_212, %lt3A_214 : vector<16xi1>
    %jit3A_216 = arith.constant -1 : i32
    %broadcast_in_dim3A_217 = vector.broadcast %jit3A_216 : i32 to vector<16xi32>
    %select_n3A_218 = arith.select %and3A_215, %sub3A_210, %broadcast_in_dim3A_217 : vector<16xi1>, vector<16xi32>
    %swap3A_219 = arith.constant 0 : index
    %swap3A_220 = tpu.vector_load %arg8[%swap3A_219] {strides = array<i32>} : memref<128xi32, #tpu.memory_space<vmem>>, vector<16xi32>,
    %swap3A_221 = vector.shape_cast %swap3A_220 : vector<16xi32> to vector<16xi32>
    %swap3A_222 = vector.shape_cast %select_n3A_218 : vector<16xi32> to vector<16xi32>
    tpu.vector_store %arg8[%swap3A_219], %swap3A_222 {strides = array<i32>} : memref<128xi32, #tpu.memory_space<vmem>>, vector<16xi32>,
    %swap3A_223 = arith.constant 0 : index
    %swap3A_224 = tpu.vector_load %arg11[%swap3A_223] {strides = array<i32>} : memref<256xi32, #tpu.memory_space<vmem>>, vector<16xi32>,
    %swap3A_225 = vector.shape_cast %swap3A_224 : vector<16xi32> to vector<16xi32>
    %swap3A_226 = vector.shape_cast %select_n3A_218 : vector<16xi32> to vector<16xi32>
    tpu.vector_store %arg11[%swap3A_223], %swap3A_226 {strides = array<i32>} : memref<256xi32, #tpu.memory_space<vmem>>, vector<16xi32>,
    %get3A_227 = arith.constant 0 : i32
    %get3A_228 = arith.index_cast %get3A_227 : i32 to index
    %get3A_229 = arith.constant 0 : index
    %get3A_230 = tpu.vector_load %arg6[%get3A_228, %get3A_229] {strides = array<i32>} : memref<2x256xi32, #tpu.memory_space<vmem>>, vector<1x16xi32>,
    %get3A_231 = vector.shape_cast %get3A_230 : vector<1x16xi32> to vector<16xi32>
    %jit3A_232 = arith.constant -1 : i32
    %broadcast_in_dim3A_233 = vector.broadcast %jit3A_232 : i32 to vector<16xi32>
    %select_n3A_234 = arith.select %and3A_215, %get3A_231, %broadcast_in_dim3A_233 : vector<16xi1>, vector<16xi32>
    %swap3A_235 = arith.constant 0 : index
    %swap3A_236 = tpu.vector_load %arg7[%swap3A_235] {strides = array<i32>} : memref<128xi32, #tpu.memory_space<vmem>>, vector<16xi32>,
    %swap3A_237 = vector.shape_cast %swap3A_236 : vector<16xi32> to vector<16xi32>
    %swap3A_238 = vector.shape_cast %select_n3A_234 : vector<16xi32> to vector<16xi32>
    tpu.vector_store %arg7[%swap3A_235], %swap3A_238 {strides = array<i32>} : memref<128xi32, #tpu.memory_space<vmem>>, vector<16xi32>,
    %get3A_239 = arith.constant 1 : i32
    %get3A_240 = arith.index_cast %get3A_239 : i32 to index
    %get3A_241 = arith.constant 16 : index
    %get3A_242 = tpu.vector_load %arg6[%get3A_240, %get3A_241] {strides = array<i32>} : memref<2x256xi32, #tpu.memory_space<vmem>>, vector<1x16xi32>,
    %get3A_243 = vector.shape_cast %get3A_242 : vector<1x16xi32> to vector<16xi32>
    %sub3A_244 = vector.broadcast %mul3A_0 : i32 to vector<16xi32>
    %sub3A_245 = arith.subi %get3A_243, %sub3A_244 : vector<16xi32>
    %ge3A_246 = arith.constant 0 : i32
    %ge3A_247 = vector.broadcast %ge3A_246 : i32 to vector<16xi32>
    %ge3A_248 = arith.cmpi sge, %sub3A_245, %ge3A_247 : vector<16xi32>
    %lt3A_249 = arith.constant 10000 : i32
    %lt3A_250 = vector.broadcast %lt3A_249 : i32 to vector<16xi32>
    %lt3A_251 = arith.cmpi slt, %sub3A_245, %lt3A_250 : vector<16xi32>
    %and3A_252 = arith.andi %ge3A_248, %lt3A_251 : vector<16xi1>
    %jit3A_253 = arith.constant -1 : i32
    %broadcast_in_dim3A_254 = vector.broadcast %jit3A_253 : i32 to vector<16xi32>
    %select_n3A_255 = arith.select %and3A_252, %sub3A_245, %broadcast_in_dim3A_254 : vector<16xi1>, vector<16xi32>
    %swap3A_256 = arith.constant 16 : index
    %swap3A_257 = tpu.vector_load %arg8[%swap3A_256] {strides = array<i32>} : memref<128xi32, #tpu.memory_space<vmem>>, vector<16xi32>,
    %swap3A_258 = vector.shape_cast %swap3A_257 : vector<16xi32> to vector<16xi32>
    %swap3A_259 = vector.shape_cast %select_n3A_255 : vector<16xi32> to vector<16xi32>
    tpu.vector_store %arg8[%swap3A_256], %swap3A_259 {strides = array<i32>} : memref<128xi32, #tpu.memory_space<vmem>>, vector<16xi32>,
    %swap3A_260 = arith.constant 16 : index
    %swap3A_261 = tpu.vector_load %arg11[%swap3A_260] {strides = array<i32>} : memref<256xi32, #tpu.memory_space<vmem>>, vector<16xi32>,
    %swap3A_262 = vector.shape_cast %swap3A_261 : vector<16xi32> to vector<16xi32>
    %swap3A_263 = vector.shape_cast %select_n3A_255 : vector<16xi32> to vector<16xi32>
    tpu.vector_store %arg11[%swap3A_260], %swap3A_263 {strides = array<i32>} : memref<256xi32, #tpu.memory_space<vmem>>, vector<16xi32>,
    %get3A_264 = arith.constant 0 : i32
    %get3A_265 = arith.index_cast %get3A_264 : i32 to index
    %get3A_266 = arith.constant 16 : index
    %get3A_267 = tpu.vector_load %arg6[%get3A_265, %get3A_266] {strides = array<i32>} : memref<2x256xi32, #tpu.memory_space<vmem>>, vector<1x16xi32>,
    %get3A_268 = vector.shape_cast %get3A_267 : vector<1x16xi32> to vector<16xi32>
    %jit3A_269 = arith.constant -1 : i32
    %broadcast_in_dim3A_270 = vector.broadcast %jit3A_269 : i32 to vector<16xi32>
    %select_n3A_271 = arith.select %and3A_252, %get3A_268, %broadcast_in_dim3A_270 : vector<16xi1>, vector<16xi32>
    %swap3A_272 = arith.constant 16 : index
    %swap3A_273 = tpu.vector_load %arg7[%swap3A_272] {strides = array<i32>} : memref<128xi32, #tpu.memory_space<vmem>>, vector<16xi32>,
    %swap3A_274 = vector.shape_cast %swap3A_273 : vector<16xi32> to vector<16xi32>
    %swap3A_275 = vector.shape_cast %select_n3A_271 : vector<16xi32> to vector<16xi32>
    tpu.vector_store %arg7[%swap3A_272], %swap3A_275 {strides = array<i32>} : memref<128xi32, #tpu.memory_space<vmem>>, vector<16xi32>,
    %get3A_276 = arith.constant 1 : i32
    %get3A_277 = arith.index_cast %get3A_276 : i32 to index
    %get3A_278 = arith.constant 32 : index
    %get3A_279 = tpu.vector_load %arg6[%get3A_277, %get3A_278] {strides = array<i32>} : memref<2x256xi32, #tpu.memory_space<vmem>>, vector<1x16xi32>,
    %get3A_280 = vector.shape_cast %get3A_279 : vector<1x16xi32> to vector<16xi32>
    %sub3A_281 = vector.broadcast %mul3A_0 : i32 to vector<16xi32>
    %sub3A_282 = arith.subi %get3A_280, %sub3A_281 : vector<16xi32>
    %ge3A_283 = arith.constant 0 : i32
    %ge3A_284 = vector.broadcast %ge3A_283 : i32 to vector<16xi32>
    %ge3A_285 = arith.cmpi sge, %sub3A_282, %ge3A_284 : vector<16xi32>
    %lt3A_286 = arith.constant 10000 : i32
    %lt3A_287 = vector.broadcast %lt3A_286 : i32 to vector<16xi32>
    %lt3A_288 = arith.cmpi slt, %sub3A_282, %lt3A_287 : vector<16xi32>
    %and3A_289 = arith.andi %ge3A_285, %lt3A_288 : vector<16xi1>
    %jit3A_290 = arith.constant -1 : i32
    %broadcast_in_dim3A_291 = vector.broadcast %jit3A_290 : i32 to vector<16xi32>
    %select_n3A_292 = arith.select %and3A_289, %sub3A_282, %broadcast_in_dim3A_291 : vector<16xi1>, vector<16xi32>
    %swap3A_293 = arith.constant 32 : index
    %swap3A_294 = tpu.vector_load %arg8[%swap3A_293] {strides = array<i32>} : memref<128xi32, #tpu.memory_space<vmem>>, vector<16xi32>,
    %swap3A_295 = vector.shape_cast %swap3A_294 : vector<16xi32> to vector<16xi32>
    %swap3A_296 = vector.shape_cast %select_n3A_292 : vector<16xi32> to vector<16xi32>
    tpu.vector_store %arg8[%swap3A_293], %swap3A_296 {strides = array<i32>} : memref<128xi32, #tpu.memory_space<vmem>>, vector<16xi32>,
    %swap3A_297 = arith.constant 32 : index
    %swap3A_298 = tpu.vector_load %arg11[%swap3A_297] {strides = array<i32>} : memref<256xi32, #tpu.memory_space<vmem>>, vector<16xi32>,
    %swap3A_299 = vector.shape_cast %swap3A_298 : vector<16xi32> to vector<16xi32>
    %swap3A_300 = vector.shape_cast %select_n3A_292 : vector<16xi32> to vector<16xi32>
    tpu.vector_store %arg11[%swap3A_297], %swap3A_300 {strides = array<i32>} : memref<256xi32, #tpu.memory_space<vmem>>, vector<16xi32>,
    %get3A_301 = arith.constant 0 : i32
    %get3A_302 = arith.index_cast %get3A_301 : i32 to index
    %get3A_303 = arith.constant 32 : index
    %get3A_304 = tpu.vector_load %arg6[%get3A_302, %get3A_303] {strides = array<i32>} : memref<2x256xi32, #tpu.memory_space<vmem>>, vector<1x16xi32>,
    %get3A_305 = vector.shape_cast %get3A_304 : vector<1x16xi32> to vector<16xi32>
    %jit3A_306 = arith.constant -1 : i32
    %broadcast_in_dim3A_307 = vector.broadcast %jit3A_306 : i32 to vector<16xi32>
    %select_n3A_308 = arith.select %and3A_289, %get3A_305, %broadcast_in_dim3A_307 : vector<16xi1>, vector<16xi32>
    %swap3A_309 = arith.constant 32 : index
    %swap3A_310 = tpu.vector_load %arg7[%swap3A_309] {strides = array<i32>} : memref<128xi32, #tpu.memory_space<vmem>>, vector<16xi32>,
    %swap3A_311 = vector.shape_cast %swap3A_310 : vector<16xi32> to vector<16xi32>
    %swap3A_312 = vector.shape_cast %select_n3A_308 : vector<16xi32> to vector<16xi32>
    tpu.vector_store %arg7[%swap3A_309], %swap3A_312 {strides = array<i32>} : memref<128xi32, #tpu.memory_space<vmem>>, vector<16xi32>,
    %get3A_313 = arith.constant 1 : i32
    %get3A_314 = arith.index_cast %get3A_313 : i32 to index
    %get3A_315 = arith.constant 48 : index
    %get3A_316 = tpu.vector_load %arg6[%get3A_314, %get3A_315] {strides = array<i32>} : memref<2x256xi32, #tpu.memory_space<vmem>>, vector<1x16xi32>,
    %get3A_317 = vector.shape_cast %get3A_316 : vector<1x16xi32> to vector<16xi32>
    %sub3A_318 = vector.broadcast %mul3A_0 : i32 to vector<16xi32>
    %sub3A_319 = arith.subi %get3A_317, %sub3A_318 : vector<16xi32>
    %ge3A_320 = arith.constant 0 : i32
    %ge3A_321 = vector.broadcast %ge3A_320 : i32 to vector<16xi32>
    %ge3A_322 = arith.cmpi sge, %sub3A_319, %ge3A_321 : vector<16xi32>
    %lt3A_323 = arith.constant 10000 : i32
    %lt3A_324 = vector.broadcast %lt3A_323 : i32 to vector<16xi32>
    %lt3A_325 = arith.cmpi slt, %sub3A_319, %lt3A_324 : vector<16xi32>
    %and3A_326 = arith.andi %ge3A_322, %lt3A_325 : vector<16xi1>
    %jit3A_327 = arith.constant -1 : i32
    %broadcast_in_dim3A_328 = vector.broadcast %jit3A_327 : i32 to vector<16xi32>
    %select_n3A_329 = arith.select %and3A_326, %sub3A_319, %broadcast_in_dim3A_328 : vector<16xi1>, vector<16xi32>
    %swap3A_330 = arith.constant 48 : index
    %swap3A_331 = tpu.vector_load %arg8[%swap3A_330] {strides = array<i32>} : memref<128xi32, #tpu.memory_space<vmem>>, vector<16xi32>,
    %swap3A_332 = vector.shape_cast %swap3A_331 : vector<16xi32> to vector<16xi32>
    %swap3A_333 = vector.shape_cast %select_n3A_329 : vector<16xi32> to vector<16xi32>
    tpu.vector_store %arg8[%swap3A_330], %swap3A_333 {strides = array<i32>} : memref<128xi32, #tpu.memory_space<vmem>>, vector<16xi32>,
    %swap3A_334 = arith.constant 48 : index
    %swap3A_335 = tpu.vector_load %arg11[%swap3A_334] {strides = array<i32>} : memref<256xi32, #tpu.memory_space<vmem>>, vector<16xi32>,
    %swap3A_336 = vector.shape_cast %swap3A_335 : vector<16xi32> to vector<16xi32>
    %swap3A_337 = vector.shape_cast %select_n3A_329 : vector<16xi32> to vector<16xi32>
    tpu.vector_store %arg11[%swap3A_334], %swap3A_337 {strides = array<i32>} : memref<256xi32, #tpu.memory_space<vmem>>, vector<16xi32>,
    %get3A_338 = arith.constant 0 : i32
    %get3A_339 = arith.index_cast %get3A_338 : i32 to index
    %get3A_340 = arith.constant 48 : index
    %get3A_341 = tpu.vector_load %arg6[%get3A_339, %get3A_340] {strides = array<i32>} : memref<2x256xi32, #tpu.memory_space<vmem>>, vector<1x16xi32>,
    %get3A_342 = vector.shape_cast %get3A_341 : vector<1x16xi32> to vector<16xi32>
    %jit3A_343 = arith.constant -1 : i32
    %broadcast_in_dim3A_344 = vector.broadcast %jit3A_343 : i32 to vector<16xi32>
    %select_n3A_345 = arith.select %and3A_326, %get3A_342, %broadcast_in_dim3A_344 : vector<16xi1>, vector<16xi32>
    %swap3A_346 = arith.constant 48 : index
    %swap3A_347 = tpu.vector_load %arg7[%swap3A_346] {strides = array<i32>} : memref<128xi32, #tpu.memory_space<vmem>>, vector<16xi32>,
    %swap3A_348 = vector.shape_cast %swap3A_347 : vector<16xi32> to vector<16xi32>
    %swap3A_349 = vector.shape_cast %select_n3A_345 : vector<16xi32> to vector<16xi32>
    tpu.vector_store %arg7[%swap3A_346], %swap3A_349 {strides = array<i32>} : memref<128xi32, #tpu.memory_space<vmem>>, vector<16xi32>,
    %get3A_350 = arith.constant 1 : i32
    %get3A_351 = arith.index_cast %get3A_350 : i32 to index
    %get3A_352 = arith.constant 64 : index
    %get3A_353 = tpu.vector_load %arg6[%get3A_351, %get3A_352] {strides = array<i32>} : memref<2x256xi32, #tpu.memory_space<vmem>>, vector<1x16xi32>,
    %get3A_354 = vector.shape_cast %get3A_353 : vector<1x16xi32> to vector<16xi32>
    %sub3A_355 = vector.broadcast %mul3A_0 : i32 to vector<16xi32>
    %sub3A_356 = arith.subi %get3A_354, %sub3A_355 : vector<16xi32>
    %ge3A_357 = arith.constant 0 : i32
    %ge3A_358 = vector.broadcast %ge3A_357 : i32 to vector<16xi32>
    %ge3A_359 = arith.cmpi sge, %sub3A_356, %ge3A_358 : vector<16xi32>
    %lt3A_360 = arith.constant 10000 : i32
    %lt3A_361 = vector.broadcast %lt3A_360 : i32 to vector<16xi32>
    %lt3A_362 = arith.cmpi slt, %sub3A_356, %lt3A_361 : vector<16xi32>
    %and3A_363 = arith.andi %ge3A_359, %lt3A_362 : vector<16xi1>
    %jit3A_364 = arith.constant -1 : i32
    %broadcast_in_dim3A_365 = vector.broadcast %jit3A_364 : i32 to vector<16xi32>
    %select_n3A_366 = arith.select %and3A_363, %sub3A_356, %broadcast_in_dim3A_365 : vector<16xi1>, vector<16xi32>
    %swap3A_367 = arith.constant 64 : index
    %swap3A_368 = tpu.vector_load %arg8[%swap3A_367] {strides = array<i32>} : memref<128xi32, #tpu.memory_space<vmem>>, vector<16xi32>,
    %swap3A_369 = vector.shape_cast %swap3A_368 : vector<16xi32> to vector<16xi32>
    %swap3A_370 = vector.shape_cast %select_n3A_366 : vector<16xi32> to vector<16xi32>
    tpu.vector_store %arg8[%swap3A_367], %swap3A_370 {strides = array<i32>} : memref<128xi32, #tpu.memory_space<vmem>>, vector<16xi32>,
    %swap3A_371 = arith.constant 64 : index
    %swap3A_372 = tpu.vector_load %arg11[%swap3A_371] {strides = array<i32>} : memref<256xi32, #tpu.memory_space<vmem>>, vector<16xi32>,
    %swap3A_373 = vector.shape_cast %swap3A_372 : vector<16xi32> to vector<16xi32>
    %swap3A_374 = vector.shape_cast %select_n3A_366 : vector<16xi32> to vector<16xi32>
    tpu.vector_store %arg11[%swap3A_371], %swap3A_374 {strides = array<i32>} : memref<256xi32, #tpu.memory_space<vmem>>, vector<16xi32>,
    %get3A_375 = arith.constant 0 : i32
    %get3A_376 = arith.index_cast %get3A_375 : i32 to index
    %get3A_377 = arith.constant 64 : index
    %get3A_378 = tpu.vector_load %arg6[%get3A_376, %get3A_377] {strides = array<i32>} : memref<2x256xi32, #tpu.memory_space<vmem>>, vector<1x16xi32>,
    %get3A_379 = vector.shape_cast %get3A_378 : vector<1x16xi32> to vector<16xi32>
    %jit3A_380 = arith.constant -1 : i32
    %broadcast_in_dim3A_381 = vector.broadcast %jit3A_380 : i32 to vector<16xi32>
    %select_n3A_382 = arith.select %and3A_363, %get3A_379, %broadcast_in_dim3A_381 : vector<16xi1>, vector<16xi32>
    %swap3A_383 = arith.constant 64 : index
    %swap3A_384 = tpu.vector_load %arg7[%swap3A_383] {strides = array<i32>} : memref<128xi32, #tpu.memory_space<vmem>>, vector<16xi32>,
    %swap3A_385 = vector.shape_cast %swap3A_384 : vector<16xi32> to vector<16xi32>
    %swap3A_386 = vector.shape_cast %select_n3A_382 : vector<16xi32> to vector<16xi32>
    tpu.vector_store %arg7[%swap3A_383], %swap3A_386 {strides = array<i32>} : memref<128xi32, #tpu.memory_space<vmem>>, vector<16xi32>,
    %get3A_387 = arith.constant 1 : i32
    %get3A_388 = arith.index_cast %get3A_387 : i32 to index
    %get3A_389 = arith.constant 80 : index
    %get3A_390 = tpu.vector_load %arg6[%get3A_388, %get3A_389] {strides = array<i32>} : memref<2x256xi32, #tpu.memory_space<vmem>>, vector<1x16xi32>,
    %get3A_391 = vector.shape_cast %get3A_390 : vector<1x16xi32> to vector<16xi32>
    %sub3A_392 = vector.broadcast %mul3A_0 : i32 to vector<16xi32>
    %sub3A_393 = arith.subi %get3A_391, %sub3A_392 : vector<16xi32>
    %ge3A_394 = arith.constant 0 : i32
    %ge3A_395 = vector.broadcast %ge3A_394 : i32 to vector<16xi32>
    %ge3A_396 = arith.cmpi sge, %sub3A_393, %ge3A_395 : vector<16xi32>
    %lt3A_397 = arith.constant 10000 : i32
    %lt3A_398 = vector.broadcast %lt3A_397 : i32 to vector<16xi32>
    %lt3A_399 = arith.cmpi slt, %sub3A_393, %lt3A_398 : vector<16xi32>
    %and3A_400 = arith.andi %ge3A_396, %lt3A_399 : vector<16xi1>
    %jit3A_401 = arith.constant -1 : i32
    %broadcast_in_dim3A_402 = vector.broadcast %jit3A_401 : i32 to vector<16xi32>
    %select_n3A_403 = arith.select %and3A_400, %sub3A_393, %broadcast_in_dim3A_402 : vector<16xi1>, vector<16xi32>
    %swap3A_404 = arith.constant 80 : index
    %swap3A_405 = tpu.vector_load %arg8[%swap3A_404] {strides = array<i32>} : memref<128xi32, #tpu.memory_space<vmem>>, vector<16xi32>,
    %swap3A_406 = vector.shape_cast %swap3A_405 : vector<16xi32> to vector<16xi32>
    %swap3A_407 = vector.shape_cast %select_n3A_403 : vector<16xi32> to vector<16xi32>
    tpu.vector_store %arg8[%swap3A_404], %swap3A_407 {strides = array<i32>} : memref<128xi32, #tpu.memory_space<vmem>>, vector<16xi32>,
    %swap3A_408 = arith.constant 80 : index
    %swap3A_409 = tpu.vector_load %arg11[%swap3A_408] {strides = array<i32>} : memref<256xi32, #tpu.memory_space<vmem>>, vector<16xi32>,
    %swap3A_410 = vector.shape_cast %swap3A_409 : vector<16xi32> to vector<16xi32>
    %swap3A_411 = vector.shape_cast %select_n3A_403 : vector<16xi32> to vector<16xi32>
    tpu.vector_store %arg11[%swap3A_408], %swap3A_411 {strides = array<i32>} : memref<256xi32, #tpu.memory_space<vmem>>, vector<16xi32>,
    %get3A_412 = arith.constant 0 : i32
    %get3A_413 = arith.index_cast %get3A_412 : i32 to index
    %get3A_414 = arith.constant 80 : index
    %get3A_415 = tpu.vector_load %arg6[%get3A_413, %get3A_414] {strides = array<i32>} : memref<2x256xi32, #tpu.memory_space<vmem>>, vector<1x16xi32>,
    %get3A_416 = vector.shape_cast %get3A_415 : vector<1x16xi32> to vector<16xi32>
    %jit3A_417 = arith.constant -1 : i32
    %broadcast_in_dim3A_418 = vector.broadcast %jit3A_417 : i32 to vector<16xi32>
    %select_n3A_419 = arith.select %and3A_400, %get3A_416, %broadcast_in_dim3A_418 : vector<16xi1>, vector<16xi32>
    %swap3A_420 = arith.constant 80 : index
    %swap3A_421 = tpu.vector_load %arg7[%swap3A_420] {strides = array<i32>} : memref<128xi32, #tpu.memory_space<vmem>>, vector<16xi32>,
    %swap3A_422 = vector.shape_cast %swap3A_421 : vector<16xi32> to vector<16xi32>
    %swap3A_423 = vector.shape_cast %select_n3A_419 : vector<16xi32> to vector<16xi32>
    tpu.vector_store %arg7[%swap3A_420], %swap3A_423 {strides = array<i32>} : memref<128xi32, #tpu.memory_space<vmem>>, vector<16xi32>,
    %get3A_424 = arith.constant 1 : i32
    %get3A_425 = arith.index_cast %get3A_424 : i32 to index
    %get3A_426 = arith.constant 96 : index
    %get3A_427 = tpu.vector_load %arg6[%get3A_425, %get3A_426] {strides = array<i32>} : memref<2x256xi32, #tpu.memory_space<vmem>>, vector<1x16xi32>,
    %get3A_428 = vector.shape_cast %get3A_427 : vector<1x16xi32> to vector<16xi32>
    %sub3A_429 = vector.broadcast %mul3A_0 : i32 to vector<16xi32>
    %sub3A_430 = arith.subi %get3A_428, %sub3A_429 : vector<16xi32>
    %ge3A_431 = arith.constant 0 : i32
    %ge3A_432 = vector.broadcast %ge3A_431 : i32 to vector<16xi32>
    %ge3A_433 = arith.cmpi sge, %sub3A_430, %ge3A_432 : vector<16xi32>
    %lt3A_434 = arith.constant 10000 : i32
    %lt3A_435 = vector.broadcast %lt3A_434 : i32 to vector<16xi32>
    %lt3A_436 = arith.cmpi slt, %sub3A_430, %lt3A_435 : vector<16xi32>
    %and3A_437 = arith.andi %ge3A_433, %lt3A_436 : vector<16xi1>
    %jit3A_438 = arith.constant -1 : i32
    %broadcast_in_dim3A_439 = vector.broadcast %jit3A_438 : i32 to vector<16xi32>
    %select_n3A_440 = arith.select %and3A_437, %sub3A_430, %broadcast_in_dim3A_439 : vector<16xi1>, vector<16xi32>
    %swap3A_441 = arith.constant 96 : index
    %swap3A_442 = tpu.vector_load %arg8[%swap3A_441] {strides = array<i32>} : memref<128xi32, #tpu.memory_space<vmem>>, vector<16xi32>,
    %swap3A_443 = vector.shape_cast %swap3A_442 : vector<16xi32> to vector<16xi32>
    %swap3A_444 = vector.shape_cast %select_n3A_440 : vector<16xi32> to vector<16xi32>
    tpu.vector_store %arg8[%swap3A_441], %swap3A_444 {strides = array<i32>} : memref<128xi32, #tpu.memory_space<vmem>>, vector<16xi32>,
    %swap3A_445 = arith.constant 96 : index
    %swap3A_446 = tpu.vector_load %arg11[%swap3A_445] {strides = array<i32>} : memref<256xi32, #tpu.memory_space<vmem>>, vector<16xi32>,
    %swap3A_447 = vector.shape_cast %swap3A_446 : vector<16xi32> to vector<16xi32>
    %swap3A_448 = vector.shape_cast %select_n3A_440 : vector<16xi32> to vector<16xi32>
    tpu.vector_store %arg11[%swap3A_445], %swap3A_448 {strides = array<i32>} : memref<256xi32, #tpu.memory_space<vmem>>, vector<16xi32>,
    %get3A_449 = arith.constant 0 : i32
    %get3A_450 = arith.index_cast %get3A_449 : i32 to index
    %get3A_451 = arith.constant 96 : index
    %get3A_452 = tpu.vector_load %arg6[%get3A_450, %get3A_451] {strides = array<i32>} : memref<2x256xi32, #tpu.memory_space<vmem>>, vector<1x16xi32>,
    %get3A_453 = vector.shape_cast %get3A_452 : vector<1x16xi32> to vector<16xi32>
    %jit3A_454 = arith.constant -1 : i32
    %broadcast_in_dim3A_455 = vector.broadcast %jit3A_454 : i32 to vector<16xi32>
    %select_n3A_456 = arith.select %and3A_437, %get3A_453, %broadcast_in_dim3A_455 : vector<16xi1>, vector<16xi32>
    %swap3A_457 = arith.constant 96 : index
    %swap3A_458 = tpu.vector_load %arg7[%swap3A_457] {strides = array<i32>} : memref<128xi32, #tpu.memory_space<vmem>>, vector<16xi32>,
    %swap3A_459 = vector.shape_cast %swap3A_458 : vector<16xi32> to vector<16xi32>
    %swap3A_460 = vector.shape_cast %select_n3A_456 : vector<16xi32> to vector<16xi32>
    tpu.vector_store %arg7[%swap3A_457], %swap3A_460 {strides = array<i32>} : memref<128xi32, #tpu.memory_space<vmem>>, vector<16xi32>,
    %get3A_461 = arith.constant 1 : i32
    %get3A_462 = arith.index_cast %get3A_461 : i32 to index
    %get3A_463 = arith.constant 112 : index
    %get3A_464 = tpu.vector_load %arg6[%get3A_462, %get3A_463] {strides = array<i32>} : memref<2x256xi32, #tpu.memory_space<vmem>>, vector<1x16xi32>,
    %get3A_465 = vector.shape_cast %get3A_464 : vector<1x16xi32> to vector<16xi32>
    %sub3A_466 = vector.broadcast %mul3A_0 : i32 to vector<16xi32>
    %sub3A_467 = arith.subi %get3A_465, %sub3A_466 : vector<16xi32>
    %ge3A_468 = arith.constant 0 : i32
    %ge3A_469 = vector.broadcast %ge3A_468 : i32 to vector<16xi32>
    %ge3A_470 = arith.cmpi sge, %sub3A_467, %ge3A_469 : vector<16xi32>
    %lt3A_471 = arith.constant 10000 : i32
    %lt3A_472 = vector.broadcast %lt3A_471 : i32 to vector<16xi32>
    %lt3A_473 = arith.cmpi slt, %sub3A_467, %lt3A_472 : vector<16xi32>
    %and3A_474 = arith.andi %ge3A_470, %lt3A_473 : vector<16xi1>
    %jit3A_475 = arith.constant -1 : i32
    %broadcast_in_dim3A_476 = vector.broadcast %jit3A_475 : i32 to vector<16xi32>
    %select_n3A_477 = arith.select %and3A_474, %sub3A_467, %broadcast_in_dim3A_476 : vector<16xi1>, vector<16xi32>
    %swap3A_478 = arith.constant 112 : index
    %swap3A_479 = tpu.vector_load %arg8[%swap3A_478] {strides = array<i32>} : memref<128xi32, #tpu.memory_space<vmem>>, vector<16xi32>,
    %swap3A_480 = vector.shape_cast %swap3A_479 : vector<16xi32> to vector<16xi32>
    %swap3A_481 = vector.shape_cast %select_n3A_477 : vector<16xi32> to vector<16xi32>
    tpu.vector_store %arg8[%swap3A_478], %swap3A_481 {strides = array<i32>} : memref<128xi32, #tpu.memory_space<vmem>>, vector<16xi32>,
    %swap3A_482 = arith.constant 112 : index
    %swap3A_483 = tpu.vector_load %arg11[%swap3A_482] {strides = array<i32>} : memref<256xi32, #tpu.memory_space<vmem>>, vector<16xi32>,
    %swap3A_484 = vector.shape_cast %swap3A_483 : vector<16xi32> to vector<16xi32>
    %swap3A_485 = vector.shape_cast %select_n3A_477 : vector<16xi32> to vector<16xi32>
    tpu.vector_store %arg11[%swap3A_482], %swap3A_485 {strides = array<i32>} : memref<256xi32, #tpu.memory_space<vmem>>, vector<16xi32>,
    %get3A_486 = arith.constant 0 : i32
    %get3A_487 = arith.index_cast %get3A_486 : i32 to index
    %get3A_488 = arith.constant 112 : index
    %get3A_489 = tpu.vector_load %arg6[%get3A_487, %get3A_488] {strides = array<i32>} : memref<2x256xi32, #tpu.memory_space<vmem>>, vector<1x16xi32>,
    %get3A_490 = vector.shape_cast %get3A_489 : vector<1x16xi32> to vector<16xi32>
    %jit3A_491 = arith.constant -1 : i32
    %broadcast_in_dim3A_492 = vector.broadcast %jit3A_491 : i32 to vector<16xi32>
    %select_n3A_493 = arith.select %and3A_474, %get3A_490, %broadcast_in_dim3A_492 : vector<16xi1>, vector<16xi32>
    %swap3A_494 = arith.constant 112 : index
    %swap3A_495 = tpu.vector_load %arg7[%swap3A_494] {strides = array<i32>} : memref<128xi32, #tpu.memory_space<vmem>>, vector<16xi32>,
    %swap3A_496 = vector.shape_cast %swap3A_495 : vector<16xi32> to vector<16xi32>
    %swap3A_497 = vector.shape_cast %select_n3A_493 : vector<16xi32> to vector<16xi32>
    tpu.vector_store %arg7[%swap3A_494], %swap3A_497 {strides = array<i32>} : memref<128xi32, #tpu.memory_space<vmem>>, vector<16xi32>,
    %get3A_498 = arith.constant 1 : i32
    %get3A_499 = arith.index_cast %get3A_498 : i32 to index
    %get3A_500 = arith.constant 128 : index
    %get3A_501 = tpu.vector_load %arg6[%get3A_499, %get3A_500] {strides = array<i32>} : memref<2x256xi32, #tpu.memory_space<vmem>>, vector<1x16xi32>,
    %get3A_502 = vector.shape_cast %get3A_501 : vector<1x16xi32> to vector<16xi32>
    %sub3A_503 = vector.broadcast %mul3A_0 : i32 to vector<16xi32>
    %sub3A_504 = arith.subi %get3A_502, %sub3A_503 : vector<16xi32>
    %ge3A_505 = arith.constant 0 : i32
    %ge3A_506 = vector.broadcast %ge3A_505 : i32 to vector<16xi32>
    %ge3A_507 = arith.cmpi sge, %sub3A_504, %ge3A_506 : vector<16xi32>
    %lt3A_508 = arith.constant 10000 : i32
    %lt3A_509 = vector.broadcast %lt3A_508 : i32 to vector<16xi32>
    %lt3A_510 = arith.cmpi slt, %sub3A_504, %lt3A_509 : vector<16xi32>
    %and3A_511 = arith.andi %ge3A_507, %lt3A_510 : vector<16xi1>
    %jit3A_512 = arith.constant -1 : i32
    %broadcast_in_dim3A_513 = vector.broadcast %jit3A_512 : i32 to vector<16xi32>
    %select_n3A_514 = arith.select %and3A_511, %sub3A_504, %broadcast_in_dim3A_513 : vector<16xi1>, vector<16xi32>
    %swap3A_515 = arith.constant 0 : index
    %swap3A_516 = tpu.vector_load %arg10[%swap3A_515] {strides = array<i32>} : memref<128xi32, #tpu.memory_space<vmem>>, vector<16xi32>,
    %swap3A_517 = vector.shape_cast %swap3A_516 : vector<16xi32> to vector<16xi32>
    %swap3A_518 = vector.shape_cast %select_n3A_514 : vector<16xi32> to vector<16xi32>
    tpu.vector_store %arg10[%swap3A_515], %swap3A_518 {strides = array<i32>} : memref<128xi32, #tpu.memory_space<vmem>>, vector<16xi32>,
    %swap3A_519 = arith.constant 128 : index
    %swap3A_520 = tpu.vector_load %arg11[%swap3A_519] {strides = array<i32>} : memref<256xi32, #tpu.memory_space<vmem>>, vector<16xi32>,
    %swap3A_521 = vector.shape_cast %swap3A_520 : vector<16xi32> to vector<16xi32>
    %swap3A_522 = vector.shape_cast %select_n3A_514 : vector<16xi32> to vector<16xi32>
    tpu.vector_store %arg11[%swap3A_519], %swap3A_522 {strides = array<i32>} : memref<256xi32, #tpu.memory_space<vmem>>, vector<16xi32>,
    %get3A_523 = arith.constant 0 : i32
    %get3A_524 = arith.index_cast %get3A_523 : i32 to index
    %get3A_525 = arith.constant 128 : index
    %get3A_526 = tpu.vector_load %arg6[%get3A_524, %get3A_525] {strides = array<i32>} : memref<2x256xi32, #tpu.memory_space<vmem>>, vector<1x16xi32>,
    %get3A_527 = vector.shape_cast %get3A_526 : vector<1x16xi32> to vector<16xi32>
    %jit3A_528 = arith.constant -1 : i32
    %broadcast_in_dim3A_529 = vector.broadcast %jit3A_528 : i32 to vector<16xi32>
    %select_n3A_530 = arith.select %and3A_511, %get3A_527, %broadcast_in_dim3A_529 : vector<16xi1>, vector<16xi32>
    %swap3A_531 = arith.constant 0 : index
    %swap3A_532 = tpu.vector_load %arg9[%swap3A_531] {strides = array<i32>} : memref<128xi32, #tpu.memory_space<vmem>>, vector<16xi32>,
    %swap3A_533 = vector.shape_cast %swap3A_532 : vector<16xi32> to vector<16xi32>
    %swap3A_534 = vector.shape_cast %select_n3A_530 : vector<16xi32> to vector<16xi32>
    tpu.vector_store %arg9[%swap3A_531], %swap3A_534 {strides = array<i32>} : memref<128xi32, #tpu.memory_space<vmem>>, vector<16xi32>,
    %get3A_535 = arith.constant 1 : i32
    %get3A_536 = arith.index_cast %get3A_535 : i32 to index
    %get3A_537 = arith.constant 144 : index
    %get3A_538 = tpu.vector_load %arg6[%get3A_536, %get3A_537] {strides = array<i32>} : memref<2x256xi32, #tpu.memory_space<vmem>>, vector<1x16xi32>,
    %get3A_539 = vector.shape_cast %get3A_538 : vector<1x16xi32> to vector<16xi32>
    %sub3A_540 = vector.broadcast %mul3A_0 : i32 to vector<16xi32>
    %sub3A_541 = arith.subi %get3A_539, %sub3A_540 : vector<16xi32>
    %ge3A_542 = arith.constant 0 : i32
    %ge3A_543 = vector.broadcast %ge3A_542 : i32 to vector<16xi32>
    %ge3A_544 = arith.cmpi sge, %sub3A_541, %ge3A_543 : vector<16xi32>
    %lt3A_545 = arith.constant 10000 : i32
    %lt3A_546 = vector.broadcast %lt3A_545 : i32 to vector<16xi32>
    %lt3A_547 = arith.cmpi slt, %sub3A_541, %lt3A_546 : vector<16xi32>
    %and3A_548 = arith.andi %ge3A_544, %lt3A_547 : vector<16xi1>
    %jit3A_549 = arith.constant -1 : i32
    %broadcast_in_dim3A_550 = vector.broadcast %jit3A_549 : i32 to vector<16xi32>
    %select_n3A_551 = arith.select %and3A_548, %sub3A_541, %broadcast_in_dim3A_550 : vector<16xi1>, vector<16xi32>
    %swap3A_552 = arith.constant 16 : index
    %swap3A_553 = tpu.vector_load %arg10[%swap3A_552] {strides = array<i32>} : memref<128xi32, #tpu.memory_space<vmem>>, vector<16xi32>,
    %swap3A_554 = vector.shape_cast %swap3A_553 : vector<16xi32> to vector<16xi32>
    %swap3A_555 = vector.shape_cast %select_n3A_551 : vector<16xi32> to vector<16xi32>
    tpu.vector_store %arg10[%swap3A_552], %swap3A_555 {strides = array<i32>} : memref<128xi32, #tpu.memory_space<vmem>>, vector<16xi32>,
    %swap3A_556 = arith.constant 144 : index
    %swap3A_557 = tpu.vector_load %arg11[%swap3A_556] {strides = array<i32>} : memref<256xi32, #tpu.memory_space<vmem>>, vector<16xi32>,
    %swap3A_558 = vector.shape_cast %swap3A_557 : vector<16xi32> to vector<16xi32>
    %swap3A_559 = vector.shape_cast %select_n3A_551 : vector<16xi32> to vector<16xi32>
    tpu.vector_store %arg11[%swap3A_556], %swap3A_559 {strides = array<i32>} : memref<256xi32, #tpu.memory_space<vmem>>, vector<16xi32>,
    %get3A_560 = arith.constant 0 : i32
    %get3A_561 = arith.index_cast %get3A_560 : i32 to index
    %get3A_562 = arith.constant 144 : index
    %get3A_563 = tpu.vector_load %arg6[%get3A_561, %get3A_562] {strides = array<i32>} : memref<2x256xi32, #tpu.memory_space<vmem>>, vector<1x16xi32>,
    %get3A_564 = vector.shape_cast %get3A_563 : vector<1x16xi32> to vector<16xi32>
    %jit3A_565 = arith.constant -1 : i32
    %broadcast_in_dim3A_566 = vector.broadcast %jit3A_565 : i32 to vector<16xi32>
    %select_n3A_567 = arith.select %and3A_548, %get3A_564, %broadcast_in_dim3A_566 : vector<16xi1>, vector<16xi32>
    %swap3A_568 = arith.constant 16 : index
    %swap3A_569 = tpu.vector_load %arg9[%swap3A_568] {strides = array<i32>} : memref<128xi32, #tpu.memory_space<vmem>>, vector<16xi32>,
    %swap3A_570 = vector.shape_cast %swap3A_569 : vector<16xi32> to vector<16xi32>
    %swap3A_571 = vector.shape_cast %select_n3A_567 : vector<16xi32> to vector<16xi32>
    tpu.vector_store %arg9[%swap3A_568], %swap3A_571 {strides = array<i32>} : memref<128xi32, #tpu.memory_space<vmem>>, vector<16xi32>,
    %get3A_572 = arith.constant 1 : i32
    %get3A_573 = arith.index_cast %get3A_572 : i32 to index
    %get3A_574 = arith.constant 160 : index
    %get3A_575 = tpu.vector_load %arg6[%get3A_573, %get3A_574] {strides = array<i32>} : memref<2x256xi32, #tpu.memory_space<vmem>>, vector<1x16xi32>,
    %get3A_576 = vector.shape_cast %get3A_575 : vector<1x16xi32> to vector<16xi32>
    %sub3A_577 = vector.broadcast %mul3A_0 : i32 to vector<16xi32>
    %sub3A_578 = arith.subi %get3A_576, %sub3A_577 : vector<16xi32>
    %ge3A_579 = arith.constant 0 : i32
    %ge3A_580 = vector.broadcast %ge3A_579 : i32 to vector<16xi32>
    %ge3A_581 = arith.cmpi sge, %sub3A_578, %ge3A_580 : vector<16xi32>
    %lt3A_582 = arith.constant 10000 : i32
    %lt3A_583 = vector.broadcast %lt3A_582 : i32 to vector<16xi32>
    %lt3A_584 = arith.cmpi slt, %sub3A_578, %lt3A_583 : vector<16xi32>
    %and3A_585 = arith.andi %ge3A_581, %lt3A_584 : vector<16xi1>
    %jit3A_586 = arith.constant -1 : i32
    %broadcast_in_dim3A_587 = vector.broadcast %jit3A_586 : i32 to vector<16xi32>
    %select_n3A_588 = arith.select %and3A_585, %sub3A_578, %broadcast_in_dim3A_587 : vector<16xi1>, vector<16xi32>
    %swap3A_589 = arith.constant 32 : index
    %swap3A_590 = tpu.vector_load %arg10[%swap3A_589] {strides = array<i32>} : memref<128xi32, #tpu.memory_space<vmem>>, vector<16xi32>,
    %swap3A_591 = vector.shape_cast %swap3A_590 : vector<16xi32> to vector<16xi32>
    %swap3A_592 = vector.shape_cast %select_n3A_588 : vector<16xi32> to vector<16xi32>
    tpu.vector_store %arg10[%swap3A_589], %swap3A_592 {strides = array<i32>} : memref<128xi32, #tpu.memory_space<vmem>>, vector<16xi32>,
    %swap3A_593 = arith.constant 160 : index
    %swap3A_594 = tpu.vector_load %arg11[%swap3A_593] {strides = array<i32>} : memref<256xi32, #tpu.memory_space<vmem>>, vector<16xi32>,
    %swap3A_595 = vector.shape_cast %swap3A_594 : vector<16xi32> to vector<16xi32>
    %swap3A_596 = vector.shape_cast %select_n3A_588 : vector<16xi32> to vector<16xi32>
    tpu.vector_store %arg11[%swap3A_593], %swap3A_596 {strides = array<i32>} : memref<256xi32, #tpu.memory_space<vmem>>, vector<16xi32>,
    %get3A_597 = arith.constant 0 : i32
    %get3A_598 = arith.index_cast %get3A_597 : i32 to index
    %get3A_599 = arith.constant 160 : index
    %get3A_600 = tpu.vector_load %arg6[%get3A_598, %get3A_599] {strides = array<i32>} : memref<2x256xi32, #tpu.memory_space<vmem>>, vector<1x16xi32>,
    %get3A_601 = vector.shape_cast %get3A_600 : vector<1x16xi32> to vector<16xi32>
    %jit3A_602 = arith.constant -1 : i32
    %broadcast_in_dim3A_603 = vector.broadcast %jit3A_602 : i32 to vector<16xi32>
    %select_n3A_604 = arith.select %and3A_585, %get3A_601, %broadcast_in_dim3A_603 : vector<16xi1>, vector<16xi32>
    %swap3A_605 = arith.constant 32 : index
    %swap3A_606 = tpu.vector_load %arg9[%swap3A_605] {strides = array<i32>} : memref<128xi32, #tpu.memory_space<vmem>>, vector<16xi32>,
    %swap3A_607 = vector.shape_cast %swap3A_606 : vector<16xi32> to vector<16xi32>
    %swap3A_608 = vector.shape_cast %select_n3A_604 : vector<16xi32> to vector<16xi32>
    tpu.vector_store %arg9[%swap3A_605], %swap3A_608 {strides = array<i32>} : memref<128xi32, #tpu.memory_space<vmem>>, vector<16xi32>,
    %get3A_609 = arith.constant 1 : i32
    %get3A_610 = arith.index_cast %get3A_609 : i32 to index
    %get3A_611 = arith.constant 176 : index
    %get3A_612 = tpu.vector_load %arg6[%get3A_610, %get3A_611] {strides = array<i32>} : memref<2x256xi32, #tpu.memory_space<vmem>>, vector<1x16xi32>,
    %get3A_613 = vector.shape_cast %get3A_612 : vector<1x16xi32> to vector<16xi32>
    %sub3A_614 = vector.broadcast %mul3A_0 : i32 to vector<16xi32>
    %sub3A_615 = arith.subi %get3A_613, %sub3A_614 : vector<16xi32>
    %ge3A_616 = arith.constant 0 : i32
    %ge3A_617 = vector.broadcast %ge3A_616 : i32 to vector<16xi32>
    %ge3A_618 = arith.cmpi sge, %sub3A_615, %ge3A_617 : vector<16xi32>
    %lt3A_619 = arith.constant 10000 : i32
    %lt3A_620 = vector.broadcast %lt3A_619 : i32 to vector<16xi32>
    %lt3A_621 = arith.cmpi slt, %sub3A_615, %lt3A_620 : vector<16xi32>
    %and3A_622 = arith.andi %ge3A_618, %lt3A_621 : vector<16xi1>
    %jit3A_623 = arith.constant -1 : i32
    %broadcast_in_dim3A_624 = vector.broadcast %jit3A_623 : i32 to vector<16xi32>
    %select_n3A_625 = arith.select %and3A_622, %sub3A_615, %broadcast_in_dim3A_624 : vector<16xi1>, vector<16xi32>
    %swap3A_626 = arith.constant 48 : index
    %swap3A_627 = tpu.vector_load %arg10[%swap3A_626] {strides = array<i32>} : memref<128xi32, #tpu.memory_space<vmem>>, vector<16xi32>,
    %swap3A_628 = vector.shape_cast %swap3A_627 : vector<16xi32> to vector<16xi32>
    %swap3A_629 = vector.shape_cast %select_n3A_625 : vector<16xi32> to vector<16xi32>
    tpu.vector_store %arg10[%swap3A_626], %swap3A_629 {strides = array<i32>} : memref<128xi32, #tpu.memory_space<vmem>>, vector<16xi32>,
    %swap3A_630 = arith.constant 176 : index
    %swap3A_631 = tpu.vector_load %arg11[%swap3A_630] {strides = array<i32>} : memref<256xi32, #tpu.memory_space<vmem>>, vector<16xi32>,
    %swap3A_632 = vector.shape_cast %swap3A_631 : vector<16xi32> to vector<16xi32>
    %swap3A_633 = vector.shape_cast %select_n3A_625 : vector<16xi32> to vector<16xi32>
    tpu.vector_store %arg11[%swap3A_630], %swap3A_633 {strides = array<i32>} : memref<256xi32, #tpu.memory_space<vmem>>, vector<16xi32>,
    %get3A_634 = arith.constant 0 : i32
    %get3A_635 = arith.index_cast %get3A_634 : i32 to index
    %get3A_636 = arith.constant 176 : index
    %get3A_637 = tpu.vector_load %arg6[%get3A_635, %get3A_636] {strides = array<i32>} : memref<2x256xi32, #tpu.memory_space<vmem>>, vector<1x16xi32>,
    %get3A_638 = vector.shape_cast %get3A_637 : vector<1x16xi32> to vector<16xi32>
    %jit3A_639 = arith.constant -1 : i32
    %broadcast_in_dim3A_640 = vector.broadcast %jit3A_639 : i32 to vector<16xi32>
    %select_n3A_641 = arith.select %and3A_622, %get3A_638, %broadcast_in_dim3A_640 : vector<16xi1>, vector<16xi32>
    %swap3A_642 = arith.constant 48 : index
    %swap3A_643 = tpu.vector_load %arg9[%swap3A_642] {strides = array<i32>} : memref<128xi32, #tpu.memory_space<vmem>>, vector<16xi32>,
    %swap3A_644 = vector.shape_cast %swap3A_643 : vector<16xi32> to vector<16xi32>
    %swap3A_645 = vector.shape_cast %select_n3A_641 : vector<16xi32> to vector<16xi32>
    tpu.vector_store %arg9[%swap3A_642], %swap3A_645 {strides = array<i32>} : memref<128xi32, #tpu.memory_space<vmem>>, vector<16xi32>,
    %get3A_646 = arith.constant 1 : i32
    %get3A_647 = arith.index_cast %get3A_646 : i32 to index
    %get3A_648 = arith.constant 192 : index
    %get3A_649 = tpu.vector_load %arg6[%get3A_647, %get3A_648] {strides = array<i32>} : memref<2x256xi32, #tpu.memory_space<vmem>>, vector<1x16xi32>,
    %get3A_650 = vector.shape_cast %get3A_649 : vector<1x16xi32> to vector<16xi32>
    %sub3A_651 = vector.broadcast %mul3A_0 : i32 to vector<16xi32>
    %sub3A_652 = arith.subi %get3A_650, %sub3A_651 : vector<16xi32>
    %ge3A_653 = arith.constant 0 : i32
    %ge3A_654 = vector.broadcast %ge3A_653 : i32 to vector<16xi32>
    %ge3A_655 = arith.cmpi sge, %sub3A_652, %ge3A_654 : vector<16xi32>
    %lt3A_656 = arith.constant 10000 : i32
    %lt3A_657 = vector.broadcast %lt3A_656 : i32 to vector<16xi32>
    %lt3A_658 = arith.cmpi slt, %sub3A_652, %lt3A_657 : vector<16xi32>
    %and3A_659 = arith.andi %ge3A_655, %lt3A_658 : vector<16xi1>
    %jit3A_660 = arith.constant -1 : i32
    %broadcast_in_dim3A_661 = vector.broadcast %jit3A_660 : i32 to vector<16xi32>
    %select_n3A_662 = arith.select %and3A_659, %sub3A_652, %broadcast_in_dim3A_661 : vector<16xi1>, vector<16xi32>
    %swap3A_663 = arith.constant 64 : index
    %swap3A_664 = tpu.vector_load %arg10[%swap3A_663] {strides = array<i32>} : memref<128xi32, #tpu.memory_space<vmem>>, vector<16xi32>,
    %swap3A_665 = vector.shape_cast %swap3A_664 : vector<16xi32> to vector<16xi32>
    %swap3A_666 = vector.shape_cast %select_n3A_662 : vector<16xi32> to vector<16xi32>
    tpu.vector_store %arg10[%swap3A_663], %swap3A_666 {strides = array<i32>} : memref<128xi32, #tpu.memory_space<vmem>>, vector<16xi32>,
    %swap3A_667 = arith.constant 192 : index
    %swap3A_668 = tpu.vector_load %arg11[%swap3A_667] {strides = array<i32>} : memref<256xi32, #tpu.memory_space<vmem>>, vector<16xi32>,
    %swap3A_669 = vector.shape_cast %swap3A_668 : vector<16xi32> to vector<16xi32>
    %swap3A_670 = vector.shape_cast %select_n3A_662 : vector<16xi32> to vector<16xi32>
    tpu.vector_store %arg11[%swap3A_667], %swap3A_670 {strides = array<i32>} : memref<256xi32, #tpu.memory_space<vmem>>, vector<16xi32>,
    %get3A_671 = arith.constant 0 : i32
    %get3A_672 = arith.index_cast %get3A_671 : i32 to index
    %get3A_673 = arith.constant 192 : index
    %get3A_674 = tpu.vector_load %arg6[%get3A_672, %get3A_673] {strides = array<i32>} : memref<2x256xi32, #tpu.memory_space<vmem>>, vector<1x16xi32>,
    %get3A_675 = vector.shape_cast %get3A_674 : vector<1x16xi32> to vector<16xi32>
    %jit3A_676 = arith.constant -1 : i32
    %broadcast_in_dim3A_677 = vector.broadcast %jit3A_676 : i32 to vector<16xi32>
    %select_n3A_678 = arith.select %and3A_659, %get3A_675, %broadcast_in_dim3A_677 : vector<16xi1>, vector<16xi32>
    %swap3A_679 = arith.constant 64 : index
    %swap3A_680 = tpu.vector_load %arg9[%swap3A_679] {strides = array<i32>} : memref<128xi32, #tpu.memory_space<vmem>>, vector<16xi32>,
    %swap3A_681 = vector.shape_cast %swap3A_680 : vector<16xi32> to vector<16xi32>
    %swap3A_682 = vector.shape_cast %select_n3A_678 : vector<16xi32> to vector<16xi32>
    tpu.vector_store %arg9[%swap3A_679], %swap3A_682 {strides = array<i32>} : memref<128xi32, #tpu.memory_space<vmem>>, vector<16xi32>,
    %get3A_683 = arith.constant 1 : i32
    %get3A_684 = arith.index_cast %get3A_683 : i32 to index
    %get3A_685 = arith.constant 208 : index
    %get3A_686 = tpu.vector_load %arg6[%get3A_684, %get3A_685] {strides = array<i32>} : memref<2x256xi32, #tpu.memory_space<vmem>>, vector<1x16xi32>,
    %get3A_687 = vector.shape_cast %get3A_686 : vector<1x16xi32> to vector<16xi32>
    %sub3A_688 = vector.broadcast %mul3A_0 : i32 to vector<16xi32>
    %sub3A_689 = arith.subi %get3A_687, %sub3A_688 : vector<16xi32>
    %ge3A_690 = arith.constant 0 : i32
    %ge3A_691 = vector.broadcast %ge3A_690 : i32 to vector<16xi32>
    %ge3A_692 = arith.cmpi sge, %sub3A_689, %ge3A_691 : vector<16xi32>
    %lt3A_693 = arith.constant 10000 : i32
    %lt3A_694 = vector.broadcast %lt3A_693 : i32 to vector<16xi32>
    %lt3A_695 = arith.cmpi slt, %sub3A_689, %lt3A_694 : vector<16xi32>
    %and3A_696 = arith.andi %ge3A_692, %lt3A_695 : vector<16xi1>
    %jit3A_697 = arith.constant -1 : i32
    %broadcast_in_dim3A_698 = vector.broadcast %jit3A_697 : i32 to vector<16xi32>
    %select_n3A_699 = arith.select %and3A_696, %sub3A_689, %broadcast_in_dim3A_698 : vector<16xi1>, vector<16xi32>
    %swap3A_700 = arith.constant 80 : index
    %swap3A_701 = tpu.vector_load %arg10[%swap3A_700] {strides = array<i32>} : memref<128xi32, #tpu.memory_space<vmem>>, vector<16xi32>,
    %swap3A_702 = vector.shape_cast %swap3A_701 : vector<16xi32> to vector<16xi32>
    %swap3A_703 = vector.shape_cast %select_n3A_699 : vector<16xi32> to vector<16xi32>
    tpu.vector_store %arg10[%swap3A_700], %swap3A_703 {strides = array<i32>} : memref<128xi32, #tpu.memory_space<vmem>>, vector<16xi32>,
    %swap3A_704 = arith.constant 208 : index
    %swap3A_705 = tpu.vector_load %arg11[%swap3A_704] {strides = array<i32>} : memref<256xi32, #tpu.memory_space<vmem>>, vector<16xi32>,
    %swap3A_706 = vector.shape_cast %swap3A_705 : vector<16xi32> to vector<16xi32>
    %swap3A_707 = vector.shape_cast %select_n3A_699 : vector<16xi32> to vector<16xi32>
    tpu.vector_store %arg11[%swap3A_704], %swap3A_707 {strides = array<i32>} : memref<256xi32, #tpu.memory_space<vmem>>, vector<16xi32>,
    %get3A_708 = arith.constant 0 : i32
    %get3A_709 = arith.index_cast %get3A_708 : i32 to index
    %get3A_710 = arith.constant 208 : index
    %get3A_711 = tpu.vector_load %arg6[%get3A_709, %get3A_710] {strides = array<i32>} : memref<2x256xi32, #tpu.memory_space<vmem>>, vector<1x16xi32>,
    %get3A_712 = vector.shape_cast %get3A_711 : vector<1x16xi32> to vector<16xi32>
    %jit3A_713 = arith.constant -1 : i32
    %broadcast_in_dim3A_714 = vector.broadcast %jit3A_713 : i32 to vector<16xi32>
    %select_n3A_715 = arith.select %and3A_696, %get3A_712, %broadcast_in_dim3A_714 : vector<16xi1>, vector<16xi32>
    %swap3A_716 = arith.constant 80 : index
    %swap3A_717 = tpu.vector_load %arg9[%swap3A_716] {strides = array<i32>} : memref<128xi32, #tpu.memory_space<vmem>>, vector<16xi32>,
    %swap3A_718 = vector.shape_cast %swap3A_717 : vector<16xi32> to vector<16xi32>
    %swap3A_719 = vector.shape_cast %select_n3A_715 : vector<16xi32> to vector<16xi32>
    tpu.vector_store %arg9[%swap3A_716], %swap3A_719 {strides = array<i32>} : memref<128xi32, #tpu.memory_space<vmem>>, vector<16xi32>,
    %get3A_720 = arith.constant 1 : i32
    %get3A_721 = arith.index_cast %get3A_720 : i32 to index
    %get3A_722 = arith.constant 224 : index
    %get3A_723 = tpu.vector_load %arg6[%get3A_721, %get3A_722] {strides = array<i32>} : memref<2x256xi32, #tpu.memory_space<vmem>>, vector<1x16xi32>,
    %get3A_724 = vector.shape_cast %get3A_723 : vector<1x16xi32> to vector<16xi32>
    %sub3A_725 = vector.broadcast %mul3A_0 : i32 to vector<16xi32>
    %sub3A_726 = arith.subi %get3A_724, %sub3A_725 : vector<16xi32>
    %ge3A_727 = arith.constant 0 : i32
    %ge3A_728 = vector.broadcast %ge3A_727 : i32 to vector<16xi32>
    %ge3A_729 = arith.cmpi sge, %sub3A_726, %ge3A_728 : vector<16xi32>
    %lt3A_730 = arith.constant 10000 : i32
    %lt3A_731 = vector.broadcast %lt3A_730 : i32 to vector<16xi32>
    %lt3A_732 = arith.cmpi slt, %sub3A_726, %lt3A_731 : vector<16xi32>
    %and3A_733 = arith.andi %ge3A_729, %lt3A_732 : vector<16xi1>
    %jit3A_734 = arith.constant -1 : i32
    %broadcast_in_dim3A_735 = vector.broadcast %jit3A_734 : i32 to vector<16xi32>
    %select_n3A_736 = arith.select %and3A_733, %sub3A_726, %broadcast_in_dim3A_735 : vector<16xi1>, vector<16xi32>
    %swap3A_737 = arith.constant 96 : index
    %swap3A_738 = tpu.vector_load %arg10[%swap3A_737] {strides = array<i32>} : memref<128xi32, #tpu.memory_space<vmem>>, vector<16xi32>,
    %swap3A_739 = vector.shape_cast %swap3A_738 : vector<16xi32> to vector<16xi32>
    %swap3A_740 = vector.shape_cast %select_n3A_736 : vector<16xi32> to vector<16xi32>
    tpu.vector_store %arg10[%swap3A_737], %swap3A_740 {strides = array<i32>} : memref<128xi32, #tpu.memory_space<vmem>>, vector<16xi32>,
    %swap3A_741 = arith.constant 224 : index
    %swap3A_742 = tpu.vector_load %arg11[%swap3A_741] {strides = array<i32>} : memref<256xi32, #tpu.memory_space<vmem>>, vector<16xi32>,
    %swap3A_743 = vector.shape_cast %swap3A_742 : vector<16xi32> to vector<16xi32>
    %swap3A_744 = vector.shape_cast %select_n3A_736 : vector<16xi32> to vector<16xi32>
    tpu.vector_store %arg11[%swap3A_741], %swap3A_744 {strides = array<i32>} : memref<256xi32, #tpu.memory_space<vmem>>, vector<16xi32>,
    %get3A_745 = arith.constant 0 : i32
    %get3A_746 = arith.index_cast %get3A_745 : i32 to index
    %get3A_747 = arith.constant 224 : index
    %get3A_748 = tpu.vector_load %arg6[%get3A_746, %get3A_747] {strides = array<i32>} : memref<2x256xi32, #tpu.memory_space<vmem>>, vector<1x16xi32>,
    %get3A_749 = vector.shape_cast %get3A_748 : vector<1x16xi32> to vector<16xi32>
    %jit3A_750 = arith.constant -1 : i32
    %broadcast_in_dim3A_751 = vector.broadcast %jit3A_750 : i32 to vector<16xi32>
    %select_n3A_752 = arith.select %and3A_733, %get3A_749, %broadcast_in_dim3A_751 : vector<16xi1>, vector<16xi32>
    %swap3A_753 = arith.constant 96 : index
    %swap3A_754 = tpu.vector_load %arg9[%swap3A_753] {strides = array<i32>} : memref<128xi32, #tpu.memory_space<vmem>>, vector<16xi32>,
    %swap3A_755 = vector.shape_cast %swap3A_754 : vector<16xi32> to vector<16xi32>
    %swap3A_756 = vector.shape_cast %select_n3A_752 : vector<16xi32> to vector<16xi32>
    tpu.vector_store %arg9[%swap3A_753], %swap3A_756 {strides = array<i32>} : memref<128xi32, #tpu.memory_space<vmem>>, vector<16xi32>,
    %get3A_757 = arith.constant 1 : i32
    %get3A_758 = arith.index_cast %get3A_757 : i32 to index
    %get3A_759 = arith.constant 240 : index
    %get3A_760 = tpu.vector_load %arg6[%get3A_758, %get3A_759] {strides = array<i32>} : memref<2x256xi32, #tpu.memory_space<vmem>>, vector<1x16xi32>,
    %get3A_761 = vector.shape_cast %get3A_760 : vector<1x16xi32> to vector<16xi32>
    %sub3A_762 = vector.broadcast %mul3A_0 : i32 to vector<16xi32>
    %sub3A_763 = arith.subi %get3A_761, %sub3A_762 : vector<16xi32>
    %ge3A_764 = arith.constant 0 : i32
    %ge3A_765 = vector.broadcast %ge3A_764 : i32 to vector<16xi32>
    %ge3A_766 = arith.cmpi sge, %sub3A_763, %ge3A_765 : vector<16xi32>
    %lt3A_767 = arith.constant 10000 : i32
    %lt3A_768 = vector.broadcast %lt3A_767 : i32 to vector<16xi32>
    %lt3A_769 = arith.cmpi slt, %sub3A_763, %lt3A_768 : vector<16xi32>
    %and3A_770 = arith.andi %ge3A_766, %lt3A_769 : vector<16xi1>
    %jit3A_771 = arith.constant -1 : i32
    %broadcast_in_dim3A_772 = vector.broadcast %jit3A_771 : i32 to vector<16xi32>
    %select_n3A_773 = arith.select %and3A_770, %sub3A_763, %broadcast_in_dim3A_772 : vector<16xi1>, vector<16xi32>
    %swap3A_774 = arith.constant 112 : index
    %swap3A_775 = tpu.vector_load %arg10[%swap3A_774] {strides = array<i32>} : memref<128xi32, #tpu.memory_space<vmem>>, vector<16xi32>,
    %swap3A_776 = vector.shape_cast %swap3A_775 : vector<16xi32> to vector<16xi32>
    %swap3A_777 = vector.shape_cast %select_n3A_773 : vector<16xi32> to vector<16xi32>
    tpu.vector_store %arg10[%swap3A_774], %swap3A_777 {strides = array<i32>} : memref<128xi32, #tpu.memory_space<vmem>>, vector<16xi32>,
    %swap3A_778 = arith.constant 240 : index
    %swap3A_779 = tpu.vector_load %arg11[%swap3A_778] {strides = array<i32>} : memref<256xi32, #tpu.memory_space<vmem>>, vector<16xi32>,
    %swap3A_780 = vector.shape_cast %swap3A_779 : vector<16xi32> to vector<16xi32>
    %swap3A_781 = vector.shape_cast %select_n3A_773 : vector<16xi32> to vector<16xi32>
    tpu.vector_store %arg11[%swap3A_778], %swap3A_781 {strides = array<i32>} : memref<256xi32, #tpu.memory_space<vmem>>, vector<16xi32>,
    %get3A_782 = arith.constant 0 : i32
    %get3A_783 = arith.index_cast %get3A_782 : i32 to index
    %get3A_784 = arith.constant 240 : index
    %get3A_785 = tpu.vector_load %arg6[%get3A_783, %get3A_784] {strides = array<i32>} : memref<2x256xi32, #tpu.memory_space<vmem>>, vector<1x16xi32>,
    %get3A_786 = vector.shape_cast %get3A_785 : vector<1x16xi32> to vector<16xi32>
    %jit3A_787 = arith.constant -1 : i32
    %broadcast_in_dim3A_788 = vector.broadcast %jit3A_787 : i32 to vector<16xi32>
    %select_n3A_789 = arith.select %and3A_770, %get3A_786, %broadcast_in_dim3A_788 : vector<16xi1>, vector<16xi32>
    %swap3A_790 = arith.constant 112 : index
    %swap3A_791 = tpu.vector_load %arg9[%swap3A_790] {strides = array<i32>} : memref<128xi32, #tpu.memory_space<vmem>>, vector<16xi32>,
    %swap3A_792 = vector.shape_cast %swap3A_791 : vector<16xi32> to vector<16xi32>
    %swap3A_793 = vector.shape_cast %select_n3A_789 : vector<16xi32> to vector<16xi32>
    tpu.vector_store %arg9[%swap3A_790], %swap3A_793 {strides = array<i32>} : memref<128xi32, #tpu.memory_space<vmem>>, vector<16xi32>,
    %dma_start3A_794 = arith.constant 0 : i32
    %dma_start3A_795 = arith.constant 0 : i32
    %dma_start3A_796 = tpu.memref_slice %arg2[%dma_start3A_794, %dma_start3A_795] : memref<100000x128xf32, #tpu.memory_space<hbm>> -> memref<100000x128xf32, #tpu.memory_space<hbm>>
    %dma_start3A_797 = arith.constant -1 : i32
    tpu.enqueue_indirect_dma source(%dma_start3A_796 : memref<100000x128xf32, #tpu.memory_space<hbm>>) target(%arg12 : memref<128x128xf32, #tpu.memory_space<vmem>>) offsets(%arg7 : memref<128xi32, #tpu.memory_space<vmem>>) offset_filter(%dma_start3A_797) semaphore(%arg20 : memref<!tpu.dma_semaphore, #tpu.memory_space<semaphore_mem>>)
    %dma_start3A_798 = arith.constant 0 : i32
    %dma_start3A_799 = tpu.memref_slice %arg19[%dma_start3A_798] : memref<10000xf32, #tpu.memory_space<vmem_shared>> -> memref<10000xf32, #tpu.memory_space<vmem_shared>>
    %dma_start3A_800 = arith.constant -1 : i32
    tpu.enqueue_indirect_dma source(%arg14 : memref<256xf32, #tpu.memory_space<vmem>>) target(%dma_start3A_799 : memref<10000xf32, #tpu.memory_space<vmem_shared>>) offsets(%arg11 : memref<256xi32, #tpu.memory_space<vmem>>) offset_filter(%dma_start3A_800) semaphore(%arg22 : memref<!tpu.dma_semaphore, #tpu.memory_space<semaphore_mem>>) {add = true}
    %while3A_801 = arith.subi %select_n3A_201, %select_n3A_173 : i32
    %while3A_802 = arith.addi %select_n3A_173, %while3A_801 : i32
    %while3A_803 = arith.constant 1 : i32
    %while3A_804 = arith.divsi %while3A_801, %while3A_803 : i32
    %while3A_805 = arith.muli %while3A_804, %while3A_803 : i32
    %while3A_806 = arith.addi %select_n3A_173, %while3A_805 : i32
    %while3A_807 = arith.constant 1 : i32
    scf.for %while3A_819 = %select_n3A_173 to %while3A_806 step %while3A_807  : i32 {
      %gt3A = arith.cmpi sgt, %while3A_819, %select_n3A_173 : i32
      %convert_element_type3A_820 = arith.extui %gt3A : i1 to i32
      %cond3A_821 = arith.constant 0 : i32
      %cond3A_822 = arith.cmpi ne, %convert_element_type3A_820, %cond3A_821 : i32
      scf.if %cond3A_822 {
        %dma_wait3A_852 = arith.constant 0 : i32
        %dma_wait3A_853 = arith.constant 0 : i32
        %dma_wait3A_854 = tpu.memref_slice %arg18[%dma_wait3A_852, %dma_wait3A_853] : memref<10000x128xf32, #tpu.memory_space<vmem_shared>> -> memref<10000x128xf32, #tpu.memory_space<vmem_shared>>
        tpu.wait_indirect_dma semaphore(%arg23 : memref<!tpu.dma_semaphore, #tpu.memory_space<semaphore_mem>>) src(%arg13 : memref<128x128xf32, #tpu.memory_space<vmem>>) dst(%dma_wait3A_854 : memref<10000x128xf32, #tpu.memory_space<vmem_shared>>)
        %get3A_855 = arith.constant 1 : i32
        %get3A_856 = arith.index_cast %get3A_855 : i32 to index
        %get3A_857 = arith.constant 128 : index
        %get3A_858 = tpu.vector_load %arg6[%get3A_856, %get3A_857] {strides = array<i32>} : memref<2x256xi32, #tpu.memory_space<vmem>>, vector<1x16xi32>,
        %get3A_859 = vector.shape_cast %get3A_858 : vector<1x16xi32> to vector<16xi32>
        %sub3A_860 = vector.broadcast %mul3A_0 : i32 to vector<16xi32>
        %sub3A_861 = arith.subi %get3A_859, %sub3A_860 : vector<16xi32>
        %ge3A_862 = arith.constant 0 : i32
        %ge3A_863 = vector.broadcast %ge3A_862 : i32 to vector<16xi32>
        %ge3A_864 = arith.cmpi sge, %sub3A_861, %ge3A_863 : vector<16xi32>
        %lt3A_865 = arith.constant 10000 : i32
        %lt3A_866 = vector.broadcast %lt3A_865 : i32 to vector<16xi32>
        %lt3A_867 = arith.cmpi slt, %sub3A_861, %lt3A_866 : vector<16xi32>
        %and3A_868 = arith.andi %ge3A_864, %lt3A_867 : vector<16xi1>
        %jit3A_869 = arith.constant -1 : i32
        %broadcast_in_dim3A_870 = vector.broadcast %jit3A_869 : i32 to vector<16xi32>
        %select_n3A_871 = arith.select %and3A_868, %sub3A_861, %broadcast_in_dim3A_870 : vector<16xi1>, vector<16xi32>
        %swap3A_872 = arith.constant 0 : index
        %swap3A_873 = tpu.vector_load %arg10[%swap3A_872] {strides = array<i32>} : memref<128xi32, #tpu.memory_space<vmem>>, vector<16xi32>,
        %swap3A_874 = vector.shape_cast %swap3A_873 : vector<16xi32> to vector<16xi32>
        %swap3A_875 = vector.shape_cast %select_n3A_871 : vector<16xi32> to vector<16xi32>
        tpu.vector_store %arg10[%swap3A_872], %swap3A_875 {strides = array<i32>} : memref<128xi32, #tpu.memory_space<vmem>>, vector<16xi32>,
        %swap3A_876 = arith.constant 128 : index
        %swap3A_877 = tpu.vector_load %arg11[%swap3A_876] {strides = array<i32>} : memref<256xi32, #tpu.memory_space<vmem>>, vector<16xi32>,
        %swap3A_878 = vector.shape_cast %swap3A_877 : vector<16xi32> to vector<16xi32>
        %swap3A_879 = vector.shape_cast %select_n3A_871 : vector<16xi32> to vector<16xi32>
        tpu.vector_store %arg11[%swap3A_876], %swap3A_879 {strides = array<i32>} : memref<256xi32, #tpu.memory_space<vmem>>, vector<16xi32>,
        %get3A_880 = arith.constant 0 : i32
        %get3A_881 = arith.index_cast %get3A_880 : i32 to index
        %get3A_882 = arith.constant 128 : index
        %get3A_883 = tpu.vector_load %arg6[%get3A_881, %get3A_882] {strides = array<i32>} : memref<2x256xi32, #tpu.memory_space<vmem>>, vector<1x16xi32>,
        %get3A_884 = vector.shape_cast %get3A_883 : vector<1x16xi32> to vector<16xi32>
        %jit3A_885 = arith.constant -1 : i32
        %broadcast_in_dim3A_886 = vector.broadcast %jit3A_885 : i32 to vector<16xi32>
        %select_n3A_887 = arith.select %and3A_868, %get3A_884, %broadcast_in_dim3A_886 : vector<16xi1>, vector<16xi32>
        %swap3A_888 = arith.constant 0 : index
        %swap3A_889 = tpu.vector_load %arg9[%swap3A_888] {strides = array<i32>} : memref<128xi32, #tpu.memory_space<vmem>>, vector<16xi32>,
        %swap3A_890 = vector.shape_cast %swap3A_889 : vector<16xi32> to vector<16xi32>
        %swap3A_891 = vector.shape_cast %select_n3A_887 : vector<16xi32> to vector<16xi32>
        tpu.vector_store %arg9[%swap3A_888], %swap3A_891 {strides = array<i32>} : memref<128xi32, #tpu.memory_space<vmem>>, vector<16xi32>,
        %get3A_892 = arith.constant 1 : i32
        %get3A_893 = arith.index_cast %get3A_892 : i32 to index
        %get3A_894 = arith.constant 144 : index
        %get3A_895 = tpu.vector_load %arg6[%get3A_893, %get3A_894] {strides = array<i32>} : memref<2x256xi32, #tpu.memory_space<vmem>>, vector<1x16xi32>,
        %get3A_896 = vector.shape_cast %get3A_895 : vector<1x16xi32> to vector<16xi32>
        %sub3A_897 = vector.broadcast %mul3A_0 : i32 to vector<16xi32>
        %sub3A_898 = arith.subi %get3A_896, %sub3A_897 : vector<16xi32>
        %ge3A_899 = arith.constant 0 : i32
        %ge3A_900 = vector.broadcast %ge3A_899 : i32 to vector<16xi32>
        %ge3A_901 = arith.cmpi sge, %sub3A_898, %ge3A_900 : vector<16xi32>
        %lt3A_902 = arith.constant 10000 : i32
        %lt3A_903 = vector.broadcast %lt3A_902 : i32 to vector<16xi32>
        %lt3A_904 = arith.cmpi slt, %sub3A_898, %lt3A_903 : vector<16xi32>
        %and3A_905 = arith.andi %ge3A_901, %lt3A_904 : vector<16xi1>
        %jit3A_906 = arith.constant -1 : i32
        %broadcast_in_dim3A_907 = vector.broadcast %jit3A_906 : i32 to vector<16xi32>
        %select_n3A_908 = arith.select %and3A_905, %sub3A_898, %broadcast_in_dim3A_907 : vector<16xi1>, vector<16xi32>
        %swap3A_909 = arith.constant 16 : index
        %swap3A_910 = tpu.vector_load %arg10[%swap3A_909] {strides = array<i32>} : memref<128xi32, #tpu.memory_space<vmem>>, vector<16xi32>,
        %swap3A_911 = vector.shape_cast %swap3A_910 : vector<16xi32> to vector<16xi32>
        %swap3A_912 = vector.shape_cast %select_n3A_908 : vector<16xi32> to vector<16xi32>
        tpu.vector_store %arg10[%swap3A_909], %swap3A_912 {strides = array<i32>} : memref<128xi32, #tpu.memory_space<vmem>>, vector<16xi32>,
        %swap3A_913 = arith.constant 144 : index
        %swap3A_914 = tpu.vector_load %arg11[%swap3A_913] {strides = array<i32>} : memref<256xi32, #tpu.memory_space<vmem>>, vector<16xi32>,
        %swap3A_915 = vector.shape_cast %swap3A_914 : vector<16xi32> to vector<16xi32>
        %swap3A_916 = vector.shape_cast %select_n3A_908 : vector<16xi32> to vector<16xi32>
        tpu.vector_store %arg11[%swap3A_913], %swap3A_916 {strides = array<i32>} : memref<256xi32, #tpu.memory_space<vmem>>, vector<16xi32>,
        %get3A_917 = arith.constant 0 : i32
        %get3A_918 = arith.index_cast %get3A_917 : i32 to index
        %get3A_919 = arith.constant 144 : index
        %get3A_920 = tpu.vector_load %arg6[%get3A_918, %get3A_919] {strides = array<i32>} : memref<2x256xi32, #tpu.memory_space<vmem>>, vector<1x16xi32>,
        %get3A_921 = vector.shape_cast %get3A_920 : vector<1x16xi32> to vector<16xi32>
        %jit3A_922 = arith.constant -1 : i32
        %broadcast_in_dim3A_923 = vector.broadcast %jit3A_922 : i32 to vector<16xi32>
        %select_n3A_924 = arith.select %and3A_905, %get3A_921, %broadcast_in_dim3A_923 : vector<16xi1>, vector<16xi32>
        %swap3A_925 = arith.constant 16 : index
        %swap3A_926 = tpu.vector_load %arg9[%swap3A_925] {strides = array<i32>} : memref<128xi32, #tpu.memory_space<vmem>>, vector<16xi32>,
        %swap3A_927 = vector.shape_cast %swap3A_926 : vector<16xi32> to vector<16xi32>
        %swap3A_928 = vector.shape_cast %select_n3A_924 : vector<16xi32> to vector<16xi32>
        tpu.vector_store %arg9[%swap3A_925], %swap3A_928 {strides = array<i32>} : memref<128xi32, #tpu.memory_space<vmem>>, vector<16xi32>,
        %get3A_929 = arith.constant 1 : i32
        %get3A_930 = arith.index_cast %get3A_929 : i32 to index
        %get3A_931 = arith.constant 160 : index
        %get3A_932 = tpu.vector_load %arg6[%get3A_930, %get3A_931] {strides = array<i32>} : memref<2x256xi32, #tpu.memory_space<vmem>>, vector<1x16xi32>,
        %get3A_933 = vector.shape_cast %get3A_932 : vector<1x16xi32> to vector<16xi32>
        %sub3A_934 = vector.broadcast %mul3A_0 : i32 to vector<16xi32>
        %sub3A_935 = arith.subi %get3A_933, %sub3A_934 : vector<16xi32>
        %ge3A_936 = arith.constant 0 : i32
        %ge3A_937 = vector.broadcast %ge3A_936 : i32 to vector<16xi32>
        %ge3A_938 = arith.cmpi sge, %sub3A_935, %ge3A_937 : vector<16xi32>
        %lt3A_939 = arith.constant 10000 : i32
        %lt3A_940 = vector.broadcast %lt3A_939 : i32 to vector<16xi32>
        %lt3A_941 = arith.cmpi slt, %sub3A_935, %lt3A_940 : vector<16xi32>
        %and3A_942 = arith.andi %ge3A_938, %lt3A_941 : vector<16xi1>
        %jit3A_943 = arith.constant -1 : i32
        %broadcast_in_dim3A_944 = vector.broadcast %jit3A_943 : i32 to vector<16xi32>
        %select_n3A_945 = arith.select %and3A_942, %sub3A_935, %broadcast_in_dim3A_944 : vector<16xi1>, vector<16xi32>
        %swap3A_946 = arith.constant 32 : index
        %swap3A_947 = tpu.vector_load %arg10[%swap3A_946] {strides = array<i32>} : memref<128xi32, #tpu.memory_space<vmem>>, vector<16xi32>,
        %swap3A_948 = vector.shape_cast %swap3A_947 : vector<16xi32> to vector<16xi32>
        %swap3A_949 = vector.shape_cast %select_n3A_945 : vector<16xi32> to vector<16xi32>
        tpu.vector_store %arg10[%swap3A_946], %swap3A_949 {strides = array<i32>} : memref<128xi32, #tpu.memory_space<vmem>>, vector<16xi32>,
        %swap3A_950 = arith.constant 160 : index
        %swap3A_951 = tpu.vector_load %arg11[%swap3A_950] {strides = array<i32>} : memref<256xi32, #tpu.memory_space<vmem>>, vector<16xi32>,
        %swap3A_952 = vector.shape_cast %swap3A_951 : vector<16xi32> to vector<16xi32>
        %swap3A_953 = vector.shape_cast %select_n3A_945 : vector<16xi32> to vector<16xi32>
        tpu.vector_store %arg11[%swap3A_950], %swap3A_953 {strides = array<i32>} : memref<256xi32, #tpu.memory_space<vmem>>, vector<16xi32>,
        %get3A_954 = arith.constant 0 : i32
        %get3A_955 = arith.index_cast %get3A_954 : i32 to index
        %get3A_956 = arith.constant 160 : index
        %get3A_957 = tpu.vector_load %arg6[%get3A_955, %get3A_956] {strides = array<i32>} : memref<2x256xi32, #tpu.memory_space<vmem>>, vector<1x16xi32>,
        %get3A_958 = vector.shape_cast %get3A_957 : vector<1x16xi32> to vector<16xi32>
        %jit3A_959 = arith.constant -1 : i32
        %broadcast_in_dim3A_960 = vector.broadcast %jit3A_959 : i32 to vector<16xi32>
        %select_n3A_961 = arith.select %and3A_942, %get3A_958, %broadcast_in_dim3A_960 : vector<16xi1>, vector<16xi32>
        %swap3A_962 = arith.constant 32 : index
        %swap3A_963 = tpu.vector_load %arg9[%swap3A_962] {strides = array<i32>} : memref<128xi32, #tpu.memory_space<vmem>>, vector<16xi32>,
        %swap3A_964 = vector.shape_cast %swap3A_963 : vector<16xi32> to vector<16xi32>
        %swap3A_965 = vector.shape_cast %select_n3A_961 : vector<16xi32> to vector<16xi32>
        tpu.vector_store %arg9[%swap3A_962], %swap3A_965 {strides = array<i32>} : memref<128xi32, #tpu.memory_space<vmem>>, vector<16xi32>,
        %get3A_966 = arith.constant 1 : i32
        %get3A_967 = arith.index_cast %get3A_966 : i32 to index
        %get3A_968 = arith.constant 176 : index
        %get3A_969 = tpu.vector_load %arg6[%get3A_967, %get3A_968] {strides = array<i32>} : memref<2x256xi32, #tpu.memory_space<vmem>>, vector<1x16xi32>,
        %get3A_970 = vector.shape_cast %get3A_969 : vector<1x16xi32> to vector<16xi32>
        %sub3A_971 = vector.broadcast %mul3A_0 : i32 to vector<16xi32>
        %sub3A_972 = arith.subi %get3A_970, %sub3A_971 : vector<16xi32>
        %ge3A_973 = arith.constant 0 : i32
        %ge3A_974 = vector.broadcast %ge3A_973 : i32 to vector<16xi32>
        %ge3A_975 = arith.cmpi sge, %sub3A_972, %ge3A_974 : vector<16xi32>
        %lt3A_976 = arith.constant 10000 : i32
        %lt3A_977 = vector.broadcast %lt3A_976 : i32 to vector<16xi32>
        %lt3A_978 = arith.cmpi slt, %sub3A_972, %lt3A_977 : vector<16xi32>
        %and3A_979 = arith.andi %ge3A_975, %lt3A_978 : vector<16xi1>
        %jit3A_980 = arith.constant -1 : i32
        %broadcast_in_dim3A_981 = vector.broadcast %jit3A_980 : i32 to vector<16xi32>
        %select_n3A_982 = arith.select %and3A_979, %sub3A_972, %broadcast_in_dim3A_981 : vector<16xi1>, vector<16xi32>
        %swap3A_983 = arith.constant 48 : index
        %swap3A_984 = tpu.vector_load %arg10[%swap3A_983] {strides = array<i32>} : memref<128xi32, #tpu.memory_space<vmem>>, vector<16xi32>,
        %swap3A_985 = vector.shape_cast %swap3A_984 : vector<16xi32> to vector<16xi32>
        %swap3A_986 = vector.shape_cast %select_n3A_982 : vector<16xi32> to vector<16xi32>
        tpu.vector_store %arg10[%swap3A_983], %swap3A_986 {strides = array<i32>} : memref<128xi32, #tpu.memory_space<vmem>>, vector<16xi32>,
        %swap3A_987 = arith.constant 176 : index
        %swap3A_988 = tpu.vector_load %arg11[%swap3A_987] {strides = array<i32>} : memref<256xi32, #tpu.memory_space<vmem>>, vector<16xi32>,
        %swap3A_989 = vector.shape_cast %swap3A_988 : vector<16xi32> to vector<16xi32>
        %swap3A_990 = vector.shape_cast %select_n3A_982 : vector<16xi32> to vector<16xi32>
        tpu.vector_store %arg11[%swap3A_987], %swap3A_990 {strides = array<i32>} : memref<256xi32, #tpu.memory_space<vmem>>, vector<16xi32>,
        %get3A_991 = arith.constant 0 : i32
        %get3A_992 = arith.index_cast %get3A_991 : i32 to index
        %get3A_993 = arith.constant 176 : index
        %get3A_994 = tpu.vector_load %arg6[%get3A_992, %get3A_993] {strides = array<i32>} : memref<2x256xi32, #tpu.memory_space<vmem>>, vector<1x16xi32>,
        %get3A_995 = vector.shape_cast %get3A_994 : vector<1x16xi32> to vector<16xi32>
        %jit3A_996 = arith.constant -1 : i32
        %broadcast_in_dim3A_997 = vector.broadcast %jit3A_996 : i32 to vector<16xi32>
        %select_n3A_998 = arith.select %and3A_979, %get3A_995, %broadcast_in_dim3A_997 : vector<16xi1>, vector<16xi32>
        %swap3A_999 = arith.constant 48 : index
        %swap3A_1000 = tpu.vector_load %arg9[%swap3A_999] {strides = array<i32>} : memref<128xi32, #tpu.memory_space<vmem>>, vector<16xi32>,
        %swap3A_1001 = vector.shape_cast %swap3A_1000 : vector<16xi32> to vector<16xi32>
        %swap3A_1002 = vector.shape_cast %select_n3A_998 : vector<16xi32> to vector<16xi32>
        tpu.vector_store %arg9[%swap3A_999], %swap3A_1002 {strides = array<i32>} : memref<128xi32, #tpu.memory_space<vmem>>, vector<16xi32>,
        %get3A_1003 = arith.constant 1 : i32
        %get3A_1004 = arith.index_cast %get3A_1003 : i32 to index
        %get3A_1005 = arith.constant 192 : index
        %get3A_1006 = tpu.vector_load %arg6[%get3A_1004, %get3A_1005] {strides = array<i32>} : memref<2x256xi32, #tpu.memory_space<vmem>>, vector<1x16xi32>,
        %get3A_1007 = vector.shape_cast %get3A_1006 : vector<1x16xi32> to vector<16xi32>
        %sub3A_1008 = vector.broadcast %mul3A_0 : i32 to vector<16xi32>
        %sub3A_1009 = arith.subi %get3A_1007, %sub3A_1008 : vector<16xi32>
        %ge3A_1010 = arith.constant 0 : i32
        %ge3A_1011 = vector.broadcast %ge3A_1010 : i32 to vector<16xi32>
        %ge3A_1012 = arith.cmpi sge, %sub3A_1009, %ge3A_1011 : vector<16xi32>
        %lt3A_1013 = arith.constant 10000 : i32
        %lt3A_1014 = vector.broadcast %lt3A_1013 : i32 to vector<16xi32>
        %lt3A_1015 = arith.cmpi slt, %sub3A_1009, %lt3A_1014 : vector<16xi32>
        %and3A_1016 = arith.andi %ge3A_1012, %lt3A_1015 : vector<16xi1>
        %jit3A_1017 = arith.constant -1 : i32
        %broadcast_in_dim3A_1018 = vector.broadcast %jit3A_1017 : i32 to vector<16xi32>
        %select_n3A_1019 = arith.select %and3A_1016, %sub3A_1009, %broadcast_in_dim3A_1018 : vector<16xi1>, vector<16xi32>
        %swap3A_1020 = arith.constant 64 : index
        %swap3A_1021 = tpu.vector_load %arg10[%swap3A_1020] {strides = array<i32>} : memref<128xi32, #tpu.memory_space<vmem>>, vector<16xi32>,
        %swap3A_1022 = vector.shape_cast %swap3A_1021 : vector<16xi32> to vector<16xi32>
        %swap3A_1023 = vector.shape_cast %select_n3A_1019 : vector<16xi32> to vector<16xi32>
        tpu.vector_store %arg10[%swap3A_1020], %swap3A_1023 {strides = array<i32>} : memref<128xi32, #tpu.memory_space<vmem>>, vector<16xi32>,
        %swap3A_1024 = arith.constant 192 : index
        %swap3A_1025 = tpu.vector_load %arg11[%swap3A_1024] {strides = array<i32>} : memref<256xi32, #tpu.memory_space<vmem>>, vector<16xi32>,
        %swap3A_1026 = vector.shape_cast %swap3A_1025 : vector<16xi32> to vector<16xi32>
        %swap3A_1027 = vector.shape_cast %select_n3A_1019 : vector<16xi32> to vector<16xi32>
        tpu.vector_store %arg11[%swap3A_1024], %swap3A_1027 {strides = array<i32>} : memref<256xi32, #tpu.memory_space<vmem>>, vector<16xi32>,
        %get3A_1028 = arith.constant 0 : i32
        %get3A_1029 = arith.index_cast %get3A_1028 : i32 to index
        %get3A_1030 = arith.constant 192 : index
        %get3A_1031 = tpu.vector_load %arg6[%get3A_1029, %get3A_1030] {strides = array<i32>} : memref<2x256xi32, #tpu.memory_space<vmem>>, vector<1x16xi32>,
        %get3A_1032 = vector.shape_cast %get3A_1031 : vector<1x16xi32> to vector<16xi32>
        %jit3A_1033 = arith.constant -1 : i32
        %broadcast_in_dim3A_1034 = vector.broadcast %jit3A_1033 : i32 to vector<16xi32>
        %select_n3A_1035 = arith.select %and3A_1016, %get3A_1032, %broadcast_in_dim3A_1034 : vector<16xi1>, vector<16xi32>
        %swap3A_1036 = arith.constant 64 : index
        %swap3A_1037 = tpu.vector_load %arg9[%swap3A_1036] {strides = array<i32>} : memref<128xi32, #tpu.memory_space<vmem>>, vector<16xi32>,
        %swap3A_1038 = vector.shape_cast %swap3A_1037 : vector<16xi32> to vector<16xi32>
        %swap3A_1039 = vector.shape_cast %select_n3A_1035 : vector<16xi32> to vector<16xi32>
        tpu.vector_store %arg9[%swap3A_1036], %swap3A_1039 {strides = array<i32>} : memref<128xi32, #tpu.memory_space<vmem>>, vector<16xi32>,
        %get3A_1040 = arith.constant 1 : i32
        %get3A_1041 = arith.index_cast %get3A_1040 : i32 to index
        %get3A_1042 = arith.constant 208 : index
        %get3A_1043 = tpu.vector_load %arg6[%get3A_1041, %get3A_1042] {strides = array<i32>} : memref<2x256xi32, #tpu.memory_space<vmem>>, vector<1x16xi32>,
        %get3A_1044 = vector.shape_cast %get3A_1043 : vector<1x16xi32> to vector<16xi32>
        %sub3A_1045 = vector.broadcast %mul3A_0 : i32 to vector<16xi32>
        %sub3A_1046 = arith.subi %get3A_1044, %sub3A_1045 : vector<16xi32>
        %ge3A_1047 = arith.constant 0 : i32
        %ge3A_1048 = vector.broadcast %ge3A_1047 : i32 to vector<16xi32>
        %ge3A_1049 = arith.cmpi sge, %sub3A_1046, %ge3A_1048 : vector<16xi32>
        %lt3A_1050 = arith.constant 10000 : i32
        %lt3A_1051 = vector.broadcast %lt3A_1050 : i32 to vector<16xi32>
        %lt3A_1052 = arith.cmpi slt, %sub3A_1046, %lt3A_1051 : vector<16xi32>
        %and3A_1053 = arith.andi %ge3A_1049, %lt3A_1052 : vector<16xi1>
        %jit3A_1054 = arith.constant -1 : i32
        %broadcast_in_dim3A_1055 = vector.broadcast %jit3A_1054 : i32 to vector<16xi32>
        %select_n3A_1056 = arith.select %and3A_1053, %sub3A_1046, %broadcast_in_dim3A_1055 : vector<16xi1>, vector<16xi32>
        %swap3A_1057 = arith.constant 80 : index
        %swap3A_1058 = tpu.vector_load %arg10[%swap3A_1057] {strides = array<i32>} : memref<128xi32, #tpu.memory_space<vmem>>, vector<16xi32>,
        %swap3A_1059 = vector.shape_cast %swap3A_1058 : vector<16xi32> to vector<16xi32>
        %swap3A_1060 = vector.shape_cast %select_n3A_1056 : vector<16xi32> to vector<16xi32>
        tpu.vector_store %arg10[%swap3A_1057], %swap3A_1060 {strides = array<i32>} : memref<128xi32, #tpu.memory_space<vmem>>, vector<16xi32>,
        %swap3A_1061 = arith.constant 208 : index
        %swap3A_1062 = tpu.vector_load %arg11[%swap3A_1061] {strides = array<i32>} : memref<256xi32, #tpu.memory_space<vmem>>, vector<16xi32>,
        %swap3A_1063 = vector.shape_cast %swap3A_1062 : vector<16xi32> to vector<16xi32>
        %swap3A_1064 = vector.shape_cast %select_n3A_1056 : vector<16xi32> to vector<16xi32>
        tpu.vector_store %arg11[%swap3A_1061], %swap3A_1064 {strides = array<i32>} : memref<256xi32, #tpu.memory_space<vmem>>, vector<16xi32>,
        %get3A_1065 = arith.constant 0 : i32
        %get3A_1066 = arith.index_cast %get3A_1065 : i32 to index
        %get3A_1067 = arith.constant 208 : index
        %get3A_1068 = tpu.vector_load %arg6[%get3A_1066, %get3A_1067] {strides = array<i32>} : memref<2x256xi32, #tpu.memory_space<vmem>>, vector<1x16xi32>,
        %get3A_1069 = vector.shape_cast %get3A_1068 : vector<1x16xi32> to vector<16xi32>
        %jit3A_1070 = arith.constant -1 : i32
        %broadcast_in_dim3A_1071 = vector.broadcast %jit3A_1070 : i32 to vector<16xi32>
        %select_n3A_1072 = arith.select %and3A_1053, %get3A_1069, %broadcast_in_dim3A_1071 : vector<16xi1>, vector<16xi32>
        %swap3A_1073 = arith.constant 80 : index
        %swap3A_1074 = tpu.vector_load %arg9[%swap3A_1073] {strides = array<i32>} : memref<128xi32, #tpu.memory_space<vmem>>, vector<16xi32>,
        %swap3A_1075 = vector.shape_cast %swap3A_1074 : vector<16xi32> to vector<16xi32>
        %swap3A_1076 = vector.shape_cast %select_n3A_1072 : vector<16xi32> to vector<16xi32>
        tpu.vector_store %arg9[%swap3A_1073], %swap3A_1076 {strides = array<i32>} : memref<128xi32, #tpu.memory_space<vmem>>, vector<16xi32>,
        %get3A_1077 = arith.constant 1 : i32
        %get3A_1078 = arith.index_cast %get3A_1077 : i32 to index
        %get3A_1079 = arith.constant 224 : index
        %get3A_1080 = tpu.vector_load %arg6[%get3A_1078, %get3A_1079] {strides = array<i32>} : memref<2x256xi32, #tpu.memory_space<vmem>>, vector<1x16xi32>,
        %get3A_1081 = vector.shape_cast %get3A_1080 : vector<1x16xi32> to vector<16xi32>
        %sub3A_1082 = vector.broadcast %mul3A_0 : i32 to vector<16xi32>
        %sub3A_1083 = arith.subi %get3A_1081, %sub3A_1082 : vector<16xi32>
        %ge3A_1084 = arith.constant 0 : i32
        %ge3A_1085 = vector.broadcast %ge3A_1084 : i32 to vector<16xi32>
        %ge3A_1086 = arith.cmpi sge, %sub3A_1083, %ge3A_1085 : vector<16xi32>
        %lt3A_1087 = arith.constant 10000 : i32
        %lt3A_1088 = vector.broadcast %lt3A_1087 : i32 to vector<16xi32>
        %lt3A_1089 = arith.cmpi slt, %sub3A_1083, %lt3A_1088 : vector<16xi32>
        %and3A_1090 = arith.andi %ge3A_1086, %lt3A_1089 : vector<16xi1>
        %jit3A_1091 = arith.constant -1 : i32
        %broadcast_in_dim3A_1092 = vector.broadcast %jit3A_1091 : i32 to vector<16xi32>
        %select_n3A_1093 = arith.select %and3A_1090, %sub3A_1083, %broadcast_in_dim3A_1092 : vector<16xi1>, vector<16xi32>
        %swap3A_1094 = arith.constant 96 : index
        %swap3A_1095 = tpu.vector_load %arg10[%swap3A_1094] {strides = array<i32>} : memref<128xi32, #tpu.memory_space<vmem>>, vector<16xi32>,
        %swap3A_1096 = vector.shape_cast %swap3A_1095 : vector<16xi32> to vector<16xi32>
        %swap3A_1097 = vector.shape_cast %select_n3A_1093 : vector<16xi32> to vector<16xi32>
        tpu.vector_store %arg10[%swap3A_1094], %swap3A_1097 {strides = array<i32>} : memref<128xi32, #tpu.memory_space<vmem>>, vector<16xi32>,
        %swap3A_1098 = arith.constant 224 : index
        %swap3A_1099 = tpu.vector_load %arg11[%swap3A_1098] {strides = array<i32>} : memref<256xi32, #tpu.memory_space<vmem>>, vector<16xi32>,
        %swap3A_1100 = vector.shape_cast %swap3A_1099 : vector<16xi32> to vector<16xi32>
        %swap3A_1101 = vector.shape_cast %select_n3A_1093 : vector<16xi32> to vector<16xi32>
        tpu.vector_store %arg11[%swap3A_1098], %swap3A_1101 {strides = array<i32>} : memref<256xi32, #tpu.memory_space<vmem>>, vector<16xi32>,
        %get3A_1102 = arith.constant 0 : i32
        %get3A_1103 = arith.index_cast %get3A_1102 : i32 to index
        %get3A_1104 = arith.constant 224 : index
        %get3A_1105 = tpu.vector_load %arg6[%get3A_1103, %get3A_1104] {strides = array<i32>} : memref<2x256xi32, #tpu.memory_space<vmem>>, vector<1x16xi32>,
        %get3A_1106 = vector.shape_cast %get3A_1105 : vector<1x16xi32> to vector<16xi32>
        %jit3A_1107 = arith.constant -1 : i32
        %broadcast_in_dim3A_1108 = vector.broadcast %jit3A_1107 : i32 to vector<16xi32>
        %select_n3A_1109 = arith.select %and3A_1090, %get3A_1106, %broadcast_in_dim3A_1108 : vector<16xi1>, vector<16xi32>
        %swap3A_1110 = arith.constant 96 : index
        %swap3A_1111 = tpu.vector_load %arg9[%swap3A_1110] {strides = array<i32>} : memref<128xi32, #tpu.memory_space<vmem>>, vector<16xi32>,
        %swap3A_1112 = vector.shape_cast %swap3A_1111 : vector<16xi32> to vector<16xi32>
        %swap3A_1113 = vector.shape_cast %select_n3A_1109 : vector<16xi32> to vector<16xi32>
        tpu.vector_store %arg9[%swap3A_1110], %swap3A_1113 {strides = array<i32>} : memref<128xi32, #tpu.memory_space<vmem>>, vector<16xi32>,
        %get3A_1114 = arith.constant 1 : i32
        %get3A_1115 = arith.index_cast %get3A_1114 : i32 to index
        %get3A_1116 = arith.constant 240 : index
        %get3A_1117 = tpu.vector_load %arg6[%get3A_1115, %get3A_1116] {strides = array<i32>} : memref<2x256xi32, #tpu.memory_space<vmem>>, vector<1x16xi32>,
        %get3A_1118 = vector.shape_cast %get3A_1117 : vector<1x16xi32> to vector<16xi32>
        %sub3A_1119 = vector.broadcast %mul3A_0 : i32 to vector<16xi32>
        %sub3A_1120 = arith.subi %get3A_1118, %sub3A_1119 : vector<16xi32>
        %ge3A_1121 = arith.constant 0 : i32
        %ge3A_1122 = vector.broadcast %ge3A_1121 : i32 to vector<16xi32>
        %ge3A_1123 = arith.cmpi sge, %sub3A_1120, %ge3A_1122 : vector<16xi32>
        %lt3A_1124 = arith.constant 10000 : i32
        %lt3A_1125 = vector.broadcast %lt3A_1124 : i32 to vector<16xi32>
        %lt3A_1126 = arith.cmpi slt, %sub3A_1120, %lt3A_1125 : vector<16xi32>
        %and3A_1127 = arith.andi %ge3A_1123, %lt3A_1126 : vector<16xi1>
        %jit3A_1128 = arith.constant -1 : i32
        %broadcast_in_dim3A_1129 = vector.broadcast %jit3A_1128 : i32 to vector<16xi32>
        %select_n3A_1130 = arith.select %and3A_1127, %sub3A_1120, %broadcast_in_dim3A_1129 : vector<16xi1>, vector<16xi32>
        %swap3A_1131 = arith.constant 112 : index
        %swap3A_1132 = tpu.vector_load %arg10[%swap3A_1131] {strides = array<i32>} : memref<128xi32, #tpu.memory_space<vmem>>, vector<16xi32>,
        %swap3A_1133 = vector.shape_cast %swap3A_1132 : vector<16xi32> to vector<16xi32>
        %swap3A_1134 = vector.shape_cast %select_n3A_1130 : vector<16xi32> to vector<16xi32>
        tpu.vector_store %arg10[%swap3A_1131], %swap3A_1134 {strides = array<i32>} : memref<128xi32, #tpu.memory_space<vmem>>, vector<16xi32>,
        %swap3A_1135 = arith.constant 240 : index
        %swap3A_1136 = tpu.vector_load %arg11[%swap3A_1135] {strides = array<i32>} : memref<256xi32, #tpu.memory_space<vmem>>, vector<16xi32>,
        %swap3A_1137 = vector.shape_cast %swap3A_1136 : vector<16xi32> to vector<16xi32>
        %swap3A_1138 = vector.shape_cast %select_n3A_1130 : vector<16xi32> to vector<16xi32>
        tpu.vector_store %arg11[%swap3A_1135], %swap3A_1138 {strides = array<i32>} : memref<256xi32, #tpu.memory_space<vmem>>, vector<16xi32>,
        %get3A_1139 = arith.constant 0 : i32
        %get3A_1140 = arith.index_cast %get3A_1139 : i32 to index
        %get3A_1141 = arith.constant 240 : index
        %get3A_1142 = tpu.vector_load %arg6[%get3A_1140, %get3A_1141] {strides = array<i32>} : memref<2x256xi32, #tpu.memory_space<vmem>>, vector<1x16xi32>,
        %get3A_1143 = vector.shape_cast %get3A_1142 : vector<1x16xi32> to vector<16xi32>
        %jit3A_1144 = arith.constant -1 : i32
        %broadcast_in_dim3A_1145 = vector.broadcast %jit3A_1144 : i32 to vector<16xi32>
        %select_n3A_1146 = arith.select %and3A_1127, %get3A_1143, %broadcast_in_dim3A_1145 : vector<16xi1>, vector<16xi32>
        %swap3A_1147 = arith.constant 112 : index
        %swap3A_1148 = tpu.vector_load %arg9[%swap3A_1147] {strides = array<i32>} : memref<128xi32, #tpu.memory_space<vmem>>, vector<16xi32>,
        %swap3A_1149 = vector.shape_cast %swap3A_1148 : vector<16xi32> to vector<16xi32>
        %swap3A_1150 = vector.shape_cast %select_n3A_1146 : vector<16xi32> to vector<16xi32>
        tpu.vector_store %arg9[%swap3A_1147], %swap3A_1150 {strides = array<i32>} : memref<128xi32, #tpu.memory_space<vmem>>, vector<16xi32>,
        %dma_start3A_1151 = arith.constant 0 : i32
        %dma_start3A_1152 = tpu.memref_slice %arg19[%dma_start3A_1151] : memref<10000xf32, #tpu.memory_space<vmem_shared>> -> memref<10000xf32, #tpu.memory_space<vmem_shared>>
        %dma_start3A_1153 = arith.constant -1 : i32
        tpu.enqueue_indirect_dma source(%arg14 : memref<256xf32, #tpu.memory_space<vmem>>) target(%dma_start3A_1152 : memref<10000xf32, #tpu.memory_space<vmem_shared>>) offsets(%arg11 : memref<256xi32, #tpu.memory_space<vmem>>) offset_filter(%dma_start3A_1153) semaphore(%arg22 : memref<!tpu.dma_semaphore, #tpu.memory_space<semaphore_mem>>) {add = true}
      } else {
      }
      %dma_wait3A_823 = arith.constant 0 : i32
      %dma_wait3A_824 = arith.constant 0 : i32
      %dma_wait3A_825 = tpu.memref_slice %arg2[%dma_wait3A_823, %dma_wait3A_824] : memref<100000x128xf32, #tpu.memory_space<hbm>> -> memref<100000x128xf32, #tpu.memory_space<hbm>>
      tpu.wait_indirect_dma semaphore(%arg20 : memref<!tpu.dma_semaphore, #tpu.memory_space<semaphore_mem>>) src(%dma_wait3A_825 : memref<100000x128xf32, #tpu.memory_space<hbm>>) dst(%arg12 : memref<128x128xf32, #tpu.memory_space<vmem>>)
      %dma_start3A_826 = arith.constant 0 : i32
      %dma_start3A_827 = arith.constant 0 : i32
      %dma_start3A_828 = tpu.memref_slice %arg2[%dma_start3A_826, %dma_start3A_827] : memref<100000x128xf32, #tpu.memory_space<hbm>> -> memref<100000x128xf32, #tpu.memory_space<hbm>>
      %dma_start3A_829 = arith.constant -1 : i32
      tpu.enqueue_indirect_dma source(%dma_start3A_828 : memref<100000x128xf32, #tpu.memory_space<hbm>>) target(%arg13 : memref<128x128xf32, #tpu.memory_space<vmem>>) offsets(%arg9 : memref<128xi32, #tpu.memory_space<vmem>>) offset_filter(%dma_start3A_829) semaphore(%arg21 : memref<!tpu.dma_semaphore, #tpu.memory_space<semaphore_mem>>)
      %dma_start3A_830 = arith.constant 0 : i32
      %dma_start3A_831 = arith.constant 0 : i32
      %dma_start3A_832 = tpu.memref_slice %arg18[%dma_start3A_830, %dma_start3A_831] : memref<10000x128xf32, #tpu.memory_space<vmem_shared>> -> memref<10000x128xf32, #tpu.memory_space<vmem_shared>>
      %dma_start3A_833 = arith.constant -1 : i32
      tpu.enqueue_indirect_dma source(%arg12 : memref<128x128xf32, #tpu.memory_space<vmem>>) target(%dma_start3A_832 : memref<10000x128xf32, #tpu.memory_space<vmem_shared>>) offsets(%arg8 : memref<128xi32, #tpu.memory_space<vmem>>) offset_filter(%dma_start3A_833) semaphore(%arg22 : memref<!tpu.dma_semaphore, #tpu.memory_space<semaphore_mem>>) {add = true}
      %dma_wait3A_834 = arith.constant 0 : i32
      %dma_wait3A_835 = arith.constant 0 : i32
      %dma_wait3A_836 = tpu.memref_slice %arg18[%dma_wait3A_834, %dma_wait3A_835] : memref<10000x128xf32, #tpu.memory_space<vmem_shared>> -> memref<10000x128xf32, #tpu.memory_space<vmem_shared>>
      tpu.wait_indirect_dma semaphore(%arg22 : memref<!tpu.dma_semaphore, #tpu.memory_space<semaphore_mem>>) src(%arg12 : memref<128x128xf32, #tpu.memory_space<vmem>>) dst(%dma_wait3A_836 : memref<10000x128xf32, #tpu.memory_space<vmem_shared>>)
      %dma_wait3A_837 = arith.constant 0 : i32
      %dma_wait3A_838 = tpu.memref_slice %arg19[%dma_wait3A_837] : memref<10000xf32, #tpu.memory_space<vmem_shared>> -> memref<10000xf32, #tpu.memory_space<vmem_shared>>
      tpu.wait_indirect_dma semaphore(%arg22 : memref<!tpu.dma_semaphore, #tpu.memory_space<semaphore_mem>>) src(%arg14 : memref<256xf32, #tpu.memory_space<vmem>>) dst(%dma_wait3A_838 : memref<10000xf32, #tpu.memory_space<vmem_shared>>)
      %add3A_839 = arith.constant 1 : i32
      %add3A_840 = arith.addi %while3A_819, %add3A_839 : i32
      %lt3A_841 = arith.cmpi slt, %add3A_840, %select_n3A_201 : i32
      %convert_element_type3A_842 = arith.extui %lt3A_841 : i1 to i32
      %cond3A_843 = arith.constant 0 : i32
      %cond3A_844 = arith.cmpi ne, %convert_element_type3A_842, %cond3A_843 : i32
      scf.if %cond3A_844 {
        %add3A_852 = arith.constant 1 : i32
        %add3A_853 = arith.addi %while3A_819, %add3A_852 : i32
        %mul3A_854 = arith.constant 256 : i32
        %mul3A_855 = arith.muli %add3A_853, %mul3A_854 : i32
        %multiple_of3A_856 = tpu.assume_multiple %mul3A_855, 256 : i32
        "tpu.region"() ({
          %run_scoped3A = tpu.sem_alloc : memref<!tpu.dma_semaphore, #tpu.memory_space<semaphore_mem>>
          %dma_start3A_1157 = arith.constant 0 : i32
          %dma_start3A_1158 = tpu.memref_slice %arg3[%dma_start3A_1157, %multiple_of3A_856] : memref<2x640000xi32, #tpu.memory_space<hbm>> -> memref<2x256xi32, #tpu.memory_space<hbm>>
          %dma_start3A_1159 = arith.constant 0 : i32
          %dma_start3A_1160 = tpu.memref_slice %arg3[%dma_start3A_1159, %multiple_of3A_856] : memref<2x640000xi32, #tpu.memory_space<hbm>> -> memref<2x256xi32, #tpu.memory_space<hbm>>
          tpu.enqueue_dma source(%dma_start3A_1160 : memref<2x256xi32, #tpu.memory_space<hbm>>) target(%arg6 : memref<2x256xi32, #tpu.memory_space<vmem>>) target_semaphore(%run_scoped3A : memref<!tpu.dma_semaphore, #tpu.memory_space<semaphore_mem>>)
          %dma_wait3A_1161 = arith.constant 0 : i32
          %dma_wait3A_1162 = tpu.memref_slice %arg3[%dma_wait3A_1161, %multiple_of3A_856] : memref<2x640000xi32, #tpu.memory_space<hbm>> -> memref<2x256xi32, #tpu.memory_space<hbm>>
          %dma_wait3A_1163 = arith.constant 0 : i32
          %dma_wait3A_1164 = tpu.memref_slice %arg3[%dma_wait3A_1163, %multiple_of3A_856] : memref<2x640000xi32, #tpu.memory_space<hbm>> -> memref<2x256xi32, #tpu.memory_space<hbm>>
          tpu.wait_dma2 semaphore(%run_scoped3A : memref<!tpu.dma_semaphore, #tpu.memory_space<semaphore_mem>>) src(%dma_wait3A_1164 : memref<2x256xi32, #tpu.memory_space<hbm>>) dst(%arg6 : memref<2x256xi32, #tpu.memory_space<vmem>>)
          tpu.yield
        }) : () -> ()
        %get3A_857 = arith.constant 1 : i32
        %get3A_858 = arith.index_cast %get3A_857 : i32 to index
        %get3A_859 = arith.constant 0 : index
        %get3A_860 = tpu.vector_load %arg6[%get3A_858, %get3A_859] {strides = array<i32>} : memref<2x256xi32, #tpu.memory_space<vmem>>, vector<1x16xi32>,
        %get3A_861 = vector.shape_cast %get3A_860 : vector<1x16xi32> to vector<16xi32>
        %sub3A_862 = vector.broadcast %mul3A_0 : i32 to vector<16xi32>
        %sub3A_863 = arith.subi %get3A_861, %sub3A_862 : vector<16xi32>
        %ge3A_864 = arith.constant 0 : i32
        %ge3A_865 = vector.broadcast %ge3A_864 : i32 to vector<16xi32>
        %ge3A_866 = arith.cmpi sge, %sub3A_863, %ge3A_865 : vector<16xi32>
        %lt3A_867 = arith.constant 10000 : i32
        %lt3A_868 = vector.broadcast %lt3A_867 : i32 to vector<16xi32>
        %lt3A_869 = arith.cmpi slt, %sub3A_863, %lt3A_868 : vector<16xi32>
        %and3A_870 = arith.andi %ge3A_866, %lt3A_869 : vector<16xi1>
        %jit3A_871 = arith.constant -1 : i32
        %broadcast_in_dim3A_872 = vector.broadcast %jit3A_871 : i32 to vector<16xi32>
        %select_n3A_873 = arith.select %and3A_870, %sub3A_863, %broadcast_in_dim3A_872 : vector<16xi1>, vector<16xi32>
        %swap3A_874 = arith.constant 0 : index
        %swap3A_875 = tpu.vector_load %arg8[%swap3A_874] {strides = array<i32>} : memref<128xi32, #tpu.memory_space<vmem>>, vector<16xi32>,
        %swap3A_876 = vector.shape_cast %swap3A_875 : vector<16xi32> to vector<16xi32>
        %swap3A_877 = vector.shape_cast %select_n3A_873 : vector<16xi32> to vector<16xi32>
        tpu.vector_store %arg8[%swap3A_874], %swap3A_877 {strides = array<i32>} : memref<128xi32, #tpu.memory_space<vmem>>, vector<16xi32>,
        %swap3A_878 = arith.constant 0 : index
        %swap3A_879 = tpu.vector_load %arg11[%swap3A_878] {strides = array<i32>} : memref<256xi32, #tpu.memory_space<vmem>>, vector<16xi32>,
        %swap3A_880 = vector.shape_cast %swap3A_879 : vector<16xi32> to vector<16xi32>
        %swap3A_881 = vector.shape_cast %select_n3A_873 : vector<16xi32> to vector<16xi32>
        tpu.vector_store %arg11[%swap3A_878], %swap3A_881 {strides = array<i32>} : memref<256xi32, #tpu.memory_space<vmem>>, vector<16xi32>,
        %get3A_882 = arith.constant 0 : i32
        %get3A_883 = arith.index_cast %get3A_882 : i32 to index
        %get3A_884 = arith.constant 0 : index
        %get3A_885 = tpu.vector_load %arg6[%get3A_883, %get3A_884] {strides = array<i32>} : memref<2x256xi32, #tpu.memory_space<vmem>>, vector<1x16xi32>,
        %get3A_886 = vector.shape_cast %get3A_885 : vector<1x16xi32> to vector<16xi32>
        %jit3A_887 = arith.constant -1 : i32
        %broadcast_in_dim3A_888 = vector.broadcast %jit3A_887 : i32 to vector<16xi32>
        %select_n3A_889 = arith.select %and3A_870, %get3A_886, %broadcast_in_dim3A_888 : vector<16xi1>, vector<16xi32>
        %swap3A_890 = arith.constant 0 : index
        %swap3A_891 = tpu.vector_load %arg7[%swap3A_890] {strides = array<i32>} : memref<128xi32, #tpu.memory_space<vmem>>, vector<16xi32>,
        %swap3A_892 = vector.shape_cast %swap3A_891 : vector<16xi32> to vector<16xi32>
        %swap3A_893 = vector.shape_cast %select_n3A_889 : vector<16xi32> to vector<16xi32>
        tpu.vector_store %arg7[%swap3A_890], %swap3A_893 {strides = array<i32>} : memref<128xi32, #tpu.memory_space<vmem>>, vector<16xi32>,
        %get3A_894 = arith.constant 1 : i32
        %get3A_895 = arith.index_cast %get3A_894 : i32 to index
        %get3A_896 = arith.constant 16 : index
        %get3A_897 = tpu.vector_load %arg6[%get3A_895, %get3A_896] {strides = array<i32>} : memref<2x256xi32, #tpu.memory_space<vmem>>, vector<1x16xi32>,
        %get3A_898 = vector.shape_cast %get3A_897 : vector<1x16xi32> to vector<16xi32>
        %sub3A_899 = vector.broadcast %mul3A_0 : i32 to vector<16xi32>
        %sub3A_900 = arith.subi %get3A_898, %sub3A_899 : vector<16xi32>
        %ge3A_901 = arith.constant 0 : i32
        %ge3A_902 = vector.broadcast %ge3A_901 : i32 to vector<16xi32>
        %ge3A_903 = arith.cmpi sge, %sub3A_900, %ge3A_902 : vector<16xi32>
        %lt3A_904 = arith.constant 10000 : i32
        %lt3A_905 = vector.broadcast %lt3A_904 : i32 to vector<16xi32>
        %lt3A_906 = arith.cmpi slt, %sub3A_900, %lt3A_905 : vector<16xi32>
        %and3A_907 = arith.andi %ge3A_903, %lt3A_906 : vector<16xi1>
        %jit3A_908 = arith.constant -1 : i32
        %broadcast_in_dim3A_909 = vector.broadcast %jit3A_908 : i32 to vector<16xi32>
        %select_n3A_910 = arith.select %and3A_907, %sub3A_900, %broadcast_in_dim3A_909 : vector<16xi1>, vector<16xi32>
        %swap3A_911 = arith.constant 16 : index
        %swap3A_912 = tpu.vector_load %arg8[%swap3A_911] {strides = array<i32>} : memref<128xi32, #tpu.memory_space<vmem>>, vector<16xi32>,
        %swap3A_913 = vector.shape_cast %swap3A_912 : vector<16xi32> to vector<16xi32>
        %swap3A_914 = vector.shape_cast %select_n3A_910 : vector<16xi32> to vector<16xi32>
        tpu.vector_store %arg8[%swap3A_911], %swap3A_914 {strides = array<i32>} : memref<128xi32, #tpu.memory_space<vmem>>, vector<16xi32>,
        %swap3A_915 = arith.constant 16 : index
        %swap3A_916 = tpu.vector_load %arg11[%swap3A_915] {strides = array<i32>} : memref<256xi32, #tpu.memory_space<vmem>>, vector<16xi32>,
        %swap3A_917 = vector.shape_cast %swap3A_916 : vector<16xi32> to vector<16xi32>
        %swap3A_918 = vector.shape_cast %select_n3A_910 : vector<16xi32> to vector<16xi32>
        tpu.vector_store %arg11[%swap3A_915], %swap3A_918 {strides = array<i32>} : memref<256xi32, #tpu.memory_space<vmem>>, vector<16xi32>,
        %get3A_919 = arith.constant 0 : i32
        %get3A_920 = arith.index_cast %get3A_919 : i32 to index
        %get3A_921 = arith.constant 16 : index
        %get3A_922 = tpu.vector_load %arg6[%get3A_920, %get3A_921] {strides = array<i32>} : memref<2x256xi32, #tpu.memory_space<vmem>>, vector<1x16xi32>,
        %get3A_923 = vector.shape_cast %get3A_922 : vector<1x16xi32> to vector<16xi32>
        %jit3A_924 = arith.constant -1 : i32
        %broadcast_in_dim3A_925 = vector.broadcast %jit3A_924 : i32 to vector<16xi32>
        %select_n3A_926 = arith.select %and3A_907, %get3A_923, %broadcast_in_dim3A_925 : vector<16xi1>, vector<16xi32>
        %swap3A_927 = arith.constant 16 : index
        %swap3A_928 = tpu.vector_load %arg7[%swap3A_927] {strides = array<i32>} : memref<128xi32, #tpu.memory_space<vmem>>, vector<16xi32>,
        %swap3A_929 = vector.shape_cast %swap3A_928 : vector<16xi32> to vector<16xi32>
        %swap3A_930 = vector.shape_cast %select_n3A_926 : vector<16xi32> to vector<16xi32>
        tpu.vector_store %arg7[%swap3A_927], %swap3A_930 {strides = array<i32>} : memref<128xi32, #tpu.memory_space<vmem>>, vector<16xi32>,
        %get3A_931 = arith.constant 1 : i32
        %get3A_932 = arith.index_cast %get3A_931 : i32 to index
        %get3A_933 = arith.constant 32 : index
        %get3A_934 = tpu.vector_load %arg6[%get3A_932, %get3A_933] {strides = array<i32>} : memref<2x256xi32, #tpu.memory_space<vmem>>, vector<1x16xi32>,
        %get3A_935 = vector.shape_cast %get3A_934 : vector<1x16xi32> to vector<16xi32>
        %sub3A_936 = vector.broadcast %mul3A_0 : i32 to vector<16xi32>
        %sub3A_937 = arith.subi %get3A_935, %sub3A_936 : vector<16xi32>
        %ge3A_938 = arith.constant 0 : i32
        %ge3A_939 = vector.broadcast %ge3A_938 : i32 to vector<16xi32>
        %ge3A_940 = arith.cmpi sge, %sub3A_937, %ge3A_939 : vector<16xi32>
        %lt3A_941 = arith.constant 10000 : i32
        %lt3A_942 = vector.broadcast %lt3A_941 : i32 to vector<16xi32>
        %lt3A_943 = arith.cmpi slt, %sub3A_937, %lt3A_942 : vector<16xi32>
        %and3A_944 = arith.andi %ge3A_940, %lt3A_943 : vector<16xi1>
        %jit3A_945 = arith.constant -1 : i32
        %broadcast_in_dim3A_946 = vector.broadcast %jit3A_945 : i32 to vector<16xi32>
        %select_n3A_947 = arith.select %and3A_944, %sub3A_937, %broadcast_in_dim3A_946 : vector<16xi1>, vector<16xi32>
        %swap3A_948 = arith.constant 32 : index
        %swap3A_949 = tpu.vector_load %arg8[%swap3A_948] {strides = array<i32>} : memref<128xi32, #tpu.memory_space<vmem>>, vector<16xi32>,
        %swap3A_950 = vector.shape_cast %swap3A_949 : vector<16xi32> to vector<16xi32>
        %swap3A_951 = vector.shape_cast %select_n3A_947 : vector<16xi32> to vector<16xi32>
        tpu.vector_store %arg8[%swap3A_948], %swap3A_951 {strides = array<i32>} : memref<128xi32, #tpu.memory_space<vmem>>, vector<16xi32>,
        %swap3A_952 = arith.constant 32 : index
        %swap3A_953 = tpu.vector_load %arg11[%swap3A_952] {strides = array<i32>} : memref<256xi32, #tpu.memory_space<vmem>>, vector<16xi32>,
        %swap3A_954 = vector.shape_cast %swap3A_953 : vector<16xi32> to vector<16xi32>
        %swap3A_955 = vector.shape_cast %select_n3A_947 : vector<16xi32> to vector<16xi32>
        tpu.vector_store %arg11[%swap3A_952], %swap3A_955 {strides = array<i32>} : memref<256xi32, #tpu.memory_space<vmem>>, vector<16xi32>,
        %get3A_956 = arith.constant 0 : i32
        %get3A_957 = arith.index_cast %get3A_956 : i32 to index
        %get3A_958 = arith.constant 32 : index
        %get3A_959 = tpu.vector_load %arg6[%get3A_957, %get3A_958] {strides = array<i32>} : memref<2x256xi32, #tpu.memory_space<vmem>>, vector<1x16xi32>,
        %get3A_960 = vector.shape_cast %get3A_959 : vector<1x16xi32> to vector<16xi32>
        %jit3A_961 = arith.constant -1 : i32
        %broadcast_in_dim3A_962 = vector.broadcast %jit3A_961 : i32 to vector<16xi32>
        %select_n3A_963 = arith.select %and3A_944, %get3A_960, %broadcast_in_dim3A_962 : vector<16xi1>, vector<16xi32>
        %swap3A_964 = arith.constant 32 : index
        %swap3A_965 = tpu.vector_load %arg7[%swap3A_964] {strides = array<i32>} : memref<128xi32, #tpu.memory_space<vmem>>, vector<16xi32>,
        %swap3A_966 = vector.shape_cast %swap3A_965 : vector<16xi32> to vector<16xi32>
        %swap3A_967 = vector.shape_cast %select_n3A_963 : vector<16xi32> to vector<16xi32>
        tpu.vector_store %arg7[%swap3A_964], %swap3A_967 {strides = array<i32>} : memref<128xi32, #tpu.memory_space<vmem>>, vector<16xi32>,
        %get3A_968 = arith.constant 1 : i32
        %get3A_969 = arith.index_cast %get3A_968 : i32 to index
        %get3A_970 = arith.constant 48 : index
        %get3A_971 = tpu.vector_load %arg6[%get3A_969, %get3A_970] {strides = array<i32>} : memref<2x256xi32, #tpu.memory_space<vmem>>, vector<1x16xi32>,
        %get3A_972 = vector.shape_cast %get3A_971 : vector<1x16xi32> to vector<16xi32>
        %sub3A_973 = vector.broadcast %mul3A_0 : i32 to vector<16xi32>
        %sub3A_974 = arith.subi %get3A_972, %sub3A_973 : vector<16xi32>
        %ge3A_975 = arith.constant 0 : i32
        %ge3A_976 = vector.broadcast %ge3A_975 : i32 to vector<16xi32>
        %ge3A_977 = arith.cmpi sge, %sub3A_974, %ge3A_976 : vector<16xi32>
        %lt3A_978 = arith.constant 10000 : i32
        %lt3A_979 = vector.broadcast %lt3A_978 : i32 to vector<16xi32>
        %lt3A_980 = arith.cmpi slt, %sub3A_974, %lt3A_979 : vector<16xi32>
        %and3A_981 = arith.andi %ge3A_977, %lt3A_980 : vector<16xi1>
        %jit3A_982 = arith.constant -1 : i32
        %broadcast_in_dim3A_983 = vector.broadcast %jit3A_982 : i32 to vector<16xi32>
        %select_n3A_984 = arith.select %and3A_981, %sub3A_974, %broadcast_in_dim3A_983 : vector<16xi1>, vector<16xi32>
        %swap3A_985 = arith.constant 48 : index
        %swap3A_986 = tpu.vector_load %arg8[%swap3A_985] {strides = array<i32>} : memref<128xi32, #tpu.memory_space<vmem>>, vector<16xi32>,
        %swap3A_987 = vector.shape_cast %swap3A_986 : vector<16xi32> to vector<16xi32>
        %swap3A_988 = vector.shape_cast %select_n3A_984 : vector<16xi32> to vector<16xi32>
        tpu.vector_store %arg8[%swap3A_985], %swap3A_988 {strides = array<i32>} : memref<128xi32, #tpu.memory_space<vmem>>, vector<16xi32>,
        %swap3A_989 = arith.constant 48 : index
        %swap3A_990 = tpu.vector_load %arg11[%swap3A_989] {strides = array<i32>} : memref<256xi32, #tpu.memory_space<vmem>>, vector<16xi32>,
        %swap3A_991 = vector.shape_cast %swap3A_990 : vector<16xi32> to vector<16xi32>
        %swap3A_992 = vector.shape_cast %select_n3A_984 : vector<16xi32> to vector<16xi32>
        tpu.vector_store %arg11[%swap3A_989], %swap3A_992 {strides = array<i32>} : memref<256xi32, #tpu.memory_space<vmem>>, vector<16xi32>,
        %get3A_993 = arith.constant 0 : i32
        %get3A_994 = arith.index_cast %get3A_993 : i32 to index
        %get3A_995 = arith.constant 48 : index
        %get3A_996 = tpu.vector_load %arg6[%get3A_994, %get3A_995] {strides = array<i32>} : memref<2x256xi32, #tpu.memory_space<vmem>>, vector<1x16xi32>,
        %get3A_997 = vector.shape_cast %get3A_996 : vector<1x16xi32> to vector<16xi32>
        %jit3A_998 = arith.constant -1 : i32
        %broadcast_in_dim3A_999 = vector.broadcast %jit3A_998 : i32 to vector<16xi32>
        %select_n3A_1000 = arith.select %and3A_981, %get3A_997, %broadcast_in_dim3A_999 : vector<16xi1>, vector<16xi32>
        %swap3A_1001 = arith.constant 48 : index
        %swap3A_1002 = tpu.vector_load %arg7[%swap3A_1001] {strides = array<i32>} : memref<128xi32, #tpu.memory_space<vmem>>, vector<16xi32>,
        %swap3A_1003 = vector.shape_cast %swap3A_1002 : vector<16xi32> to vector<16xi32>
        %swap3A_1004 = vector.shape_cast %select_n3A_1000 : vector<16xi32> to vector<16xi32>
        tpu.vector_store %arg7[%swap3A_1001], %swap3A_1004 {strides = array<i32>} : memref<128xi32, #tpu.memory_space<vmem>>, vector<16xi32>,
        %get3A_1005 = arith.constant 1 : i32
        %get3A_1006 = arith.index_cast %get3A_1005 : i32 to index
        %get3A_1007 = arith.constant 64 : index
        %get3A_1008 = tpu.vector_load %arg6[%get3A_1006, %get3A_1007] {strides = array<i32>} : memref<2x256xi32, #tpu.memory_space<vmem>>, vector<1x16xi32>,
        %get3A_1009 = vector.shape_cast %get3A_1008 : vector<1x16xi32> to vector<16xi32>
        %sub3A_1010 = vector.broadcast %mul3A_0 : i32 to vector<16xi32>
        %sub3A_1011 = arith.subi %get3A_1009, %sub3A_1010 : vector<16xi32>
        %ge3A_1012 = arith.constant 0 : i32
        %ge3A_1013 = vector.broadcast %ge3A_1012 : i32 to vector<16xi32>
        %ge3A_1014 = arith.cmpi sge, %sub3A_1011, %ge3A_1013 : vector<16xi32>
        %lt3A_1015 = arith.constant 10000 : i32
        %lt3A_1016 = vector.broadcast %lt3A_1015 : i32 to vector<16xi32>
        %lt3A_1017 = arith.cmpi slt, %sub3A_1011, %lt3A_1016 : vector<16xi32>
        %and3A_1018 = arith.andi %ge3A_1014, %lt3A_1017 : vector<16xi1>
        %jit3A_1019 = arith.constant -1 : i32
        %broadcast_in_dim3A_1020 = vector.broadcast %jit3A_1019 : i32 to vector<16xi32>
        %select_n3A_1021 = arith.select %and3A_1018, %sub3A_1011, %broadcast_in_dim3A_1020 : vector<16xi1>, vector<16xi32>
        %swap3A_1022 = arith.constant 64 : index
        %swap3A_1023 = tpu.vector_load %arg8[%swap3A_1022] {strides = array<i32>} : memref<128xi32, #tpu.memory_space<vmem>>, vector<16xi32>,
        %swap3A_1024 = vector.shape_cast %swap3A_1023 : vector<16xi32> to vector<16xi32>
        %swap3A_1025 = vector.shape_cast %select_n3A_1021 : vector<16xi32> to vector<16xi32>
        tpu.vector_store %arg8[%swap3A_1022], %swap3A_1025 {strides = array<i32>} : memref<128xi32, #tpu.memory_space<vmem>>, vector<16xi32>,
        %swap3A_1026 = arith.constant 64 : index
        %swap3A_1027 = tpu.vector_load %arg11[%swap3A_1026] {strides = array<i32>} : memref<256xi32, #tpu.memory_space<vmem>>, vector<16xi32>,
        %swap3A_1028 = vector.shape_cast %swap3A_1027 : vector<16xi32> to vector<16xi32>
        %swap3A_1029 = vector.shape_cast %select_n3A_1021 : vector<16xi32> to vector<16xi32>
        tpu.vector_store %arg11[%swap3A_1026], %swap3A_1029 {strides = array<i32>} : memref<256xi32, #tpu.memory_space<vmem>>, vector<16xi32>,
        %get3A_1030 = arith.constant 0 : i32
        %get3A_1031 = arith.index_cast %get3A_1030 : i32 to index
        %get3A_1032 = arith.constant 64 : index
        %get3A_1033 = tpu.vector_load %arg6[%get3A_1031, %get3A_1032] {strides = array<i32>} : memref<2x256xi32, #tpu.memory_space<vmem>>, vector<1x16xi32>,
        %get3A_1034 = vector.shape_cast %get3A_1033 : vector<1x16xi32> to vector<16xi32>
        %jit3A_1035 = arith.constant -1 : i32
        %broadcast_in_dim3A_1036 = vector.broadcast %jit3A_1035 : i32 to vector<16xi32>
        %select_n3A_1037 = arith.select %and3A_1018, %get3A_1034, %broadcast_in_dim3A_1036 : vector<16xi1>, vector<16xi32>
        %swap3A_1038 = arith.constant 64 : index
        %swap3A_1039 = tpu.vector_load %arg7[%swap3A_1038] {strides = array<i32>} : memref<128xi32, #tpu.memory_space<vmem>>, vector<16xi32>,
        %swap3A_1040 = vector.shape_cast %swap3A_1039 : vector<16xi32> to vector<16xi32>
        %swap3A_1041 = vector.shape_cast %select_n3A_1037 : vector<16xi32> to vector<16xi32>
        tpu.vector_store %arg7[%swap3A_1038], %swap3A_1041 {strides = array<i32>} : memref<128xi32, #tpu.memory_space<vmem>>, vector<16xi32>,
        %get3A_1042 = arith.constant 1 : i32
        %get3A_1043 = arith.index_cast %get3A_1042 : i32 to index
        %get3A_1044 = arith.constant 80 : index
        %get3A_1045 = tpu.vector_load %arg6[%get3A_1043, %get3A_1044] {strides = array<i32>} : memref<2x256xi32, #tpu.memory_space<vmem>>, vector<1x16xi32>,
        %get3A_1046 = vector.shape_cast %get3A_1045 : vector<1x16xi32> to vector<16xi32>
        %sub3A_1047 = vector.broadcast %mul3A_0 : i32 to vector<16xi32>
        %sub3A_1048 = arith.subi %get3A_1046, %sub3A_1047 : vector<16xi32>
        %ge3A_1049 = arith.constant 0 : i32
        %ge3A_1050 = vector.broadcast %ge3A_1049 : i32 to vector<16xi32>
        %ge3A_1051 = arith.cmpi sge, %sub3A_1048, %ge3A_1050 : vector<16xi32>
        %lt3A_1052 = arith.constant 10000 : i32
        %lt3A_1053 = vector.broadcast %lt3A_1052 : i32 to vector<16xi32>
        %lt3A_1054 = arith.cmpi slt, %sub3A_1048, %lt3A_1053 : vector<16xi32>
        %and3A_1055 = arith.andi %ge3A_1051, %lt3A_1054 : vector<16xi1>
        %jit3A_1056 = arith.constant -1 : i32
        %broadcast_in_dim3A_1057 = vector.broadcast %jit3A_1056 : i32 to vector<16xi32>
        %select_n3A_1058 = arith.select %and3A_1055, %sub3A_1048, %broadcast_in_dim3A_1057 : vector<16xi1>, vector<16xi32>
        %swap3A_1059 = arith.constant 80 : index
        %swap3A_1060 = tpu.vector_load %arg8[%swap3A_1059] {strides = array<i32>} : memref<128xi32, #tpu.memory_space<vmem>>, vector<16xi32>,
        %swap3A_1061 = vector.shape_cast %swap3A_1060 : vector<16xi32> to vector<16xi32>
        %swap3A_1062 = vector.shape_cast %select_n3A_1058 : vector<16xi32> to vector<16xi32>
        tpu.vector_store %arg8[%swap3A_1059], %swap3A_1062 {strides = array<i32>} : memref<128xi32, #tpu.memory_space<vmem>>, vector<16xi32>,
        %swap3A_1063 = arith.constant 80 : index
        %swap3A_1064 = tpu.vector_load %arg11[%swap3A_1063] {strides = array<i32>} : memref<256xi32, #tpu.memory_space<vmem>>, vector<16xi32>,
        %swap3A_1065 = vector.shape_cast %swap3A_1064 : vector<16xi32> to vector<16xi32>
        %swap3A_1066 = vector.shape_cast %select_n3A_1058 : vector<16xi32> to vector<16xi32>
        tpu.vector_store %arg11[%swap3A_1063], %swap3A_1066 {strides = array<i32>} : memref<256xi32, #tpu.memory_space<vmem>>, vector<16xi32>,
        %get3A_1067 = arith.constant 0 : i32
        %get3A_1068 = arith.index_cast %get3A_1067 : i32 to index
        %get3A_1069 = arith.constant 80 : index
        %get3A_1070 = tpu.vector_load %arg6[%get3A_1068, %get3A_1069] {strides = array<i32>} : memref<2x256xi32, #tpu.memory_space<vmem>>, vector<1x16xi32>,
        %get3A_1071 = vector.shape_cast %get3A_1070 : vector<1x16xi32> to vector<16xi32>
        %jit3A_1072 = arith.constant -1 : i32
        %broadcast_in_dim3A_1073 = vector.broadcast %jit3A_1072 : i32 to vector<16xi32>
        %select_n3A_1074 = arith.select %and3A_1055, %get3A_1071, %broadcast_in_dim3A_1073 : vector<16xi1>, vector<16xi32>
        %swap3A_1075 = arith.constant 80 : index
        %swap3A_1076 = tpu.vector_load %arg7[%swap3A_1075] {strides = array<i32>} : memref<128xi32, #tpu.memory_space<vmem>>, vector<16xi32>,
        %swap3A_1077 = vector.shape_cast %swap3A_1076 : vector<16xi32> to vector<16xi32>
        %swap3A_1078 = vector.shape_cast %select_n3A_1074 : vector<16xi32> to vector<16xi32>
        tpu.vector_store %arg7[%swap3A_1075], %swap3A_1078 {strides = array<i32>} : memref<128xi32, #tpu.memory_space<vmem>>, vector<16xi32>,
        %get3A_1079 = arith.constant 1 : i32
        %get3A_1080 = arith.index_cast %get3A_1079 : i32 to index
        %get3A_1081 = arith.constant 96 : index
        %get3A_1082 = tpu.vector_load %arg6[%get3A_1080, %get3A_1081] {strides = array<i32>} : memref<2x256xi32, #tpu.memory_space<vmem>>, vector<1x16xi32>,
        %get3A_1083 = vector.shape_cast %get3A_1082 : vector<1x16xi32> to vector<16xi32>
        %sub3A_1084 = vector.broadcast %mul3A_0 : i32 to vector<16xi32>
        %sub3A_1085 = arith.subi %get3A_1083, %sub3A_1084 : vector<16xi32>
        %ge3A_1086 = arith.constant 0 : i32
        %ge3A_1087 = vector.broadcast %ge3A_1086 : i32 to vector<16xi32>
        %ge3A_1088 = arith.cmpi sge, %sub3A_1085, %ge3A_1087 : vector<16xi32>
        %lt3A_1089 = arith.constant 10000 : i32
        %lt3A_1090 = vector.broadcast %lt3A_1089 : i32 to vector<16xi32>
        %lt3A_1091 = arith.cmpi slt, %sub3A_1085, %lt3A_1090 : vector<16xi32>
        %and3A_1092 = arith.andi %ge3A_1088, %lt3A_1091 : vector<16xi1>
        %jit3A_1093 = arith.constant -1 : i32
        %broadcast_in_dim3A_1094 = vector.broadcast %jit3A_1093 : i32 to vector<16xi32>
        %select_n3A_1095 = arith.select %and3A_1092, %sub3A_1085, %broadcast_in_dim3A_1094 : vector<16xi1>, vector<16xi32>
        %swap3A_1096 = arith.constant 96 : index
        %swap3A_1097 = tpu.vector_load %arg8[%swap3A_1096] {strides = array<i32>} : memref<128xi32, #tpu.memory_space<vmem>>, vector<16xi32>,
        %swap3A_1098 = vector.shape_cast %swap3A_1097 : vector<16xi32> to vector<16xi32>
        %swap3A_1099 = vector.shape_cast %select_n3A_1095 : vector<16xi32> to vector<16xi32>
        tpu.vector_store %arg8[%swap3A_1096], %swap3A_1099 {strides = array<i32>} : memref<128xi32, #tpu.memory_space<vmem>>, vector<16xi32>,
        %swap3A_1100 = arith.constant 96 : index
        %swap3A_1101 = tpu.vector_load %arg11[%swap3A_1100] {strides = array<i32>} : memref<256xi32, #tpu.memory_space<vmem>>, vector<16xi32>,
        %swap3A_1102 = vector.shape_cast %swap3A_1101 : vector<16xi32> to vector<16xi32>
        %swap3A_1103 = vector.shape_cast %select_n3A_1095 : vector<16xi32> to vector<16xi32>
        tpu.vector_store %arg11[%swap3A_1100], %swap3A_1103 {strides = array<i32>} : memref<256xi32, #tpu.memory_space<vmem>>, vector<16xi32>,
        %get3A_1104 = arith.constant 0 : i32
        %get3A_1105 = arith.index_cast %get3A_1104 : i32 to index
        %get3A_1106 = arith.constant 96 : index
        %get3A_1107 = tpu.vector_load %arg6[%get3A_1105, %get3A_1106] {strides = array<i32>} : memref<2x256xi32, #tpu.memory_space<vmem>>, vector<1x16xi32>,
        %get3A_1108 = vector.shape_cast %get3A_1107 : vector<1x16xi32> to vector<16xi32>
        %jit3A_1109 = arith.constant -1 : i32
        %broadcast_in_dim3A_1110 = vector.broadcast %jit3A_1109 : i32 to vector<16xi32>
        %select_n3A_1111 = arith.select %and3A_1092, %get3A_1108, %broadcast_in_dim3A_1110 : vector<16xi1>, vector<16xi32>
        %swap3A_1112 = arith.constant 96 : index
        %swap3A_1113 = tpu.vector_load %arg7[%swap3A_1112] {strides = array<i32>} : memref<128xi32, #tpu.memory_space<vmem>>, vector<16xi32>,
        %swap3A_1114 = vector.shape_cast %swap3A_1113 : vector<16xi32> to vector<16xi32>
        %swap3A_1115 = vector.shape_cast %select_n3A_1111 : vector<16xi32> to vector<16xi32>
        tpu.vector_store %arg7[%swap3A_1112], %swap3A_1115 {strides = array<i32>} : memref<128xi32, #tpu.memory_space<vmem>>, vector<16xi32>,
        %get3A_1116 = arith.constant 1 : i32
        %get3A_1117 = arith.index_cast %get3A_1116 : i32 to index
        %get3A_1118 = arith.constant 112 : index
        %get3A_1119 = tpu.vector_load %arg6[%get3A_1117, %get3A_1118] {strides = array<i32>} : memref<2x256xi32, #tpu.memory_space<vmem>>, vector<1x16xi32>,
        %get3A_1120 = vector.shape_cast %get3A_1119 : vector<1x16xi32> to vector<16xi32>
        %sub3A_1121 = vector.broadcast %mul3A_0 : i32 to vector<16xi32>
        %sub3A_1122 = arith.subi %get3A_1120, %sub3A_1121 : vector<16xi32>
        %ge3A_1123 = arith.constant 0 : i32
        %ge3A_1124 = vector.broadcast %ge3A_1123 : i32 to vector<16xi32>
        %ge3A_1125 = arith.cmpi sge, %sub3A_1122, %ge3A_1124 : vector<16xi32>
        %lt3A_1126 = arith.constant 10000 : i32
        %lt3A_1127 = vector.broadcast %lt3A_1126 : i32 to vector<16xi32>
        %lt3A_1128 = arith.cmpi slt, %sub3A_1122, %lt3A_1127 : vector<16xi32>
        %and3A_1129 = arith.andi %ge3A_1125, %lt3A_1128 : vector<16xi1>
        %jit3A_1130 = arith.constant -1 : i32
        %broadcast_in_dim3A_1131 = vector.broadcast %jit3A_1130 : i32 to vector<16xi32>
        %select_n3A_1132 = arith.select %and3A_1129, %sub3A_1122, %broadcast_in_dim3A_1131 : vector<16xi1>, vector<16xi32>
        %swap3A_1133 = arith.constant 112 : index
        %swap3A_1134 = tpu.vector_load %arg8[%swap3A_1133] {strides = array<i32>} : memref<128xi32, #tpu.memory_space<vmem>>, vector<16xi32>,
        %swap3A_1135 = vector.shape_cast %swap3A_1134 : vector<16xi32> to vector<16xi32>
        %swap3A_1136 = vector.shape_cast %select_n3A_1132 : vector<16xi32> to vector<16xi32>
        tpu.vector_store %arg8[%swap3A_1133], %swap3A_1136 {strides = array<i32>} : memref<128xi32, #tpu.memory_space<vmem>>, vector<16xi32>,
        %swap3A_1137 = arith.constant 112 : index
        %swap3A_1138 = tpu.vector_load %arg11[%swap3A_1137] {strides = array<i32>} : memref<256xi32, #tpu.memory_space<vmem>>, vector<16xi32>,
        %swap3A_1139 = vector.shape_cast %swap3A_1138 : vector<16xi32> to vector<16xi32>
        %swap3A_1140 = vector.shape_cast %select_n3A_1132 : vector<16xi32> to vector<16xi32>
        tpu.vector_store %arg11[%swap3A_1137], %swap3A_1140 {strides = array<i32>} : memref<256xi32, #tpu.memory_space<vmem>>, vector<16xi32>,
        %get3A_1141 = arith.constant 0 : i32
        %get3A_1142 = arith.index_cast %get3A_1141 : i32 to index
        %get3A_1143 = arith.constant 112 : index
        %get3A_1144 = tpu.vector_load %arg6[%get3A_1142, %get3A_1143] {strides = array<i32>} : memref<2x256xi32, #tpu.memory_space<vmem>>, vector<1x16xi32>,
        %get3A_1145 = vector.shape_cast %get3A_1144 : vector<1x16xi32> to vector<16xi32>
        %jit3A_1146 = arith.constant -1 : i32
        %broadcast_in_dim3A_1147 = vector.broadcast %jit3A_1146 : i32 to vector<16xi32>
        %select_n3A_1148 = arith.select %and3A_1129, %get3A_1145, %broadcast_in_dim3A_1147 : vector<16xi1>, vector<16xi32>
        %swap3A_1149 = arith.constant 112 : index
        %swap3A_1150 = tpu.vector_load %arg7[%swap3A_1149] {strides = array<i32>} : memref<128xi32, #tpu.memory_space<vmem>>, vector<16xi32>,
        %swap3A_1151 = vector.shape_cast %swap3A_1150 : vector<16xi32> to vector<16xi32>
        %swap3A_1152 = vector.shape_cast %select_n3A_1148 : vector<16xi32> to vector<16xi32>
        tpu.vector_store %arg7[%swap3A_1149], %swap3A_1152 {strides = array<i32>} : memref<128xi32, #tpu.memory_space<vmem>>, vector<16xi32>,
        %dma_start3A_1153 = arith.constant 0 : i32
        %dma_start3A_1154 = arith.constant 0 : i32
        %dma_start3A_1155 = tpu.memref_slice %arg2[%dma_start3A_1153, %dma_start3A_1154] : memref<100000x128xf32, #tpu.memory_space<hbm>> -> memref<100000x128xf32, #tpu.memory_space<hbm>>
        %dma_start3A_1156 = arith.constant -1 : i32
        tpu.enqueue_indirect_dma source(%dma_start3A_1155 : memref<100000x128xf32, #tpu.memory_space<hbm>>) target(%arg12 : memref<128x128xf32, #tpu.memory_space<vmem>>) offsets(%arg7 : memref<128xi32, #tpu.memory_space<vmem>>) offset_filter(%dma_start3A_1156) semaphore(%arg20 : memref<!tpu.dma_semaphore, #tpu.memory_space<semaphore_mem>>)
      } else {
      }
      %dma_wait3A_845 = arith.constant 0 : i32
      %dma_wait3A_846 = arith.constant 0 : i32
      %dma_wait3A_847 = tpu.memref_slice %arg2[%dma_wait3A_845, %dma_wait3A_846] : memref<100000x128xf32, #tpu.memory_space<hbm>> -> memref<100000x128xf32, #tpu.memory_space<hbm>>
      tpu.wait_indirect_dma semaphore(%arg21 : memref<!tpu.dma_semaphore, #tpu.memory_space<semaphore_mem>>) src(%dma_wait3A_847 : memref<100000x128xf32, #tpu.memory_space<hbm>>) dst(%arg13 : memref<128x128xf32, #tpu.memory_space<vmem>>)
      %dma_start3A_848 = arith.constant 0 : i32
      %dma_start3A_849 = arith.constant 0 : i32
      %dma_start3A_850 = tpu.memref_slice %arg18[%dma_start3A_848, %dma_start3A_849] : memref<10000x128xf32, #tpu.memory_space<vmem_shared>> -> memref<10000x128xf32, #tpu.memory_space<vmem_shared>>
      %dma_start3A_851 = arith.constant -1 : i32
      tpu.enqueue_indirect_dma source(%arg13 : memref<128x128xf32, #tpu.memory_space<vmem>>) target(%dma_start3A_850 : memref<10000x128xf32, #tpu.memory_space<vmem_shared>>) offsets(%arg10 : memref<128xi32, #tpu.memory_space<vmem>>) offset_filter(%dma_start3A_851) semaphore(%arg23 : memref<!tpu.dma_semaphore, #tpu.memory_space<semaphore_mem>>) {add = true}
    }
    %while3A_808 = arith.constant 1 : i32
    scf.for %while3A_819 = %while3A_806 to %while3A_802 step %while3A_808  : i32 {
      %gt3A = arith.cmpi sgt, %while3A_819, %select_n3A_173 : i32
      %convert_element_type3A_820 = arith.extui %gt3A : i1 to i32
      %cond3A_821 = arith.constant 0 : i32
      %cond3A_822 = arith.cmpi ne, %convert_element_type3A_820, %cond3A_821 : i32
      scf.if %cond3A_822 {
        %dma_wait3A_852 = arith.constant 0 : i32
        %dma_wait3A_853 = arith.constant 0 : i32
        %dma_wait3A_854 = tpu.memref_slice %arg18[%dma_wait3A_852, %dma_wait3A_853] : memref<10000x128xf32, #tpu.memory_space<vmem_shared>> -> memref<10000x128xf32, #tpu.memory_space<vmem_shared>>
        tpu.wait_indirect_dma semaphore(%arg23 : memref<!tpu.dma_semaphore, #tpu.memory_space<semaphore_mem>>) src(%arg13 : memref<128x128xf32, #tpu.memory_space<vmem>>) dst(%dma_wait3A_854 : memref<10000x128xf32, #tpu.memory_space<vmem_shared>>)
        %get3A_855 = arith.constant 1 : i32
        %get3A_856 = arith.index_cast %get3A_855 : i32 to index
        %get3A_857 = arith.constant 128 : index
        %get3A_858 = tpu.vector_load %arg6[%get3A_856, %get3A_857] {strides = array<i32>} : memref<2x256xi32, #tpu.memory_space<vmem>>, vector<1x16xi32>,
        %get3A_859 = vector.shape_cast %get3A_858 : vector<1x16xi32> to vector<16xi32>
        %sub3A_860 = vector.broadcast %mul3A_0 : i32 to vector<16xi32>
        %sub3A_861 = arith.subi %get3A_859, %sub3A_860 : vector<16xi32>
        %ge3A_862 = arith.constant 0 : i32
        %ge3A_863 = vector.broadcast %ge3A_862 : i32 to vector<16xi32>
        %ge3A_864 = arith.cmpi sge, %sub3A_861, %ge3A_863 : vector<16xi32>
        %lt3A_865 = arith.constant 10000 : i32
        %lt3A_866 = vector.broadcast %lt3A_865 : i32 to vector<16xi32>
        %lt3A_867 = arith.cmpi slt, %sub3A_861, %lt3A_866 : vector<16xi32>
        %and3A_868 = arith.andi %ge3A_864, %lt3A_867 : vector<16xi1>
        %jit3A_869 = arith.constant -1 : i32
        %broadcast_in_dim3A_870 = vector.broadcast %jit3A_869 : i32 to vector<16xi32>
        %select_n3A_871 = arith.select %and3A_868, %sub3A_861, %broadcast_in_dim3A_870 : vector<16xi1>, vector<16xi32>
        %swap3A_872 = arith.constant 0 : index
        %swap3A_873 = tpu.vector_load %arg10[%swap3A_872] {strides = array<i32>} : memref<128xi32, #tpu.memory_space<vmem>>, vector<16xi32>,
        %swap3A_874 = vector.shape_cast %swap3A_873 : vector<16xi32> to vector<16xi32>
        %swap3A_875 = vector.shape_cast %select_n3A_871 : vector<16xi32> to vector<16xi32>
        tpu.vector_store %arg10[%swap3A_872], %swap3A_875 {strides = array<i32>} : memref<128xi32, #tpu.memory_space<vmem>>, vector<16xi32>,
        %swap3A_876 = arith.constant 128 : index
        %swap3A_877 = tpu.vector_load %arg11[%swap3A_876] {strides = array<i32>} : memref<256xi32, #tpu.memory_space<vmem>>, vector<16xi32>,
        %swap3A_878 = vector.shape_cast %swap3A_877 : vector<16xi32> to vector<16xi32>
        %swap3A_879 = vector.shape_cast %select_n3A_871 : vector<16xi32> to vector<16xi32>
        tpu.vector_store %arg11[%swap3A_876], %swap3A_879 {strides = array<i32>} : memref<256xi32, #tpu.memory_space<vmem>>, vector<16xi32>,
        %get3A_880 = arith.constant 0 : i32
        %get3A_881 = arith.index_cast %get3A_880 : i32 to index
        %get3A_882 = arith.constant 128 : index
        %get3A_883 = tpu.vector_load %arg6[%get3A_881, %get3A_882] {strides = array<i32>} : memref<2x256xi32, #tpu.memory_space<vmem>>, vector<1x16xi32>,
        %get3A_884 = vector.shape_cast %get3A_883 : vector<1x16xi32> to vector<16xi32>
        %jit3A_885 = arith.constant -1 : i32
        %broadcast_in_dim3A_886 = vector.broadcast %jit3A_885 : i32 to vector<16xi32>
        %select_n3A_887 = arith.select %and3A_868, %get3A_884, %broadcast_in_dim3A_886 : vector<16xi1>, vector<16xi32>
        %swap3A_888 = arith.constant 0 : index
        %swap3A_889 = tpu.vector_load %arg9[%swap3A_888] {strides = array<i32>} : memref<128xi32, #tpu.memory_space<vmem>>, vector<16xi32>,
        %swap3A_890 = vector.shape_cast %swap3A_889 : vector<16xi32> to vector<16xi32>
        %swap3A_891 = vector.shape_cast %select_n3A_887 : vector<16xi32> to vector<16xi32>
        tpu.vector_store %arg9[%swap3A_888], %swap3A_891 {strides = array<i32>} : memref<128xi32, #tpu.memory_space<vmem>>, vector<16xi32>,
        %get3A_892 = arith.constant 1 : i32
        %get3A_893 = arith.index_cast %get3A_892 : i32 to index
        %get3A_894 = arith.constant 144 : index
        %get3A_895 = tpu.vector_load %arg6[%get3A_893, %get3A_894] {strides = array<i32>} : memref<2x256xi32, #tpu.memory_space<vmem>>, vector<1x16xi32>,
        %get3A_896 = vector.shape_cast %get3A_895 : vector<1x16xi32> to vector<16xi32>
        %sub3A_897 = vector.broadcast %mul3A_0 : i32 to vector<16xi32>
        %sub3A_898 = arith.subi %get3A_896, %sub3A_897 : vector<16xi32>
        %ge3A_899 = arith.constant 0 : i32
        %ge3A_900 = vector.broadcast %ge3A_899 : i32 to vector<16xi32>
        %ge3A_901 = arith.cmpi sge, %sub3A_898, %ge3A_900 : vector<16xi32>
        %lt3A_902 = arith.constant 10000 : i32
        %lt3A_903 = vector.broadcast %lt3A_902 : i32 to vector<16xi32>
        %lt3A_904 = arith.cmpi slt, %sub3A_898, %lt3A_903 : vector<16xi32>
        %and3A_905 = arith.andi %ge3A_901, %lt3A_904 : vector<16xi1>
        %jit3A_906 = arith.constant -1 : i32
        %broadcast_in_dim3A_907 = vector.broadcast %jit3A_906 : i32 to vector<16xi32>
        %select_n3A_908 = arith.select %and3A_905, %sub3A_898, %broadcast_in_dim3A_907 : vector<16xi1>, vector<16xi32>
        %swap3A_909 = arith.constant 16 : index
        %swap3A_910 = tpu.vector_load %arg10[%swap3A_909] {strides = array<i32>} : memref<128xi32, #tpu.memory_space<vmem>>, vector<16xi32>,
        %swap3A_911 = vector.shape_cast %swap3A_910 : vector<16xi32> to vector<16xi32>
        %swap3A_912 = vector.shape_cast %select_n3A_908 : vector<16xi32> to vector<16xi32>
        tpu.vector_store %arg10[%swap3A_909], %swap3A_912 {strides = array<i32>} : memref<128xi32, #tpu.memory_space<vmem>>, vector<16xi32>,
        %swap3A_913 = arith.constant 144 : index
        %swap3A_914 = tpu.vector_load %arg11[%swap3A_913] {strides = array<i32>} : memref<256xi32, #tpu.memory_space<vmem>>, vector<16xi32>,
        %swap3A_915 = vector.shape_cast %swap3A_914 : vector<16xi32> to vector<16xi32>
        %swap3A_916 = vector.shape_cast %select_n3A_908 : vector<16xi32> to vector<16xi32>
        tpu.vector_store %arg11[%swap3A_913], %swap3A_916 {strides = array<i32>} : memref<256xi32, #tpu.memory_space<vmem>>, vector<16xi32>,
        %get3A_917 = arith.constant 0 : i32
        %get3A_918 = arith.index_cast %get3A_917 : i32 to index
        %get3A_919 = arith.constant 144 : index
        %get3A_920 = tpu.vector_load %arg6[%get3A_918, %get3A_919] {strides = array<i32>} : memref<2x256xi32, #tpu.memory_space<vmem>>, vector<1x16xi32>,
        %get3A_921 = vector.shape_cast %get3A_920 : vector<1x16xi32> to vector<16xi32>
        %jit3A_922 = arith.constant -1 : i32
        %broadcast_in_dim3A_923 = vector.broadcast %jit3A_922 : i32 to vector<16xi32>
        %select_n3A_924 = arith.select %and3A_905, %get3A_921, %broadcast_in_dim3A_923 : vector<16xi1>, vector<16xi32>
        %swap3A_925 = arith.constant 16 : index
        %swap3A_926 = tpu.vector_load %arg9[%swap3A_925] {strides = array<i32>} : memref<128xi32, #tpu.memory_space<vmem>>, vector<16xi32>,
        %swap3A_927 = vector.shape_cast %swap3A_926 : vector<16xi32> to vector<16xi32>
        %swap3A_928 = vector.shape_cast %select_n3A_924 : vector<16xi32> to vector<16xi32>
        tpu.vector_store %arg9[%swap3A_925], %swap3A_928 {strides = array<i32>} : memref<128xi32, #tpu.memory_space<vmem>>, vector<16xi32>,
        %get3A_929 = arith.constant 1 : i32
        %get3A_930 = arith.index_cast %get3A_929 : i32 to index
        %get3A_931 = arith.constant 160 : index
        %get3A_932 = tpu.vector_load %arg6[%get3A_930, %get3A_931] {strides = array<i32>} : memref<2x256xi32, #tpu.memory_space<vmem>>, vector<1x16xi32>,
        %get3A_933 = vector.shape_cast %get3A_932 : vector<1x16xi32> to vector<16xi32>
        %sub3A_934 = vector.broadcast %mul3A_0 : i32 to vector<16xi32>
        %sub3A_935 = arith.subi %get3A_933, %sub3A_934 : vector<16xi32>
        %ge3A_936 = arith.constant 0 : i32
        %ge3A_937 = vector.broadcast %ge3A_936 : i32 to vector<16xi32>
        %ge3A_938 = arith.cmpi sge, %sub3A_935, %ge3A_937 : vector<16xi32>
        %lt3A_939 = arith.constant 10000 : i32
        %lt3A_940 = vector.broadcast %lt3A_939 : i32 to vector<16xi32>
        %lt3A_941 = arith.cmpi slt, %sub3A_935, %lt3A_940 : vector<16xi32>
        %and3A_942 = arith.andi %ge3A_938, %lt3A_941 : vector<16xi1>
        %jit3A_943 = arith.constant -1 : i32
        %broadcast_in_dim3A_944 = vector.broadcast %jit3A_943 : i32 to vector<16xi32>
        %select_n3A_945 = arith.select %and3A_942, %sub3A_935, %broadcast_in_dim3A_944 : vector<16xi1>, vector<16xi32>
        %swap3A_946 = arith.constant 32 : index
        %swap3A_947 = tpu.vector_load %arg10[%swap3A_946] {strides = array<i32>} : memref<128xi32, #tpu.memory_space<vmem>>, vector<16xi32>,
        %swap3A_948 = vector.shape_cast %swap3A_947 : vector<16xi32> to vector<16xi32>
        %swap3A_949 = vector.shape_cast %select_n3A_945 : vector<16xi32> to vector<16xi32>
        tpu.vector_store %arg10[%swap3A_946], %swap3A_949 {strides = array<i32>} : memref<128xi32, #tpu.memory_space<vmem>>, vector<16xi32>,
        %swap3A_950 = arith.constant 160 : index
        %swap3A_951 = tpu.vector_load %arg11[%swap3A_950] {strides = array<i32>} : memref<256xi32, #tpu.memory_space<vmem>>, vector<16xi32>,
        %swap3A_952 = vector.shape_cast %swap3A_951 : vector<16xi32> to vector<16xi32>
        %swap3A_953 = vector.shape_cast %select_n3A_945 : vector<16xi32> to vector<16xi32>
        tpu.vector_store %arg11[%swap3A_950], %swap3A_953 {strides = array<i32>} : memref<256xi32, #tpu.memory_space<vmem>>, vector<16xi32>,
        %get3A_954 = arith.constant 0 : i32
        %get3A_955 = arith.index_cast %get3A_954 : i32 to index
        %get3A_956 = arith.constant 160 : index
        %get3A_957 = tpu.vector_load %arg6[%get3A_955, %get3A_956] {strides = array<i32>} : memref<2x256xi32, #tpu.memory_space<vmem>>, vector<1x16xi32>,
        %get3A_958 = vector.shape_cast %get3A_957 : vector<1x16xi32> to vector<16xi32>
        %jit3A_959 = arith.constant -1 : i32
        %broadcast_in_dim3A_960 = vector.broadcast %jit3A_959 : i32 to vector<16xi32>
        %select_n3A_961 = arith.select %and3A_942, %get3A_958, %broadcast_in_dim3A_960 : vector<16xi1>, vector<16xi32>
        %swap3A_962 = arith.constant 32 : index
        %swap3A_963 = tpu.vector_load %arg9[%swap3A_962] {strides = array<i32>} : memref<128xi32, #tpu.memory_space<vmem>>, vector<16xi32>,
        %swap3A_964 = vector.shape_cast %swap3A_963 : vector<16xi32> to vector<16xi32>
        %swap3A_965 = vector.shape_cast %select_n3A_961 : vector<16xi32> to vector<16xi32>
        tpu.vector_store %arg9[%swap3A_962], %swap3A_965 {strides = array<i32>} : memref<128xi32, #tpu.memory_space<vmem>>, vector<16xi32>,
        %get3A_966 = arith.constant 1 : i32
        %get3A_967 = arith.index_cast %get3A_966 : i32 to index
        %get3A_968 = arith.constant 176 : index
        %get3A_969 = tpu.vector_load %arg6[%get3A_967, %get3A_968] {strides = array<i32>} : memref<2x256xi32, #tpu.memory_space<vmem>>, vector<1x16xi32>,
        %get3A_970 = vector.shape_cast %get3A_969 : vector<1x16xi32> to vector<16xi32>
        %sub3A_971 = vector.broadcast %mul3A_0 : i32 to vector<16xi32>
        %sub3A_972 = arith.subi %get3A_970, %sub3A_971 : vector<16xi32>
        %ge3A_973 = arith.constant 0 : i32
        %ge3A_974 = vector.broadcast %ge3A_973 : i32 to vector<16xi32>
        %ge3A_975 = arith.cmpi sge, %sub3A_972, %ge3A_974 : vector<16xi32>
        %lt3A_976 = arith.constant 10000 : i32
        %lt3A_977 = vector.broadcast %lt3A_976 : i32 to vector<16xi32>
        %lt3A_978 = arith.cmpi slt, %sub3A_972, %lt3A_977 : vector<16xi32>
        %and3A_979 = arith.andi %ge3A_975, %lt3A_978 : vector<16xi1>
        %jit3A_980 = arith.constant -1 : i32
        %broadcast_in_dim3A_981 = vector.broadcast %jit3A_980 : i32 to vector<16xi32>
        %select_n3A_982 = arith.select %and3A_979, %sub3A_972, %broadcast_in_dim3A_981 : vector<16xi1>, vector<16xi32>
        %swap3A_983 = arith.constant 48 : index
        %swap3A_984 = tpu.vector_load %arg10[%swap3A_983] {strides = array<i32>} : memref<128xi32, #tpu.memory_space<vmem>>, vector<16xi32>,
        %swap3A_985 = vector.shape_cast %swap3A_984 : vector<16xi32> to vector<16xi32>
        %swap3A_986 = vector.shape_cast %select_n3A_982 : vector<16xi32> to vector<16xi32>
        tpu.vector_store %arg10[%swap3A_983], %swap3A_986 {strides = array<i32>} : memref<128xi32, #tpu.memory_space<vmem>>, vector<16xi32>,
        %swap3A_987 = arith.constant 176 : index
        %swap3A_988 = tpu.vector_load %arg11[%swap3A_987] {strides = array<i32>} : memref<256xi32, #tpu.memory_space<vmem>>, vector<16xi32>,
        %swap3A_989 = vector.shape_cast %swap3A_988 : vector<16xi32> to vector<16xi32>
        %swap3A_990 = vector.shape_cast %select_n3A_982 : vector<16xi32> to vector<16xi32>
        tpu.vector_store %arg11[%swap3A_987], %swap3A_990 {strides = array<i32>} : memref<256xi32, #tpu.memory_space<vmem>>, vector<16xi32>,
        %get3A_991 = arith.constant 0 : i32
        %get3A_992 = arith.index_cast %get3A_991 : i32 to index
        %get3A_993 = arith.constant 176 : index
        %get3A_994 = tpu.vector_load %arg6[%get3A_992, %get3A_993] {strides = array<i32>} : memref<2x256xi32, #tpu.memory_space<vmem>>, vector<1x16xi32>,
        %get3A_995 = vector.shape_cast %get3A_994 : vector<1x16xi32> to vector<16xi32>
        %jit3A_996 = arith.constant -1 : i32
        %broadcast_in_dim3A_997 = vector.broadcast %jit3A_996 : i32 to vector<16xi32>
        %select_n3A_998 = arith.select %and3A_979, %get3A_995, %broadcast_in_dim3A_997 : vector<16xi1>, vector<16xi32>
        %swap3A_999 = arith.constant 48 : index
        %swap3A_1000 = tpu.vector_load %arg9[%swap3A_999] {strides = array<i32>} : memref<128xi32, #tpu.memory_space<vmem>>, vector<16xi32>,
        %swap3A_1001 = vector.shape_cast %swap3A_1000 : vector<16xi32> to vector<16xi32>
        %swap3A_1002 = vector.shape_cast %select_n3A_998 : vector<16xi32> to vector<16xi32>
        tpu.vector_store %arg9[%swap3A_999], %swap3A_1002 {strides = array<i32>} : memref<128xi32, #tpu.memory_space<vmem>>, vector<16xi32>,
        %get3A_1003 = arith.constant 1 : i32
        %get3A_1004 = arith.index_cast %get3A_1003 : i32 to index
        %get3A_1005 = arith.constant 192 : index
        %get3A_1006 = tpu.vector_load %arg6[%get3A_1004, %get3A_1005] {strides = array<i32>} : memref<2x256xi32, #tpu.memory_space<vmem>>, vector<1x16xi32>,
        %get3A_1007 = vector.shape_cast %get3A_1006 : vector<1x16xi32> to vector<16xi32>
        %sub3A_1008 = vector.broadcast %mul3A_0 : i32 to vector<16xi32>
        %sub3A_1009 = arith.subi %get3A_1007, %sub3A_1008 : vector<16xi32>
        %ge3A_1010 = arith.constant 0 : i32
        %ge3A_1011 = vector.broadcast %ge3A_1010 : i32 to vector<16xi32>
        %ge3A_1012 = arith.cmpi sge, %sub3A_1009, %ge3A_1011 : vector<16xi32>
        %lt3A_1013 = arith.constant 10000 : i32
        %lt3A_1014 = vector.broadcast %lt3A_1013 : i32 to vector<16xi32>
        %lt3A_1015 = arith.cmpi slt, %sub3A_1009, %lt3A_1014 : vector<16xi32>
        %and3A_1016 = arith.andi %ge3A_1012, %lt3A_1015 : vector<16xi1>
        %jit3A_1017 = arith.constant -1 : i32
        %broadcast_in_dim3A_1018 = vector.broadcast %jit3A_1017 : i32 to vector<16xi32>
        %select_n3A_1019 = arith.select %and3A_1016, %sub3A_1009, %broadcast_in_dim3A_1018 : vector<16xi1>, vector<16xi32>
        %swap3A_1020 = arith.constant 64 : index
        %swap3A_1021 = tpu.vector_load %arg10[%swap3A_1020] {strides = array<i32>} : memref<128xi32, #tpu.memory_space<vmem>>, vector<16xi32>,
        %swap3A_1022 = vector.shape_cast %swap3A_1021 : vector<16xi32> to vector<16xi32>
        %swap3A_1023 = vector.shape_cast %select_n3A_1019 : vector<16xi32> to vector<16xi32>
        tpu.vector_store %arg10[%swap3A_1020], %swap3A_1023 {strides = array<i32>} : memref<128xi32, #tpu.memory_space<vmem>>, vector<16xi32>,
        %swap3A_1024 = arith.constant 192 : index
        %swap3A_1025 = tpu.vector_load %arg11[%swap3A_1024] {strides = array<i32>} : memref<256xi32, #tpu.memory_space<vmem>>, vector<16xi32>,
        %swap3A_1026 = vector.shape_cast %swap3A_1025 : vector<16xi32> to vector<16xi32>
        %swap3A_1027 = vector.shape_cast %select_n3A_1019 : vector<16xi32> to vector<16xi32>
        tpu.vector_store %arg11[%swap3A_1024], %swap3A_1027 {strides = array<i32>} : memref<256xi32, #tpu.memory_space<vmem>>, vector<16xi32>,
        %get3A_1028 = arith.constant 0 : i32
        %get3A_1029 = arith.index_cast %get3A_1028 : i32 to index
        %get3A_1030 = arith.constant 192 : index
        %get3A_1031 = tpu.vector_load %arg6[%get3A_1029, %get3A_1030] {strides = array<i32>} : memref<2x256xi32, #tpu.memory_space<vmem>>, vector<1x16xi32>,
        %get3A_1032 = vector.shape_cast %get3A_1031 : vector<1x16xi32> to vector<16xi32>
        %jit3A_1033 = arith.constant -1 : i32
        %broadcast_in_dim3A_1034 = vector.broadcast %jit3A_1033 : i32 to vector<16xi32>
        %select_n3A_1035 = arith.select %and3A_1016, %get3A_1032, %broadcast_in_dim3A_1034 : vector<16xi1>, vector<16xi32>
        %swap3A_1036 = arith.constant 64 : index
        %swap3A_1037 = tpu.vector_load %arg9[%swap3A_1036] {strides = array<i32>} : memref<128xi32, #tpu.memory_space<vmem>>, vector<16xi32>,
        %swap3A_1038 = vector.shape_cast %swap3A_1037 : vector<16xi32> to vector<16xi32>
        %swap3A_1039 = vector.shape_cast %select_n3A_1035 : vector<16xi32> to vector<16xi32>
        tpu.vector_store %arg9[%swap3A_1036], %swap3A_1039 {strides = array<i32>} : memref<128xi32, #tpu.memory_space<vmem>>, vector<16xi32>,
        %get3A_1040 = arith.constant 1 : i32
        %get3A_1041 = arith.index_cast %get3A_1040 : i32 to index
        %get3A_1042 = arith.constant 208 : index
        %get3A_1043 = tpu.vector_load %arg6[%get3A_1041, %get3A_1042] {strides = array<i32>} : memref<2x256xi32, #tpu.memory_space<vmem>>, vector<1x16xi32>,
        %get3A_1044 = vector.shape_cast %get3A_1043 : vector<1x16xi32> to vector<16xi32>
        %sub3A_1045 = vector.broadcast %mul3A_0 : i32 to vector<16xi32>
        %sub3A_1046 = arith.subi %get3A_1044, %sub3A_1045 : vector<16xi32>
        %ge3A_1047 = arith.constant 0 : i32
        %ge3A_1048 = vector.broadcast %ge3A_1047 : i32 to vector<16xi32>
        %ge3A_1049 = arith.cmpi sge, %sub3A_1046, %ge3A_1048 : vector<16xi32>
        %lt3A_1050 = arith.constant 10000 : i32
        %lt3A_1051 = vector.broadcast %lt3A_1050 : i32 to vector<16xi32>
        %lt3A_1052 = arith.cmpi slt, %sub3A_1046, %lt3A_1051 : vector<16xi32>
        %and3A_1053 = arith.andi %ge3A_1049, %lt3A_1052 : vector<16xi1>
        %jit3A_1054 = arith.constant -1 : i32
        %broadcast_in_dim3A_1055 = vector.broadcast %jit3A_1054 : i32 to vector<16xi32>
        %select_n3A_1056 = arith.select %and3A_1053, %sub3A_1046, %broadcast_in_dim3A_1055 : vector<16xi1>, vector<16xi32>
        %swap3A_1057 = arith.constant 80 : index
        %swap3A_1058 = tpu.vector_load %arg10[%swap3A_1057] {strides = array<i32>} : memref<128xi32, #tpu.memory_space<vmem>>, vector<16xi32>,
        %swap3A_1059 = vector.shape_cast %swap3A_1058 : vector<16xi32> to vector<16xi32>
        %swap3A_1060 = vector.shape_cast %select_n3A_1056 : vector<16xi32> to vector<16xi32>
        tpu.vector_store %arg10[%swap3A_1057], %swap3A_1060 {strides = array<i32>} : memref<128xi32, #tpu.memory_space<vmem>>, vector<16xi32>,
        %swap3A_1061 = arith.constant 208 : index
        %swap3A_1062 = tpu.vector_load %arg11[%swap3A_1061] {strides = array<i32>} : memref<256xi32, #tpu.memory_space<vmem>>, vector<16xi32>,
        %swap3A_1063 = vector.shape_cast %swap3A_1062 : vector<16xi32> to vector<16xi32>
        %swap3A_1064 = vector.shape_cast %select_n3A_1056 : vector<16xi32> to vector<16xi32>
        tpu.vector_store %arg11[%swap3A_1061], %swap3A_1064 {strides = array<i32>} : memref<256xi32, #tpu.memory_space<vmem>>, vector<16xi32>,
        %get3A_1065 = arith.constant 0 : i32
        %get3A_1066 = arith.index_cast %get3A_1065 : i32 to index
        %get3A_1067 = arith.constant 208 : index
        %get3A_1068 = tpu.vector_load %arg6[%get3A_1066, %get3A_1067] {strides = array<i32>} : memref<2x256xi32, #tpu.memory_space<vmem>>, vector<1x16xi32>,
        %get3A_1069 = vector.shape_cast %get3A_1068 : vector<1x16xi32> to vector<16xi32>
        %jit3A_1070 = arith.constant -1 : i32
        %broadcast_in_dim3A_1071 = vector.broadcast %jit3A_1070 : i32 to vector<16xi32>
        %select_n3A_1072 = arith.select %and3A_1053, %get3A_1069, %broadcast_in_dim3A_1071 : vector<16xi1>, vector<16xi32>
        %swap3A_1073 = arith.constant 80 : index
        %swap3A_1074 = tpu.vector_load %arg9[%swap3A_1073] {strides = array<i32>} : memref<128xi32, #tpu.memory_space<vmem>>, vector<16xi32>,
        %swap3A_1075 = vector.shape_cast %swap3A_1074 : vector<16xi32> to vector<16xi32>
        %swap3A_1076 = vector.shape_cast %select_n3A_1072 : vector<16xi32> to vector<16xi32>
        tpu.vector_store %arg9[%swap3A_1073], %swap3A_1076 {strides = array<i32>} : memref<128xi32, #tpu.memory_space<vmem>>, vector<16xi32>,
        %get3A_1077 = arith.constant 1 : i32
        %get3A_1078 = arith.index_cast %get3A_1077 : i32 to index
        %get3A_1079 = arith.constant 224 : index
        %get3A_1080 = tpu.vector_load %arg6[%get3A_1078, %get3A_1079] {strides = array<i32>} : memref<2x256xi32, #tpu.memory_space<vmem>>, vector<1x16xi32>,
        %get3A_1081 = vector.shape_cast %get3A_1080 : vector<1x16xi32> to vector<16xi32>
        %sub3A_1082 = vector.broadcast %mul3A_0 : i32 to vector<16xi32>
        %sub3A_1083 = arith.subi %get3A_1081, %sub3A_1082 : vector<16xi32>
        %ge3A_1084 = arith.constant 0 : i32
        %ge3A_1085 = vector.broadcast %ge3A_1084 : i32 to vector<16xi32>
        %ge3A_1086 = arith.cmpi sge, %sub3A_1083, %ge3A_1085 : vector<16xi32>
        %lt3A_1087 = arith.constant 10000 : i32
        %lt3A_1088 = vector.broadcast %lt3A_1087 : i32 to vector<16xi32>
        %lt3A_1089 = arith.cmpi slt, %sub3A_1083, %lt3A_1088 : vector<16xi32>
        %and3A_1090 = arith.andi %ge3A_1086, %lt3A_1089 : vector<16xi1>
        %jit3A_1091 = arith.constant -1 : i32
        %broadcast_in_dim3A_1092 = vector.broadcast %jit3A_1091 : i32 to vector<16xi32>
        %select_n3A_1093 = arith.select %and3A_1090, %sub3A_1083, %broadcast_in_dim3A_1092 : vector<16xi1>, vector<16xi32>
        %swap3A_1094 = arith.constant 96 : index
        %swap3A_1095 = tpu.vector_load %arg10[%swap3A_1094] {strides = array<i32>} : memref<128xi32, #tpu.memory_space<vmem>>, vector<16xi32>,
        %swap3A_1096 = vector.shape_cast %swap3A_1095 : vector<16xi32> to vector<16xi32>
        %swap3A_1097 = vector.shape_cast %select_n3A_1093 : vector<16xi32> to vector<16xi32>
        tpu.vector_store %arg10[%swap3A_1094], %swap3A_1097 {strides = array<i32>} : memref<128xi32, #tpu.memory_space<vmem>>, vector<16xi32>,
        %swap3A_1098 = arith.constant 224 : index
        %swap3A_1099 = tpu.vector_load %arg11[%swap3A_1098] {strides = array<i32>} : memref<256xi32, #tpu.memory_space<vmem>>, vector<16xi32>,
        %swap3A_1100 = vector.shape_cast %swap3A_1099 : vector<16xi32> to vector<16xi32>
        %swap3A_1101 = vector.shape_cast %select_n3A_1093 : vector<16xi32> to vector<16xi32>
        tpu.vector_store %arg11[%swap3A_1098], %swap3A_1101 {strides = array<i32>} : memref<256xi32, #tpu.memory_space<vmem>>, vector<16xi32>,
        %get3A_1102 = arith.constant 0 : i32
        %get3A_1103 = arith.index_cast %get3A_1102 : i32 to index
        %get3A_1104 = arith.constant 224 : index
        %get3A_1105 = tpu.vector_load %arg6[%get3A_1103, %get3A_1104] {strides = array<i32>} : memref<2x256xi32, #tpu.memory_space<vmem>>, vector<1x16xi32>,
        %get3A_1106 = vector.shape_cast %get3A_1105 : vector<1x16xi32> to vector<16xi32>
        %jit3A_1107 = arith.constant -1 : i32
        %broadcast_in_dim3A_1108 = vector.broadcast %jit3A_1107 : i32 to vector<16xi32>
        %select_n3A_1109 = arith.select %and3A_1090, %get3A_1106, %broadcast_in_dim3A_1108 : vector<16xi1>, vector<16xi32>
        %swap3A_1110 = arith.constant 96 : index
        %swap3A_1111 = tpu.vector_load %arg9[%swap3A_1110] {strides = array<i32>} : memref<128xi32, #tpu.memory_space<vmem>>, vector<16xi32>,
        %swap3A_1112 = vector.shape_cast %swap3A_1111 : vector<16xi32> to vector<16xi32>
        %swap3A_1113 = vector.shape_cast %select_n3A_1109 : vector<16xi32> to vector<16xi32>
        tpu.vector_store %arg9[%swap3A_1110], %swap3A_1113 {strides = array<i32>} : memref<128xi32, #tpu.memory_space<vmem>>, vector<16xi32>,
        %get3A_1114 = arith.constant 1 : i32
        %get3A_1115 = arith.index_cast %get3A_1114 : i32 to index
        %get3A_1116 = arith.constant 240 : index
        %get3A_1117 = tpu.vector_load %arg6[%get3A_1115, %get3A_1116] {strides = array<i32>} : memref<2x256xi32, #tpu.memory_space<vmem>>, vector<1x16xi32>,
        %get3A_1118 = vector.shape_cast %get3A_1117 : vector<1x16xi32> to vector<16xi32>
        %sub3A_1119 = vector.broadcast %mul3A_0 : i32 to vector<16xi32>
        %sub3A_1120 = arith.subi %get3A_1118, %sub3A_1119 : vector<16xi32>
        %ge3A_1121 = arith.constant 0 : i32
        %ge3A_1122 = vector.broadcast %ge3A_1121 : i32 to vector<16xi32>
        %ge3A_1123 = arith.cmpi sge, %sub3A_1120, %ge3A_1122 : vector<16xi32>
        %lt3A_1124 = arith.constant 10000 : i32
        %lt3A_1125 = vector.broadcast %lt3A_1124 : i32 to vector<16xi32>
        %lt3A_1126 = arith.cmpi slt, %sub3A_1120, %lt3A_1125 : vector<16xi32>
        %and3A_1127 = arith.andi %ge3A_1123, %lt3A_1126 : vector<16xi1>
        %jit3A_1128 = arith.constant -1 : i32
        %broadcast_in_dim3A_1129 = vector.broadcast %jit3A_1128 : i32 to vector<16xi32>
        %select_n3A_1130 = arith.select %and3A_1127, %sub3A_1120, %broadcast_in_dim3A_1129 : vector<16xi1>, vector<16xi32>
        %swap3A_1131 = arith.constant 112 : index
        %swap3A_1132 = tpu.vector_load %arg10[%swap3A_1131] {strides = array<i32>} : memref<128xi32, #tpu.memory_space<vmem>>, vector<16xi32>,
        %swap3A_1133 = vector.shape_cast %swap3A_1132 : vector<16xi32> to vector<16xi32>
        %swap3A_1134 = vector.shape_cast %select_n3A_1130 : vector<16xi32> to vector<16xi32>
        tpu.vector_store %arg10[%swap3A_1131], %swap3A_1134 {strides = array<i32>} : memref<128xi32, #tpu.memory_space<vmem>>, vector<16xi32>,
        %swap3A_1135 = arith.constant 240 : index
        %swap3A_1136 = tpu.vector_load %arg11[%swap3A_1135] {strides = array<i32>} : memref<256xi32, #tpu.memory_space<vmem>>, vector<16xi32>,
        %swap3A_1137 = vector.shape_cast %swap3A_1136 : vector<16xi32> to vector<16xi32>
        %swap3A_1138 = vector.shape_cast %select_n3A_1130 : vector<16xi32> to vector<16xi32>
        tpu.vector_store %arg11[%swap3A_1135], %swap3A_1138 {strides = array<i32>} : memref<256xi32, #tpu.memory_space<vmem>>, vector<16xi32>,
        %get3A_1139 = arith.constant 0 : i32
        %get3A_1140 = arith.index_cast %get3A_1139 : i32 to index
        %get3A_1141 = arith.constant 240 : index
        %get3A_1142 = tpu.vector_load %arg6[%get3A_1140, %get3A_1141] {strides = array<i32>} : memref<2x256xi32, #tpu.memory_space<vmem>>, vector<1x16xi32>,
        %get3A_1143 = vector.shape_cast %get3A_1142 : vector<1x16xi32> to vector<16xi32>
        %jit3A_1144 = arith.constant -1 : i32
        %broadcast_in_dim3A_1145 = vector.broadcast %jit3A_1144 : i32 to vector<16xi32>
        %select_n3A_1146 = arith.select %and3A_1127, %get3A_1143, %broadcast_in_dim3A_1145 : vector<16xi1>, vector<16xi32>
        %swap3A_1147 = arith.constant 112 : index
        %swap3A_1148 = tpu.vector_load %arg9[%swap3A_1147] {strides = array<i32>} : memref<128xi32, #tpu.memory_space<vmem>>, vector<16xi32>,
        %swap3A_1149 = vector.shape_cast %swap3A_1148 : vector<16xi32> to vector<16xi32>
        %swap3A_1150 = vector.shape_cast %select_n3A_1146 : vector<16xi32> to vector<16xi32>
        tpu.vector_store %arg9[%swap3A_1147], %swap3A_1150 {strides = array<i32>} : memref<128xi32, #tpu.memory_space<vmem>>, vector<16xi32>,
        %dma_start3A_1151 = arith.constant 0 : i32
        %dma_start3A_1152 = tpu.memref_slice %arg19[%dma_start3A_1151] : memref<10000xf32, #tpu.memory_space<vmem_shared>> -> memref<10000xf32, #tpu.memory_space<vmem_shared>>
        %dma_start3A_1153 = arith.constant -1 : i32
        tpu.enqueue_indirect_dma source(%arg14 : memref<256xf32, #tpu.memory_space<vmem>>) target(%dma_start3A_1152 : memref<10000xf32, #tpu.memory_space<vmem_shared>>) offsets(%arg11 : memref<256xi32, #tpu.memory_space<vmem>>) offset_filter(%dma_start3A_1153) semaphore(%arg22 : memref<!tpu.dma_semaphore, #tpu.memory_space<semaphore_mem>>) {add = true}
      } else {
      }
      %dma_wait3A_823 = arith.constant 0 : i32
      %dma_wait3A_824 = arith.constant 0 : i32
      %dma_wait3A_825 = tpu.memref_slice %arg2[%dma_wait3A_823, %dma_wait3A_824] : memref<100000x128xf32, #tpu.memory_space<hbm>> -> memref<100000x128xf32, #tpu.memory_space<hbm>>
      tpu.wait_indirect_dma semaphore(%arg20 : memref<!tpu.dma_semaphore, #tpu.memory_space<semaphore_mem>>) src(%dma_wait3A_825 : memref<100000x128xf32, #tpu.memory_space<hbm>>) dst(%arg12 : memref<128x128xf32, #tpu.memory_space<vmem>>)
      %dma_start3A_826 = arith.constant 0 : i32
      %dma_start3A_827 = arith.constant 0 : i32
      %dma_start3A_828 = tpu.memref_slice %arg2[%dma_start3A_826, %dma_start3A_827] : memref<100000x128xf32, #tpu.memory_space<hbm>> -> memref<100000x128xf32, #tpu.memory_space<hbm>>
      %dma_start3A_829 = arith.constant -1 : i32
      tpu.enqueue_indirect_dma source(%dma_start3A_828 : memref<100000x128xf32, #tpu.memory_space<hbm>>) target(%arg13 : memref<128x128xf32, #tpu.memory_space<vmem>>) offsets(%arg9 : memref<128xi32, #tpu.memory_space<vmem>>) offset_filter(%dma_start3A_829) semaphore(%arg21 : memref<!tpu.dma_semaphore, #tpu.memory_space<semaphore_mem>>)
      %dma_start3A_830 = arith.constant 0 : i32
      %dma_start3A_831 = arith.constant 0 : i32
      %dma_start3A_832 = tpu.memref_slice %arg18[%dma_start3A_830, %dma_start3A_831] : memref<10000x128xf32, #tpu.memory_space<vmem_shared>> -> memref<10000x128xf32, #tpu.memory_space<vmem_shared>>
      %dma_start3A_833 = arith.constant -1 : i32
      tpu.enqueue_indirect_dma source(%arg12 : memref<128x128xf32, #tpu.memory_space<vmem>>) target(%dma_start3A_832 : memref<10000x128xf32, #tpu.memory_space<vmem_shared>>) offsets(%arg8 : memref<128xi32, #tpu.memory_space<vmem>>) offset_filter(%dma_start3A_833) semaphore(%arg22 : memref<!tpu.dma_semaphore, #tpu.memory_space<semaphore_mem>>) {add = true}
      %dma_wait3A_834 = arith.constant 0 : i32
      %dma_wait3A_835 = arith.constant 0 : i32
      %dma_wait3A_836 = tpu.memref_slice %arg18[%dma_wait3A_834, %dma_wait3A_835] : memref<10000x128xf32, #tpu.memory_space<vmem_shared>> -> memref<10000x128xf32, #tpu.memory_space<vmem_shared>>
      tpu.wait_indirect_dma semaphore(%arg22 : memref<!tpu.dma_semaphore, #tpu.memory_space<semaphore_mem>>) src(%arg12 : memref<128x128xf32, #tpu.memory_space<vmem>>) dst(%dma_wait3A_836 : memref<10000x128xf32, #tpu.memory_space<vmem_shared>>)
      %dma_wait3A_837 = arith.constant 0 : i32
      %dma_wait3A_838 = tpu.memref_slice %arg19[%dma_wait3A_837] : memref<10000xf32, #tpu.memory_space<vmem_shared>> -> memref<10000xf32, #tpu.memory_space<vmem_shared>>
      tpu.wait_indirect_dma semaphore(%arg22 : memref<!tpu.dma_semaphore, #tpu.memory_space<semaphore_mem>>) src(%arg14 : memref<256xf32, #tpu.memory_space<vmem>>) dst(%dma_wait3A_838 : memref<10000xf32, #tpu.memory_space<vmem_shared>>)
      %add3A_839 = arith.constant 1 : i32
      %add3A_840 = arith.addi %while3A_819, %add3A_839 : i32
      %lt3A_841 = arith.cmpi slt, %add3A_840, %select_n3A_201 : i32
      %convert_element_type3A_842 = arith.extui %lt3A_841 : i1 to i32
      %cond3A_843 = arith.constant 0 : i32
      %cond3A_844 = arith.cmpi ne, %convert_element_type3A_842, %cond3A_843 : i32
      scf.if %cond3A_844 {
        %add3A_852 = arith.constant 1 : i32
        %add3A_853 = arith.addi %while3A_819, %add3A_852 : i32
        %mul3A_854 = arith.constant 256 : i32
        %mul3A_855 = arith.muli %add3A_853, %mul3A_854 : i32
        %multiple_of3A_856 = tpu.assume_multiple %mul3A_855, 256 : i32
        "tpu.region"() ({
          %run_scoped3A = tpu.sem_alloc : memref<!tpu.dma_semaphore, #tpu.memory_space<semaphore_mem>>
          %dma_start3A_1157 = arith.constant 0 : i32
          %dma_start3A_1158 = tpu.memref_slice %arg3[%dma_start3A_1157, %multiple_of3A_856] : memref<2x640000xi32, #tpu.memory_space<hbm>> -> memref<2x256xi32, #tpu.memory_space<hbm>>
          %dma_start3A_1159 = arith.constant 0 : i32
          %dma_start3A_1160 = tpu.memref_slice %arg3[%dma_start3A_1159, %multiple_of3A_856] : memref<2x640000xi32, #tpu.memory_space<hbm>> -> memref<2x256xi32, #tpu.memory_space<hbm>>
          tpu.enqueue_dma source(%dma_start3A_1160 : memref<2x256xi32, #tpu.memory_space<hbm>>) target(%arg6 : memref<2x256xi32, #tpu.memory_space<vmem>>) target_semaphore(%run_scoped3A : memref<!tpu.dma_semaphore, #tpu.memory_space<semaphore_mem>>)
          %dma_wait3A_1161 = arith.constant 0 : i32
          %dma_wait3A_1162 = tpu.memref_slice %arg3[%dma_wait3A_1161, %multiple_of3A_856] : memref<2x640000xi32, #tpu.memory_space<hbm>> -> memref<2x256xi32, #tpu.memory_space<hbm>>
          %dma_wait3A_1163 = arith.constant 0 : i32
          %dma_wait3A_1164 = tpu.memref_slice %arg3[%dma_wait3A_1163, %multiple_of3A_856] : memref<2x640000xi32, #tpu.memory_space<hbm>> -> memref<2x256xi32, #tpu.memory_space<hbm>>
          tpu.wait_dma2 semaphore(%run_scoped3A : memref<!tpu.dma_semaphore, #tpu.memory_space<semaphore_mem>>) src(%dma_wait3A_1164 : memref<2x256xi32, #tpu.memory_space<hbm>>) dst(%arg6 : memref<2x256xi32, #tpu.memory_space<vmem>>)
          tpu.yield
        }) : () -> ()
        %get3A_857 = arith.constant 1 : i32
        %get3A_858 = arith.index_cast %get3A_857 : i32 to index
        %get3A_859 = arith.constant 0 : index
        %get3A_860 = tpu.vector_load %arg6[%get3A_858, %get3A_859] {strides = array<i32>} : memref<2x256xi32, #tpu.memory_space<vmem>>, vector<1x16xi32>,
        %get3A_861 = vector.shape_cast %get3A_860 : vector<1x16xi32> to vector<16xi32>
        %sub3A_862 = vector.broadcast %mul3A_0 : i32 to vector<16xi32>
        %sub3A_863 = arith.subi %get3A_861, %sub3A_862 : vector<16xi32>
        %ge3A_864 = arith.constant 0 : i32
        %ge3A_865 = vector.broadcast %ge3A_864 : i32 to vector<16xi32>
        %ge3A_866 = arith.cmpi sge, %sub3A_863, %ge3A_865 : vector<16xi32>
        %lt3A_867 = arith.constant 10000 : i32
        %lt3A_868 = vector.broadcast %lt3A_867 : i32 to vector<16xi32>
        %lt3A_869 = arith.cmpi slt, %sub3A_863, %lt3A_868 : vector<16xi32>
        %and3A_870 = arith.andi %ge3A_866, %lt3A_869 : vector<16xi1>
        %jit3A_871 = arith.constant -1 : i32
        %broadcast_in_dim3A_872 = vector.broadcast %jit3A_871 : i32 to vector<16xi32>
        %select_n3A_873 = arith.select %and3A_870, %sub3A_863, %broadcast_in_dim3A_872 : vector<16xi1>, vector<16xi32>
        %swap3A_874 = arith.constant 0 : index
        %swap3A_875 = tpu.vector_load %arg8[%swap3A_874] {strides = array<i32>} : memref<128xi32, #tpu.memory_space<vmem>>, vector<16xi32>,
        %swap3A_876 = vector.shape_cast %swap3A_875 : vector<16xi32> to vector<16xi32>
        %swap3A_877 = vector.shape_cast %select_n3A_873 : vector<16xi32> to vector<16xi32>
        tpu.vector_store %arg8[%swap3A_874], %swap3A_877 {strides = array<i32>} : memref<128xi32, #tpu.memory_space<vmem>>, vector<16xi32>,
        %swap3A_878 = arith.constant 0 : index
        %swap3A_879 = tpu.vector_load %arg11[%swap3A_878] {strides = array<i32>} : memref<256xi32, #tpu.memory_space<vmem>>, vector<16xi32>,
        %swap3A_880 = vector.shape_cast %swap3A_879 : vector<16xi32> to vector<16xi32>
        %swap3A_881 = vector.shape_cast %select_n3A_873 : vector<16xi32> to vector<16xi32>
        tpu.vector_store %arg11[%swap3A_878], %swap3A_881 {strides = array<i32>} : memref<256xi32, #tpu.memory_space<vmem>>, vector<16xi32>,
        %get3A_882 = arith.constant 0 : i32
        %get3A_883 = arith.index_cast %get3A_882 : i32 to index
        %get3A_884 = arith.constant 0 : index
        %get3A_885 = tpu.vector_load %arg6[%get3A_883, %get3A_884] {strides = array<i32>} : memref<2x256xi32, #tpu.memory_space<vmem>>, vector<1x16xi32>,
        %get3A_886 = vector.shape_cast %get3A_885 : vector<1x16xi32> to vector<16xi32>
        %jit3A_887 = arith.constant -1 : i32
        %broadcast_in_dim3A_888 = vector.broadcast %jit3A_887 : i32 to vector<16xi32>
        %select_n3A_889 = arith.select %and3A_870, %get3A_886, %broadcast_in_dim3A_888 : vector<16xi1>, vector<16xi32>
        %swap3A_890 = arith.constant 0 : index
        %swap3A_891 = tpu.vector_load %arg7[%swap3A_890] {strides = array<i32>} : memref<128xi32, #tpu.memory_space<vmem>>, vector<16xi32>,
        %swap3A_892 = vector.shape_cast %swap3A_891 : vector<16xi32> to vector<16xi32>
        %swap3A_893 = vector.shape_cast %select_n3A_889 : vector<16xi32> to vector<16xi32>
        tpu.vector_store %arg7[%swap3A_890], %swap3A_893 {strides = array<i32>} : memref<128xi32, #tpu.memory_space<vmem>>, vector<16xi32>,
        %get3A_894 = arith.constant 1 : i32
        %get3A_895 = arith.index_cast %get3A_894 : i32 to index
        %get3A_896 = arith.constant 16 : index
        %get3A_897 = tpu.vector_load %arg6[%get3A_895, %get3A_896] {strides = array<i32>} : memref<2x256xi32, #tpu.memory_space<vmem>>, vector<1x16xi32>,
        %get3A_898 = vector.shape_cast %get3A_897 : vector<1x16xi32> to vector<16xi32>
        %sub3A_899 = vector.broadcast %mul3A_0 : i32 to vector<16xi32>
        %sub3A_900 = arith.subi %get3A_898, %sub3A_899 : vector<16xi32>
        %ge3A_901 = arith.constant 0 : i32
        %ge3A_902 = vector.broadcast %ge3A_901 : i32 to vector<16xi32>
        %ge3A_903 = arith.cmpi sge, %sub3A_900, %ge3A_902 : vector<16xi32>
        %lt3A_904 = arith.constant 10000 : i32
        %lt3A_905 = vector.broadcast %lt3A_904 : i32 to vector<16xi32>
        %lt3A_906 = arith.cmpi slt, %sub3A_900, %lt3A_905 : vector<16xi32>
        %and3A_907 = arith.andi %ge3A_903, %lt3A_906 : vector<16xi1>
        %jit3A_908 = arith.constant -1 : i32
        %broadcast_in_dim3A_909 = vector.broadcast %jit3A_908 : i32 to vector<16xi32>
        %select_n3A_910 = arith.select %and3A_907, %sub3A_900, %broadcast_in_dim3A_909 : vector<16xi1>, vector<16xi32>
        %swap3A_911 = arith.constant 16 : index
        %swap3A_912 = tpu.vector_load %arg8[%swap3A_911] {strides = array<i32>} : memref<128xi32, #tpu.memory_space<vmem>>, vector<16xi32>,
        %swap3A_913 = vector.shape_cast %swap3A_912 : vector<16xi32> to vector<16xi32>
        %swap3A_914 = vector.shape_cast %select_n3A_910 : vector<16xi32> to vector<16xi32>
        tpu.vector_store %arg8[%swap3A_911], %swap3A_914 {strides = array<i32>} : memref<128xi32, #tpu.memory_space<vmem>>, vector<16xi32>,
        %swap3A_915 = arith.constant 16 : index
        %swap3A_916 = tpu.vector_load %arg11[%swap3A_915] {strides = array<i32>} : memref<256xi32, #tpu.memory_space<vmem>>, vector<16xi32>,
        %swap3A_917 = vector.shape_cast %swap3A_916 : vector<16xi32> to vector<16xi32>
        %swap3A_918 = vector.shape_cast %select_n3A_910 : vector<16xi32> to vector<16xi32>
        tpu.vector_store %arg11[%swap3A_915], %swap3A_918 {strides = array<i32>} : memref<256xi32, #tpu.memory_space<vmem>>, vector<16xi32>,
        %get3A_919 = arith.constant 0 : i32
        %get3A_920 = arith.index_cast %get3A_919 : i32 to index
        %get3A_921 = arith.constant 16 : index
        %get3A_922 = tpu.vector_load %arg6[%get3A_920, %get3A_921] {strides = array<i32>} : memref<2x256xi32, #tpu.memory_space<vmem>>, vector<1x16xi32>,
        %get3A_923 = vector.shape_cast %get3A_922 : vector<1x16xi32> to vector<16xi32>
        %jit3A_924 = arith.constant -1 : i32
        %broadcast_in_dim3A_925 = vector.broadcast %jit3A_924 : i32 to vector<16xi32>
        %select_n3A_926 = arith.select %and3A_907, %get3A_923, %broadcast_in_dim3A_925 : vector<16xi1>, vector<16xi32>
        %swap3A_927 = arith.constant 16 : index
        %swap3A_928 = tpu.vector_load %arg7[%swap3A_927] {strides = array<i32>} : memref<128xi32, #tpu.memory_space<vmem>>, vector<16xi32>,
        %swap3A_929 = vector.shape_cast %swap3A_928 : vector<16xi32> to vector<16xi32>
        %swap3A_930 = vector.shape_cast %select_n3A_926 : vector<16xi32> to vector<16xi32>
        tpu.vector_store %arg7[%swap3A_927], %swap3A_930 {strides = array<i32>} : memref<128xi32, #tpu.memory_space<vmem>>, vector<16xi32>,
        %get3A_931 = arith.constant 1 : i32
        %get3A_932 = arith.index_cast %get3A_931 : i32 to index
        %get3A_933 = arith.constant 32 : index
        %get3A_934 = tpu.vector_load %arg6[%get3A_932, %get3A_933] {strides = array<i32>} : memref<2x256xi32, #tpu.memory_space<vmem>>, vector<1x16xi32>,
        %get3A_935 = vector.shape_cast %get3A_934 : vector<1x16xi32> to vector<16xi32>
        %sub3A_936 = vector.broadcast %mul3A_0 : i32 to vector<16xi32>
        %sub3A_937 = arith.subi %get3A_935, %sub3A_936 : vector<16xi32>
        %ge3A_938 = arith.constant 0 : i32
        %ge3A_939 = vector.broadcast %ge3A_938 : i32 to vector<16xi32>
        %ge3A_940 = arith.cmpi sge, %sub3A_937, %ge3A_939 : vector<16xi32>
        %lt3A_941 = arith.constant 10000 : i32
        %lt3A_942 = vector.broadcast %lt3A_941 : i32 to vector<16xi32>
        %lt3A_943 = arith.cmpi slt, %sub3A_937, %lt3A_942 : vector<16xi32>
        %and3A_944 = arith.andi %ge3A_940, %lt3A_943 : vector<16xi1>
        %jit3A_945 = arith.constant -1 : i32
        %broadcast_in_dim3A_946 = vector.broadcast %jit3A_945 : i32 to vector<16xi32>
        %select_n3A_947 = arith.select %and3A_944, %sub3A_937, %broadcast_in_dim3A_946 : vector<16xi1>, vector<16xi32>
        %swap3A_948 = arith.constant 32 : index
        %swap3A_949 = tpu.vector_load %arg8[%swap3A_948] {strides = array<i32>} : memref<128xi32, #tpu.memory_space<vmem>>, vector<16xi32>,
        %swap3A_950 = vector.shape_cast %swap3A_949 : vector<16xi32> to vector<16xi32>
        %swap3A_951 = vector.shape_cast %select_n3A_947 : vector<16xi32> to vector<16xi32>
        tpu.vector_store %arg8[%swap3A_948], %swap3A_951 {strides = array<i32>} : memref<128xi32, #tpu.memory_space<vmem>>, vector<16xi32>,
        %swap3A_952 = arith.constant 32 : index
        %swap3A_953 = tpu.vector_load %arg11[%swap3A_952] {strides = array<i32>} : memref<256xi32, #tpu.memory_space<vmem>>, vector<16xi32>,
        %swap3A_954 = vector.shape_cast %swap3A_953 : vector<16xi32> to vector<16xi32>
        %swap3A_955 = vector.shape_cast %select_n3A_947 : vector<16xi32> to vector<16xi32>
        tpu.vector_store %arg11[%swap3A_952], %swap3A_955 {strides = array<i32>} : memref<256xi32, #tpu.memory_space<vmem>>, vector<16xi32>,
        %get3A_956 = arith.constant 0 : i32
        %get3A_957 = arith.index_cast %get3A_956 : i32 to index
        %get3A_958 = arith.constant 32 : index
        %get3A_959 = tpu.vector_load %arg6[%get3A_957, %get3A_958] {strides = array<i32>} : memref<2x256xi32, #tpu.memory_space<vmem>>, vector<1x16xi32>,
        %get3A_960 = vector.shape_cast %get3A_959 : vector<1x16xi32> to vector<16xi32>
        %jit3A_961 = arith.constant -1 : i32
        %broadcast_in_dim3A_962 = vector.broadcast %jit3A_961 : i32 to vector<16xi32>
        %select_n3A_963 = arith.select %and3A_944, %get3A_960, %broadcast_in_dim3A_962 : vector<16xi1>, vector<16xi32>
        %swap3A_964 = arith.constant 32 : index
        %swap3A_965 = tpu.vector_load %arg7[%swap3A_964] {strides = array<i32>} : memref<128xi32, #tpu.memory_space<vmem>>, vector<16xi32>,
        %swap3A_966 = vector.shape_cast %swap3A_965 : vector<16xi32> to vector<16xi32>
        %swap3A_967 = vector.shape_cast %select_n3A_963 : vector<16xi32> to vector<16xi32>
        tpu.vector_store %arg7[%swap3A_964], %swap3A_967 {strides = array<i32>} : memref<128xi32, #tpu.memory_space<vmem>>, vector<16xi32>,
        %get3A_968 = arith.constant 1 : i32
        %get3A_969 = arith.index_cast %get3A_968 : i32 to index
        %get3A_970 = arith.constant 48 : index
        %get3A_971 = tpu.vector_load %arg6[%get3A_969, %get3A_970] {strides = array<i32>} : memref<2x256xi32, #tpu.memory_space<vmem>>, vector<1x16xi32>,
        %get3A_972 = vector.shape_cast %get3A_971 : vector<1x16xi32> to vector<16xi32>
        %sub3A_973 = vector.broadcast %mul3A_0 : i32 to vector<16xi32>
        %sub3A_974 = arith.subi %get3A_972, %sub3A_973 : vector<16xi32>
        %ge3A_975 = arith.constant 0 : i32
        %ge3A_976 = vector.broadcast %ge3A_975 : i32 to vector<16xi32>
        %ge3A_977 = arith.cmpi sge, %sub3A_974, %ge3A_976 : vector<16xi32>
        %lt3A_978 = arith.constant 10000 : i32
        %lt3A_979 = vector.broadcast %lt3A_978 : i32 to vector<16xi32>
        %lt3A_980 = arith.cmpi slt, %sub3A_974, %lt3A_979 : vector<16xi32>
        %and3A_981 = arith.andi %ge3A_977, %lt3A_980 : vector<16xi1>
        %jit3A_982 = arith.constant -1 : i32
        %broadcast_in_dim3A_983 = vector.broadcast %jit3A_982 : i32 to vector<16xi32>
        %select_n3A_984 = arith.select %and3A_981, %sub3A_974, %broadcast_in_dim3A_983 : vector<16xi1>, vector<16xi32>
        %swap3A_985 = arith.constant 48 : index
        %swap3A_986 = tpu.vector_load %arg8[%swap3A_985] {strides = array<i32>} : memref<128xi32, #tpu.memory_space<vmem>>, vector<16xi32>,
        %swap3A_987 = vector.shape_cast %swap3A_986 : vector<16xi32> to vector<16xi32>
        %swap3A_988 = vector.shape_cast %select_n3A_984 : vector<16xi32> to vector<16xi32>
        tpu.vector_store %arg8[%swap3A_985], %swap3A_988 {strides = array<i32>} : memref<128xi32, #tpu.memory_space<vmem>>, vector<16xi32>,
        %swap3A_989 = arith.constant 48 : index
        %swap3A_990 = tpu.vector_load %arg11[%swap3A_989] {strides = array<i32>} : memref<256xi32, #tpu.memory_space<vmem>>, vector<16xi32>,
        %swap3A_991 = vector.shape_cast %swap3A_990 : vector<16xi32> to vector<16xi32>
        %swap3A_992 = vector.shape_cast %select_n3A_984 : vector<16xi32> to vector<16xi32>
        tpu.vector_store %arg11[%swap3A_989], %swap3A_992 {strides = array<i32>} : memref<256xi32, #tpu.memory_space<vmem>>, vector<16xi32>,
        %get3A_993 = arith.constant 0 : i32
        %get3A_994 = arith.index_cast %get3A_993 : i32 to index
        %get3A_995 = arith.constant 48 : index
        %get3A_996 = tpu.vector_load %arg6[%get3A_994, %get3A_995] {strides = array<i32>} : memref<2x256xi32, #tpu.memory_space<vmem>>, vector<1x16xi32>,
        %get3A_997 = vector.shape_cast %get3A_996 : vector<1x16xi32> to vector<16xi32>
        %jit3A_998 = arith.constant -1 : i32
        %broadcast_in_dim3A_999 = vector.broadcast %jit3A_998 : i32 to vector<16xi32>
        %select_n3A_1000 = arith.select %and3A_981, %get3A_997, %broadcast_in_dim3A_999 : vector<16xi1>, vector<16xi32>
        %swap3A_1001 = arith.constant 48 : index
        %swap3A_1002 = tpu.vector_load %arg7[%swap3A_1001] {strides = array<i32>} : memref<128xi32, #tpu.memory_space<vmem>>, vector<16xi32>,
        %swap3A_1003 = vector.shape_cast %swap3A_1002 : vector<16xi32> to vector<16xi32>
        %swap3A_1004 = vector.shape_cast %select_n3A_1000 : vector<16xi32> to vector<16xi32>
        tpu.vector_store %arg7[%swap3A_1001], %swap3A_1004 {strides = array<i32>} : memref<128xi32, #tpu.memory_space<vmem>>, vector<16xi32>,
        %get3A_1005 = arith.constant 1 : i32
        %get3A_1006 = arith.index_cast %get3A_1005 : i32 to index
        %get3A_1007 = arith.constant 64 : index
        %get3A_1008 = tpu.vector_load %arg6[%get3A_1006, %get3A_1007] {strides = array<i32>} : memref<2x256xi32, #tpu.memory_space<vmem>>, vector<1x16xi32>,
        %get3A_1009 = vector.shape_cast %get3A_1008 : vector<1x16xi32> to vector<16xi32>
        %sub3A_1010 = vector.broadcast %mul3A_0 : i32 to vector<16xi32>
        %sub3A_1011 = arith.subi %get3A_1009, %sub3A_1010 : vector<16xi32>
        %ge3A_1012 = arith.constant 0 : i32
        %ge3A_1013 = vector.broadcast %ge3A_1012 : i32 to vector<16xi32>
        %ge3A_1014 = arith.cmpi sge, %sub3A_1011, %ge3A_1013 : vector<16xi32>
        %lt3A_1015 = arith.constant 10000 : i32
        %lt3A_1016 = vector.broadcast %lt3A_1015 : i32 to vector<16xi32>
        %lt3A_1017 = arith.cmpi slt, %sub3A_1011, %lt3A_1016 : vector<16xi32>
        %and3A_1018 = arith.andi %ge3A_1014, %lt3A_1017 : vector<16xi1>
        %jit3A_1019 = arith.constant -1 : i32
        %broadcast_in_dim3A_1020 = vector.broadcast %jit3A_1019 : i32 to vector<16xi32>
        %select_n3A_1021 = arith.select %and3A_1018, %sub3A_1011, %broadcast_in_dim3A_1020 : vector<16xi1>, vector<16xi32>
        %swap3A_1022 = arith.constant 64 : index
        %swap3A_1023 = tpu.vector_load %arg8[%swap3A_1022] {strides = array<i32>} : memref<128xi32, #tpu.memory_space<vmem>>, vector<16xi32>,
        %swap3A_1024 = vector.shape_cast %swap3A_1023 : vector<16xi32> to vector<16xi32>
        %swap3A_1025 = vector.shape_cast %select_n3A_1021 : vector<16xi32> to vector<16xi32>
        tpu.vector_store %arg8[%swap3A_1022], %swap3A_1025 {strides = array<i32>} : memref<128xi32, #tpu.memory_space<vmem>>, vector<16xi32>,
        %swap3A_1026 = arith.constant 64 : index
        %swap3A_1027 = tpu.vector_load %arg11[%swap3A_1026] {strides = array<i32>} : memref<256xi32, #tpu.memory_space<vmem>>, vector<16xi32>,
        %swap3A_1028 = vector.shape_cast %swap3A_1027 : vector<16xi32> to vector<16xi32>
        %swap3A_1029 = vector.shape_cast %select_n3A_1021 : vector<16xi32> to vector<16xi32>
        tpu.vector_store %arg11[%swap3A_1026], %swap3A_1029 {strides = array<i32>} : memref<256xi32, #tpu.memory_space<vmem>>, vector<16xi32>,
        %get3A_1030 = arith.constant 0 : i32
        %get3A_1031 = arith.index_cast %get3A_1030 : i32 to index
        %get3A_1032 = arith.constant 64 : index
        %get3A_1033 = tpu.vector_load %arg6[%get3A_1031, %get3A_1032] {strides = array<i32>} : memref<2x256xi32, #tpu.memory_space<vmem>>, vector<1x16xi32>,
        %get3A_1034 = vector.shape_cast %get3A_1033 : vector<1x16xi32> to vector<16xi32>
        %jit3A_1035 = arith.constant -1 : i32
        %broadcast_in_dim3A_1036 = vector.broadcast %jit3A_1035 : i32 to vector<16xi32>
        %select_n3A_1037 = arith.select %and3A_1018, %get3A_1034, %broadcast_in_dim3A_1036 : vector<16xi1>, vector<16xi32>
        %swap3A_1038 = arith.constant 64 : index
        %swap3A_1039 = tpu.vector_load %arg7[%swap3A_1038] {strides = array<i32>} : memref<128xi32, #tpu.memory_space<vmem>>, vector<16xi32>,
        %swap3A_1040 = vector.shape_cast %swap3A_1039 : vector<16xi32> to vector<16xi32>
        %swap3A_1041 = vector.shape_cast %select_n3A_1037 : vector<16xi32> to vector<16xi32>
        tpu.vector_store %arg7[%swap3A_1038], %swap3A_1041 {strides = array<i32>} : memref<128xi32, #tpu.memory_space<vmem>>, vector<16xi32>,
        %get3A_1042 = arith.constant 1 : i32
        %get3A_1043 = arith.index_cast %get3A_1042 : i32 to index
        %get3A_1044 = arith.constant 80 : index
        %get3A_1045 = tpu.vector_load %arg6[%get3A_1043, %get3A_1044] {strides = array<i32>} : memref<2x256xi32, #tpu.memory_space<vmem>>, vector<1x16xi32>,
        %get3A_1046 = vector.shape_cast %get3A_1045 : vector<1x16xi32> to vector<16xi32>
        %sub3A_1047 = vector.broadcast %mul3A_0 : i32 to vector<16xi32>
        %sub3A_1048 = arith.subi %get3A_1046, %sub3A_1047 : vector<16xi32>
        %ge3A_1049 = arith.constant 0 : i32
        %ge3A_1050 = vector.broadcast %ge3A_1049 : i32 to vector<16xi32>
        %ge3A_1051 = arith.cmpi sge, %sub3A_1048, %ge3A_1050 : vector<16xi32>
        %lt3A_1052 = arith.constant 10000 : i32
        %lt3A_1053 = vector.broadcast %lt3A_1052 : i32 to vector<16xi32>
        %lt3A_1054 = arith.cmpi slt, %sub3A_1048, %lt3A_1053 : vector<16xi32>
        %and3A_1055 = arith.andi %ge3A_1051, %lt3A_1054 : vector<16xi1>
        %jit3A_1056 = arith.constant -1 : i32
        %broadcast_in_dim3A_1057 = vector.broadcast %jit3A_1056 : i32 to vector<16xi32>
        %select_n3A_1058 = arith.select %and3A_1055, %sub3A_1048, %broadcast_in_dim3A_1057 : vector<16xi1>, vector<16xi32>
        %swap3A_1059 = arith.constant 80 : index
        %swap3A_1060 = tpu.vector_load %arg8[%swap3A_1059] {strides = array<i32>} : memref<128xi32, #tpu.memory_space<vmem>>, vector<16xi32>,
        %swap3A_1061 = vector.shape_cast %swap3A_1060 : vector<16xi32> to vector<16xi32>
        %swap3A_1062 = vector.shape_cast %select_n3A_1058 : vector<16xi32> to vector<16xi32>
        tpu.vector_store %arg8[%swap3A_1059], %swap3A_1062 {strides = array<i32>} : memref<128xi32, #tpu.memory_space<vmem>>, vector<16xi32>,
        %swap3A_1063 = arith.constant 80 : index
        %swap3A_1064 = tpu.vector_load %arg11[%swap3A_1063] {strides = array<i32>} : memref<256xi32, #tpu.memory_space<vmem>>, vector<16xi32>,
        %swap3A_1065 = vector.shape_cast %swap3A_1064 : vector<16xi32> to vector<16xi32>
        %swap3A_1066 = vector.shape_cast %select_n3A_1058 : vector<16xi32> to vector<16xi32>
        tpu.vector_store %arg11[%swap3A_1063], %swap3A_1066 {strides = array<i32>} : memref<256xi32, #tpu.memory_space<vmem>>, vector<16xi32>,
        %get3A_1067 = arith.constant 0 : i32
        %get3A_1068 = arith.index_cast %get3A_1067 : i32 to index
        %get3A_1069 = arith.constant 80 : index
        %get3A_1070 = tpu.vector_load %arg6[%get3A_1068, %get3A_1069] {strides = array<i32>} : memref<2x256xi32, #tpu.memory_space<vmem>>, vector<1x16xi32>,
        %get3A_1071 = vector.shape_cast %get3A_1070 : vector<1x16xi32> to vector<16xi32>
        %jit3A_1072 = arith.constant -1 : i32
        %broadcast_in_dim3A_1073 = vector.broadcast %jit3A_1072 : i32 to vector<16xi32>
        %select_n3A_1074 = arith.select %and3A_1055, %get3A_1071, %broadcast_in_dim3A_1073 : vector<16xi1>, vector<16xi32>
        %swap3A_1075 = arith.constant 80 : index
        %swap3A_1076 = tpu.vector_load %arg7[%swap3A_1075] {strides = array<i32>} : memref<128xi32, #tpu.memory_space<vmem>>, vector<16xi32>,
        %swap3A_1077 = vector.shape_cast %swap3A_1076 : vector<16xi32> to vector<16xi32>
        %swap3A_1078 = vector.shape_cast %select_n3A_1074 : vector<16xi32> to vector<16xi32>
        tpu.vector_store %arg7[%swap3A_1075], %swap3A_1078 {strides = array<i32>} : memref<128xi32, #tpu.memory_space<vmem>>, vector<16xi32>,
        %get3A_1079 = arith.constant 1 : i32
        %get3A_1080 = arith.index_cast %get3A_1079 : i32 to index
        %get3A_1081 = arith.constant 96 : index
        %get3A_1082 = tpu.vector_load %arg6[%get3A_1080, %get3A_1081] {strides = array<i32>} : memref<2x256xi32, #tpu.memory_space<vmem>>, vector<1x16xi32>,
        %get3A_1083 = vector.shape_cast %get3A_1082 : vector<1x16xi32> to vector<16xi32>
        %sub3A_1084 = vector.broadcast %mul3A_0 : i32 to vector<16xi32>
        %sub3A_1085 = arith.subi %get3A_1083, %sub3A_1084 : vector<16xi32>
        %ge3A_1086 = arith.constant 0 : i32
        %ge3A_1087 = vector.broadcast %ge3A_1086 : i32 to vector<16xi32>
        %ge3A_1088 = arith.cmpi sge, %sub3A_1085, %ge3A_1087 : vector<16xi32>
        %lt3A_1089 = arith.constant 10000 : i32
        %lt3A_1090 = vector.broadcast %lt3A_1089 : i32 to vector<16xi32>
        %lt3A_1091 = arith.cmpi slt, %sub3A_1085, %lt3A_1090 : vector<16xi32>
        %and3A_1092 = arith.andi %ge3A_1088, %lt3A_1091 : vector<16xi1>
        %jit3A_1093 = arith.constant -1 : i32
        %broadcast_in_dim3A_1094 = vector.broadcast %jit3A_1093 : i32 to vector<16xi32>
        %select_n3A_1095 = arith.select %and3A_1092, %sub3A_1085, %broadcast_in_dim3A_1094 : vector<16xi1>, vector<16xi32>
        %swap3A_1096 = arith.constant 96 : index
        %swap3A_1097 = tpu.vector_load %arg8[%swap3A_1096] {strides = array<i32>} : memref<128xi32, #tpu.memory_space<vmem>>, vector<16xi32>,
        %swap3A_1098 = vector.shape_cast %swap3A_1097 : vector<16xi32> to vector<16xi32>
        %swap3A_1099 = vector.shape_cast %select_n3A_1095 : vector<16xi32> to vector<16xi32>
        tpu.vector_store %arg8[%swap3A_1096], %swap3A_1099 {strides = array<i32>} : memref<128xi32, #tpu.memory_space<vmem>>, vector<16xi32>,
        %swap3A_1100 = arith.constant 96 : index
        %swap3A_1101 = tpu.vector_load %arg11[%swap3A_1100] {strides = array<i32>} : memref<256xi32, #tpu.memory_space<vmem>>, vector<16xi32>,
        %swap3A_1102 = vector.shape_cast %swap3A_1101 : vector<16xi32> to vector<16xi32>
        %swap3A_1103 = vector.shape_cast %select_n3A_1095 : vector<16xi32> to vector<16xi32>
        tpu.vector_store %arg11[%swap3A_1100], %swap3A_1103 {strides = array<i32>} : memref<256xi32, #tpu.memory_space<vmem>>, vector<16xi32>,
        %get3A_1104 = arith.constant 0 : i32
        %get3A_1105 = arith.index_cast %get3A_1104 : i32 to index
        %get3A_1106 = arith.constant 96 : index
        %get3A_1107 = tpu.vector_load %arg6[%get3A_1105, %get3A_1106] {strides = array<i32>} : memref<2x256xi32, #tpu.memory_space<vmem>>, vector<1x16xi32>,
        %get3A_1108 = vector.shape_cast %get3A_1107 : vector<1x16xi32> to vector<16xi32>
        %jit3A_1109 = arith.constant -1 : i32
        %broadcast_in_dim3A_1110 = vector.broadcast %jit3A_1109 : i32 to vector<16xi32>
        %select_n3A_1111 = arith.select %and3A_1092, %get3A_1108, %broadcast_in_dim3A_1110 : vector<16xi1>, vector<16xi32>
        %swap3A_1112 = arith.constant 96 : index
        %swap3A_1113 = tpu.vector_load %arg7[%swap3A_1112] {strides = array<i32>} : memref<128xi32, #tpu.memory_space<vmem>>, vector<16xi32>,
        %swap3A_1114 = vector.shape_cast %swap3A_1113 : vector<16xi32> to vector<16xi32>
        %swap3A_1115 = vector.shape_cast %select_n3A_1111 : vector<16xi32> to vector<16xi32>
        tpu.vector_store %arg7[%swap3A_1112], %swap3A_1115 {strides = array<i32>} : memref<128xi32, #tpu.memory_space<vmem>>, vector<16xi32>,
        %get3A_1116 = arith.constant 1 : i32
        %get3A_1117 = arith.index_cast %get3A_1116 : i32 to index
        %get3A_1118 = arith.constant 112 : index
        %get3A_1119 = tpu.vector_load %arg6[%get3A_1117, %get3A_1118] {strides = array<i32>} : memref<2x256xi32, #tpu.memory_space<vmem>>, vector<1x16xi32>,
        %get3A_1120 = vector.shape_cast %get3A_1119 : vector<1x16xi32> to vector<16xi32>
        %sub3A_1121 = vector.broadcast %mul3A_0 : i32 to vector<16xi32>
        %sub3A_1122 = arith.subi %get3A_1120, %sub3A_1121 : vector<16xi32>
        %ge3A_1123 = arith.constant 0 : i32
        %ge3A_1124 = vector.broadcast %ge3A_1123 : i32 to vector<16xi32>
        %ge3A_1125 = arith.cmpi sge, %sub3A_1122, %ge3A_1124 : vector<16xi32>
        %lt3A_1126 = arith.constant 10000 : i32
        %lt3A_1127 = vector.broadcast %lt3A_1126 : i32 to vector<16xi32>
        %lt3A_1128 = arith.cmpi slt, %sub3A_1122, %lt3A_1127 : vector<16xi32>
        %and3A_1129 = arith.andi %ge3A_1125, %lt3A_1128 : vector<16xi1>
        %jit3A_1130 = arith.constant -1 : i32
        %broadcast_in_dim3A_1131 = vector.broadcast %jit3A_1130 : i32 to vector<16xi32>
        %select_n3A_1132 = arith.select %and3A_1129, %sub3A_1122, %broadcast_in_dim3A_1131 : vector<16xi1>, vector<16xi32>
        %swap3A_1133 = arith.constant 112 : index
        %swap3A_1134 = tpu.vector_load %arg8[%swap3A_1133] {strides = array<i32>} : memref<128xi32, #tpu.memory_space<vmem>>, vector<16xi32>,
        %swap3A_1135 = vector.shape_cast %swap3A_1134 : vector<16xi32> to vector<16xi32>
        %swap3A_1136 = vector.shape_cast %select_n3A_1132 : vector<16xi32> to vector<16xi32>
        tpu.vector_store %arg8[%swap3A_1133], %swap3A_1136 {strides = array<i32>} : memref<128xi32, #tpu.memory_space<vmem>>, vector<16xi32>,
        %swap3A_1137 = arith.constant 112 : index
        %swap3A_1138 = tpu.vector_load %arg11[%swap3A_1137] {strides = array<i32>} : memref<256xi32, #tpu.memory_space<vmem>>, vector<16xi32>,
        %swap3A_1139 = vector.shape_cast %swap3A_1138 : vector<16xi32> to vector<16xi32>
        %swap3A_1140 = vector.shape_cast %select_n3A_1132 : vector<16xi32> to vector<16xi32>
        tpu.vector_store %arg11[%swap3A_1137], %swap3A_1140 {strides = array<i32>} : memref<256xi32, #tpu.memory_space<vmem>>, vector<16xi32>,
        %get3A_1141 = arith.constant 0 : i32
        %get3A_1142 = arith.index_cast %get3A_1141 : i32 to index
        %get3A_1143 = arith.constant 112 : index
        %get3A_1144 = tpu.vector_load %arg6[%get3A_1142, %get3A_1143] {strides = array<i32>} : memref<2x256xi32, #tpu.memory_space<vmem>>, vector<1x16xi32>,
        %get3A_1145 = vector.shape_cast %get3A_1144 : vector<1x16xi32> to vector<16xi32>
        %jit3A_1146 = arith.constant -1 : i32
        %broadcast_in_dim3A_1147 = vector.broadcast %jit3A_1146 : i32 to vector<16xi32>
        %select_n3A_1148 = arith.select %and3A_1129, %get3A_1145, %broadcast_in_dim3A_1147 : vector<16xi1>, vector<16xi32>
        %swap3A_1149 = arith.constant 112 : index
        %swap3A_1150 = tpu.vector_load %arg7[%swap3A_1149] {strides = array<i32>} : memref<128xi32, #tpu.memory_space<vmem>>, vector<16xi32>,
        %swap3A_1151 = vector.shape_cast %swap3A_1150 : vector<16xi32> to vector<16xi32>
        %swap3A_1152 = vector.shape_cast %select_n3A_1148 : vector<16xi32> to vector<16xi32>
        tpu.vector_store %arg7[%swap3A_1149], %swap3A_1152 {strides = array<i32>} : memref<128xi32, #tpu.memory_space<vmem>>, vector<16xi32>,
        %dma_start3A_1153 = arith.constant 0 : i32
        %dma_start3A_1154 = arith.constant 0 : i32
        %dma_start3A_1155 = tpu.memref_slice %arg2[%dma_start3A_1153, %dma_start3A_1154] : memref<100000x128xf32, #tpu.memory_space<hbm>> -> memref<100000x128xf32, #tpu.memory_space<hbm>>
        %dma_start3A_1156 = arith.constant -1 : i32
        tpu.enqueue_indirect_dma source(%dma_start3A_1155 : memref<100000x128xf32, #tpu.memory_space<hbm>>) target(%arg12 : memref<128x128xf32, #tpu.memory_space<vmem>>) offsets(%arg7 : memref<128xi32, #tpu.memory_space<vmem>>) offset_filter(%dma_start3A_1156) semaphore(%arg20 : memref<!tpu.dma_semaphore, #tpu.memory_space<semaphore_mem>>)
      } else {
      }
      %dma_wait3A_845 = arith.constant 0 : i32
      %dma_wait3A_846 = arith.constant 0 : i32
      %dma_wait3A_847 = tpu.memref_slice %arg2[%dma_wait3A_845, %dma_wait3A_846] : memref<100000x128xf32, #tpu.memory_space<hbm>> -> memref<100000x128xf32, #tpu.memory_space<hbm>>
      tpu.wait_indirect_dma semaphore(%arg21 : memref<!tpu.dma_semaphore, #tpu.memory_space<semaphore_mem>>) src(%dma_wait3A_847 : memref<100000x128xf32, #tpu.memory_space<hbm>>) dst(%arg13 : memref<128x128xf32, #tpu.memory_space<vmem>>)
      %dma_start3A_848 = arith.constant 0 : i32
      %dma_start3A_849 = arith.constant 0 : i32
      %dma_start3A_850 = tpu.memref_slice %arg18[%dma_start3A_848, %dma_start3A_849] : memref<10000x128xf32, #tpu.memory_space<vmem_shared>> -> memref<10000x128xf32, #tpu.memory_space<vmem_shared>>
      %dma_start3A_851 = arith.constant -1 : i32
      tpu.enqueue_indirect_dma source(%arg13 : memref<128x128xf32, #tpu.memory_space<vmem>>) target(%dma_start3A_850 : memref<10000x128xf32, #tpu.memory_space<vmem_shared>>) offsets(%arg10 : memref<128xi32, #tpu.memory_space<vmem>>) offset_filter(%dma_start3A_851) semaphore(%arg23 : memref<!tpu.dma_semaphore, #tpu.memory_space<semaphore_mem>>) {add = true}
    }
    %dma_wait3A = arith.constant 0 : i32
    %dma_wait3A_809 = arith.constant 0 : i32
    %dma_wait3A_810 = tpu.memref_slice %arg18[%dma_wait3A, %dma_wait3A_809] : memref<10000x128xf32, #tpu.memory_space<vmem_shared>> -> memref<10000x128xf32, #tpu.memory_space<vmem_shared>>
    tpu.wait_indirect_dma semaphore(%arg23 : memref<!tpu.dma_semaphore, #tpu.memory_space<semaphore_mem>>) src(%arg13 : memref<128x128xf32, #tpu.memory_space<vmem>>) dst(%dma_wait3A_810 : memref<10000x128xf32, #tpu.memory_space<vmem_shared>>)
    %barrier3A_811 = arith.constant 0 : index
    tpu.barrier barrier_id(%barrier3A_811)
    %mul3A_812 = arith.constant 624 : i32
    %mul3A_813 = arith.muli %arg1, %mul3A_812 : i32
    %multiple_of3A_814 = tpu.assume_multiple %mul3A_813, 8 : i32
    %add3A_815 = arith.addi %mul3A_0, %multiple_of3A_814 : i32
    %multiple_of3A_816 = tpu.assume_multiple %add3A_815, 8 : i32
    "tpu.region"() ({
      %run_scoped3A = tpu.sem_alloc : memref<!tpu.dma_semaphore, #tpu.memory_space<semaphore_mem>>
      %dma_start3A_819 = arith.constant 0 : i32
      %dma_start3A_820 = tpu.memref_slice %arg4[%multiple_of3A_816, %dma_start3A_819] : memref<20000x128xf32, #tpu.memory_space<hbm>> -> memref<624x128xf32, #tpu.memory_space<hbm>>
      %dma_start3A_821 = arith.constant 0 : i32
      %dma_start3A_822 = tpu.memref_slice %arg18[%multiple_of3A_814, %dma_start3A_821] : memref<10000x128xf32, #tpu.memory_space<vmem_shared>> -> memref<624x128xf32, #tpu.memory_space<vmem_shared>>
      tpu.enqueue_dma source(%dma_start3A_822 : memref<624x128xf32, #tpu.memory_space<vmem_shared>>) target(%dma_start3A_820 : memref<624x128xf32, #tpu.memory_space<hbm>>) target_semaphore(%run_scoped3A : memref<!tpu.dma_semaphore, #tpu.memory_space<semaphore_mem>>)
      %dma_wait3A_823 = arith.constant 0 : i32
      %dma_wait3A_824 = tpu.memref_slice %arg4[%multiple_of3A_816, %dma_wait3A_823] : memref<20000x128xf32, #tpu.memory_space<hbm>> -> memref<624x128xf32, #tpu.memory_space<hbm>>
      %dma_wait3A_825 = arith.constant 0 : i32
      %dma_wait3A_826 = tpu.memref_slice %arg18[%multiple_of3A_814, %dma_wait3A_825] : memref<10000x128xf32, #tpu.memory_space<vmem_shared>> -> memref<624x128xf32, #tpu.memory_space<vmem_shared>>
      tpu.wait_dma2 semaphore(%run_scoped3A : memref<!tpu.dma_semaphore, #tpu.memory_space<semaphore_mem>>) src(%dma_wait3A_826 : memref<624x128xf32, #tpu.memory_space<vmem_shared>>) dst(%dma_wait3A_824 : memref<624x128xf32, #tpu.memory_space<hbm>>)
      tpu.yield
    }) : () -> ()
    "tpu.region"() ({
      %run_scoped3A = tpu.sem_alloc : memref<!tpu.dma_semaphore, #tpu.memory_space<semaphore_mem>>
      %dma_start3A_819 = tpu.memref_slice %arg19[%multiple_of3A_814] : memref<10000xf32, #tpu.memory_space<vmem_shared>> -> memref<624xf32, #tpu.memory_space<vmem_shared>>
      %dma_start3A_820 = tpu.memref_slice %arg19[%multiple_of3A_814] : memref<10000xf32, #tpu.memory_space<vmem_shared>> -> memref<624xf32, #tpu.memory_space<vmem_shared>>
      tpu.enqueue_dma source(%dma_start3A_820 : memref<624xf32, #tpu.memory_space<vmem_shared>>) target(%arg17 : memref<624xf32, #tpu.memory_space<vmem>>) target_semaphore(%run_scoped3A : memref<!tpu.dma_semaphore, #tpu.memory_space<semaphore_mem>>)
      %dma_wait3A_821 = tpu.memref_slice %arg19[%multiple_of3A_814] : memref<10000xf32, #tpu.memory_space<vmem_shared>> -> memref<624xf32, #tpu.memory_space<vmem_shared>>
      %dma_wait3A_822 = tpu.memref_slice %arg19[%multiple_of3A_814] : memref<10000xf32, #tpu.memory_space<vmem_shared>> -> memref<624xf32, #tpu.memory_space<vmem_shared>>
      tpu.wait_dma2 semaphore(%run_scoped3A : memref<!tpu.dma_semaphore, #tpu.memory_space<semaphore_mem>>) src(%dma_wait3A_822 : memref<624xf32, #tpu.memory_space<vmem_shared>>) dst(%arg17 : memref<624xf32, #tpu.memory_space<vmem>>)
      tpu.yield
    }) : () -> ()
    "tpu.region"() ({
      %run_scoped3A = tpu.sem_alloc : memref<!tpu.dma_semaphore, #tpu.memory_space<semaphore_mem>>
      %dma_start3A_819 = tpu.memref_slice %arg5[%multiple_of3A_816] : memref<20000xf32, #tpu.memory_space<hbm>> -> memref<624xf32, #tpu.memory_space<hbm>>
      %dma_start3A_820 = tpu.memref_slice %arg5[%multiple_of3A_816] : memref<20000xf32, #tpu.memory_space<hbm>> -> memref<624xf32, #tpu.memory_space<hbm>>
      tpu.enqueue_dma source(%arg17 : memref<624xf32, #tpu.memory_space<vmem>>) target(%dma_start3A_820 : memref<624xf32, #tpu.memory_space<hbm>>) target_semaphore(%run_scoped3A : memref<!tpu.dma_semaphore, #tpu.memory_space<semaphore_mem>>)
      %dma_wait3A_821 = tpu.memref_slice %arg5[%multiple_of3A_816] : memref<20000xf32, #tpu.memory_space<hbm>> -> memref<624xf32, #tpu.memory_space<hbm>>
      %dma_wait3A_822 = tpu.memref_slice %arg5[%multiple_of3A_816] : memref<20000xf32, #tpu.memory_space<hbm>> -> memref<624xf32, #tpu.memory_space<hbm>>
      tpu.wait_dma2 semaphore(%run_scoped3A : memref<!tpu.dma_semaphore, #tpu.memory_space<semaphore_mem>>) src(%arg17 : memref<624xf32, #tpu.memory_space<vmem>>) dst(%dma_wait3A_822 : memref<624xf32, #tpu.memory_space<hbm>>)
      tpu.yield
    }) : () -> ()
    %eq3A = arith.constant 0 : i32
    %eq3A_817 = arith.cmpi eq, %arg1, %eq3A : i32
    %convert_element_type3A = arith.extui %eq3A_817 : i1 to i32
    %cond3A = arith.constant 0 : i32
    %cond3A_818 = arith.cmpi ne, %convert_element_type3A, %cond3A : i32
    scf.if %cond3A_818 {
      %multiple_of3A_819 = arith.constant 9984 : i32
      %multiple_of3A_820 = tpu.assume_multiple %multiple_of3A_819, 8 : i32
      %add3A_821 = arith.addi %mul3A_0, %multiple_of3A_820 : i32
      %multiple_of3A_822 = tpu.assume_multiple %add3A_821, 8 : i32
      "tpu.region"() ({
        %run_scoped3A = tpu.sem_alloc : memref<!tpu.dma_semaphore, #tpu.memory_space<semaphore_mem>>
        %dma_start3A_823 = arith.constant 0 : i32
        %dma_start3A_824 = tpu.memref_slice %arg4[%multiple_of3A_822, %dma_start3A_823] : memref<20000x128xf32, #tpu.memory_space<hbm>> -> memref<16x128xf32, #tpu.memory_space<hbm>>
        %dma_start3A_825 = arith.constant 0 : i32
        %dma_start3A_826 = tpu.memref_slice %arg18[%multiple_of3A_820, %dma_start3A_825] : memref<10000x128xf32, #tpu.memory_space<vmem_shared>> -> memref<16x128xf32, #tpu.memory_space<vmem_shared>>
        tpu.enqueue_dma source(%dma_start3A_826 : memref<16x128xf32, #tpu.memory_space<vmem_shared>>) target(%dma_start3A_824 : memref<16x128xf32, #tpu.memory_space<hbm>>) target_semaphore(%run_scoped3A : memref<!tpu.dma_semaphore, #tpu.memory_space<semaphore_mem>>)
        %dma_wait3A_827 = arith.constant 0 : i32
        %dma_wait3A_828 = tpu.memref_slice %arg4[%multiple_of3A_822, %dma_wait3A_827] : memref<20000x128xf32, #tpu.memory_space<hbm>> -> memref<16x128xf32, #tpu.memory_space<hbm>>
        %dma_wait3A_829 = arith.constant 0 : i32
        %dma_wait3A_830 = tpu.memref_slice %arg18[%multiple_of3A_820, %dma_wait3A_829] : memref<10000x128xf32, #tpu.memory_space<vmem_shared>> -> memref<16x128xf32, #tpu.memory_space<vmem_shared>>
        tpu.wait_dma2 semaphore(%run_scoped3A : memref<!tpu.dma_semaphore, #tpu.memory_space<semaphore_mem>>) src(%dma_wait3A_830 : memref<16x128xf32, #tpu.memory_space<vmem_shared>>) dst(%dma_wait3A_828 : memref<16x128xf32, #tpu.memory_space<hbm>>)
        tpu.yield
      }) : () -> ()
      "tpu.region"() ({
        %run_scoped3A = tpu.sem_alloc : memref<!tpu.dma_semaphore, #tpu.memory_space<semaphore_mem>>
        %dma_start3A_823 = arith.constant 0 : i32
        %dma_start3A_824 = tpu.memref_slice %arg17[%dma_start3A_823] : memref<624xf32, #tpu.memory_space<vmem>> -> memref<16xf32, #tpu.memory_space<vmem>>
        %dma_start3A_825 = tpu.memref_slice %arg19[%multiple_of3A_820] : memref<10000xf32, #tpu.memory_space<vmem_shared>> -> memref<16xf32, #tpu.memory_space<vmem_shared>>
        %dma_start3A_826 = arith.constant 0 : i32
        %dma_start3A_827 = tpu.memref_slice %arg17[%dma_start3A_826] : memref<624xf32, #tpu.memory_space<vmem>> -> memref<16xf32, #tpu.memory_space<vmem>>
        %dma_start3A_828 = tpu.memref_slice %arg19[%multiple_of3A_820] : memref<10000xf32, #tpu.memory_space<vmem_shared>> -> memref<16xf32, #tpu.memory_space<vmem_shared>>
        tpu.enqueue_dma source(%dma_start3A_828 : memref<16xf32, #tpu.memory_space<vmem_shared>>) target(%dma_start3A_827 : memref<16xf32, #tpu.memory_space<vmem>>) target_semaphore(%run_scoped3A : memref<!tpu.dma_semaphore, #tpu.memory_space<semaphore_mem>>)
        %dma_wait3A_829 = arith.constant 0 : i32
        %dma_wait3A_830 = tpu.memref_slice %arg17[%dma_wait3A_829] : memref<624xf32, #tpu.memory_space<vmem>> -> memref<16xf32, #tpu.memory_space<vmem>>
        %dma_wait3A_831 = tpu.memref_slice %arg19[%multiple_of3A_820] : memref<10000xf32, #tpu.memory_space<vmem_shared>> -> memref<16xf32, #tpu.memory_space<vmem_shared>>
        %dma_wait3A_832 = arith.constant 0 : i32
        %dma_wait3A_833 = tpu.memref_slice %arg17[%dma_wait3A_832] : memref<624xf32, #tpu.memory_space<vmem>> -> memref<16xf32, #tpu.memory_space<vmem>>
        %dma_wait3A_834 = tpu.memref_slice %arg19[%multiple_of3A_820] : memref<10000xf32, #tpu.memory_space<vmem_shared>> -> memref<16xf32, #tpu.memory_space<vmem_shared>>
        tpu.wait_dma2 semaphore(%run_scoped3A : memref<!tpu.dma_semaphore, #tpu.memory_space<semaphore_mem>>) src(%dma_wait3A_834 : memref<16xf32, #tpu.memory_space<vmem_shared>>) dst(%dma_wait3A_833 : memref<16xf32, #tpu.memory_space<vmem>>)
        tpu.yield
      }) : () -> ()
      "tpu.region"() ({
        %run_scoped3A = tpu.sem_alloc : memref<!tpu.dma_semaphore, #tpu.memory_space<semaphore_mem>>
        %dma_start3A_823 = arith.constant 0 : i32
        %dma_start3A_824 = tpu.memref_slice %arg17[%dma_start3A_823] : memref<624xf32, #tpu.memory_space<vmem>> -> memref<16xf32, #tpu.memory_space<vmem>>
        %dma_start3A_825 = tpu.memref_slice %arg5[%multiple_of3A_822] : memref<20000xf32, #tpu.memory_space<hbm>> -> memref<16xf32, #tpu.memory_space<hbm>>
        %dma_start3A_826 = tpu.memref_slice %arg5[%multiple_of3A_822] : memref<20000xf32, #tpu.memory_space<hbm>> -> memref<16xf32, #tpu.memory_space<hbm>>
        %dma_start3A_827 = arith.constant 0 : i32
        %dma_start3A_828 = tpu.memref_slice %arg17[%dma_start3A_827] : memref<624xf32, #tpu.memory_space<vmem>> -> memref<16xf32, #tpu.memory_space<vmem>>
        tpu.enqueue_dma source(%dma_start3A_828 : memref<16xf32, #tpu.memory_space<vmem>>) target(%dma_start3A_826 : memref<16xf32, #tpu.memory_space<hbm>>) target_semaphore(%run_scoped3A : memref<!tpu.dma_semaphore, #tpu.memory_space<semaphore_mem>>)
        %dma_wait3A_829 = arith.constant 0 : i32
        %dma_wait3A_830 = tpu.memref_slice %arg17[%dma_wait3A_829] : memref<624xf32, #tpu.memory_space<vmem>> -> memref<16xf32, #tpu.memory_space<vmem>>
        %dma_wait3A_831 = tpu.memref_slice %arg5[%multiple_of3A_822] : memref<20000xf32, #tpu.memory_space<hbm>> -> memref<16xf32, #tpu.memory_space<hbm>>
        %dma_wait3A_832 = tpu.memref_slice %arg5[%multiple_of3A_822] : memref<20000xf32, #tpu.memory_space<hbm>> -> memref<16xf32, #tpu.memory_space<hbm>>
        %dma_wait3A_833 = arith.constant 0 : i32
        %dma_wait3A_834 = tpu.memref_slice %arg17[%dma_wait3A_833] : memref<624xf32, #tpu.memory_space<vmem>> -> memref<16xf32, #tpu.memory_space<vmem>>
        tpu.wait_dma2 semaphore(%run_scoped3A : memref<!tpu.dma_semaphore, #tpu.memory_space<semaphore_mem>>) src(%dma_wait3A_834 : memref<16xf32, #tpu.memory_space<vmem>>) dst(%dma_wait3A_832 : memref<16xf32, #tpu.memory_space<hbm>>)
        tpu.yield
      }) : () -> ()
    } else {
    }
    return
  }
}

module attributes {stable_mosaic.version = 14 : i64} {
  func.func @_blend_body(%arg0: i32, %arg1: memref<2000x128xf32, #tpu.memory_space<vmem>>, %arg2: memref<2000x128xf32, #tpu.memory_space<vmem>>, %arg3: memref<2000x1xf32, #tpu.memory_space<vmem>>, %arg4: memref<2000x128xf32, #tpu.memory_space<vmem>>) attributes {dimension_semantics = [#tpu.dimension_semantics<arbitrary>], iteration_bounds = array<i64: 10>, scalar_prefetch = 0 : i64, scratch_operands = 0 : i64, tpu.core_type = #tpu.core_type<tc>, window_params = [{transform_indices = @transform_0, window_bounds = array<i64: 2000, 128>}, {transform_indices = @transform_1, window_bounds = array<i64: 2000, 128>}, {transform_indices = @transform_2, window_bounds = array<i64: 2000, 1>}, {transform_indices = @transform_3, window_bounds = array<i64: 2000, 128>}]} {
    %get3A = arith.constant 0 : index
    %get3A_0 = arith.constant 0 : index
    %get3A_1 = vector.load %arg1[%get3A, %get3A_0] : memref<2000x128xf32, #tpu.memory_space<vmem>>, vector<2000x128xf32>
    %mul3A = arith.constant 0.699999988 : f32
    %mul3A_2 = vector.broadcast %mul3A : f32 to vector<2000x128xf32>
    %mul3A_3 = arith.mulf %mul3A_2, %get3A_1 : vector<2000x128xf32>
    %get3A_4 = arith.constant 0 : index
    %get3A_5 = arith.constant 0 : index
    %get3A_6 = vector.load %arg2[%get3A_4, %get3A_5] : memref<2000x128xf32, #tpu.memory_space<vmem>>, vector<2000x128xf32>
    %mul3A_7 = arith.constant 3.000000e-01 : f32
    %mul3A_8 = vector.broadcast %mul3A_7 : f32 to vector<2000x128xf32>
    %mul3A_9 = arith.mulf %mul3A_8, %get3A_6 : vector<2000x128xf32>
    %get3A_10 = arith.constant 0 : index
    %get3A_11 = arith.constant 0 : index
    %get3A_12 = vector.load %arg3[%get3A_10, %get3A_11] : memref<2000x1xf32, #tpu.memory_space<vmem>>, vector<2000x1xf32>
    %max3A = arith.constant 1.000000e+00 : f32
    %max3A_13 = vector.broadcast %max3A : f32 to vector<2000x1xf32>
    %max3A_14 = arith.maximumf %get3A_12, %max3A_13 : vector<2000x1xf32>
    %div3A = vector.broadcast %max3A_14 : vector<2000x1xf32> to vector<2000x128xf32>
    %div3A_15 = arith.divf %mul3A_9, %div3A : vector<2000x128xf32>
    %add3A = arith.addf %mul3A_3, %div3A_15 : vector<2000x128xf32>
    %swap3A = arith.constant 0 : index
    %swap3A_16 = arith.constant 0 : index
    %swap3A_17 = vector.load %arg4[%swap3A, %swap3A_16] : memref<2000x128xf32, #tpu.memory_space<vmem>>, vector<2000x128xf32>
    tpu.vector_store %arg4[%swap3A, %swap3A_16], %add3A {strides = array<i32>} : memref<2000x128xf32, #tpu.memory_space<vmem>>, vector<2000x128xf32>,
    return
  }
  func.func @transform_0(%arg0: i32) -> (i32, i32) {
    %c0_i32 = arith.constant 0 : i32
    %c0_i32_0 = arith.constant 0 : i32
    return %arg0, %c0_i32 : i32, i32
  }
  func.func @transform_1(%arg0: i32) -> (i32, i32) {
    %c0_i32 = arith.constant 0 : i32
    %c0_i32_0 = arith.constant 0 : i32
    return %arg0, %c0_i32 : i32, i32
  }
  func.func @transform_2(%arg0: i32) -> (i32, i32) {
    %c0_i32 = arith.constant 0 : i32
    %c0_i32_0 = arith.constant 0 : i32
    return %arg0, %c0_i32 : i32, i32
  }
  func.func @transform_3(%arg0: i32) -> (i32, i32) {
    %c0_i32 = arith.constant 0 : i32
    %c0_i32_0 = arith.constant 0 : i32
    return %arg0, %c0_i32 : i32, i32
  }
}

</mosaic_0001>

<sc_bundles>
// kernel: _run.6.cloned.1.call-start
scs
__scs_entry_jumppad:
0x0: {  	(pc) =	sbr.rel $0x88, $3  }
0x1: {  	(tag) =	ssettag $0x0;
	lr =	simm.s32 $0x1  }
0x2: {  	[smem:$0x3F99] =	sst lr;
	_ =	strace $0xD0000000  }
0x3: {  	_ = 	snop  }
0x4: {  	_ = 	snop  }
0x5: {  	_ = 	snop  }
0x6: {  	_ = 	snop  }
0x7: {  	_ = 	snop  }
__scs_overlays_trampoline_lowered:
0x8: {  	[smem:$0x3FA8] =	sst s0  }
0x9: {  	[smem:$0x3FA9] =	sst s1  }
0xa: {  	[smem:$0x3FAA] =	sst s2  }
0xb: {  	[smem:$0x3FAB] =	sst s3  }
0xc: {  	[smem:$0x3FAC] =	sst s4  }
0xd: {  	[smem:$0x3FAD] =	sst s5  }
0xe: {  	[smem:$0x3FAE] =	sst s6  }
0xf: {  	[smem:$0x3FAF] =	sst s7  }
0x10: {  	[smem:$0x3FB0] =	sst s8  }
0x11: {  	[smem:$0x3FB1] =	sst s9;
	s0 =	simm.s32 @!p0 $0x0  }
0x12: {  	s1 =	sld [smem:$0x3F97];
	s0 =	simm.s32 @p0 $0x1  }
0x13: {  	[smem:$0x3FB2] =	sst s0;
	s0 =	simm.s32 @!p1 $0x0  }
0x14: {  	s2 =	sld [smem:$0x3F96];
	s0 =	simm.s32 @p1 $0x1  }
0x15: {  	[smem:$0x3FB3] =	sst s0;
	s0 =	simm.s32 @!p2 $0x0  }
0x16: {  	s3 =	sld [smem:$0x3FDB];
	s0 =	simm.s32 @p2 $0x1  }
0x17: {  	s4 =	simm.s32 $0x1BF5;
	[smem:$0x3FB5] =	sst s0  }
0x18: {  	s0 =	sld [smem:$0x3F98];
	_ =	swait.ge [sflag:s4], $0x0  }
0x19: {  	s7 =	sld [smem:$0x3F99]  }
0x1a: {  	s8 =	sadd.s32 $0xFFFFE003, lr  }
0x1b: {  	s9 =	sadd.s32 $0xFFFFFEF7, lr;
	s5 =	simm.s32 $0xFFFFFFFF;
	p2 =	slt.u32 s8, $0xFFFFF086  }
0x1c: {  	p1 =	slt.u32 s9, $0xF7A;
	s5 =	simm.s32 @!p2 $0x0  }
0x1d: {  	s5 =	simm.s32 @p1 $0x1;
	p0 =	seq.s32 s7, s2  }
0x1e: {  	s7 =	smul.u32 @!p0 $0xF7A, s2;
	p2 =	seq.s32 @!p0 s5, $0x0  }
0x1f: {  	s9 =	smul.u32 $0xF7A, s1;
	s8 =	simm.s32 @!p0 $0x1BF5;
	p2 =	por !p2, p0  }
0x20: {  	[sflag:s8] =	ssyncset.s32 @!p0 $0xFFFFF086;
	s6 =	sadd.s32 @!p0 s3, s7;
	s7 =	simm.s32 @!p0 $0x108  }
0x21: {  	s3 =	sadd.s32 s3, s9;
	s6 =	sadd.s32 @!p0 $0x88, s6;
	s7 =	simm.s32 @p2 $0x1082  }
0x22: {  	[simem:s7], [sflag:s8] =	dma.local @!p0 [hbm:s6], $0xF7A  }
0x23: {  	s9 =	sor.u32 $0xD0000000, s2;
	s6 =	simm.s32 $0x108;
	_ =	swait.ge @!p0 [sflag:s8], $0x0  }
0x24: {  	s3 =	sadd.s32 $0x88, s3;
	s6 =	simm.s32 @!p1 $0x1082;
	[sflag:s4] =	ssyncset.s32 $0xFFFFF086  }
0x25: {  	[simem:s6], [sflag:s4] =	dma.local [hbm:s3], $0xF7A  }
0x26: {  	[smem:$0x3F99] =	sst s1;
	(tag) =	ssettag s2;
	_ =	strace s9  }
0x27: {  	s1 =	sld [smem:$0x3FA9]  }
0x28: {  	s2 =	sld [smem:$0x3FAA]  }
0x29: {  	s4 =	sld [smem:$0x3FAC]  }
0x2a: {  	p0 =	seq.s32 s5, $0x0;
	s5 =	sld [smem:$0x3FAD]  }
0x2b: {  	s6 =	sld [smem:$0x3FAE]  }
0x2c: {  	s7 =	sld [smem:$0x3FAF]  }
0x2d: {  	s3 =	simm.s32 $0x108;
	s8 =	sld [smem:$0x3FB0]  }
0x2e: {  	s3 =	simm.s32 @!p0 $0x1082;
	s9 =	sld [smem:$0x3FB1]  }
0x2f: {  	lr =	sadd.s32 s0, s3;
	s0 =	sld [smem:$0x3FA8]  }
0x30: {  	s3 =	sld [smem:$0x3FAB]  }
0x31: {  	[smem:$0x3FB4] =	sst s10  }
0x32: {  	s10 =	sld [smem:$0x3FB2];
	_ =	sdelay $0x3  }
0x33: {  	p0 =	seq.s32 s10, $0x1;
	s10 =	sld [smem:$0x3FB4];
	_ =	sdelay $0x3  }
0x34: {  	[smem:$0x3FB4] =	sst s10  }
0x35: {  	s10 =	sld [smem:$0x3FB3];
	_ =	sdelay $0x3  }
0x36: {  	p1 =	seq.s32 s10, $0x1;
	s10 =	sld [smem:$0x3FB4];
	_ =	sdelay $0x3  }
0x37: {  	[smem:$0x3FB4] =	sst s10  }
0x38: {  	s10 =	sld [smem:$0x3FB5]  }
0x39: {  	_ = 	snop;
	(pc) =	sbr.ind lr, $3  }
0x3a: {  	_ = 	snop  }
0x3b: {  	_ = 	snop  }
0x3c: {  	p2 =	seq.s32 s10, $0x1;
	s10 =	sld [smem:$0x3FB4]  }
0x3d: {  	_ =	shalt  }
0x3e: {  	_ =	shalt  }
0x3f: {  	_ =	shalt  }
0x40: {  	_ =	shalt  }
0x41: {  	_ =	shalt  }
0x42: {  	_ =	shalt  }
0x43: {  	_ =	shalt  }
0x44: {  	_ =	shalt  }
0x45: {  	_ =	shalt  }
0x46: {  	_ =	shalt  }
0x47: {  	_ =	shalt  }
0x48: {  	_ =	shalt  }
0x49: {  	_ =	shalt  }
0x4a: {  	_ =	shalt  }
0x4b: {  	_ =	shalt  }
0x4c: {  	_ =	shalt  }
0x4d: {  	_ =	shalt  }
0x4e: {  	_ =	shalt  }
0x4f: {  	_ =	shalt  }
0x50: {  	_ =	shalt  }
0x51: {  	_ =	shalt  }
0x52: {  	_ =	shalt  }
0x53: {  	_ =	shalt  }
0x54: {  	_ =	shalt  }
0x55: {  	_ =	shalt  }
0x56: {  	_ =	shalt  }
0x57: {  	_ =	shalt  }
0x58: {  	_ =	shalt  }
0x59: {  	_ =	shalt  }
0x5a: {  	_ =	shalt  }
0x5b: {  	_ =	shalt  }
0x5c: {  	_ =	shalt  }
0x5d: {  	_ =	shalt  }
0x5e: {  	_ =	shalt  }
0x5f: {  	_ =	shalt  }
0x60: {  	_ =	shalt  }
0x61: {  	_ =	shalt  }
0x62: {  	_ =	shalt  }
0x63: {  	_ =	shalt  }
0x64: {  	_ =	shalt  }
0x65: {  	_ =	shalt  }
0x66: {  	_ =	shalt  }
0x67: {  	_ =	shalt  }
0x68: {  	_ =	shalt  }
0x69: {  	_ =	shalt  }
0x6a: {  	_ =	shalt  }
0x6b: {  	_ =	shalt  }
0x6c: {  	_ =	shalt  }
0x6d: {  	_ =	shalt  }
0x6e: {  	_ =	shalt  }
0x6f: {  	_ =	shalt  }
0x70: {  	_ =	shalt  }
0x71: {  	_ =	shalt  }
0x72: {  	_ =	shalt  }
0x73: {  	_ =	shalt  }
0x74: {  	_ =	shalt  }
0x75: {  	_ =	shalt  }
0x76: {  	_ =	shalt  }
0x77: {  	_ =	shalt  }
0x78: {  	_ =	shalt  }
0x79: {  	_ =	shalt  }
0x7a: {  	_ =	shalt  }
0x7b: {  	_ =	shalt  }
0x7c: {  	_ =	shalt  }
0x7d: {  	_ =	shalt  }
0x7e: {  	_ =	shalt  }
0x7f: {  	_ =	shalt  }
0x80: {  	_ =	shalt  }
0x81: {  	_ =	shalt  }
0x82: {  	_ =	shalt  }
0x83: {  	_ =	shalt  }
0x84: {  	_ =	shalt  }
0x85: {  	_ =	shalt  }
0x86: {  	_ =	shalt  }
0x87: {  	_ =	shalt  }
.Lfunc_end0:
.L_simem_size_0:
called_computation_lowered:
.L_overlay_start_0:
0x88: {  	s2 =	sld [smem:$0x3FD9]  }
0x89: {  	s3 =	sld [smem:$0x3FFE];
	_ =	sdelay $0x1  }
0x8a: {  	s1 =	srdreg.scid  }
0x8b: {  	s0 =	sand.u32 $0x1, s1  }
0x8c: {  	s17 =	sshll.u32 s0, $0xA;
	s2 =	sadd.s32 s3, s2  }
0x8d: {  	s2 =	sadd.s32 s2, s17  }
0x8e: {  	[smem:$0x3FC0] =	sst s2  }
0x8f: {  	_ = 	snop  }
0x90: {  	s18 =	sld [smem:$0x3FC9];
	(tm) =	ssettm $0x1  }
0x91: {  	s19 =	sld [smem:$0x3FFB];
	_ =	sdelay $0x3  }
0x92: {  	_ =	strace s19  }
0x93: {  	s2 =	sld [smem:$0x3FFC];
	_ =	sdelay $0x3  }
0x94: {  	_ =	strace s2  }
0x95: {  	s2 =	sld [smem:$0x3FFD];
	_ =	sdelay $0x3  }
0x96: {  	_ =	strace s2  }
0x97: {  	_ =	strace $0x8FFFFFFF  }
0x98: {  	s20 =	sld [smem:$0x3FDB];
	_ =	sdelay $0x1  }
0x99: {  	s4 =	simm.s32 $_scs_section_size  }
0x9a: {  	s5 =	simm.s32 $_size__tile_overlayer_lowered;
	s6 =	simm.s32 $_tile_overlayer_lowered  }
0x9b: {  	s7 =	simm.s32 $0x1BFF;
	s21 =	sshll.u32 s6, $0x1;
	s4 =	sadd.s32 s4, s20  }
0x9c: {  	s22 =	simm.s32 $0x0;
	s5 =	sshll.u32 s5, $0x1;
	s6 =	sadd.s32 s21, s4  }
0x9d: {  	[timem:s22], [sflag:s7] =	dma.local [hbm:s6], s5  }
0x9e: {  	_ =	swait.ge [sflag:s7], s5  }
0x9f: {  	s5 =	ssub.s32 $0x0, s5;
	[sflag:s7] =	ssyncset.done $0x0  }
0xa0: {  	[sflag:s7] =	ssyncadd.s32 s5;
	_ =	sdelay $0x1  }
0xa1: {  	s23 =	simm.s32 $0x1B8B  }
0xa2: {  	_ =	swait.ge [sflag:s23], $0x1  }
0xa3: {  	[sflag:s23] =	ssyncset.done $0x0  }
0xa4: {  	[sflag:s23] =	ssyncadd.s32 $0xFFFFFFFF  }
0xa5: {  	s5 =	sld [smem:$0x0]  }
0xa6: {  	s6 =	sand.u32 $0xFFFFFFFE, s1  }
0xa7: {  	p0 =	sne.s32 s1, s6  }
0xa8: {  	s6 =	sshll.u32 @p0 s6, $0xE  }
0xa9: {  	s6 =	sadd.s32 @p0 $0x11B8D, s6;
	s7 =	sshll.u32 @p0 s5, $0x11  }
0xaa: {  	s6 =	sor.u32 @p0 s7, s6  }
0xab: {  	[sflag:s6] =	ssyncadd.remote.s32 @p0 $0x1;
	_ =	sdelay $0x1  }
0xac: {  	s6 =	simm.s32 @p0 $0x1B8D  }
0xad: {  	_ =	swait.eq @p0 [sflag:s6], $0x1  }
0xae: {  	[sflag:s6] =	ssyncadd.s32 @p0 $0xFFFFFFFF  }
0xaf: {  	s7 =	sshll.u32 @!p0 s1, $0xE  }
0xb0: {  	s7 =	sor.u32 @!p0 $0x4000, s7;
	s6 =	simm.s32 @!p0 $0x1B8D  }
0xb1: {  	s5 =	sshll.u32 @!p0 s5, $0x11;
	s7 =	sadd.s32 @!p0 $0x11B8D, s7;
	_ =	swait.eq @!p0 [sflag:s6], $0x1  }
0xb2: {  	s5 =	sor.u32 @!p0 s5, s7;
	[sflag:s6] =	ssyncadd.s32 @!p0 $0xFFFFFFFF  }
0xb3: {  	s25 =	simm.s32 $0x1B8E;
	s24 =	sld [smem:$0x3FFE];
	[sflag:s5] =	ssyncadd.remote.s32 @!p0 $0x1  }
0xb4: {  	s26 =	simm.s32 $execute0_lowered;
	[smem:$0x3FD2] =	sst s25  }
0xb5: {  	s6 =	sshll.u32 s26, $0x1;
	_ =	strace $0x80000049;
	[dreg:$0x1] =	wrdreg $0xFFFFFFFF  }
0xb6: {  	s28 =	simm.s32 $_size_execute0_lowered;
	s4 =	sadd.s32 s4, s6;
	[dreg:$0x0] =	wrdreg $0x0  }
0xb7: {  	s6 =	sshll.u32 s28, $0x1;
	[dreg:$0x2] =	wrdreg s4  }
0xb8: {  	[dreg:$0x3] =	wrdreg s6  }
0xb9: {  	[dreg:$0x4] =	wrdreg $0xC0  }
0xba: {  	_ =	task [dreg:s22], $0x5FFFF  }
0xbb: {  	[dreg:$0x1] =	wrdreg $0xFFFFFFFF  }
0xbc: {  	[dreg:$0x0] =	wrdreg $0x60  }
0xbd: {  	[dreg:$0x2] =	wrdreg s18  }
0xbe: {  	[dreg:$0x3] =	wrdreg s24  }
0xbf: {  	[dreg:$0x4] =	wrdreg $0x9D000  }
0xc0: {  	[dreg:$0x5] =	wrdreg $0x1D5800  }
0xc1: {  	[dreg:$0x6] =	wrdreg $0x9  }
0xc2: {  	_ =	task.clear_ibuf [dreg:s22], $0x7FFFF;
	_ =	strace $0x90000049  }
0xc3: {  	s29 =	simm.s32 $0x9;
	_ =	strace $0x8000004B  }
0xc4: {  	_ =	swait.ge [sflag:s29], $0x1  }
0xc5: {  	[sflag:s29] =	ssyncadd.s32 $0xFFFFFFFF  }
0xc6: {  	_ =	strace $0x9000004B  }
0xc7: {  	_ =	sfence  }
0xc8: {  	s30 =	sld [smem:$0x0];
	_ =	sdelay $0x2  }
0xc9: {  	s31 =	sshll.u32 s1, $0xD;
	s1 =	sshrl.u32 s1, $0x2  }
0xca: {  	s4 =	sand.u32 $0x4000, s31;
	s1 =	sadd.s32 s1, s30  }
0xcb: {  	s0 =	sor.u32 s4, s0;
	s1 =	sshll.u32 s1, $0x11  }
0xcc: {  	s0 =	sor.u32 s1, s0  }
0xcd: {  	s0 =	sadd.s32 $0x8F2B, s0  }
0xce: {  	[sflag:s0] =	ssyncadd.remote.s32 $0x1  }
0xcf: {  	_ =	sfence.sel $0xFFFF  }
0xd0: {  	[dreg:$0x0] =	wrdreg $0xFFFFFFFF;
	(pc) =	sbr.abs _section_cstart, $3  }
0xd1: {  	[dreg:$0x1] =	wrdreg $0xFFFFFFFF  }
0xd2: {  	_ =	task.clear_ibuf [dreg:s22], $0x2FFFF;
	_ =	strace $0x9FFFFFFF  }
0xd3: {  	(tm) =	ssettm $0x7FFFFFFF  }
tec
execute0_lowered:
.L_overlay_start_1:
0x0: {  	(tag) =	ssettag $0x1  }
0x1: {  	s0 =	rddreg [dreg:$0x0]  }
0x2: {  	s1 =	rddreg [dreg:$0x1]  }
0x3: {  	s2 =	rddreg [dreg:$0x2];
	s15 =	stileid.u32  }
0x4: {  	s4 =	rddreg [dreg:$0x3];
	s5 =	simm.s32 $0x0;
	s6 =	srdreg.scid  }
0x5: {  	s28 =	simm.s32 $0x2;
	s29 =	simm.s32 $0x5;
	s3 =	smul.u32 $0x9C4, s15  }
0x6: {  	s30 =	simm.s32 $0x80;
	s31 =	simm.s32 $0x200;
	s11 =	smul.u32 $0x5000, s15  }
0x7: {  	[smem:$0x7FF] =	sst s5;
	s6 =	sand.u32 $0x1, s6;
	s23 =	smul.u32 $0xA0, s15  }
0x8: {  	s9 =	sadd.s32 $0x2B600, s1;
	s21 =	ssub.s32 $0x109, s15;
	s13 =	smul.u32 $0x270, s15  }
0x9: {  	s26 =	smul.u32 $0x4E000, s15;
	p0 =	sne.s32 s15, $0x0;
	s15 =	simm.s32 $0x280  }
0xa: {  	_ =	strace $0x8000004A;
	s20 =	ssub.s32 $0x2, s6;
	s6 =	smul.u32 $0x2710, s6  }
0xb: {  	s24 =	sshrl.u32 s3, $0x4;
	s10 =	sshrl.u32 s20, $0x1;
	s22 =	sshrl.u32 s11, $0x2  }
0xc: {  	s25 =	sshrl.u32 s23, $0x2;
	s3 =	sadd.s32 $0x9C4, s3;
	s11 =	sshrl.u32 s26, $0x2  }
0xd: {  	s7 =	sshll.u32 s24, $0x6;
	s12 =	ssub.s32 s20, s10;
	s16 =	sadd.s32 s22, s2  }
0xe: {  	s17 =	sadd.s32 s25, s4;
	s10 =	sshrl.u32 s3, $0x4;
	s18 =	sadd.s32 s13, s6  }
0xf: {  	s11 =	sadd.s32 s11, s2;
	s13 =	sadd.s32 s13, s4;
	s20 =	sadd.s32 $0x2700, s6  }
0x10: {  	s22 =	sadd.s32 $0x2700, s4;
	s8 =	sadd.s32 s7, s1;
	s1 =	sadd.s32 $0x2AC00, s1  }
0x11: {  	s7 =	sshrl.u32 s21, $0x4;
	s19 =	sshll.u32 s18, $0x4;
	[dreg:$0x9] =	wrdreg s13  }
0x12: {  	s3 =	sshrl.u32 s18, $0x3;
	s13 =	sadd.s32 $0x138000, s2;
	[dreg:$0xc] =	wrdreg s22  }
0x13: {  	s21 =	sshll.u32 s20, $0x4;
	s23 =	smax.u32 s12, $0x1;
	[dreg:$0x5] =	wrdreg s16  }
0x14: {  	[dreg:$0x6] =	wrdreg s17;
	s22 =	simm.s32 $0x8680;
	p1 =	sge.u32 s24, s10  }
0x15: {  	s26 =	sshrl.u32 s11, $0x3;
	s11 =	simm.s32 $0x400;
	s12 =	simm.s32 $0x8500  }
0x16: {  	s18 =	simm.s32 $0x0;
	s14 =	sadd.s32 $0x3A00, s8;
	[dreg:$0xe] =	wrdreg s23  }
0x17: {  	s3 =	sadd.s32 s1, s3;
	s23 =	sadd.s32 $0x14000, s16;
	[dreg:$0x10] =	wrdreg s26  }
0x18: {  	s25 =	sadd.s32 $0x3A40, s8;
	s26 =	simm.s32 $0x1;
	[dreg:$0x7] =	wrdreg s14  }
0x19: {  	s8 =	simm.s32 $0x4500;
	s16 =	simm.s32 $0x3;
	[dreg:$0xa] =	wrdreg s3  }
0x1a: {  	s14 =	sadd.s32 s9, s19;
	s3 =	sshrl.u32 s20, $0x3;
	[dreg:$0xf] =	wrdreg s25  }
.Ltmp0:
0x1b: {  	s9 =	sadd.s32 s9, s21;
	[dreg:$0x8] =	wrdreg s14;
	(pc) =	sbr.rel .LBB2_1-.Ltmp0, $4  }
0x1c: {  	s20 =	sadd.s32 $0x280, s17;
	s25 =	simm.s32 $0x8600;
	[dreg:$0xb] =	wrdreg s9  }
0x1d: {  	s1 =	sadd.s32 s1, s3;
	s3 =	simm.s32 $0x100;
	s14 =	simm.s32 $0x300  }
0x1e: {  	s9 =	simm.s32 $0x380;
	[dreg:$0xd] =	wrdreg s1;
	s1 =	sshrl.u32 @!p0 s13, $0x3  }
0x1f: {  	v1 =	vimm.f32 $1.000000000e+00;
	v2 =	vimm.f32 $0.0e+00;
	v0 =	vmov s6;
	s13 =	simm.s32 $0x4;
	[dreg:$0x11] =	wrdreg s1;
	s1 =	simm.s32 $0x500  }
.LBB2_11:
0x20: {  	_ =	swait.ge [sflag:s13], $0x4000  }
0x21: {  	[sflag:s13] =	ssyncset.done $0x0  }
0x22: {  	[sflag:s13] =	ssyncadd.s32 $0xFFFFC000  }
0x23: {  	s6 =	stileid.u32;
	[bflag:$0x0] =	sbarrier.arrive $0xFFFF  }
0x24: {  	s6 =	sshll.u32 s6, $0x6;
	s19 =	rddreg [dreg:$0x8]  }
0x25: {  	s6 =	sor.u32 $0x1C05, s6;
	s17 =	rddreg [dreg:$0x10]  }
0x26: {  	[hbm:s19], [sflag:s6] =	dma.local [spmem:s17], $0x2700  }
0x27: {  	_ =	swait.ge [sflag:s29], $0x2700  }
0x28: {  	[sflag:s29] =	ssyncset.done $0x0  }
0x29: {  	s17 =	simm.s32 $0x9A80;
	s21 =	rddreg [dreg:$0x9];
	[sflag:s29] =	ssyncadd.s32 $0xFFFFD900  }
0x2a: {  	[tilespmem:s17], [sflag:$0x5] =	stream.linear.gather [spmem:s21], $0x270, $0x38;
	[tilespmem:$0x1D7F8] =	vst v63  }
0x2b: {  	_ =	swait.ge [sflag:s29], $0x270  }
0x2c: {  	[sflag:s29] =	ssyncset.done $0x0  }
0x2d: {  	s21 =	rddreg [dreg:$0xa];
	[sflag:s29] =	ssyncadd.s32 $0xFFFFFD90  }
0x2e: {  	[hbm4b:s21+s5] =	stream.linear.scatter [tilespmem:s17], [sflag:$0x5], $0x270, $0x38;
	[tilespmem:$0x1D7F8] =	vst v63  }
0x2f: {  	_ =	swait.ge [sflag:s29], $0x270  }
0x30: {  	[sflag:s29] =	ssyncset.done $0x0;
	s19 =	rddreg [dreg:$0xb]  }
0x31: {  	s17 =	rddreg [dreg:$0x11];
	[sflag:s29] =	ssyncadd.s32 $0xFFFFFD90  }
0x32: {  	[hbm:s19], [sflag:s6] =	dma.local @!p0 [spmem:s17], $0x100  }
0x33: {  	s6 =	simm.s32 @!p0 $0x5  }
0x34: {  	_ =	swait.ge @!p0 [sflag:s6], $0x100  }
0x35: {  	[sflag:s6] =	ssyncset.done @!p0 $0x0  }
0x36: {  	s19 =	simm.s32 @!p0 $0x9A80;
	s21 =	rddreg [dreg:$0xc];
	[sflag:s6] =	ssyncadd.s32 @!p0 $0xFFFFFF00  }
0x37: {  	[tilespmem:s19], [sflag:$0x5] =	stream.linear.gather @!p0 [spmem:s21], $0x10, $0x38;
	[tilespmem:$0x1D7F8] =	vst v63  }
0x38: {  	_ =	swait.ge @!p0 [sflag:s6], $0x10  }
0x39: {  	[sflag:s6] =	ssyncset.done @!p0 $0x0  }
0x3a: {  	s21 =	simm.s32 @!p0 $0x0;
	s17 =	rddreg [dreg:$0xd];
	[sflag:s6] =	ssyncadd.s32 @!p0 $0xFFFFFFF0  }
0x3b: {  	[hbm4b:s17+s21] =	stream.linear.scatter @!p0 [tilespmem:s19], [sflag:$0x5], $0x10, $0x38;
	[tilespmem:$0x1D7F8] =	vst v63  }
0x3c: {  	_ =	swait.ge @!p0 [sflag:s6], $0x10  }
0x3d: {  	s18 =	sadd.s32 $0x1, s18;
	s21 =	rddreg [dreg:$0xe]  }
0x3e: {  	p2 =	sne.s32 s18, s21  }
.Ltmp1:
0x3f: {  	_ = 	snop;
	(pc) =	sbr.rel @!p2 .LBB2_12-.Ltmp1, $3  }
0x40: {  	_ =	sdelay $0x1  }
0x41: {  	[sflag:s6] =	ssyncset.done @!p0 $0x0  }
0x42: {  	[sflag:s6] =	ssyncadd.s32 @!p0 $0xFFFFFFF0  }
.LBB2_1:
0x43: {  	[tilespmem:$0x8500] =	vst v1  }
0x44: {  	[tilespmem:$0x8510] =	vst v1  }
0x45: {  	[tilespmem:$0x8520] =	vst v1  }
0x46: {  	[tilespmem:$0x8530] =	vst v1  }
0x47: {  	[tilespmem:$0x8540] =	vst v1  }
0x48: {  	[tilespmem:$0x8550] =	vst v1  }
0x49: {  	[tilespmem:$0x8560] =	vst v1  }
0x4a: {  	[tilespmem:$0x8570] =	vst v1  }
0x4b: {  	[tilespmem:$0x8580] =	vst v1  }
0x4c: {  	[tilespmem:$0x8590] =	vst v1  }
0x4d: {  	[tilespmem:$0x85A0] =	vst v1  }
0x4e: {  	[tilespmem:$0x85B0] =	vst v1  }
0x4f: {  	[tilespmem:$0x85C0] =	vst v1  }
0x50: {  	[tilespmem:$0x85D0] =	vst v1  }
0x51: {  	[tilespmem:$0x85E0] =	vst v1  }
0x52: {  	[tilespmem:$0x85F0] =	vst v1;
	s6 =	simm.s32 $0x0;
	s19 =	simm.s32 $0x200  }
.LBB2_2:
0x53: {  	p2 =	sne.s32 s19, $0x4E00;
	[tilespmem:s6+$0x86F0] =	vst v2  }
0x54: {  	[tilespmem:s6+$0x8680] =	vst v2  }
0x55: {  	[tilespmem:s6+$0x8690] =	vst v2  }
.Ltmp2:
0x56: {  	[tilespmem:s6+$0x86A0] =	vst v2;
	(pc) =	sbr.rel @p2 .LBB2_2-.Ltmp2, $4  }
0x57: {  	[tilespmem:s6+$0x86B0] =	vst v2  }
0x58: {  	[tilespmem:s6+$0x86C0] =	vst v2  }
0x59: {  	[tilespmem:s6+$0x86D0] =	vst v2  }
0x5a: {  	[tilespmem:s6+$0x86E0] =	vst v2;
	s6 =	sshra.s32 s19, $0x2;
	s19 =	sadd.s32 $0x200, s19  }
0x5b: {  	[tilespmem:s6+$0x86F0] =	vst v2  }
0x5c: {  	[tilespmem:s6+$0x8680] =	vst v2  }
0x5d: {  	[tilespmem:s6+$0x8690] =	vst v2  }
0x5e: {  	[tilespmem:s6+$0x86A0] =	vst v2  }
0x5f: {  	[tilespmem:s6+$0x86B0] =	vst v2  }
0x60: {  	[tilespmem:s6+$0x86C0] =	vst v2  }
0x61: {  	[tilespmem:s6+$0x86D0] =	vst v2  }
0x62: {  	[tilespmem:s6+$0x86E0] =	vst v2  }
0x63: {  	[tilespmem:$0x8600] =	vst v2  }
0x64: {  	[tilespmem:$0x8610] =	vst v2  }
0x65: {  	s19 =	rddreg [dreg:$0x5];
	[tilespmem:$0x8618] =	vst v2  }
0x66: {  	[spmem:s19] =	stream.linear.scatter [tilespmem:s22], [sflag:$0x1], $0x1400, $0x38;
	[tilespmem:$0x1D7F8] =	vst v63  }
0x67: {  	s21 =	rddreg [dreg:$0x6]  }
0x68: {  	[spmem:s21] =	stream.linear.scatter [tilespmem:s25], [sflag:$0x2], $0x28, $0x38;
	[tilespmem:$0x1D7F8] =	vst v63  }
0x69: {  	_ = 	snop  }
0x6a: {  	[spmem:s23] =	stream.linear.scatter [tilespmem:s22], [sflag:$0x1], $0x1400, $0x38;
	[tilespmem:$0x1D7F8] =	vst v63  }
0x6b: {  	p2 =	sne.s32 s7, $0x2  }
0x6c: {  	[spmem:s20] =	stream.linear.scatter [tilespmem:s25], [sflag:$0x2], $0x28, $0x38;
	[tilespmem:$0x1D7F8] =	vst v63  }
.Ltmp3:
0x6d: {  	_ =	swait.ge [sflag:s26], $0x1400;
	(pc) =	sbr.rel @!p2 .LBB2_5-.Ltmp3, $4  }
0x6e: {  	[sflag:s26] =	ssyncset.done $0x0  }
0x6f: {  	[sflag:s26] =	ssyncadd.s32 $0xFFFFEC00  }
0x70: {  	s6 =	simm.s32 $0x2;
	_ =	swait.ge [sflag:s28], $0x28  }
0x71: {  	s19 =	smov.u32 s23;
	s21 =	sadd.s32 $0x280, s20;
	[sflag:s28] =	ssyncset.done $0x0  }
.LBB2_4:
0x72: {  	s6 =	sadd.s32 $0x1, s6;
	[sflag:s28] =	ssyncadd.s32 $0xFFFFFFD8;
	s19 =	sadd.s32 $0x14000, s19  }
0x73: {  	[spmem:s19] =	stream.linear.scatter [tilespmem:s22], [sflag:$0x1], $0x1400, $0x38;
	[tilespmem:$0x1D7F8] =	vst v63  }
0x74: {  	p2 =	sne.s32 s7, s6  }
0x75: {  	[spmem:s21] =	stream.linear.scatter [tilespmem:s25], [sflag:$0x2], $0x28, $0x38;
	[tilespmem:$0x1D7F8] =	vst v63  }
.Ltmp4:
0x76: {  	_ =	swait.ge [sflag:s26], $0x1400;
	(pc) =	sbr.rel @p2 .LBB2_4-.Ltmp4, $4  }
0x77: {  	[sflag:s26] =	ssyncset.done $0x0  }
0x78: {  	[sflag:s26] =	ssyncadd.s32 $0xFFFFEC00  }
0x79: {  	_ =	swait.ge [sflag:s28], $0x28  }
0x7a: {  	s21 =	sadd.s32 $0x280, s21;
	[sflag:s28] =	ssyncset.done $0x0  }
.LBB2_5:
0x7b: {  	[sflag:s28] =	ssyncadd.s32 $0xFFFFFFD8  }
0x7c: {  	_ =	swait.ge [sflag:s26], $0x1400  }
0x7d: {  	[sflag:s26] =	ssyncset.done $0x0  }
0x7e: {  	[sflag:s26] =	ssyncadd.s32 $0xFFFFEC00  }
0x7f: {  	_ =	swait.ge [sflag:s28], $0x28  }
0x80: {  	[sflag:s28] =	ssyncset.done $0x0  }
0x81: {  	[sflag:s28] =	ssyncadd.s32 $0xFFFFFFD8  }
0x82: {  	[bflag:$0x0] =	sbarrier.arrive $0xFFFF  }
0x83: {  	s6 =	rddreg [dreg:$0x7]  }
0x84: {  	[tilespmem:s5], [sflag:$0x5] =	stream.linear.gather [hbm4b:s6+s5], $0x200, $0x38;
	[tilespmem:$0x1D7F8] =	vst v63  }
0x85: {  	_ =	swait.ge [sflag:s29], $0x200  }
0x86: {  	[sflag:s29] =	ssyncset.done $0x0  }
0x87: {  	[sflag:s29] =	ssyncadd.s32 $0xFFFFFE00  }
0x88: {  	v3 =	vld [tilespmem:$0x80];
	_ =	sdelay $0x2  }
0x89: {  	v4 =	vld [tilespmem:$0x90]  }
0x8a: {  	v5 =	vld [tilespmem:$0x0]  }
0x8b: {  	v3 =	vsub.s32 v3, v0  }
0x8c: {  	v6 =	vld [tilespmem:$0xA0];
	vm0 =	vlt.u32 v3, $0x2710  }
0x8d: {  	v7 =	vld [tilespmem:$0x10];
	v3 =	vnsel vm0, $0xFFFFFFFF, v3  }
0x8e: {  	v4 =	vsub.s32 v4, v0;
	[tilespmem:$0x280] =	vst v3  }
0x8f: {  	v37 =	vld [tilespmem:$0xB0];
	vm13 =	vlt.u32 v4, $0x2710;
	[tilespmem:$0x400] =	vst v3;
	v3 =	vnsel vm0, $0xFFFFFFFF, v5  }
0x90: {  	v38 =	vld [tilespmem:$0x20];
	[tilespmem:$0x200] =	vst v3;
	v3 =	vnsel vm13, $0xFFFFFFFF, v4  }
0x91: {  	v6 =	vsub.s32 v6, v0;
	[tilespmem:$0x290] =	vst v3  }
0x92: {  	v39 =	vld [tilespmem:$0xC0];
	vm14 =	vlt.u32 v6, $0x2710;
	[tilespmem:$0x410] =	vst v3;
	v3 =	vnsel vm13, $0xFFFFFFFF, v7  }
0x93: {  	v40 =	vld [tilespmem:$0x30];
	[tilespmem:$0x210] =	vst v3;
	v3 =	vnsel vm14, $0xFFFFFFFF, v6  }
0x94: {  	v5 =	vsub.s32 v37, v0;
	[tilespmem:$0x2A0] =	vst v3  }
0x95: {  	v41 =	vld [tilespmem:$0xD0];
	vm15 =	vlt.u32 v5, $0x2710;
	[tilespmem:$0x420] =	vst v3;
	v3 =	vnsel vm14, $0xFFFFFFFF, v38  }
0x96: {  	v42 =	vld [tilespmem:$0x40];
	[tilespmem:$0x220] =	vst v3;
	v3 =	vnsel vm15, $0xFFFFFFFF, v5  }
0x97: {  	v7 =	vsub.s32 v39, v0;
	[tilespmem:$0x2B0] =	vst v3  }
0x98: {  	v43 =	vld [tilespmem:$0xE0];
	vm4 =	vlt.u32 v7, $0x2710;
	[tilespmem:$0x430] =	vst v3;
	v3 =	vnsel vm15, $0xFFFFFFFF, v40  }
0x99: {  	v44 =	vld [tilespmem:$0x50];
	[tilespmem:$0x230] =	vst v3;
	v3 =	vnsel vm4, $0xFFFFFFFF, v7  }
0x9a: {  	v4 =	vsub.s32 v41, v0;
	[tilespmem:$0x2C0] =	vst v3  }
0x9b: {  	v45 =	vld [tilespmem:$0xF0];
	vm5 =	vlt.u32 v4, $0x2710;
	[tilespmem:$0x440] =	vst v3;
	v3 =	vnsel vm4, $0xFFFFFFFF, v42  }
0x9c: {  	v46 =	vld [tilespmem:$0x60];
	[tilespmem:$0x240] =	vst v3;
	v3 =	vnsel vm5, $0xFFFFFFFF, v4  }
0x9d: {  	v6 =	vsub.s32 v43, v0;
	[tilespmem:$0x2D0] =	vst v3  }
0x9e: {  	v47 =	vld [tilespmem:$0x180];
	vm6 =	vlt.u32 v6, $0x2710;
	[tilespmem:$0x450] =	vst v3;
	v3 =	vnsel vm5, $0xFFFFFFFF, v44  }
0x9f: {  	v48 =	vld [tilespmem:$0x70];
	[tilespmem:$0x250] =	vst v3;
	v3 =	vnsel vm6, $0xFFFFFFFF, v6  }
0xa0: {  	v5 =	vsub.s32 v45, v0;
	[tilespmem:$0x2E0] =	vst v3  }
0xa1: {  	v49 =	vld [tilespmem:$0x190];
	vm7 =	vlt.u32 v5, $0x2710;
	[tilespmem:$0x460] =	vst v3;
	v3 =	vnsel vm6, $0xFFFFFFFF, v46  }
0xa2: {  	v50 =	vld [tilespmem:$0x100];
	[tilespmem:$0x260] =	vst v3;
	v3 =	vnsel vm7, $0xFFFFFFFF, v5  }
0xa3: {  	v7 =	vsub.s32 v47, v0;
	[tilespmem:$0x2F0] =	vst v3  }
0xa4: {  	v51 =	vld [tilespmem:$0x1A0];
	vm8 =	vlt.u32 v7, $0x2710;
	[tilespmem:$0x470] =	vst v3;
	v3 =	vnsel vm7, $0xFFFFFFFF, v48  }
0xa5: {  	v52 =	vld [tilespmem:$0x110];
	[tilespmem:$0x270] =	vst v3;
	v3 =	vnsel vm8, $0xFFFFFFFF, v7  }
0xa6: {  	v4 =	vsub.s32 v49, v0;
	[tilespmem:$0x380] =	vst v3  }
0xa7: {  	v53 =	vld [tilespmem:$0x1B0];
	vm9 =	vlt.u32 v4, $0x2710;
	[tilespmem:$0x480] =	vst v3;
	v3 =	vnsel vm8, $0xFFFFFFFF, v50  }
0xa8: {  	v54 =	vld [tilespmem:$0x120];
	[tilespmem:$0x300] =	vst v3;
	v3 =	vnsel vm9, $0xFFFFFFFF, v4  }
0xa9: {  	v6 =	vsub.s32 v51, v0;
	[tilespmem:$0x390] =	vst v3  }
0xaa: {  	v55 =	vld [tilespmem:$0x1C0];
	vm10 =	vlt.u32 v6, $0x2710;
	[tilespmem:$0x490] =	vst v3;
	v3 =	vnsel vm9, $0xFFFFFFFF, v52  }
0xab: {  	v56 =	vld [tilespmem:$0x130];
	[tilespmem:$0x310] =	vst v3;
	v3 =	vnsel vm10, $0xFFFFFFFF, v6  }
0xac: {  	v5 =	vsub.s32 v53, v0;
	[tilespmem:$0x3A0] =	vst v3  }
0xad: {  	v57 =	vld [tilespmem:$0x1D0];
	vm11 =	vlt.u32 v5, $0x2710;
	[tilespmem:$0x4A0] =	vst v3;
	v3 =	vnsel vm10, $0xFFFFFFFF, v54  }
0xae: {  	v58 =	vld [tilespmem:$0x140];
	[tilespmem:$0x320] =	vst v3;
	v3 =	vnsel vm11, $0xFFFFFFFF, v5  }
0xaf: {  	v7 =	vsub.s32 v55, v0;
	[tilespmem:$0x3B0] =	vst v3  }
0xb0: {  	v59 =	vld [tilespmem:$0x1E0];
	vm12 =	vlt.u32 v7, $0x2710;
	[tilespmem:$0x4B0] =	vst v3;
	v3 =	vnsel vm11, $0xFFFFFFFF, v56  }
0xb1: {  	v60 =	vld [tilespmem:$0x150];
	[tilespmem:$0x330] =	vst v3;
	v3 =	vnsel vm12, $0xFFFFFFFF, v7  }
0xb2: {  	v4 =	vsub.s32 v57, v0;
	[tilespmem:$0x3C0] =	vst v3  }
0xb3: {  	v61 =	vld [tilespmem:$0x1F0];
	vm13 =	vlt.u32 v4, $0x2710;
	[tilespmem:$0x4C0] =	vst v3;
	v3 =	vnsel vm12, $0xFFFFFFFF, v58  }
0xb4: {  	v62 =	vld [tilespmem:$0x160];
	[tilespmem:$0x340] =	vst v3;
	v3 =	vnsel vm13, $0xFFFFFFFF, v4  }
0xb5: {  	v6 =	vsub.s32 v59, v0;
	[tilespmem:$0x3D0] =	vst v3  }
0xb6: {  	vm14 =	vlt.u32 v6, $0x2710;
	[tilespmem:$0x4D0] =	vst v3;
	v3 =	vnsel vm13, $0xFFFFFFFF, v60  }
0xb7: {  	v63 =	vld [tilespmem:$0x170];
	[tilespmem:$0x350] =	vst v3;
	v3 =	vnsel vm14, $0xFFFFFFFF, v6  }
0xb8: {  	v5 =	vsub.s32 v61, v0;
	[tilespmem:$0x3E0] =	vst v3  }
0xb9: {  	vm15 =	vlt.u32 v5, $0x2710;
	[tilespmem:$0x4E0] =	vst v3;
	v3 =	vnsel vm14, $0xFFFFFFFF, v62  }
0xba: {  	[tilespmem:$0x360] =	vst v3;
	v3 =	vnsel vm15, $0xFFFFFFFF, v5  }
0xbb: {  	[tilespmem:$0x3F0] =	vst v3  }
0xbc: {  	[tilespmem:$0x4F0] =	vst v3;
	v3 =	vnsel vm15, $0xFFFFFFFF, v63  }
0xbd: {  	[tilespmem:$0x370] =	vst v3;
	(ifvalue) =	ssetifvalue $0xFFFFFFFF  }
0xbe: {  	(ifvalue) =	ssetifvalue $0xFFFFFFFF  }
0xbf: {  	[tilespmem:s1], [sflag:$0x1] =	stream.indirect.gather [hbm4b:s0+s30], $0x80, s31, s30, $0x40b8;
	[tilespmem:$0x1D7F8] =	vst v63  }
.Ltmp5:
0xc0: {  	_ = 	snop;
	(pc) =	sbr.rel @p1 .LBB2_11-.Ltmp5, $4  }
.Ltmp6:
0xc1: {  	_ = 	snop;
	(pc) =	sbr.rel @!p1 .LBB2_6-.Ltmp6, $4  }
0xc2: {  	(ifvalue) =	ssetifvalue $0xFFFFFFFF  }
0xc3: {  	[spmem:s4] =	stream.indirect.scatter.add.f32 [tilespmem:s12], [sflag:$0x3], $0x1, s11, s3, $0x40b8;
	[tilespmem:$0x1D7F8] =	vst v63  }
0xc4: {  	s6 =	smov.u32 s24;
	s21 =	rddreg [dreg:$0xf]  }
0xc5: {  	_ = 	snop  }
.LBB2_10:
0xc6: {  	p2 =	sne.s32 s10, s6  }
.Ltmp7:
0xc7: {  	_ = 	snop;
	(pc) =	sbr.rel @!p2 .LBB2_11-.Ltmp7, $4  }
0xc8: {  	_ =	swait.ge [sflag:s28], $0x4000  }
0xc9: {  	[sflag:s28] =	ssyncset.done $0x0  }
0xca: {  	s21 =	sadd.s32 $0x40, s21;
	[sflag:s28] =	ssyncadd.s32 $0xFFFFC000;
	(ifvalue) =	ssetifvalue $0xFFFFFFFF  }
0xcb: {  	[spmem:s2] =	stream.indirect.scatter.add.f32 [tilespmem:s8], [sflag:$0x4], $0x80, s9, s30, $0x40b8;
	[tilespmem:$0x1D7F8] =	vst v63  }
.LBB2_6:
0xcc: {  	p2 =	sle.u32 s6, s24  }
.Ltmp8:
0xcd: {  	_ = 	snop;
	(pc) =	sbr.rel @p2 .LBB2_8-.Ltmp8, $1  }
0xce: {  	_ =	sdelay $0x3  }
0xcf: {  	_ =	swait.ge [sflag:s13], $0x4000  }
0xd0: {  	[sflag:s13] =	ssyncset.done $0x0  }
0xd1: {  	[sflag:s13] =	ssyncadd.s32 $0xFFFFC000  }
0xd2: {  	v3 =	vld [tilespmem:$0x180];
	_ =	sdelay $0x2  }
0xd3: {  	v4 =	vld [tilespmem:$0x190]  }
0xd4: {  	v5 =	vld [tilespmem:$0x100]  }
0xd5: {  	v3 =	vsub.s32 v3, v0  }
0xd6: {  	v6 =	vld [tilespmem:$0x1A0];
	vm0 =	vlt.u32 v3, $0x2710  }
0xd7: {  	v7 =	vld [tilespmem:$0x110];
	v3 =	vnsel vm0, $0xFFFFFFFF, v3  }
0xd8: {  	v4 =	vsub.s32 v4, v0;
	[tilespmem:$0x380] =	vst v3  }
0xd9: {  	v53 =	vld [tilespmem:$0x1B0];
	vm9 =	vlt.u32 v4, $0x2710;
	[tilespmem:$0x480] =	vst v3;
	v3 =	vnsel vm0, $0xFFFFFFFF, v5  }
0xda: {  	v54 =	vld [tilespmem:$0x120];
	[tilespmem:$0x300] =	vst v3;
	v3 =	vnsel vm9, $0xFFFFFFFF, v4  }
0xdb: {  	v6 =	vsub.s32 v6, v0;
	[tilespmem:$0x390] =	vst v3  }
0xdc: {  	v55 =	vld [tilespmem:$0x1C0];
	vm10 =	vlt.u32 v6, $0x2710;
	[tilespmem:$0x490] =	vst v3;
	v3 =	vnsel vm9, $0xFFFFFFFF, v7  }
0xdd: {  	v56 =	vld [tilespmem:$0x130];
	[tilespmem:$0x310] =	vst v3;
	v3 =	vnsel vm10, $0xFFFFFFFF, v6  }
0xde: {  	v5 =	vsub.s32 v53, v0;
	[tilespmem:$0x3A0] =	vst v3  }
0xdf: {  	v57 =	vld [tilespmem:$0x1D0];
	vm11 =	vlt.u32 v5, $0x2710;
	[tilespmem:$0x4A0] =	vst v3;
	v3 =	vnsel vm10, $0xFFFFFFFF, v54  }
0xe0: {  	v58 =	vld [tilespmem:$0x140];
	[tilespmem:$0x320] =	vst v3;
	v3 =	vnsel vm11, $0xFFFFFFFF, v5  }
0xe1: {  	v7 =	vsub.s32 v55, v0;
	[tilespmem:$0x3B0] =	vst v3  }
0xe2: {  	v59 =	vld [tilespmem:$0x1E0];
	vm12 =	vlt.u32 v7, $0x2710;
	[tilespmem:$0x4B0] =	vst v3;
	v3 =	vnsel vm11, $0xFFFFFFFF, v56  }
0xe3: {  	v60 =	vld [tilespmem:$0x150];
	[tilespmem:$0x330] =	vst v3;
	v3 =	vnsel vm12, $0xFFFFFFFF, v7  }
0xe4: {  	v4 =	vsub.s32 v57, v0;
	[tilespmem:$0x3C0] =	vst v3  }
0xe5: {  	v61 =	vld [tilespmem:$0x1F0];
	vm13 =	vlt.u32 v4, $0x2710;
	[tilespmem:$0x4C0] =	vst v3;
	v3 =	vnsel vm12, $0xFFFFFFFF, v58  }
0xe6: {  	v62 =	vld [tilespmem:$0x160];
	[tilespmem:$0x340] =	vst v3;
	v3 =	vnsel vm13, $0xFFFFFFFF, v4  }
0xe7: {  	v6 =	vsub.s32 v59, v0;
	[tilespmem:$0x3D0] =	vst v3  }
0xe8: {  	vm14 =	vlt.u32 v6, $0x2710;
	[tilespmem:$0x4D0] =	vst v3;
	v3 =	vnsel vm13, $0xFFFFFFFF, v60  }
0xe9: {  	v63 =	vld [tilespmem:$0x170];
	[tilespmem:$0x350] =	vst v3;
	v3 =	vnsel vm14, $0xFFFFFFFF, v6  }
0xea: {  	v5 =	vsub.s32 v61, v0;
	[tilespmem:$0x3E0] =	vst v3  }
0xeb: {  	vm15 =	vlt.u32 v5, $0x2710;
	[tilespmem:$0x4E0] =	vst v3;
	v3 =	vnsel vm14, $0xFFFFFFFF, v62  }
0xec: {  	[tilespmem:$0x360] =	vst v3;
	v3 =	vnsel vm15, $0xFFFFFFFF, v5  }
0xed: {  	[tilespmem:$0x3F0] =	vst v3  }
0xee: {  	[tilespmem:$0x4F0] =	vst v3;
	v3 =	vnsel vm15, $0xFFFFFFFF, v63  }
0xef: {  	[tilespmem:$0x370] =	vst v3;
	(ifvalue) =	ssetifvalue $0xFFFFFFFF  }
0xf0: {  	[spmem:s4] =	stream.indirect.scatter.add.f32 [tilespmem:s12], [sflag:$0x3], $0x1, s11, s3, $0x40b8;
	[tilespmem:$0x1D7F8] =	vst v63  }
.LBB2_8:
0xf1: {  	_ =	swait.ge [sflag:s26], $0x4000  }
0xf2: {  	[sflag:s26] =	ssyncset.done $0x0  }
0xf3: {  	[sflag:s26] =	ssyncadd.s32 $0xFFFFC000;
	(ifvalue) =	ssetifvalue $0xFFFFFFFF  }
0xf4: {  	(ifvalue) =	ssetifvalue $0xFFFFFFFF  }
0xf5: {  	[tilespmem:s8], [sflag:$0x2] =	stream.indirect.gather [hbm4b:s0+s30], $0x80, s14, s30, $0x40b8;
	[tilespmem:$0x1D7F8] =	vst v63  }
0xf6: {  	s6 =	sadd.s32 $0x1, s6;
	(ifvalue) =	ssetifvalue $0xFFFFFFFF  }
0xf7: {  	[spmem:s2] =	stream.indirect.scatter.add.f32 [tilespmem:s1], [sflag:$0x3], $0x80, s15, s30, $0x40b8;
	[tilespmem:$0x1D7F8] =	vst v63  }
0xf8: {  	p2 =	sge.u32 s6, s10;
	_ =	swait.ge [sflag:s16], $0x4000  }
.Ltmp9:
0xf9: {  	[sflag:s16] =	ssyncset.done $0x0;
	(pc) =	sbr.rel @p2 .LBB2_10-.Ltmp9, $4  }
0xfa: {  	[sflag:s16] =	ssyncadd.s32 $0xFFFFC000  }
0xfb: {  	_ =	swait.ge [sflag:s16], $0x100  }
0xfc: {  	[sflag:s16] =	ssyncset.done $0x0  }
0xfd: {  	[sflag:s16] =	ssyncadd.s32 $0xFFFFFF00  }
0xfe: {  	[tilespmem:s5], [sflag:$0x5] =	stream.linear.gather [hbm4b:s21+s5], $0x200, $0x38;
	[tilespmem:$0x1D7F8] =	vst v63  }
0xff: {  	_ =	swait.ge [sflag:s29], $0x200  }
0x100: {  	[sflag:s29] =	ssyncset.done $0x0  }
0x101: {  	[sflag:s29] =	ssyncadd.s32 $0xFFFFFE00  }
0x102: {  	v3 =	vld [tilespmem:$0x80];
	_ =	sdelay $0x2  }
0x103: {  	v4 =	vld [tilespmem:$0x90]  }
0x104: {  	v5 =	vld [tilespmem:$0x0]  }
0x105: {  	v3 =	vsub.s32 v3, v0  }
0x106: {  	v6 =	vld [tilespmem:$0xA0];
	vm0 =	vlt.u32 v3, $0x2710  }
0x107: {  	v7 =	vld [tilespmem:$0x10];
	v3 =	vnsel vm0, $0xFFFFFFFF, v3  }
0x108: {  	v4 =	vsub.s32 v4, v0;
	[tilespmem:$0x280] =	vst v3  }
0x109: {  	v53 =	vld [tilespmem:$0xB0];
	vm9 =	vlt.u32 v4, $0x2710;
	[tilespmem:$0x400] =	vst v3;
	v3 =	vnsel vm0, $0xFFFFFFFF, v5  }
0x10a: {  	v54 =	vld [tilespmem:$0x20];
	[tilespmem:$0x200] =	vst v3;
	v3 =	vnsel vm9, $0xFFFFFFFF, v4  }
0x10b: {  	v6 =	vsub.s32 v6, v0;
	[tilespmem:$0x290] =	vst v3  }
0x10c: {  	v55 =	vld [tilespmem:$0xC0];
	vm10 =	vlt.u32 v6, $0x2710;
	[tilespmem:$0x410] =	vst v3;
	v3 =	vnsel vm9, $0xFFFFFFFF, v7  }
0x10d: {  	v56 =	vld [tilespmem:$0x30];
	[tilespmem:$0x210] =	vst v3;
	v3 =	vnsel vm10, $0xFFFFFFFF, v6  }
0x10e: {  	v5 =	vsub.s32 v53, v0;
	[tilespmem:$0x2A0] =	vst v3  }
0x10f: {  	v57 =	vld [tilespmem:$0xD0];
	vm11 =	vlt.u32 v5, $0x2710;
	[tilespmem:$0x420] =	vst v3;
	v3 =	vnsel vm10, $0xFFFFFFFF, v54  }
0x110: {  	v58 =	vld [tilespmem:$0x40];
	[tilespmem:$0x220] =	vst v3;
	v3 =	vnsel vm11, $0xFFFFFFFF, v5  }
0x111: {  	v7 =	vsub.s32 v55, v0;
	[tilespmem:$0x2B0] =	vst v3  }
0x112: {  	v59 =	vld [tilespmem:$0xE0];
	vm12 =	vlt.u32 v7, $0x2710;
	[tilespmem:$0x430] =	vst v3;
	v3 =	vnsel vm11, $0xFFFFFFFF, v56  }
0x113: {  	v60 =	vld [tilespmem:$0x50];
	[tilespmem:$0x230] =	vst v3;
	v3 =	vnsel vm12, $0xFFFFFFFF, v7  }
0x114: {  	v4 =	vsub.s32 v57, v0;
	[tilespmem:$0x2C0] =	vst v3  }
0x115: {  	v61 =	vld [tilespmem:$0xF0];
	vm13 =	vlt.u32 v4, $0x2710;
	[tilespmem:$0x440] =	vst v3;
	v3 =	vnsel vm12, $0xFFFFFFFF, v58  }
0x116: {  	v62 =	vld [tilespmem:$0x60];
	[tilespmem:$0x240] =	vst v3;
	v3 =	vnsel vm13, $0xFFFFFFFF, v4  }
0x117: {  	v6 =	vsub.s32 v59, v0;
	[tilespmem:$0x2D0] =	vst v3  }
0x118: {  	vm14 =	vlt.u32 v6, $0x2710;
	[tilespmem:$0x450] =	vst v3;
	v3 =	vnsel vm13, $0xFFFFFFFF, v60  }
0x119: {  	v63 =	vld [tilespmem:$0x70];
	[tilespmem:$0x250] =	vst v3;
	v3 =	vnsel vm14, $0xFFFFFFFF, v6  }
0x11a: {  	v5 =	vsub.s32 v61, v0;
	[tilespmem:$0x2E0] =	vst v3  }
0x11b: {  	vm15 =	vlt.u32 v5, $0x2710;
	[tilespmem:$0x460] =	vst v3;
	v3 =	vnsel vm14, $0xFFFFFFFF, v62  }
0x11c: {  	[tilespmem:$0x260] =	vst v3;
	v3 =	vnsel vm15, $0xFFFFFFFF, v5  }
.Ltmp10:
0x11d: {  	[tilespmem:$0x2F0] =	vst v3;
	(pc) =	sbr.rel .LBB2_10-.Ltmp10, $4  }
0x11e: {  	[tilespmem:$0x470] =	vst v3;
	v3 =	vnsel vm15, $0xFFFFFFFF, v63  }
0x11f: {  	[tilespmem:$0x270] =	vst v3;
	(ifvalue) =	ssetifvalue $0xFFFFFFFF  }
0x120: {  	(ifvalue) =	ssetifvalue $0xFFFFFFFF  }
0x121: {  	[tilespmem:s1], [sflag:$0x1] =	stream.indirect.gather [hbm4b:s0+s30], $0x80, s31, s30, $0x40b8;
	[tilespmem:$0x1D7F8] =	vst v63  }
.LBB2_12:
0x122: {  	_ =	sfence.sel $0x180000  }
0x123: {  	[bflag:$0x0] =	sbarrier.arrive $0xFFFF  }
0x124: {  	_ =	strace $0x9000004A  }
0x125: {  	[bflag:$0x2] =	sbarrier.arrive $0xFFFF  }
0x126: {  	s0 =	rddreg [dreg:$0x4]  }
0x127: {  	s0 =	sadd.s32 @!p0 $0x100000, s0  }
0x128: {  	[sflag:s0] =	ssyncadd.tile.s32 @!p0 $0x1;
	_ =	shalt  }
.Lfunc_end2:
_tile_overlayer_lowered:
.L_overlay_start_2:
0x129: {  	(tag) =	ssettag $0x2  }
0x12a: {  	s0 =	rddreg [dreg:$0x0];
	s2 =	stileid.u32  }
0x12b: {  	s1 =	rddreg [dreg:$0x1];
	p0 =	sne.s32 s2, $0x0  }
0x12c: {  	s3 =	rddreg [dreg:$0x2];
	[bflag:$0x3] =	sbarrier.arrive $0xFFFF;
	s2 =	simm.s32 @!p0 $0x1C05  }
0x12d: {  	[timem:s3], [sflag:s2] =	dma.local @!p0 [hbm:s0], s1  }
0x12e: {  	s0 =	simm.s32 @!p0 $0x5  }
0x12f: {  	_ =	swait.ge @!p0 [sflag:s0], s1  }
0x130: {  	s1 =	ssub.s32 @!p0 $0x0, s1;
	[sflag:s0] =	ssyncset.done @!p0 $0x0  }
0x131: {  	[sflag:s0] =	ssyncadd.s32 @!p0 s1  }
0x132: {  	[bflag:$0x3] =	sbarrier.arrive $0xFFFF  }
0x133: {  	_ =	shalt  }

// kernel: _run.9.cloned.1.call-start
scs
__scs_entry_jumppad:
0x0: {  	(pc) =	sbr.rel $0x88, $3  }
0x1: {  	(tag) =	ssettag $0x0;
	lr =	simm.s32 $0x1  }
0x2: {  	[smem:$0x3F99] =	sst lr;
	_ =	strace $0xD0000000  }
0x3: {  	_ = 	snop  }
0x4: {  	_ = 	snop  }
0x5: {  	_ = 	snop  }
0x6: {  	_ = 	snop  }
0x7: {  	_ = 	snop  }
__scs_overlays_trampoline_lowered:
0x8: {  	[smem:$0x3FA8] =	sst s0  }
0x9: {  	[smem:$0x3FA9] =	sst s1  }
0xa: {  	[smem:$0x3FAA] =	sst s2  }
0xb: {  	[smem:$0x3FAB] =	sst s3  }
0xc: {  	[smem:$0x3FAC] =	sst s4  }
0xd: {  	[smem:$0x3FAD] =	sst s5  }
0xe: {  	[smem:$0x3FAE] =	sst s6  }
0xf: {  	[smem:$0x3FAF] =	sst s7  }
0x10: {  	[smem:$0x3FB0] =	sst s8  }
0x11: {  	[smem:$0x3FB1] =	sst s9;
	s0 =	simm.s32 @!p0 $0x0  }
0x12: {  	s1 =	sld [smem:$0x3F97];
	s0 =	simm.s32 @p0 $0x1  }
0x13: {  	[smem:$0x3FB2] =	sst s0;
	s0 =	simm.s32 @!p1 $0x0  }
0x14: {  	s2 =	sld [smem:$0x3F96];
	s0 =	simm.s32 @p1 $0x1  }
0x15: {  	[smem:$0x3FB3] =	sst s0;
	s0 =	simm.s32 @!p2 $0x0  }
0x16: {  	s3 =	sld [smem:$0x3FDB];
	s0 =	simm.s32 @p2 $0x1  }
0x17: {  	s4 =	simm.s32 $0x1BF5;
	[smem:$0x3FB5] =	sst s0  }
0x18: {  	s0 =	sld [smem:$0x3F98];
	_ =	swait.ge [sflag:s4], $0x0  }
0x19: {  	s7 =	sld [smem:$0x3F99]  }
0x1a: {  	s8 =	sadd.s32 $0xFFFFE003, lr  }
0x1b: {  	s9 =	sadd.s32 $0xFFFFFEF7, lr;
	s5 =	simm.s32 $0xFFFFFFFF;
	p2 =	slt.u32 s8, $0xFFFFF086  }
0x1c: {  	p1 =	slt.u32 s9, $0xF7A;
	s5 =	simm.s32 @!p2 $0x0  }
0x1d: {  	s5 =	simm.s32 @p1 $0x1;
	p0 =	seq.s32 s7, s2  }
0x1e: {  	s7 =	smul.u32 @!p0 $0xF7A, s2;
	p2 =	seq.s32 @!p0 s5, $0x0  }
0x1f: {  	s9 =	smul.u32 $0xF7A, s1;
	s8 =	simm.s32 @!p0 $0x1BF5;
	p2 =	por !p2, p0  }
0x20: {  	[sflag:s8] =	ssyncset.s32 @!p0 $0xFFFFF086;
	s6 =	sadd.s32 @!p0 s3, s7;
	s7 =	simm.s32 @!p0 $0x108  }
0x21: {  	s3 =	sadd.s32 s3, s9;
	s6 =	sadd.s32 @!p0 $0x88, s6;
	s7 =	simm.s32 @p2 $0x1082  }
0x22: {  	[simem:s7], [sflag:s8] =	dma.local @!p0 [hbm:s6], $0xF7A  }
0x23: {  	s9 =	sor.u32 $0xD0000000, s2;
	s6 =	simm.s32 $0x108;
	_ =	swait.ge @!p0 [sflag:s8], $0x0  }
0x24: {  	s3 =	sadd.s32 $0x88, s3;
	s6 =	simm.s32 @!p1 $0x1082;
	[sflag:s4] =	ssyncset.s32 $0xFFFFF086  }
0x25: {  	[simem:s6], [sflag:s4] =	dma.local [hbm:s3], $0xF7A  }
0x26: {  	[smem:$0x3F99] =	sst s1;
	(tag) =	ssettag s2;
	_ =	strace s9  }
0x27: {  	s1 =	sld [smem:$0x3FA9]  }
0x28: {  	s2 =	sld [smem:$0x3FAA]  }
0x29: {  	s4 =	sld [smem:$0x3FAC]  }
0x2a: {  	p0 =	seq.s32 s5, $0x0;
	s5 =	sld [smem:$0x3FAD]  }
0x2b: {  	s6 =	sld [smem:$0x3FAE]  }
0x2c: {  	s7 =	sld [smem:$0x3FAF]  }
0x2d: {  	s3 =	simm.s32 $0x108;
	s8 =	sld [smem:$0x3FB0]  }
0x2e: {  	s3 =	simm.s32 @!p0 $0x1082;
	s9 =	sld [smem:$0x3FB1]  }
0x2f: {  	lr =	sadd.s32 s0, s3;
	s0 =	sld [smem:$0x3FA8]  }
0x30: {  	s3 =	sld [smem:$0x3FAB]  }
0x31: {  	[smem:$0x3FB4] =	sst s10  }
0x32: {  	s10 =	sld [smem:$0x3FB2];
	_ =	sdelay $0x3  }
0x33: {  	p0 =	seq.s32 s10, $0x1;
	s10 =	sld [smem:$0x3FB4];
	_ =	sdelay $0x3  }
0x34: {  	[smem:$0x3FB4] =	sst s10  }
0x35: {  	s10 =	sld [smem:$0x3FB3];
	_ =	sdelay $0x3  }
0x36: {  	p1 =	seq.s32 s10, $0x1;
	s10 =	sld [smem:$0x3FB4];
	_ =	sdelay $0x3  }
0x37: {  	[smem:$0x3FB4] =	sst s10  }
0x38: {  	s10 =	sld [smem:$0x3FB5]  }
0x39: {  	_ = 	snop;
	(pc) =	sbr.ind lr, $3  }
0x3a: {  	_ = 	snop  }
0x3b: {  	_ = 	snop  }
0x3c: {  	p2 =	seq.s32 s10, $0x1;
	s10 =	sld [smem:$0x3FB4]  }
0x3d: {  	_ =	shalt  }
0x3e: {  	_ =	shalt  }
0x3f: {  	_ =	shalt  }
0x40: {  	_ =	shalt  }
0x41: {  	_ =	shalt  }
0x42: {  	_ =	shalt  }
0x43: {  	_ =	shalt  }
0x44: {  	_ =	shalt  }
0x45: {  	_ =	shalt  }
0x46: {  	_ =	shalt  }
0x47: {  	_ =	shalt  }
0x48: {  	_ =	shalt  }
0x49: {  	_ =	shalt  }
0x4a: {  	_ =	shalt  }
0x4b: {  	_ =	shalt  }
0x4c: {  	_ =	shalt  }
0x4d: {  	_ =	shalt  }
0x4e: {  	_ =	shalt  }
0x4f: {  	_ =	shalt  }
0x50: {  	_ =	shalt  }
0x51: {  	_ =	shalt  }
0x52: {  	_ =	shalt  }
0x53: {  	_ =	shalt  }
0x54: {  	_ =	shalt  }
0x55: {  	_ =	shalt  }
0x56: {  	_ =	shalt  }
0x57: {  	_ =	shalt  }
0x58: {  	_ =	shalt  }
0x59: {  	_ =	shalt  }
0x5a: {  	_ =	shalt  }
0x5b: {  	_ =	shalt  }
0x5c: {  	_ =	shalt  }
0x5d: {  	_ =	shalt  }
0x5e: {  	_ =	shalt  }
0x5f: {  	_ =	shalt  }
0x60: {  	_ =	shalt  }
0x61: {  	_ =	shalt  }
0x62: {  	_ =	shalt  }
0x63: {  	_ =	shalt  }
0x64: {  	_ =	shalt  }
0x65: {  	_ =	shalt  }
0x66: {  	_ =	shalt  }
0x67: {  	_ =	shalt  }
0x68: {  	_ =	shalt  }
0x69: {  	_ =	shalt  }
0x6a: {  	_ =	shalt  }
0x6b: {  	_ =	shalt  }
0x6c: {  	_ =	shalt  }
0x6d: {  	_ =	shalt  }
0x6e: {  	_ =	shalt  }
0x6f: {  	_ =	shalt  }
0x70: {  	_ =	shalt  }
0x71: {  	_ =	shalt  }
0x72: {  	_ =	shalt  }
0x73: {  	_ =	shalt  }
0x74: {  	_ =	shalt  }
0x75: {  	_ =	shalt  }
0x76: {  	_ =	shalt  }
0x77: {  	_ =	shalt  }
0x78: {  	_ =	shalt  }
0x79: {  	_ =	shalt  }
0x7a: {  	_ =	shalt  }
0x7b: {  	_ =	shalt  }
0x7c: {  	_ =	shalt  }
0x7d: {  	_ =	shalt  }
0x7e: {  	_ =	shalt  }
0x7f: {  	_ =	shalt  }
0x80: {  	_ =	shalt  }
0x81: {  	_ =	shalt  }
0x82: {  	_ =	shalt  }
0x83: {  	_ =	shalt  }
0x84: {  	_ =	shalt  }
0x85: {  	_ =	shalt  }
0x86: {  	_ =	shalt  }
0x87: {  	_ =	shalt  }
.Lfunc_end0:
.L_simem_size_0:
called_computation.1_lowered:
.L_overlay_start_0:
0x88: {  	s2 =	sld [smem:$0x3FD9]  }
0x89: {  	s3 =	sld [smem:$0x3FFE];
	_ =	sdelay $0x1  }
0x8a: {  	s1 =	srdreg.scid  }
0x8b: {  	s0 =	sand.u32 $0x1, s1  }
0x8c: {  	s14 =	sshll.u32 s0, $0xA;
	s2 =	sadd.s32 s3, s2  }
0x8d: {  	s2 =	sadd.s32 s2, s14  }
0x8e: {  	[smem:$0x3FC0] =	sst s2  }
0x8f: {  	_ = 	snop  }
0x90: {  	s2 =	sld [smem:$0x3FD0];
	_ =	sdelay $0x2  }
0x91: {  	s4 =	simm.s32 $0xB;
	s5 =	simm.s32 $0x10;
	s15 =	sld [smem:$0x3FC7]  }
0x92: {  	[smem:s5], [sflag:s4] =	dma.local [hbm:s2], $0x1  }
0x93: {  	_ =	swait.eq [sflag:s4], $0x1  }
0x94: {  	[sflag:s4] =	ssyncset.done $0x0  }
0x95: {  	s16 =	sld [smem:$0x10];
	[sflag:s4] =	ssyncadd.s32 $0xFFFFFFFF  }
0x96: {  	s17 =	sld [smem:$0x11];
	(tm) =	ssettm $0x1  }
0x97: {  	s18 =	sld [smem:$0x3FFB];
	_ =	sdelay $0x3  }
0x98: {  	_ =	strace s18  }
0x99: {  	s5 =	sld [smem:$0x3FFC];
	_ =	sdelay $0x3  }
0x9a: {  	_ =	strace s5  }
0x9b: {  	s5 =	sld [smem:$0x3FFD];
	_ =	sdelay $0x3  }
0x9c: {  	_ =	strace s5  }
0x9d: {  	_ =	strace $0x8FFFFFFF  }
0x9e: {  	s19 =	sld [smem:$0x3FDB];
	_ =	sdelay $0x1  }
0x9f: {  	s6 =	simm.s32 $_scs_section_size  }
0xa0: {  	s7 =	simm.s32 $_size__tile_overlayer_lowered;
	s8 =	simm.s32 $_tile_overlayer_lowered  }
0xa1: {  	s22 =	simm.s32 $0x1BFF;
	s21 =	sshll.u32 s8, $0x1;
	s5 =	sadd.s32 s6, s19  }
0xa2: {  	s9 =	simm.s32 $0x0;
	s20 =	sshll.u32 s7, $0x1;
	s7 =	sadd.s32 s21, s5  }
0xa3: {  	[timem:s9], [sflag:s22] =	dma.local [hbm:s7], s20  }
0xa4: {  	_ =	swait.ge [sflag:s22], s20  }
0xa5: {  	s6 =	ssub.s32 $0x0, s20;
	[sflag:s22] =	ssyncset.done $0x0  }
0xa6: {  	[sflag:s22] =	ssyncadd.s32 s6;
	_ =	sdelay $0x1  }
0xa7: {  	s23 =	simm.s32 $0x1B8B  }
0xa8: {  	_ =	swait.ge [sflag:s23], $0x1  }
0xa9: {  	[sflag:s23] =	ssyncset.done $0x0  }
0xaa: {  	s25 =	simm.s32 $0x1B8E;
	s24 =	sld [smem:$0x3FFE];
	[sflag:s23] =	ssyncadd.s32 $0xFFFFFFFF  }
0xab: {  	s26 =	simm.s32 $execute0_lowered;
	[smem:$0x3FD2] =	sst s25  }
0xac: {  	s7 =	sshll.u32 s26, $0x1;
	_ =	strace $0x80000046;
	[dreg:$0x1] =	wrdreg $0xFFFFFFFF  }
0xad: {  	s28 =	simm.s32 $_size_execute0_lowered;
	s5 =	sadd.s32 s5, s7;
	[dreg:$0x0] =	wrdreg $0x0  }
0xae: {  	s7 =	sshll.u32 s28, $0x1;
	[dreg:$0x2] =	wrdreg s5  }
0xaf: {  	[dreg:$0x3] =	wrdreg s7  }
0xb0: {  	[dreg:$0x4] =	wrdreg $0xC0  }
0xb1: {  	_ =	task [dreg:s9], $0x5FFFF  }
0xb2: {  	[dreg:$0x1] =	wrdreg $0xFFFFFFFF  }
0xb3: {  	[dreg:$0x0] =	wrdreg $0x60  }
0xb4: {  	[dreg:$0x2] =	wrdreg s15  }
0xb5: {  	[dreg:$0x3] =	wrdreg s16  }
0xb6: {  	[dreg:$0x4] =	wrdreg s17  }
0xb7: {  	[dreg:$0x5] =	wrdreg s24  }
0xb8: {  	[dreg:$0x6] =	wrdreg $0x9D000  }
0xb9: {  	[dreg:$0x7] =	wrdreg $0x1D5800  }
0xba: {  	[dreg:$0x8] =	wrdreg $0xA  }
0xbb: {  	_ =	task.clear_ibuf [dreg:s9], $0x9FFFF;
	_ =	strace $0x90000046  }
0xbc: {  	s29 =	simm.s32 $0xA;
	_ =	strace $0x80000048  }
0xbd: {  	_ =	swait.ge [sflag:s29], $0x1  }
0xbe: {  	[sflag:s29] =	ssyncadd.s32 $0xFFFFFFFF  }
0xbf: {  	_ =	strace $0x90000048  }
0xc0: {  	_ =	sfence  }
0xc1: {  	s30 =	sld [smem:$0x0];
	_ =	sdelay $0x2  }
0xc2: {  	s31 =	sshll.u32 s1, $0xD;
	s1 =	sshrl.u32 s1, $0x2  }
0xc3: {  	s3 =	sand.u32 $0x4000, s31;
	s1 =	sadd.s32 s1, s30  }
0xc4: {  	s0 =	sor.u32 s3, s0;
	s1 =	sshll.u32 s1, $0x11  }
0xc5: {  	s0 =	sor.u32 s1, s0  }
0xc6: {  	s0 =	sadd.s32 $0x8F2B, s0  }
0xc7: {  	[sflag:s0] =	ssyncadd.remote.s32 $0x1  }
0xc8: {  	_ =	sfence.sel $0xFFFF  }
0xc9: {  	[dreg:$0x0] =	wrdreg $0xFFFFFFFF;
	(pc) =	sbr.abs _section_cstart, $3  }
0xca: {  	[dreg:$0x1] =	wrdreg $0xFFFFFFFF  }
0xcb: {  	_ =	task.clear_ibuf [dreg:s9], $0x2FFFF;
	_ =	strace $0x9FFFFFFF  }
0xcc: {  	(tm) =	ssettm $0x7FFFFFFF  }
0xcd: {  	_ =	shalt  }
tec
execute0_lowered:
.L_overlay_start_1:
0x0: {  	(tag) =	ssettag $0x1  }
0x1: {  	s0 =	rddreg [dreg:$0x0]  }
0x2: {  	s1 =	rddreg [dreg:$0x1]  }
0x3: {  	s5 =	rddreg [dreg:$0x2]  }
0x4: {  	s6 =	rddreg [dreg:$0x3]  }
0x5: {  	s2 =	rddreg [dreg:$0x4]  }
0x6: {  	s3 =	rddreg [dreg:$0x5];
	s14 =	stileid.u32  }
0x7: {  	s4 =	simm.s32 $0x0;
	s7 =	srdreg.scid;
	s9 =	smul.u32 $0x5000, s14  }
0x8: {  	s28 =	simm.s32 $0x2;
	s29 =	simm.s32 $0x5;
	s12 =	smul.u32 $0xA0, s14  }
0x9: {  	s30 =	simm.s32 $0x80;
	s31 =	simm.s32 $0x200;
	s20 =	smul.u32 $0x9C4, s14  }
0xa: {  	[smem:$0x7FF] =	sst s4;
	s7 =	sand.u32 $0x1, s7;
	s21 =	smul.u32 $0x270, s14  }
0xb: {  	s8 =	sadd.s32 $0x3000, s6;
	s11 =	ssub.s32 $0x109, s14;
	s23 =	smul.u32 $0x4E000, s14  }
0xc: {  	p0 =	sne.s32 s14, $0x0;
	s14 =	simm.s32 $0x4;
	s17 =	ssub.s32 $0x2, s7  }
0xd: {  	_ =	strace $0x80000047;
	s6 =	sshrl.u32 s11, $0x4;
	s10 =	sshrl.u32 s17, $0x1  }
0xe: {  	s18 =	sshrl.u32 s9, $0x2;
	s19 =	sshrl.u32 s12, $0x2;
	s24 =	sshrl.u32 s20, $0x4  }
0xf: {  	s22 =	sadd.s32 $0x9C4, s20;
	s9 =	sshrl.u32 s23, $0x2;
	s13 =	ssub.s32 s17, s10  }
0x10: {  	s17 =	smul.u32 $0x2710, s7;
	s15 =	sadd.s32 s18, s2;
	s7 =	sadd.s32 s21, s3  }
0x11: {  	s10 =	sshrl.u32 s22, $0x4;
	s22 =	sadd.s32 $0x2700, s3;
	[dreg:$0xb] =	wrdreg s7  }
0x12: {  	s16 =	sadd.s32 s19, s3;
	s25 =	sshll.u32 s24, $0x6;
	[dreg:$0xe] =	wrdreg s22  }
0x13: {  	s18 =	sadd.s32 s1, s25;
	s1 =	sadd.s32 s9, s2;
	[dreg:$0x7] =	wrdreg s15  }
0x14: {  	s25 =	smax.u32 s13, $0x1;
	[dreg:$0x8] =	wrdreg s16;
	s22 =	simm.s32 $0x8680  }
0x15: {  	p1 =	sge.u32 s24, s10;
	s13 =	simm.s32 $0x8500;
	[dreg:$0x10] =	wrdreg s25  }
0x16: {  	s26 =	sadd.s32 s21, s17;
	s20 =	sadd.s32 $0x2700, s17;
	[dreg:$0x9] =	wrdreg s18  }
0x17: {  	s1 =	sshrl.u32 s1, $0x3;
	s25 =	simm.s32 $0x8600;
	v0 =	vmov s17;
	s17 =	simm.s32 $0x380  }
0x18: {  	s11 =	sshll.u32 s26, $0x4;
	s12 =	sshrl.u32 s26, $0x3;
	s21 =	sshll.u32 s20, $0x4  }
0x19: {  	s7 =	sshrl.u32 s20, $0x3;
	s20 =	sadd.s32 $0x280, s16;
	s26 =	sadd.s32 $0x40, s18  }
0x1a: {  	[dreg:$0x12] =	wrdreg s1;
	s16 =	simm.s32 $0x3;
	s9 =	sadd.s32 s5, s11  }
0x1b: {  	s19 =	sadd.s32 s8, s12;
	s5 =	sadd.s32 s5, s21;
	[dreg:$0x11] =	wrdreg s26  }
0x1c: {  	s23 =	sadd.s32 s8, s7;
	s26 =	simm.s32 $0x1;
	[dreg:$0xa] =	wrdreg s9  }
.Ltmp0:
0x1d: {  	s12 =	simm.s32 $0x400;
	[dreg:$0xc] =	wrdreg s19;
	(pc) =	sbr.rel .LBB2_1-.Ltmp0, $4  }
0x1e: {  	s7 =	simm.s32 $0x300;
	s8 =	simm.s32 $0x4500;
	[dreg:$0xd] =	wrdreg s5  }
0x1f: {  	s11 =	simm.s32 $0x0;
	s9 =	sadd.s32 $0x138000, s2;
	[dreg:$0xf] =	wrdreg s23  }
0x20: {  	s23 =	sadd.s32 $0x14000, s15;
	s5 =	simm.s32 $0x100;
	s1 =	sshrl.u32 @!p0 s9, $0x3  }
0x21: {  	v1 =	vimm.f32 $1.000000000e+00;
	v2 =	vimm.f32 $0.0e+00;
	s15 =	simm.s32 $0x280;
	[dreg:$0x13] =	wrdreg s1;
	s1 =	simm.s32 $0x500  }
.LBB2_11:
0x22: {  	_ =	swait.ge [sflag:s14], $0x4000  }
0x23: {  	[sflag:s14] =	ssyncset.done $0x0  }
0x24: {  	[sflag:s14] =	ssyncadd.s32 $0xFFFFC000  }
0x25: {  	s9 =	stileid.u32;
	[bflag:$0x0] =	sbarrier.arrive $0xFFFF  }
0x26: {  	s9 =	sshll.u32 s9, $0x6;
	s19 =	rddreg [dreg:$0xa]  }
0x27: {  	s9 =	sor.u32 $0x1C05, s9;
	s18 =	rddreg [dreg:$0x12]  }
0x28: {  	[hbm:s19], [sflag:s9] =	dma.local [spmem:s18], $0x2700  }
0x29: {  	_ =	swait.ge [sflag:s29], $0x2700  }
0x2a: {  	[sflag:s29] =	ssyncset.done $0x0  }
0x2b: {  	s18 =	simm.s32 $0x9A80;
	s21 =	rddreg [dreg:$0xb];
	[sflag:s29] =	ssyncadd.s32 $0xFFFFD900  }
0x2c: {  	[tilespmem:s18], [sflag:$0x5] =	stream.linear.gather [spmem:s21], $0x270, $0x38;
	[tilespmem:$0x1D7F8] =	vst v63  }
0x2d: {  	_ =	swait.ge [sflag:s29], $0x270  }
0x2e: {  	[sflag:s29] =	ssyncset.done $0x0  }
0x2f: {  	s21 =	rddreg [dreg:$0xc];
	[sflag:s29] =	ssyncadd.s32 $0xFFFFFD90  }
0x30: {  	[hbm4b:s21+s4] =	stream.linear.scatter [tilespmem:s18], [sflag:$0x5], $0x270, $0x38;
	[tilespmem:$0x1D7F8] =	vst v63  }
0x31: {  	_ =	swait.ge [sflag:s29], $0x270  }
0x32: {  	[sflag:s29] =	ssyncset.done $0x0;
	s19 =	rddreg [dreg:$0xd]  }
0x33: {  	s18 =	rddreg [dreg:$0x13];
	[sflag:s29] =	ssyncadd.s32 $0xFFFFFD90  }
0x34: {  	[hbm:s19], [sflag:s9] =	dma.local @!p0 [spmem:s18], $0x100  }
0x35: {  	s9 =	simm.s32 @!p0 $0x5  }
0x36: {  	_ =	swait.ge @!p0 [sflag:s9], $0x100  }
0x37: {  	[sflag:s9] =	ssyncset.done @!p0 $0x0  }
0x38: {  	s19 =	simm.s32 @!p0 $0x9A80;
	s21 =	rddreg [dreg:$0xe];
	[sflag:s9] =	ssyncadd.s32 @!p0 $0xFFFFFF00  }
0x39: {  	[tilespmem:s19], [sflag:$0x5] =	stream.linear.gather @!p0 [spmem:s21], $0x10, $0x38;
	[tilespmem:$0x1D7F8] =	vst v63  }
0x3a: {  	_ =	swait.ge @!p0 [sflag:s9], $0x10  }
0x3b: {  	[sflag:s9] =	ssyncset.done @!p0 $0x0  }
0x3c: {  	s21 =	simm.s32 @!p0 $0x0;
	s18 =	rddreg [dreg:$0xf];
	[sflag:s9] =	ssyncadd.s32 @!p0 $0xFFFFFFF0  }
0x3d: {  	[hbm4b:s18+s21] =	stream.linear.scatter @!p0 [tilespmem:s19], [sflag:$0x5], $0x10, $0x38;
	[tilespmem:$0x1D7F8] =	vst v63  }
0x3e: {  	_ =	swait.ge @!p0 [sflag:s9], $0x10  }
0x3f: {  	s11 =	sadd.s32 $0x1, s11;
	s21 =	rddreg [dreg:$0x10]  }
0x40: {  	p2 =	sne.s32 s11, s21  }
.Ltmp1:
0x41: {  	_ = 	snop;
	(pc) =	sbr.rel @!p2 .LBB2_12-.Ltmp1, $3  }
0x42: {  	_ =	sdelay $0x1  }
0x43: {  	[sflag:s9] =	ssyncset.done @!p0 $0x0  }
0x44: {  	[sflag:s9] =	ssyncadd.s32 @!p0 $0xFFFFFFF0  }
.LBB2_1:
0x45: {  	[tilespmem:$0x8500] =	vst v1  }
0x46: {  	[tilespmem:$0x8510] =	vst v1  }
0x47: {  	[tilespmem:$0x8520] =	vst v1  }
0x48: {  	[tilespmem:$0x8530] =	vst v1  }
0x49: {  	[tilespmem:$0x8540] =	vst v1  }
0x4a: {  	[tilespmem:$0x8550] =	vst v1  }
0x4b: {  	[tilespmem:$0x8560] =	vst v1  }
0x4c: {  	[tilespmem:$0x8570] =	vst v1  }
0x4d: {  	[tilespmem:$0x8580] =	vst v1  }
0x4e: {  	[tilespmem:$0x8590] =	vst v1  }
0x4f: {  	[tilespmem:$0x85A0] =	vst v1  }
0x50: {  	[tilespmem:$0x85B0] =	vst v1  }
0x51: {  	[tilespmem:$0x85C0] =	vst v1  }
0x52: {  	[tilespmem:$0x85D0] =	vst v1  }
0x53: {  	[tilespmem:$0x85E0] =	vst v1  }
0x54: {  	[tilespmem:$0x85F0] =	vst v1;
	s9 =	simm.s32 $0x0;
	s19 =	simm.s32 $0x200  }
.LBB2_2:
0x55: {  	p2 =	sne.s32 s19, $0x4E00;
	[tilespmem:s9+$0x86F0] =	vst v2  }
0x56: {  	[tilespmem:s9+$0x8680] =	vst v2  }
0x57: {  	[tilespmem:s9+$0x8690] =	vst v2  }
.Ltmp2:
0x58: {  	[tilespmem:s9+$0x86A0] =	vst v2;
	(pc) =	sbr.rel @p2 .LBB2_2-.Ltmp2, $4  }
0x59: {  	[tilespmem:s9+$0x86B0] =	vst v2  }
0x5a: {  	[tilespmem:s9+$0x86C0] =	vst v2  }
0x5b: {  	[tilespmem:s9+$0x86D0] =	vst v2  }
0x5c: {  	[tilespmem:s9+$0x86E0] =	vst v2;
	s9 =	sshra.s32 s19, $0x2;
	s19 =	sadd.s32 $0x200, s19  }
0x5d: {  	[tilespmem:s9+$0x86F0] =	vst v2  }
0x5e: {  	[tilespmem:s9+$0x8680] =	vst v2  }
0x5f: {  	[tilespmem:s9+$0x8690] =	vst v2  }
0x60: {  	[tilespmem:s9+$0x86A0] =	vst v2  }
0x61: {  	[tilespmem:s9+$0x86B0] =	vst v2  }
0x62: {  	[tilespmem:s9+$0x86C0] =	vst v2  }
0x63: {  	[tilespmem:s9+$0x86D0] =	vst v2  }
0x64: {  	[tilespmem:s9+$0x86E0] =	vst v2  }
0x65: {  	[tilespmem:$0x8600] =	vst v2  }
0x66: {  	[tilespmem:$0x8610] =	vst v2  }
0x67: {  	s19 =	rddreg [dreg:$0x7];
	[tilespmem:$0x8618] =	vst v2  }
0x68: {  	[spmem:s19] =	stream.linear.scatter [tilespmem:s22], [sflag:$0x1], $0x1400, $0x38;
	[tilespmem:$0x1D7F8] =	vst v63  }
0x69: {  	s21 =	rddreg [dreg:$0x8]  }
0x6a: {  	[spmem:s21] =	stream.linear.scatter [tilespmem:s25], [sflag:$0x2], $0x28, $0x38;
	[tilespmem:$0x1D7F8] =	vst v63  }
0x6b: {  	_ = 	snop  }
0x6c: {  	[spmem:s23] =	stream.linear.scatter [tilespmem:s22], [sflag:$0x1], $0x1400, $0x38;
	[tilespmem:$0x1D7F8] =	vst v63  }
0x6d: {  	p2 =	sne.s32 s6, $0x2  }
0x6e: {  	[spmem:s20] =	stream.linear.scatter [tilespmem:s25], [sflag:$0x2], $0x28, $0x38;
	[tilespmem:$0x1D7F8] =	vst v63  }
.Ltmp3:
0x6f: {  	_ =	swait.ge [sflag:s26], $0x1400;
	(pc) =	sbr.rel @!p2 .LBB2_5-.Ltmp3, $4  }
0x70: {  	[sflag:s26] =	ssyncset.done $0x0  }
0x71: {  	[sflag:s26] =	ssyncadd.s32 $0xFFFFEC00  }
0x72: {  	s9 =	simm.s32 $0x2;
	_ =	swait.ge [sflag:s28], $0x28  }
0x73: {  	s19 =	smov.u32 s23;
	s21 =	sadd.s32 $0x280, s20;
	[sflag:s28] =	ssyncset.done $0x0  }
.LBB2_4:
0x74: {  	s9 =	sadd.s32 $0x1, s9;
	[sflag:s28] =	ssyncadd.s32 $0xFFFFFFD8;
	s19 =	sadd.s32 $0x14000, s19  }
0x75: {  	[spmem:s19] =	stream.linear.scatter [tilespmem:s22], [sflag:$0x1], $0x1400, $0x38;
	[tilespmem:$0x1D7F8] =	vst v63  }
0x76: {  	p2 =	sne.s32 s6, s9  }
0x77: {  	[spmem:s21] =	stream.linear.scatter [tilespmem:s25], [sflag:$0x2], $0x28, $0x38;
	[tilespmem:$0x1D7F8] =	vst v63  }
.Ltmp4:
0x78: {  	_ =	swait.ge [sflag:s26], $0x1400;
	(pc) =	sbr.rel @p2 .LBB2_4-.Ltmp4, $4  }
0x79: {  	[sflag:s26] =	ssyncset.done $0x0  }
0x7a: {  	[sflag:s26] =	ssyncadd.s32 $0xFFFFEC00  }
0x7b: {  	_ =	swait.ge [sflag:s28], $0x28  }
0x7c: {  	s21 =	sadd.s32 $0x280, s21;
	[sflag:s28] =	ssyncset.done $0x0  }
.LBB2_5:
0x7d: {  	[sflag:s28] =	ssyncadd.s32 $0xFFFFFFD8  }
0x7e: {  	_ =	swait.ge [sflag:s26], $0x1400  }
0x7f: {  	[sflag:s26] =	ssyncset.done $0x0  }
0x80: {  	[sflag:s26] =	ssyncadd.s32 $0xFFFFEC00  }
0x81: {  	_ =	swait.ge [sflag:s28], $0x28  }
0x82: {  	[sflag:s28] =	ssyncset.done $0x0  }
0x83: {  	[sflag:s28] =	ssyncadd.s32 $0xFFFFFFD8  }
0x84: {  	[bflag:$0x0] =	sbarrier.arrive $0xFFFF  }
0x85: {  	s9 =	rddreg [dreg:$0x9]  }
0x86: {  	[tilespmem:s4], [sflag:$0x5] =	stream.linear.gather [hbm4b:s9+s4], $0x200, $0x38;
	[tilespmem:$0x1D7F8] =	vst v63  }
0x87: {  	_ =	swait.ge [sflag:s29], $0x200  }
0x88: {  	[sflag:s29] =	ssyncset.done $0x0  }
0x89: {  	[sflag:s29] =	ssyncadd.s32 $0xFFFFFE00  }
0x8a: {  	v3 =	vld [tilespmem:$0x80];
	_ =	sdelay $0x2  }
0x8b: {  	v4 =	vld [tilespmem:$0x90]  }
0x8c: {  	v5 =	vld [tilespmem:$0x0]  }
0x8d: {  	v3 =	vsub.s32 v3, v0  }
0x8e: {  	v6 =	vld [tilespmem:$0xA0];
	vm0 =	vlt.u32 v3, $0x2710  }
0x8f: {  	v7 =	vld [tilespmem:$0x10];
	v3 =	vnsel vm0, $0xFFFFFFFF, v3  }
0x90: {  	v4 =	vsub.s32 v4, v0;
	[tilespmem:$0x280] =	vst v3  }
0x91: {  	v37 =	vld [tilespmem:$0xB0];
	vm13 =	vlt.u32 v4, $0x2710;
	[tilespmem:$0x400] =	vst v3;
	v3 =	vnsel vm0, $0xFFFFFFFF, v5  }
0x92: {  	v38 =	vld [tilespmem:$0x20];
	[tilespmem:$0x200] =	vst v3;
	v3 =	vnsel vm13, $0xFFFFFFFF, v4  }
0x93: {  	v6 =	vsub.s32 v6, v0;
	[tilespmem:$0x290] =	vst v3  }
0x94: {  	v39 =	vld [tilespmem:$0xC0];
	vm14 =	vlt.u32 v6, $0x2710;
	[tilespmem:$0x410] =	vst v3;
	v3 =	vnsel vm13, $0xFFFFFFFF, v7  }
0x95: {  	v40 =	vld [tilespmem:$0x30];
	[tilespmem:$0x210] =	vst v3;
	v3 =	vnsel vm14, $0xFFFFFFFF, v6  }
0x96: {  	v5 =	vsub.s32 v37, v0;
	[tilespmem:$0x2A0] =	vst v3  }
0x97: {  	v41 =	vld [tilespmem:$0xD0];
	vm15 =	vlt.u32 v5, $0x2710;
	[tilespmem:$0x420] =	vst v3;
	v3 =	vnsel vm14, $0xFFFFFFFF, v38  }
0x98: {  	v42 =	vld [tilespmem:$0x40];
	[tilespmem:$0x220] =	vst v3;
	v3 =	vnsel vm15, $0xFFFFFFFF, v5  }
0x99: {  	v7 =	vsub.s32 v39, v0;
	[tilespmem:$0x2B0] =	vst v3  }
0x9a: {  	v43 =	vld [tilespmem:$0xE0];
	vm4 =	vlt.u32 v7, $0x2710;
	[tilespmem:$0x430] =	vst v3;
	v3 =	vnsel vm15, $0xFFFFFFFF, v40  }
0x9b: {  	v44 =	vld [tilespmem:$0x50];
	[tilespmem:$0x230] =	vst v3;
	v3 =	vnsel vm4, $0xFFFFFFFF, v7  }
0x9c: {  	v4 =	vsub.s32 v41, v0;
	[tilespmem:$0x2C0] =	vst v3  }
0x9d: {  	v45 =	vld [tilespmem:$0xF0];
	vm5 =	vlt.u32 v4, $0x2710;
	[tilespmem:$0x440] =	vst v3;
	v3 =	vnsel vm4, $0xFFFFFFFF, v42  }
0x9e: {  	v46 =	vld [tilespmem:$0x60];
	[tilespmem:$0x240] =	vst v3;
	v3 =	vnsel vm5, $0xFFFFFFFF, v4  }
0x9f: {  	v6 =	vsub.s32 v43, v0;
	[tilespmem:$0x2D0] =	vst v3  }
0xa0: {  	v47 =	vld [tilespmem:$0x180];
	vm6 =	vlt.u32 v6, $0x2710;
	[tilespmem:$0x450] =	vst v3;
	v3 =	vnsel vm5, $0xFFFFFFFF, v44  }
0xa1: {  	v48 =	vld [tilespmem:$0x70];
	[tilespmem:$0x250] =	vst v3;
	v3 =	vnsel vm6, $0xFFFFFFFF, v6  }
0xa2: {  	v5 =	vsub.s32 v45, v0;
	[tilespmem:$0x2E0] =	vst v3  }
0xa3: {  	v49 =	vld [tilespmem:$0x190];
	vm7 =	vlt.u32 v5, $0x2710;
	[tilespmem:$0x460] =	vst v3;
	v3 =	vnsel vm6, $0xFFFFFFFF, v46  }
0xa4: {  	v50 =	vld [tilespmem:$0x100];
	[tilespmem:$0x260] =	vst v3;
	v3 =	vnsel vm7, $0xFFFFFFFF, v5  }
0xa5: {  	v7 =	vsub.s32 v47, v0;
	[tilespmem:$0x2F0] =	vst v3  }
0xa6: {  	v51 =	vld [tilespmem:$0x1A0];
	vm8 =	vlt.u32 v7, $0x2710;
	[tilespmem:$0x470] =	vst v3;
	v3 =	vnsel vm7, $0xFFFFFFFF, v48  }
0xa7: {  	v52 =	vld [tilespmem:$0x110];
	[tilespmem:$0x270] =	vst v3;
	v3 =	vnsel vm8, $0xFFFFFFFF, v7  }
0xa8: {  	v4 =	vsub.s32 v49, v0;
	[tilespmem:$0x380] =	vst v3  }
0xa9: {  	v53 =	vld [tilespmem:$0x1B0];
	vm9 =	vlt.u32 v4, $0x2710;
	[tilespmem:$0x480] =	vst v3;
	v3 =	vnsel vm8, $0xFFFFFFFF, v50  }
0xaa: {  	v54 =	vld [tilespmem:$0x120];
	[tilespmem:$0x300] =	vst v3;
	v3 =	vnsel vm9, $0xFFFFFFFF, v4  }
0xab: {  	v6 =	vsub.s32 v51, v0;
	[tilespmem:$0x390] =	vst v3  }
0xac: {  	v55 =	vld [tilespmem:$0x1C0];
	vm10 =	vlt.u32 v6, $0x2710;
	[tilespmem:$0x490] =	vst v3;
	v3 =	vnsel vm9, $0xFFFFFFFF, v52  }
0xad: {  	v56 =	vld [tilespmem:$0x130];
	[tilespmem:$0x310] =	vst v3;
	v3 =	vnsel vm10, $0xFFFFFFFF, v6  }
0xae: {  	v5 =	vsub.s32 v53, v0;
	[tilespmem:$0x3A0] =	vst v3  }
0xaf: {  	v57 =	vld [tilespmem:$0x1D0];
	vm11 =	vlt.u32 v5, $0x2710;
	[tilespmem:$0x4A0] =	vst v3;
	v3 =	vnsel vm10, $0xFFFFFFFF, v54  }
0xb0: {  	v58 =	vld [tilespmem:$0x140];
	[tilespmem:$0x320] =	vst v3;
	v3 =	vnsel vm11, $0xFFFFFFFF, v5  }
0xb1: {  	v7 =	vsub.s32 v55, v0;
	[tilespmem:$0x3B0] =	vst v3  }
0xb2: {  	v59 =	vld [tilespmem:$0x1E0];
	vm12 =	vlt.u32 v7, $0x2710;
	[tilespmem:$0x4B0] =	vst v3;
	v3 =	vnsel vm11, $0xFFFFFFFF, v56  }
0xb3: {  	v60 =	vld [tilespmem:$0x150];
	[tilespmem:$0x330] =	vst v3;
	v3 =	vnsel vm12, $0xFFFFFFFF, v7  }
0xb4: {  	v4 =	vsub.s32 v57, v0;
	[tilespmem:$0x3C0] =	vst v3  }
0xb5: {  	v61 =	vld [tilespmem:$0x1F0];
	vm13 =	vlt.u32 v4, $0x2710;
	[tilespmem:$0x4C0] =	vst v3;
	v3 =	vnsel vm12, $0xFFFFFFFF, v58  }
0xb6: {  	v62 =	vld [tilespmem:$0x160];
	[tilespmem:$0x340] =	vst v3;
	v3 =	vnsel vm13, $0xFFFFFFFF, v4  }
0xb7: {  	v6 =	vsub.s32 v59, v0;
	[tilespmem:$0x3D0] =	vst v3  }
0xb8: {  	vm14 =	vlt.u32 v6, $0x2710;
	[tilespmem:$0x4D0] =	vst v3;
	v3 =	vnsel vm13, $0xFFFFFFFF, v60  }
0xb9: {  	v63 =	vld [tilespmem:$0x170];
	[tilespmem:$0x350] =	vst v3;
	v3 =	vnsel vm14, $0xFFFFFFFF, v6  }
0xba: {  	v5 =	vsub.s32 v61, v0;
	[tilespmem:$0x3E0] =	vst v3  }
0xbb: {  	vm15 =	vlt.u32 v5, $0x2710;
	[tilespmem:$0x4E0] =	vst v3;
	v3 =	vnsel vm14, $0xFFFFFFFF, v62  }
0xbc: {  	[tilespmem:$0x360] =	vst v3;
	v3 =	vnsel vm15, $0xFFFFFFFF, v5  }
0xbd: {  	[tilespmem:$0x3F0] =	vst v3  }
0xbe: {  	[tilespmem:$0x4F0] =	vst v3;
	v3 =	vnsel vm15, $0xFFFFFFFF, v63  }
0xbf: {  	[tilespmem:$0x370] =	vst v3;
	(ifvalue) =	ssetifvalue $0xFFFFFFFF  }
0xc0: {  	(ifvalue) =	ssetifvalue $0xFFFFFFFF  }
0xc1: {  	[tilespmem:s1], [sflag:$0x1] =	stream.indirect.gather [hbm4b:s0+s30], $0x80, s31, s30, $0x40b8;
	[tilespmem:$0x1D7F8] =	vst v63  }
.Ltmp5:
0xc2: {  	_ = 	snop;
	(pc) =	sbr.rel @p1 .LBB2_11-.Ltmp5, $4  }
.Ltmp6:
0xc3: {  	_ = 	snop;
	(pc) =	sbr.rel @!p1 .LBB2_6-.Ltmp6, $4  }
0xc4: {  	(ifvalue) =	ssetifvalue $0xFFFFFFFF  }
0xc5: {  	[spmem:s3] =	stream.indirect.scatter.add.f32 [tilespmem:s13], [sflag:$0x3], $0x1, s12, s5, $0x40b8;
	[tilespmem:$0x1D7F8] =	vst v63  }
0xc6: {  	s9 =	smov.u32 s24;
	s21 =	rddreg [dreg:$0x11]  }
0xc7: {  	_ = 	snop  }
.LBB2_10:
0xc8: {  	p2 =	sne.s32 s10, s9  }
.Ltmp7:
0xc9: {  	_ = 	snop;
	(pc) =	sbr.rel @!p2 .LBB2_11-.Ltmp7, $4  }
0xca: {  	_ =	swait.ge [sflag:s28], $0x4000  }
0xcb: {  	[sflag:s28] =	ssyncset.done $0x0  }
0xcc: {  	s21 =	sadd.s32 $0x40, s21;
	[sflag:s28] =	ssyncadd.s32 $0xFFFFC000;
	(ifvalue) =	ssetifvalue $0xFFFFFFFF  }
0xcd: {  	[spmem:s2] =	stream.indirect.scatter.add.f32 [tilespmem:s8], [sflag:$0x4], $0x80, s17, s30, $0x40b8;
	[tilespmem:$0x1D7F8] =	vst v63  }
.LBB2_6:
0xce: {  	p2 =	sle.u32 s9, s24  }
.Ltmp8:
0xcf: {  	_ = 	snop;
	(pc) =	sbr.rel @p2 .LBB2_8-.Ltmp8, $1  }
0xd0: {  	_ =	sdelay $0x3  }
0xd1: {  	_ =	swait.ge [sflag:s14], $0x4000  }
0xd2: {  	[sflag:s14] =	ssyncset.done $0x0  }
0xd3: {  	[sflag:s14] =	ssyncadd.s32 $0xFFFFC000  }
0xd4: {  	v3 =	vld [tilespmem:$0x180];
	_ =	sdelay $0x2  }
0xd5: {  	v4 =	vld [tilespmem:$0x190]  }
0xd6: {  	v5 =	vld [tilespmem:$0x100]  }
0xd7: {  	v3 =	vsub.s32 v3, v0  }
0xd8: {  	v6 =	vld [tilespmem:$0x1A0];
	vm0 =	vlt.u32 v3, $0x2710  }
0xd9: {  	v7 =	vld [tilespmem:$0x110];
	v3 =	vnsel vm0, $0xFFFFFFFF, v3  }
0xda: {  	v4 =	vsub.s32 v4, v0;
	[tilespmem:$0x380] =	vst v3  }
0xdb: {  	v53 =	vld [tilespmem:$0x1B0];
	vm9 =	vlt.u32 v4, $0x2710;
	[tilespmem:$0x480] =	vst v3;
	v3 =	vnsel vm0, $0xFFFFFFFF, v5  }
0xdc: {  	v54 =	vld [tilespmem:$0x120];
	[tilespmem:$0x300] =	vst v3;
	v3 =	vnsel vm9, $0xFFFFFFFF, v4  }
0xdd: {  	v6 =	vsub.s32 v6, v0;
	[tilespmem:$0x390] =	vst v3  }
0xde: {  	v55 =	vld [tilespmem:$0x1C0];
	vm10 =	vlt.u32 v6, $0x2710;
	[tilespmem:$0x490] =	vst v3;
	v3 =	vnsel vm9, $0xFFFFFFFF, v7  }
0xdf: {  	v56 =	vld [tilespmem:$0x130];
	[tilespmem:$0x310] =	vst v3;
	v3 =	vnsel vm10, $0xFFFFFFFF, v6  }
0xe0: {  	v5 =	vsub.s32 v53, v0;
	[tilespmem:$0x3A0] =	vst v3  }
0xe1: {  	v57 =	vld [tilespmem:$0x1D0];
	vm11 =	vlt.u32 v5, $0x2710;
	[tilespmem:$0x4A0] =	vst v3;
	v3 =	vnsel vm10, $0xFFFFFFFF, v54  }
0xe2: {  	v58 =	vld [tilespmem:$0x140];
	[tilespmem:$0x320] =	vst v3;
	v3 =	vnsel vm11, $0xFFFFFFFF, v5  }
0xe3: {  	v7 =	vsub.s32 v55, v0;
	[tilespmem:$0x3B0] =	vst v3  }
0xe4: {  	v59 =	vld [tilespmem:$0x1E0];
	vm12 =	vlt.u32 v7, $0x2710;
	[tilespmem:$0x4B0] =	vst v3;
	v3 =	vnsel vm11, $0xFFFFFFFF, v56  }
0xe5: {  	v60 =	vld [tilespmem:$0x150];
	[tilespmem:$0x330] =	vst v3;
	v3 =	vnsel vm12, $0xFFFFFFFF, v7  }
0xe6: {  	v4 =	vsub.s32 v57, v0;
	[tilespmem:$0x3C0] =	vst v3  }
0xe7: {  	v61 =	vld [tilespmem:$0x1F0];
	vm13 =	vlt.u32 v4, $0x2710;
	[tilespmem:$0x4C0] =	vst v3;
	v3 =	vnsel vm12, $0xFFFFFFFF, v58  }
0xe8: {  	v62 =	vld [tilespmem:$0x160];
	[tilespmem:$0x340] =	vst v3;
	v3 =	vnsel vm13, $0xFFFFFFFF, v4  }
0xe9: {  	v6 =	vsub.s32 v59, v0;
	[tilespmem:$0x3D0] =	vst v3  }
0xea: {  	vm14 =	vlt.u32 v6, $0x2710;
	[tilespmem:$0x4D0] =	vst v3;
	v3 =	vnsel vm13, $0xFFFFFFFF, v60  }
0xeb: {  	v63 =	vld [tilespmem:$0x170];
	[tilespmem:$0x350] =	vst v3;
	v3 =	vnsel vm14, $0xFFFFFFFF, v6  }
0xec: {  	v5 =	vsub.s32 v61, v0;
	[tilespmem:$0x3E0] =	vst v3  }
0xed: {  	vm15 =	vlt.u32 v5, $0x2710;
	[tilespmem:$0x4E0] =	vst v3;
	v3 =	vnsel vm14, $0xFFFFFFFF, v62  }
0xee: {  	[tilespmem:$0x360] =	vst v3;
	v3 =	vnsel vm15, $0xFFFFFFFF, v5  }
0xef: {  	[tilespmem:$0x3F0] =	vst v3  }
0xf0: {  	[tilespmem:$0x4F0] =	vst v3;
	v3 =	vnsel vm15, $0xFFFFFFFF, v63  }
0xf1: {  	[tilespmem:$0x370] =	vst v3;
	(ifvalue) =	ssetifvalue $0xFFFFFFFF  }
0xf2: {  	[spmem:s3] =	stream.indirect.scatter.add.f32 [tilespmem:s13], [sflag:$0x3], $0x1, s12, s5, $0x40b8;
	[tilespmem:$0x1D7F8] =	vst v63  }
.LBB2_8:
0xf3: {  	_ =	swait.ge [sflag:s26], $0x4000  }
0xf4: {  	[sflag:s26] =	ssyncset.done $0x0  }
0xf5: {  	[sflag:s26] =	ssyncadd.s32 $0xFFFFC000;
	(ifvalue) =	ssetifvalue $0xFFFFFFFF  }
0xf6: {  	(ifvalue) =	ssetifvalue $0xFFFFFFFF  }
0xf7: {  	[tilespmem:s8], [sflag:$0x2] =	stream.indirect.gather [hbm4b:s0+s30], $0x80, s7, s30, $0x40b8;
	[tilespmem:$0x1D7F8] =	vst v63  }
0xf8: {  	s9 =	sadd.s32 $0x1, s9;
	(ifvalue) =	ssetifvalue $0xFFFFFFFF  }
0xf9: {  	[spmem:s2] =	stream.indirect.scatter.add.f32 [tilespmem:s1], [sflag:$0x3], $0x80, s15, s30, $0x40b8;
	[tilespmem:$0x1D7F8] =	vst v63  }
0xfa: {  	p2 =	sge.u32 s9, s10;
	_ =	swait.ge [sflag:s16], $0x4000  }
.Ltmp9:
0xfb: {  	[sflag:s16] =	ssyncset.done $0x0;
	(pc) =	sbr.rel @p2 .LBB2_10-.Ltmp9, $4  }
0xfc: {  	[sflag:s16] =	ssyncadd.s32 $0xFFFFC000  }
0xfd: {  	_ =	swait.ge [sflag:s16], $0x100  }
0xfe: {  	[sflag:s16] =	ssyncset.done $0x0  }
0xff: {  	[sflag:s16] =	ssyncadd.s32 $0xFFFFFF00  }
0x100: {  	[tilespmem:s4], [sflag:$0x5] =	stream.linear.gather [hbm4b:s21+s4], $0x200, $0x38;
	[tilespmem:$0x1D7F8] =	vst v63  }
0x101: {  	_ =	swait.ge [sflag:s29], $0x200  }
0x102: {  	[sflag:s29] =	ssyncset.done $0x0  }
0x103: {  	[sflag:s29] =	ssyncadd.s32 $0xFFFFFE00  }
0x104: {  	v3 =	vld [tilespmem:$0x80];
	_ =	sdelay $0x2  }
0x105: {  	v4 =	vld [tilespmem:$0x90]  }
0x106: {  	v5 =	vld [tilespmem:$0x0]  }
0x107: {  	v3 =	vsub.s32 v3, v0  }
0x108: {  	v6 =	vld [tilespmem:$0xA0];
	vm0 =	vlt.u32 v3, $0x2710  }
0x109: {  	v7 =	vld [tilespmem:$0x10];
	v3 =	vnsel vm0, $0xFFFFFFFF, v3  }
0x10a: {  	v4 =	vsub.s32 v4, v0;
	[tilespmem:$0x280] =	vst v3  }
0x10b: {  	v53 =	vld [tilespmem:$0xB0];
	vm9 =	vlt.u32 v4, $0x2710;
	[tilespmem:$0x400] =	vst v3;
	v3 =	vnsel vm0, $0xFFFFFFFF, v5  }
0x10c: {  	v54 =	vld [tilespmem:$0x20];
	[tilespmem:$0x200] =	vst v3;
	v3 =	vnsel vm9, $0xFFFFFFFF, v4  }
0x10d: {  	v6 =	vsub.s32 v6, v0;
	[tilespmem:$0x290] =	vst v3  }
0x10e: {  	v55 =	vld [tilespmem:$0xC0];
	vm10 =	vlt.u32 v6, $0x2710;
	[tilespmem:$0x410] =	vst v3;
	v3 =	vnsel vm9, $0xFFFFFFFF, v7  }
0x10f: {  	v56 =	vld [tilespmem:$0x30];
	[tilespmem:$0x210] =	vst v3;
	v3 =	vnsel vm10, $0xFFFFFFFF, v6  }
0x110: {  	v5 =	vsub.s32 v53, v0;
	[tilespmem:$0x2A0] =	vst v3  }
0x111: {  	v57 =	vld [tilespmem:$0xD0];
	vm11 =	vlt.u32 v5, $0x2710;
	[tilespmem:$0x420] =	vst v3;
	v3 =	vnsel vm10, $0xFFFFFFFF, v54  }
0x112: {  	v58 =	vld [tilespmem:$0x40];
	[tilespmem:$0x220] =	vst v3;
	v3 =	vnsel vm11, $0xFFFFFFFF, v5  }
0x113: {  	v7 =	vsub.s32 v55, v0;
	[tilespmem:$0x2B0] =	vst v3  }
0x114: {  	v59 =	vld [tilespmem:$0xE0];
	vm12 =	vlt.u32 v7, $0x2710;
	[tilespmem:$0x430] =	vst v3;
	v3 =	vnsel vm11, $0xFFFFFFFF, v56  }
0x115: {  	v60 =	vld [tilespmem:$0x50];
	[tilespmem:$0x230] =	vst v3;
	v3 =	vnsel vm12, $0xFFFFFFFF, v7  }
0x116: {  	v4 =	vsub.s32 v57, v0;
	[tilespmem:$0x2C0] =	vst v3  }
0x117: {  	v61 =	vld [tilespmem:$0xF0];
	vm13 =	vlt.u32 v4, $0x2710;
	[tilespmem:$0x440] =	vst v3;
	v3 =	vnsel vm12, $0xFFFFFFFF, v58  }
0x118: {  	v62 =	vld [tilespmem:$0x60];
	[tilespmem:$0x240] =	vst v3;
	v3 =	vnsel vm13, $0xFFFFFFFF, v4  }
0x119: {  	v6 =	vsub.s32 v59, v0;
	[tilespmem:$0x2D0] =	vst v3  }
0x11a: {  	vm14 =	vlt.u32 v6, $0x2710;
	[tilespmem:$0x450] =	vst v3;
	v3 =	vnsel vm13, $0xFFFFFFFF, v60  }
0x11b: {  	v63 =	vld [tilespmem:$0x70];
	[tilespmem:$0x250] =	vst v3;
	v3 =	vnsel vm14, $0xFFFFFFFF, v6  }
0x11c: {  	v5 =	vsub.s32 v61, v0;
	[tilespmem:$0x2E0] =	vst v3  }
0x11d: {  	vm15 =	vlt.u32 v5, $0x2710;
	[tilespmem:$0x460] =	vst v3;
	v3 =	vnsel vm14, $0xFFFFFFFF, v62  }
0x11e: {  	[tilespmem:$0x260] =	vst v3;
	v3 =	vnsel vm15, $0xFFFFFFFF, v5  }
.Ltmp10:
0x11f: {  	[tilespmem:$0x2F0] =	vst v3;
	(pc) =	sbr.rel .LBB2_10-.Ltmp10, $4  }
0x120: {  	[tilespmem:$0x470] =	vst v3;
	v3 =	vnsel vm15, $0xFFFFFFFF, v63  }
0x121: {  	[tilespmem:$0x270] =	vst v3;
	(ifvalue) =	ssetifvalue $0xFFFFFFFF  }
0x122: {  	(ifvalue) =	ssetifvalue $0xFFFFFFFF  }
0x123: {  	[tilespmem:s1], [sflag:$0x1] =	stream.indirect.gather [hbm4b:s0+s30], $0x80, s31, s30, $0x40b8;
	[tilespmem:$0x1D7F8] =	vst v63  }
.LBB2_12:
0x124: {  	_ =	sfence.sel $0x180000  }
0x125: {  	[bflag:$0x0] =	sbarrier.arrive $0xFFFF  }
0x126: {  	_ =	strace $0x90000047  }
0x127: {  	[bflag:$0x2] =	sbarrier.arrive $0xFFFF  }
0x128: {  	s0 =	rddreg [dreg:$0x6]  }
0x129: {  	s0 =	sadd.s32 @!p0 $0x100000, s0  }
0x12a: {  	[sflag:s0] =	ssyncadd.tile.s32 @!p0 $0x1;
	_ =	shalt  }
.Lfunc_end2:
_tile_overlayer_lowered:
.L_overlay_start_2:
0x12b: {  	(tag) =	ssettag $0x2  }
0x12c: {  	s0 =	rddreg [dreg:$0x0];
	s2 =	stileid.u32  }
0x12d: {  	s1 =	rddreg [dreg:$0x1];
	p0 =	sne.s32 s2, $0x0  }
0x12e: {  	s3 =	rddreg [dreg:$0x2];
	[bflag:$0x3] =	sbarrier.arrive $0xFFFF;
	s2 =	simm.s32 @!p0 $0x1C05  }
0x12f: {  	[timem:s3], [sflag:s2] =	dma.local @!p0 [hbm:s0], s1  }
0x130: {  	s0 =	simm.s32 @!p0 $0x5  }
0x131: {  	_ =	swait.ge @!p0 [sflag:s0], s1  }
0x132: {  	s1 =	ssub.s32 @!p0 $0x0, s1;
	[sflag:s0] =	ssyncset.done @!p0 $0x0  }
0x133: {  	[sflag:s0] =	ssyncadd.s32 @!p0 s1  }
0x134: {  	[bflag:$0x3] =	sbarrier.arrive $0xFFFF  }
0x135: {  	_ =	shalt  }

</sc_bundles>
